<compile_context>
chip_gen: v7x
topology: tpu7x:2x2x1
jax: 0.10.2.dev20260603
libtpu: 0.0.44.dev20260713+nightly
codegen_flags: <defaults>
</compile_context>

<pallas_src>
import jax
import jax.numpy as jnp
from jax import lax
from jax.experimental import pallas as pl
from jax.experimental.pallas import tpu as pltpu
from jax.experimental.pallas import tpu_sc as plsc

_NROW = 256
_RPE = 128 * 128
_NTOT = _NROW * _RPE

_STC = 0
_G = 4
_B = _STC // _G

_NW = 32
_SC_BASE = _STC * _RPE
_NSC = _NTOT - _SC_BASE
_PW = _NSC // _NW
_CH = 16384
_NCH = _PW // _CH
_NV = _CH // 16

assert _PW % _CH == 0 and _STC % _G == 0


def _tc_body(p_ref, d_ref, m_ref, out_ref, acc_ref):
    i = pl.program_id(0)

    @pl.when(i == 0)
    def _init():
        acc_ref[0] = 0.0
        acc_ref[1] = 0.0

    p = p_ref[...]
    d = d_ref[0]
    m = m_ref[0]
    sel = m > 0
    acc_ref[0] += jnp.sum(jnp.where(sel, jnp.abs(p - d), 0.0))
    acc_ref[1] += jnp.sum(sel.astype(jnp.float32))

    @pl.when(i == pl.num_programs(0) - 1)
    def _fin():
        out_ref[0] = acc_ref[0]
        out_ref[1] = acc_ref[1]


def _sc_body(pred_hbm, gt_hbm, out_hbm, pbuf, dbuf, mbuf, stage, sems):
    c = lax.axis_index("c")
    s = lax.axis_index("s")
    wid = s * 2 + c
    base = _SC_BASE + wid * _PW

    def start_chunk(k, slot):
        off = base + k * _CH
        pltpu.async_copy(pred_hbm.at[pl.ds(off, _CH)], pbuf.at[slot], sems.at[slot, 0])
        pltpu.async_copy(gt_hbm.at[pl.ds(off, _CH)], dbuf.at[slot], sems.at[slot, 1])
        pltpu.async_copy(gt_hbm.at[pl.ds(_NTOT + off, _CH)], mbuf.at[slot], sems.at[slot, 2])

    def wait_chunk(k, slot):
        off = base + k * _CH
        pltpu.make_async_copy(pred_hbm.at[pl.ds(off, _CH)], pbuf.at[slot], sems.at[slot, 0]).wait()
        pltpu.make_async_copy(gt_hbm.at[pl.ds(off, _CH)], dbuf.at[slot], sems.at[slot, 1]).wait()
        pltpu.make_async_copy(gt_hbm.at[pl.ds(_NTOT + off, _CH)], mbuf.at[slot], sems.at[slot, 2]).wait()

    start_chunk(0, 0)

    def compute_chunk(slot, carry):
        def vec_body(j, carry2):
            a, cn = carry2
            p = pbuf[slot, pl.ds(j * 16, 16)]
            d = dbuf[slot, pl.ds(j * 16, 16)]
            m = mbuf[slot, pl.ds(j * 16, 16)]
            sel = m > 0.0
            a = a + jnp.where(sel, jnp.abs(p - d), 0.0)
            cn = cn + jnp.where(sel, 1.0, 0.0)
            return (a, cn)

        return lax.fori_loop(0, _NV, vec_body, carry, unroll=8)

    z = jnp.zeros((16,), jnp.float32)
    carry = (z, z)
    for k in range(_NCH):
        slot = k % 2
        if k + 1 < _NCH:
            start_chunk(k + 1, 1 - slot)
        wait_chunk(k, slot)
        carry = compute_chunk(slot, carry)
    acc, cnt = carry
    stage[0, :] = acc
    stage[1, :] = cnt
    pltpu.sync_copy(stage, out_hbm.at[wid])


_sc_call = pl.kernel(
    _sc_body,
    out_type=jax.ShapeDtypeStruct((_NW, 2, 16), jnp.float32),
    mesh=plsc.VectorSubcoreMesh(core_axis_name="c", subcore_axis_name="s"),
    scratch_types=[
        pltpu.VMEM((2, _CH), jnp.float32),
        pltpu.VMEM((2, _CH), jnp.float32),
        pltpu.VMEM((2, _CH), jnp.float32),
        pltpu.VMEM((2, 16), jnp.float32),
        pltpu.SemaphoreType.DMA((2, 3)),
    ],
)


def kernel(pred, gt, PTVs):
    del PTVs
    pred_flat = pred.reshape(_NTOT)
    gt_flat = gt.reshape(2 * _NTOT)
    sc_part = _sc_call(pred_flat, gt_flat)

    total = jnp.sum(sc_part[:, 0, :])
    count = jnp.sum(sc_part[:, 1, :])
    return total / count

# --- scband reference (transcript-rebuilt; emitter-appended) ---
"""Pipeline reference for scband-loss-13374528159798 (READ-ONLY COPY).

The authoritative reference and input builder live on the scoring server;
editing this copy changes nothing except your own understanding.
"""

import jax, jax.numpy as jnp
import numpy as np

def setup_inputs(seed: int = 0) -> dict:
    key = jax.random.key(seed)
    k1, k2, k3 = jax.random.split(key, 3)
    pred = jax.random.normal(k1, (2, 1, 128, 128, 128), dtype=jnp.float32)
    gt = jax.random.normal(k2, (2, 2, 1, 128, 128, 128), dtype=jnp.float32)
    PTVs = jax.random.normal(k3, (2, 3, 128, 128, 128), dtype=jnp.float32)
    return {"pred": pred, "gt": gt, "PTVs": PTVs}

def reference(pred, gt, PTVs):
    # gt[0] = gt_dose, gt[1] = possible_dose_mask
    gt_dose = gt[0]
    possible_dose_mask = gt[1]
    # torch boolean-mask indexing + L1Loss(mean) over selected elements
    # == sum(|pred - gt_dose| * mask) / count(mask)
    m = (possible_dose_mask > 0).astype(pred.dtype)
    abs_diff = jnp.abs(pred - gt_dose) * m
    cnt = jnp.sum(m)
    L1_loss = jnp.sum(abs_diff) / cnt
    return L1_loss

if __name__ == "__main__":
    import jax
    _d = setup_inputs()
    print(jax.jit(kernel)(*tuple(_d.values())))

</pallas_src>

<mosaic_0001>
#map = affine_map<(d0, d1) -> (0)>
#map1 = affine_map<(d0, d1) -> (0, 0, 0)>
module attributes {stable_mosaic.version = 14 : i64} {
  func.func @_sc_body(%arg0: i32, %arg1: i32, %arg2: memref<4194304xf32, #tpu.memory_space<hbm>>, %arg3: memref<8388608xf32, #tpu.memory_space<hbm>>, %arg4: memref<32x2x16xf32, #tpu.memory_space<hbm>>, %arg5: memref<2x16384xf32, #tpu.memory_space<vmem>>, %arg6: memref<2x16384xf32, #tpu.memory_space<vmem>>, %arg7: memref<2x16384xf32, #tpu.memory_space<vmem>>, %arg8: memref<2x16xf32, #tpu.memory_space<vmem>>, %arg9: memref<2x3x!tpu.dma_semaphore, #tpu.memory_space<semaphore_mem>>) attributes {dimension_semantics = [#tpu.dimension_semantics<core_parallel>, #tpu.dimension_semantics<subcore_parallel>], iteration_bounds = array<i64: 2, 16>, scalar_prefetch = 0 : i64, scratch_operands = 5 : i64, tpu.core_type = #tpu.core_type<sc_vector_subcore>, window_params = [{transform_indices = #map}, {transform_indices = #map}, {transform_indices = #map1}]} {
    %mul3A = arith.constant 2 : i32
    %mul3A_0 = arith.muli %arg1, %mul3A : i32
    %add3A = arith.addi %mul3A_0, %arg0 : i32
    %mul3A_1 = arith.constant 131072 : i32
    %mul3A_2 = arith.muli %add3A, %mul3A_1 : i32
    %add3A_3 = arith.constant 0 : i32
    %add3A_4 = arith.addi %add3A_3, %mul3A_2 : i32
    %add3A_5 = arith.constant 0 : i32
    %add3A_6 = arith.addi %add3A_4, %add3A_5 : i32
    %dma_start3A = arith.constant 0 : i32
    %dma_start3A_7 = arith.constant 0 : i32
    %dma_start3A_8 = arith.constant 0 : i32
    %dma_start3A_9 = arith.constant 0 : i32
    %dma_start3A_10 = tpu.memref_slice %arg5[%dma_start3A, %dma_start3A_9] : memref<2x16384xf32, #tpu.memory_space<vmem>> -> memref<1x16384xf32, #tpu.memory_space<vmem>>
    %dma_start3A_11 = tpu.memref_squeeze %dma_start3A_10 : memref<1x16384xf32, #tpu.memory_space<vmem>> -> memref<16384xf32, #tpu.memory_space<vmem>>
    %dma_start3A_12 = tpu.memref_slice %arg2[%add3A_6] : memref<4194304xf32, #tpu.memory_space<hbm>> -> memref<16384xf32, #tpu.memory_space<hbm>>
    %dma_start3A_13 = tpu.memref_slice %arg9[%dma_start3A_7, %dma_start3A_8] : memref<2x3x!tpu.dma_semaphore, #tpu.memory_space<semaphore_mem>> -> memref<1x1x!tpu.dma_semaphore, #tpu.memory_space<semaphore_mem>>
    %dma_start3A_14 = tpu.memref_squeeze %dma_start3A_13 : memref<1x1x!tpu.dma_semaphore, #tpu.memory_space<semaphore_mem>> -> memref<!tpu.dma_semaphore, #tpu.memory_space<semaphore_mem>>
    %dma_start3A_15 = arith.constant 0 : i32
    %dma_start3A_16 = tpu.memref_slice %arg5[%dma_start3A, %dma_start3A_15] : memref<2x16384xf32, #tpu.memory_space<vmem>> -> memref<1x16384xf32, #tpu.memory_space<vmem>>
    %dma_start3A_17 = tpu.memref_squeeze %dma_start3A_16 : memref<1x16384xf32, #tpu.memory_space<vmem>> -> memref<16384xf32, #tpu.memory_space<vmem>>
    %dma_start3A_18 = tpu.memref_slice %arg2[%add3A_6] : memref<4194304xf32, #tpu.memory_space<hbm>> -> memref<16384xf32, #tpu.memory_space<hbm>>
    tpu.enqueue_dma source(%dma_start3A_18 : memref<16384xf32, #tpu.memory_space<hbm>>) target(%dma_start3A_17 : memref<16384xf32, #tpu.memory_space<vmem>>) target_semaphore(%dma_start3A_14 : memref<!tpu.dma_semaphore, #tpu.memory_space<semaphore_mem>>)
    %dma_start3A_19 = arith.constant 0 : i32
    %dma_start3A_20 = arith.constant 0 : i32
    %dma_start3A_21 = arith.constant 1 : i32
    %dma_start3A_22 = arith.constant 0 : i32
    %dma_start3A_23 = tpu.memref_slice %arg6[%dma_start3A_19, %dma_start3A_22] : memref<2x16384xf32, #tpu.memory_space<vmem>> -> memref<1x16384xf32, #tpu.memory_space<vmem>>
    %dma_start3A_24 = tpu.memref_squeeze %dma_start3A_23 : memref<1x16384xf32, #tpu.memory_space<vmem>> -> memref<16384xf32, #tpu.memory_space<vmem>>
    %dma_start3A_25 = tpu.memref_slice %arg3[%add3A_6] : memref<8388608xf32, #tpu.memory_space<hbm>> -> memref<16384xf32, #tpu.memory_space<hbm>>
    %dma_start3A_26 = tpu.memref_slice %arg9[%dma_start3A_20, %dma_start3A_21] : memref<2x3x!tpu.dma_semaphore, #tpu.memory_space<semaphore_mem>> -> memref<1x1x!tpu.dma_semaphore, #tpu.memory_space<semaphore_mem>>
    %dma_start3A_27 = tpu.memref_squeeze %dma_start3A_26 : memref<1x1x!tpu.dma_semaphore, #tpu.memory_space<semaphore_mem>> -> memref<!tpu.dma_semaphore, #tpu.memory_space<semaphore_mem>>
    %dma_start3A_28 = arith.constant 0 : i32
    %dma_start3A_29 = tpu.memref_slice %arg6[%dma_start3A_19, %dma_start3A_28] : memref<2x16384xf32, #tpu.memory_space<vmem>> -> memref<1x16384xf32, #tpu.memory_space<vmem>>
    %dma_start3A_30 = tpu.memref_squeeze %dma_start3A_29 : memref<1x16384xf32, #tpu.memory_space<vmem>> -> memref<16384xf32, #tpu.memory_space<vmem>>
    %dma_start3A_31 = tpu.memref_slice %arg3[%add3A_6] : memref<8388608xf32, #tpu.memory_space<hbm>> -> memref<16384xf32, #tpu.memory_space<hbm>>
    tpu.enqueue_dma source(%dma_start3A_31 : memref<16384xf32, #tpu.memory_space<hbm>>) target(%dma_start3A_30 : memref<16384xf32, #tpu.memory_space<vmem>>) target_semaphore(%dma_start3A_27 : memref<!tpu.dma_semaphore, #tpu.memory_space<semaphore_mem>>)
    %add3A_32 = arith.constant 4194304 : i32
    %add3A_33 = arith.addi %add3A_32, %add3A_6 : i32
    %dma_start3A_34 = arith.constant 0 : i32
    %dma_start3A_35 = arith.constant 0 : i32
    %dma_start3A_36 = arith.constant 2 : i32
    %dma_start3A_37 = arith.constant 0 : i32
    %dma_start3A_38 = tpu.memref_slice %arg7[%dma_start3A_34, %dma_start3A_37] : memref<2x16384xf32, #tpu.memory_space<vmem>> -> memref<1x16384xf32, #tpu.memory_space<vmem>>
    %dma_start3A_39 = tpu.memref_squeeze %dma_start3A_38 : memref<1x16384xf32, #tpu.memory_space<vmem>> -> memref<16384xf32, #tpu.memory_space<vmem>>
    %dma_start3A_40 = tpu.memref_slice %arg3[%add3A_33] : memref<8388608xf32, #tpu.memory_space<hbm>> -> memref<16384xf32, #tpu.memory_space<hbm>>
    %dma_start3A_41 = tpu.memref_slice %arg9[%dma_start3A_35, %dma_start3A_36] : memref<2x3x!tpu.dma_semaphore, #tpu.memory_space<semaphore_mem>> -> memref<1x1x!tpu.dma_semaphore, #tpu.memory_space<semaphore_mem>>
    %dma_start3A_42 = tpu.memref_squeeze %dma_start3A_41 : memref<1x1x!tpu.dma_semaphore, #tpu.memory_space<semaphore_mem>> -> memref<!tpu.dma_semaphore, #tpu.memory_space<semaphore_mem>>
    %dma_start3A_43 = arith.constant 0 : i32
    %dma_start3A_44 = tpu.memref_slice %arg7[%dma_start3A_34, %dma_start3A_43] : memref<2x16384xf32, #tpu.memory_space<vmem>> -> memref<1x16384xf32, #tpu.memory_space<vmem>>
    %dma_start3A_45 = tpu.memref_squeeze %dma_start3A_44 : memref<1x16384xf32, #tpu.memory_space<vmem>> -> memref<16384xf32, #tpu.memory_space<vmem>>
    %dma_start3A_46 = tpu.memref_slice %arg3[%add3A_33] : memref<8388608xf32, #tpu.memory_space<hbm>> -> memref<16384xf32, #tpu.memory_space<hbm>>
    tpu.enqueue_dma source(%dma_start3A_46 : memref<16384xf32, #tpu.memory_space<hbm>>) target(%dma_start3A_45 : memref<16384xf32, #tpu.memory_space<vmem>>) target_semaphore(%dma_start3A_42 : memref<!tpu.dma_semaphore, #tpu.memory_space<semaphore_mem>>)
    %broadcast_in_dim3A = arith.constant 0.000000e+00 : f32
    %broadcast_in_dim3A_47 = vector.broadcast %broadcast_in_dim3A : f32 to vector<16xf32>
    %add3A_48 = arith.constant 16384 : i32
    %add3A_49 = arith.addi %add3A_4, %add3A_48 : i32
    %dma_start3A_50 = arith.constant 1 : i32
    %dma_start3A_51 = arith.constant 1 : i32
    %dma_start3A_52 = arith.constant 0 : i32
    %dma_start3A_53 = arith.constant 0 : i32
    %dma_start3A_54 = tpu.memref_slice %arg5[%dma_start3A_50, %dma_start3A_53] : memref<2x16384xf32, #tpu.memory_space<vmem>> -> memref<1x16384xf32, #tpu.memory_space<vmem>>
    %dma_start3A_55 = tpu.memref_squeeze %dma_start3A_54 : memref<1x16384xf32, #tpu.memory_space<vmem>> -> memref<16384xf32, #tpu.memory_space<vmem>>
    %dma_start3A_56 = tpu.memref_slice %arg2[%add3A_49] : memref<4194304xf32, #tpu.memory_space<hbm>> -> memref<16384xf32, #tpu.memory_space<hbm>>
    %dma_start3A_57 = tpu.memref_slice %arg9[%dma_start3A_51, %dma_start3A_52] : memref<2x3x!tpu.dma_semaphore, #tpu.memory_space<semaphore_mem>> -> memref<1x1x!tpu.dma_semaphore, #tpu.memory_space<semaphore_mem>>
    %dma_start3A_58 = tpu.memref_squeeze %dma_start3A_57 : memref<1x1x!tpu.dma_semaphore, #tpu.memory_space<semaphore_mem>> -> memref<!tpu.dma_semaphore, #tpu.memory_space<semaphore_mem>>
    %dma_start3A_59 = arith.constant 0 : i32
    %dma_start3A_60 = tpu.memref_slice %arg5[%dma_start3A_50, %dma_start3A_59] : memref<2x16384xf32, #tpu.memory_space<vmem>> -> memref<1x16384xf32, #tpu.memory_space<vmem>>
    %dma_start3A_61 = tpu.memref_squeeze %dma_start3A_60 : memref<1x16384xf32, #tpu.memory_space<vmem>> -> memref<16384xf32, #tpu.memory_space<vmem>>
    %dma_start3A_62 = tpu.memref_slice %arg2[%add3A_49] : memref<4194304xf32, #tpu.memory_space<hbm>> -> memref<16384xf32, #tpu.memory_space<hbm>>
    tpu.enqueue_dma source(%dma_start3A_62 : memref<16384xf32, #tpu.memory_space<hbm>>) target(%dma_start3A_61 : memref<16384xf32, #tpu.memory_space<vmem>>) target_semaphore(%dma_start3A_58 : memref<!tpu.dma_semaphore, #tpu.memory_space<semaphore_mem>>)
    %dma_start3A_63 = arith.constant 1 : i32
    %dma_start3A_64 = arith.constant 1 : i32
    %dma_start3A_65 = arith.constant 1 : i32
    %dma_start3A_66 = arith.constant 0 : i32
    %dma_start3A_67 = tpu.memref_slice %arg6[%dma_start3A_63, %dma_start3A_66] : memref<2x16384xf32, #tpu.memory_space<vmem>> -> memref<1x16384xf32, #tpu.memory_space<vmem>>
    %dma_start3A_68 = tpu.memref_squeeze %dma_start3A_67 : memref<1x16384xf32, #tpu.memory_space<vmem>> -> memref<16384xf32, #tpu.memory_space<vmem>>
    %dma_start3A_69 = tpu.memref_slice %arg3[%add3A_49] : memref<8388608xf32, #tpu.memory_space<hbm>> -> memref<16384xf32, #tpu.memory_space<hbm>>
    %dma_start3A_70 = tpu.memref_slice %arg9[%dma_start3A_64, %dma_start3A_65] : memref<2x3x!tpu.dma_semaphore, #tpu.memory_space<semaphore_mem>> -> memref<1x1x!tpu.dma_semaphore, #tpu.memory_space<semaphore_mem>>
    %dma_start3A_71 = tpu.memref_squeeze %dma_start3A_70 : memref<1x1x!tpu.dma_semaphore, #tpu.memory_space<semaphore_mem>> -> memref<!tpu.dma_semaphore, #tpu.memory_space<semaphore_mem>>
    %dma_start3A_72 = arith.constant 0 : i32
    %dma_start3A_73 = tpu.memref_slice %arg6[%dma_start3A_63, %dma_start3A_72] : memref<2x16384xf32, #tpu.memory_space<vmem>> -> memref<1x16384xf32, #tpu.memory_space<vmem>>
    %dma_start3A_74 = tpu.memref_squeeze %dma_start3A_73 : memref<1x16384xf32, #tpu.memory_space<vmem>> -> memref<16384xf32, #tpu.memory_space<vmem>>
    %dma_start3A_75 = tpu.memref_slice %arg3[%add3A_49] : memref<8388608xf32, #tpu.memory_space<hbm>> -> memref<16384xf32, #tpu.memory_space<hbm>>
    tpu.enqueue_dma source(%dma_start3A_75 : memref<16384xf32, #tpu.memory_space<hbm>>) target(%dma_start3A_74 : memref<16384xf32, #tpu.memory_space<vmem>>) target_semaphore(%dma_start3A_71 : memref<!tpu.dma_semaphore, #tpu.memory_space<semaphore_mem>>)
    %add3A_76 = arith.constant 4194304 : i32
    %add3A_77 = arith.addi %add3A_76, %add3A_49 : i32
    %dma_start3A_78 = arith.constant 1 : i32
    %dma_start3A_79 = arith.constant 1 : i32
    %dma_start3A_80 = arith.constant 2 : i32
    %dma_start3A_81 = arith.constant 0 : i32
    %dma_start3A_82 = tpu.memref_slice %arg7[%dma_start3A_78, %dma_start3A_81] : memref<2x16384xf32, #tpu.memory_space<vmem>> -> memref<1x16384xf32, #tpu.memory_space<vmem>>
    %dma_start3A_83 = tpu.memref_squeeze %dma_start3A_82 : memref<1x16384xf32, #tpu.memory_space<vmem>> -> memref<16384xf32, #tpu.memory_space<vmem>>
    %dma_start3A_84 = tpu.memref_slice %arg3[%add3A_77] : memref<8388608xf32, #tpu.memory_space<hbm>> -> memref<16384xf32, #tpu.memory_space<hbm>>
    %dma_start3A_85 = tpu.memref_slice %arg9[%dma_start3A_79, %dma_start3A_80] : memref<2x3x!tpu.dma_semaphore, #tpu.memory_space<semaphore_mem>> -> memref<1x1x!tpu.dma_semaphore, #tpu.memory_space<semaphore_mem>>
    %dma_start3A_86 = tpu.memref_squeeze %dma_start3A_85 : memref<1x1x!tpu.dma_semaphore, #tpu.memory_space<semaphore_mem>> -> memref<!tpu.dma_semaphore, #tpu.memory_space<semaphore_mem>>
    %dma_start3A_87 = arith.constant 0 : i32
    %dma_start3A_88 = tpu.memref_slice %arg7[%dma_start3A_78, %dma_start3A_87] : memref<2x16384xf32, #tpu.memory_space<vmem>> -> memref<1x16384xf32, #tpu.memory_space<vmem>>
    %dma_start3A_89 = tpu.memref_squeeze %dma_start3A_88 : memref<1x16384xf32, #tpu.memory_space<vmem>> -> memref<16384xf32, #tpu.memory_space<vmem>>
    %dma_start3A_90 = tpu.memref_slice %arg3[%add3A_77] : memref<8388608xf32, #tpu.memory_space<hbm>> -> memref<16384xf32, #tpu.memory_space<hbm>>
    tpu.enqueue_dma source(%dma_start3A_90 : memref<16384xf32, #tpu.memory_space<hbm>>) target(%dma_start3A_89 : memref<16384xf32, #tpu.memory_space<vmem>>) target_semaphore(%dma_start3A_86 : memref<!tpu.dma_semaphore, #tpu.memory_space<semaphore_mem>>)
    %add3A_91 = arith.constant 0 : i32
    %add3A_92 = arith.addi %add3A_4, %add3A_91 : i32
    %dma_wait3A = arith.constant 0 : i32
    %dma_wait3A_93 = arith.constant 0 : i32
    %dma_wait3A_94 = arith.constant 0 : i32
    %dma_wait3A_95 = arith.constant 0 : i32
    %dma_wait3A_96 = tpu.memref_slice %arg5[%dma_wait3A, %dma_wait3A_95] : memref<2x16384xf32, #tpu.memory_space<vmem>> -> memref<1x16384xf32, #tpu.memory_space<vmem>>
    %dma_wait3A_97 = tpu.memref_squeeze %dma_wait3A_96 : memref<1x16384xf32, #tpu.memory_space<vmem>> -> memref<16384xf32, #tpu.memory_space<vmem>>
    %dma_wait3A_98 = tpu.memref_slice %arg2[%add3A_92] : memref<4194304xf32, #tpu.memory_space<hbm>> -> memref<16384xf32, #tpu.memory_space<hbm>>
    %dma_wait3A_99 = tpu.memref_slice %arg9[%dma_wait3A_93, %dma_wait3A_94] : memref<2x3x!tpu.dma_semaphore, #tpu.memory_space<semaphore_mem>> -> memref<1x1x!tpu.dma_semaphore, #tpu.memory_space<semaphore_mem>>
    %dma_wait3A_100 = tpu.memref_squeeze %dma_wait3A_99 : memref<1x1x!tpu.dma_semaphore, #tpu.memory_space<semaphore_mem>> -> memref<!tpu.dma_semaphore, #tpu.memory_space<semaphore_mem>>
    %dma_wait3A_101 = arith.constant 0 : i32
    %dma_wait3A_102 = tpu.memref_slice %arg5[%dma_wait3A, %dma_wait3A_101] : memref<2x16384xf32, #tpu.memory_space<vmem>> -> memref<1x16384xf32, #tpu.memory_space<vmem>>
    %dma_wait3A_103 = tpu.memref_squeeze %dma_wait3A_102 : memref<1x16384xf32, #tpu.memory_space<vmem>> -> memref<16384xf32, #tpu.memory_space<vmem>>
    %dma_wait3A_104 = tpu.memref_slice %arg2[%add3A_92] : memref<4194304xf32, #tpu.memory_space<hbm>> -> memref<16384xf32, #tpu.memory_space<hbm>>
    tpu.wait_dma2 semaphore(%dma_wait3A_100 : memref<!tpu.dma_semaphore, #tpu.memory_space<semaphore_mem>>) src(%dma_wait3A_104 : memref<16384xf32, #tpu.memory_space<hbm>>) dst(%dma_wait3A_103 : memref<16384xf32, #tpu.memory_space<vmem>>)
    %dma_wait3A_105 = arith.constant 0 : i32
    %dma_wait3A_106 = arith.constant 0 : i32
    %dma_wait3A_107 = arith.constant 1 : i32
    %dma_wait3A_108 = arith.constant 0 : i32
    %dma_wait3A_109 = tpu.memref_slice %arg6[%dma_wait3A_105, %dma_wait3A_108] : memref<2x16384xf32, #tpu.memory_space<vmem>> -> memref<1x16384xf32, #tpu.memory_space<vmem>>
    %dma_wait3A_110 = tpu.memref_squeeze %dma_wait3A_109 : memref<1x16384xf32, #tpu.memory_space<vmem>> -> memref<16384xf32, #tpu.memory_space<vmem>>
    %dma_wait3A_111 = tpu.memref_slice %arg3[%add3A_92] : memref<8388608xf32, #tpu.memory_space<hbm>> -> memref<16384xf32, #tpu.memory_space<hbm>>
    %dma_wait3A_112 = tpu.memref_slice %arg9[%dma_wait3A_106, %dma_wait3A_107] : memref<2x3x!tpu.dma_semaphore, #tpu.memory_space<semaphore_mem>> -> memref<1x1x!tpu.dma_semaphore, #tpu.memory_space<semaphore_mem>>
    %dma_wait3A_113 = tpu.memref_squeeze %dma_wait3A_112 : memref<1x1x!tpu.dma_semaphore, #tpu.memory_space<semaphore_mem>> -> memref<!tpu.dma_semaphore, #tpu.memory_space<semaphore_mem>>
    %dma_wait3A_114 = arith.constant 0 : i32
    %dma_wait3A_115 = tpu.memref_slice %arg6[%dma_wait3A_105, %dma_wait3A_114] : memref<2x16384xf32, #tpu.memory_space<vmem>> -> memref<1x16384xf32, #tpu.memory_space<vmem>>
    %dma_wait3A_116 = tpu.memref_squeeze %dma_wait3A_115 : memref<1x16384xf32, #tpu.memory_space<vmem>> -> memref<16384xf32, #tpu.memory_space<vmem>>
    %dma_wait3A_117 = tpu.memref_slice %arg3[%add3A_92] : memref<8388608xf32, #tpu.memory_space<hbm>> -> memref<16384xf32, #tpu.memory_space<hbm>>
    tpu.wait_dma2 semaphore(%dma_wait3A_113 : memref<!tpu.dma_semaphore, #tpu.memory_space<semaphore_mem>>) src(%dma_wait3A_117 : memref<16384xf32, #tpu.memory_space<hbm>>) dst(%dma_wait3A_116 : memref<16384xf32, #tpu.memory_space<vmem>>)
    %add3A_118 = arith.constant 4194304 : i32
    %add3A_119 = arith.addi %add3A_118, %add3A_92 : i32
    %dma_wait3A_120 = arith.constant 0 : i32
    %dma_wait3A_121 = arith.constant 0 : i32
    %dma_wait3A_122 = arith.constant 2 : i32
    %dma_wait3A_123 = arith.constant 0 : i32
    %dma_wait3A_124 = tpu.memref_slice %arg7[%dma_wait3A_120, %dma_wait3A_123] : memref<2x16384xf32, #tpu.memory_space<vmem>> -> memref<1x16384xf32, #tpu.memory_space<vmem>>
    %dma_wait3A_125 = tpu.memref_squeeze %dma_wait3A_124 : memref<1x16384xf32, #tpu.memory_space<vmem>> -> memref<16384xf32, #tpu.memory_space<vmem>>
    %dma_wait3A_126 = tpu.memref_slice %arg3[%add3A_119] : memref<8388608xf32, #tpu.memory_space<hbm>> -> memref<16384xf32, #tpu.memory_space<hbm>>
    %dma_wait3A_127 = tpu.memref_slice %arg9[%dma_wait3A_121, %dma_wait3A_122] : memref<2x3x!tpu.dma_semaphore, #tpu.memory_space<semaphore_mem>> -> memref<1x1x!tpu.dma_semaphore, #tpu.memory_space<semaphore_mem>>
    %dma_wait3A_128 = tpu.memref_squeeze %dma_wait3A_127 : memref<1x1x!tpu.dma_semaphore, #tpu.memory_space<semaphore_mem>> -> memref<!tpu.dma_semaphore, #tpu.memory_space<semaphore_mem>>
    %dma_wait3A_129 = arith.constant 0 : i32
    %dma_wait3A_130 = tpu.memref_slice %arg7[%dma_wait3A_120, %dma_wait3A_129] : memref<2x16384xf32, #tpu.memory_space<vmem>> -> memref<1x16384xf32, #tpu.memory_space<vmem>>
    %dma_wait3A_131 = tpu.memref_squeeze %dma_wait3A_130 : memref<1x16384xf32, #tpu.memory_space<vmem>> -> memref<16384xf32, #tpu.memory_space<vmem>>
    %dma_wait3A_132 = tpu.memref_slice %arg3[%add3A_119] : memref<8388608xf32, #tpu.memory_space<hbm>> -> memref<16384xf32, #tpu.memory_space<hbm>>
    tpu.wait_dma2 semaphore(%dma_wait3A_128 : memref<!tpu.dma_semaphore, #tpu.memory_space<semaphore_mem>>) src(%dma_wait3A_132 : memref<16384xf32, #tpu.memory_space<hbm>>) dst(%dma_wait3A_131 : memref<16384xf32, #tpu.memory_space<vmem>>)
    %scan3A = arith.constant 0 : i32
    %scan3A_133 = arith.constant 1024 : i32
    %scan3A_134 = arith.addi %scan3A, %scan3A_133 : i32
    %scan3A_135 = arith.constant 8 : i32
    %scan3A_136:2 = scf.for %scan3A_750 = %scan3A to %scan3A_134 step %scan3A_135 iter_args(%scan3A_751 = %broadcast_in_dim3A_47, %scan3A_752 = %broadcast_in_dim3A_47) -> (vector<16xf32>, vector<16xf32>)  : i32 {
      %mul3A_753 = arith.constant 16 : i32
      %mul3A_754 = arith.muli %scan3A_750, %mul3A_753 : i32
      %get3A = arith.constant 0 : i32
      %get3A_755 = arith.index_cast %get3A : i32 to index
      %get3A_756 = arith.index_cast %mul3A_754 : i32 to index
      %get3A_757 = tpu.vector_load %arg5[%get3A_755, %get3A_756] {strides = array<i32>} : memref<2x16384xf32, #tpu.memory_space<vmem>>, vector<1x16xf32>,
      %get3A_758 = vector.shape_cast %get3A_757 : vector<1x16xf32> to vector<16xf32>
      %mul3A_759 = arith.constant 16 : i32
      %mul3A_760 = arith.muli %scan3A_750, %mul3A_759 : i32
      %get3A_761 = arith.constant 0 : i32
      %get3A_762 = arith.index_cast %get3A_761 : i32 to index
      %get3A_763 = arith.index_cast %mul3A_760 : i32 to index
      %get3A_764 = tpu.vector_load %arg6[%get3A_762, %get3A_763] {strides = array<i32>} : memref<2x16384xf32, #tpu.memory_space<vmem>>, vector<1x16xf32>,
      %get3A_765 = vector.shape_cast %get3A_764 : vector<1x16xf32> to vector<16xf32>
      %mul3A_766 = arith.constant 16 : i32
      %mul3A_767 = arith.muli %scan3A_750, %mul3A_766 : i32
      %get3A_768 = arith.constant 0 : i32
      %get3A_769 = arith.index_cast %get3A_768 : i32 to index
      %get3A_770 = arith.index_cast %mul3A_767 : i32 to index
      %get3A_771 = tpu.vector_load %arg7[%get3A_769, %get3A_770] {strides = array<i32>} : memref<2x16384xf32, #tpu.memory_space<vmem>>, vector<1x16xf32>,
      %get3A_772 = vector.shape_cast %get3A_771 : vector<1x16xf32> to vector<16xf32>
      %gt3A = arith.constant 0.000000e+00 : f32
      %gt3A_773 = vector.broadcast %gt3A : f32 to vector<16xf32>
      %gt3A_774 = arith.cmpf ogt, %get3A_772, %gt3A_773 : vector<16xf32>
      %sub3A = arith.subf %get3A_758, %get3A_765 : vector<16xf32>
      %abs3A = math.absf %sub3A : vector<16xf32>
      %jit3A = arith.constant 0.000000e+00 : f32
      %broadcast_in_dim3A_775 = vector.broadcast %jit3A : f32 to vector<16xf32>
      %select_n3A = arith.select %gt3A_774, %abs3A, %broadcast_in_dim3A_775 : vector<16xi1>, vector<16xf32>
      %add3A_776 = arith.addf %scan3A_751, %select_n3A : vector<16xf32>
      %jit3A_777 = arith.constant 1.000000e+00 : f32
      %jit3A_778 = arith.constant 0.000000e+00 : f32
      %broadcast_in_dim3A_779 = vector.broadcast %jit3A_777 : f32 to vector<16xf32>
      %broadcast_in_dim3A_780 = vector.broadcast %jit3A_778 : f32 to vector<16xf32>
      %select_n3A_781 = arith.select %gt3A_774, %broadcast_in_dim3A_779, %broadcast_in_dim3A_780 : vector<16xi1>, vector<16xf32>
      %add3A_782 = arith.addf %scan3A_752, %select_n3A_781 : vector<16xf32>
      %scan3A_783 = arith.constant 1 : i32
      %scan3A_784 = arith.addi %scan3A_750, %scan3A_783 : i32
      %mul3A_785 = arith.constant 16 : i32
      %mul3A_786 = arith.muli %scan3A_784, %mul3A_785 : i32
      %get3A_787 = arith.constant 0 : i32
      %get3A_788 = arith.index_cast %get3A_787 : i32 to index
      %get3A_789 = arith.index_cast %mul3A_786 : i32 to index
      %get3A_790 = tpu.vector_load %arg5[%get3A_788, %get3A_789] {strides = array<i32>} : memref<2x16384xf32, #tpu.memory_space<vmem>>, vector<1x16xf32>,
      %get3A_791 = vector.shape_cast %get3A_790 : vector<1x16xf32> to vector<16xf32>
      %mul3A_792 = arith.constant 16 : i32
      %mul3A_793 = arith.muli %scan3A_784, %mul3A_792 : i32
      %get3A_794 = arith.constant 0 : i32
      %get3A_795 = arith.index_cast %get3A_794 : i32 to index
      %get3A_796 = arith.index_cast %mul3A_793 : i32 to index
      %get3A_797 = tpu.vector_load %arg6[%get3A_795, %get3A_796] {strides = array<i32>} : memref<2x16384xf32, #tpu.memory_space<vmem>>, vector<1x16xf32>,
      %get3A_798 = vector.shape_cast %get3A_797 : vector<1x16xf32> to vector<16xf32>
      %mul3A_799 = arith.constant 16 : i32
      %mul3A_800 = arith.muli %scan3A_784, %mul3A_799 : i32
      %get3A_801 = arith.constant 0 : i32
      %get3A_802 = arith.index_cast %get3A_801 : i32 to index
      %get3A_803 = arith.index_cast %mul3A_800 : i32 to index
      %get3A_804 = tpu.vector_load %arg7[%get3A_802, %get3A_803] {strides = array<i32>} : memref<2x16384xf32, #tpu.memory_space<vmem>>, vector<1x16xf32>,
      %get3A_805 = vector.shape_cast %get3A_804 : vector<1x16xf32> to vector<16xf32>
      %gt3A_806 = arith.constant 0.000000e+00 : f32
      %gt3A_807 = vector.broadcast %gt3A_806 : f32 to vector<16xf32>
      %gt3A_808 = arith.cmpf ogt, %get3A_805, %gt3A_807 : vector<16xf32>
      %sub3A_809 = arith.subf %get3A_791, %get3A_798 : vector<16xf32>
      %abs3A_810 = math.absf %sub3A_809 : vector<16xf32>
      %jit3A_811 = arith.constant 0.000000e+00 : f32
      %broadcast_in_dim3A_812 = vector.broadcast %jit3A_811 : f32 to vector<16xf32>
      %select_n3A_813 = arith.select %gt3A_808, %abs3A_810, %broadcast_in_dim3A_812 : vector<16xi1>, vector<16xf32>
      %add3A_814 = arith.addf %add3A_776, %select_n3A_813 : vector<16xf32>
      %jit3A_815 = arith.constant 1.000000e+00 : f32
      %jit3A_816 = arith.constant 0.000000e+00 : f32
      %broadcast_in_dim3A_817 = vector.broadcast %jit3A_815 : f32 to vector<16xf32>
      %broadcast_in_dim3A_818 = vector.broadcast %jit3A_816 : f32 to vector<16xf32>
      %select_n3A_819 = arith.select %gt3A_808, %broadcast_in_dim3A_817, %broadcast_in_dim3A_818 : vector<16xi1>, vector<16xf32>
      %add3A_820 = arith.addf %add3A_782, %select_n3A_819 : vector<16xf32>
      %scan3A_821 = arith.constant 2 : i32
      %scan3A_822 = arith.addi %scan3A_750, %scan3A_821 : i32
      %mul3A_823 = arith.constant 16 : i32
      %mul3A_824 = arith.muli %scan3A_822, %mul3A_823 : i32
      %get3A_825 = arith.constant 0 : i32
      %get3A_826 = arith.index_cast %get3A_825 : i32 to index
      %get3A_827 = arith.index_cast %mul3A_824 : i32 to index
      %get3A_828 = tpu.vector_load %arg5[%get3A_826, %get3A_827] {strides = array<i32>} : memref<2x16384xf32, #tpu.memory_space<vmem>>, vector<1x16xf32>,
      %get3A_829 = vector.shape_cast %get3A_828 : vector<1x16xf32> to vector<16xf32>
      %mul3A_830 = arith.constant 16 : i32
      %mul3A_831 = arith.muli %scan3A_822, %mul3A_830 : i32
      %get3A_832 = arith.constant 0 : i32
      %get3A_833 = arith.index_cast %get3A_832 : i32 to index
      %get3A_834 = arith.index_cast %mul3A_831 : i32 to index
      %get3A_835 = tpu.vector_load %arg6[%get3A_833, %get3A_834] {strides = array<i32>} : memref<2x16384xf32, #tpu.memory_space<vmem>>, vector<1x16xf32>,
      %get3A_836 = vector.shape_cast %get3A_835 : vector<1x16xf32> to vector<16xf32>
      %mul3A_837 = arith.constant 16 : i32
      %mul3A_838 = arith.muli %scan3A_822, %mul3A_837 : i32
      %get3A_839 = arith.constant 0 : i32
      %get3A_840 = arith.index_cast %get3A_839 : i32 to index
      %get3A_841 = arith.index_cast %mul3A_838 : i32 to index
      %get3A_842 = tpu.vector_load %arg7[%get3A_840, %get3A_841] {strides = array<i32>} : memref<2x16384xf32, #tpu.memory_space<vmem>>, vector<1x16xf32>,
      %get3A_843 = vector.shape_cast %get3A_842 : vector<1x16xf32> to vector<16xf32>
      %gt3A_844 = arith.constant 0.000000e+00 : f32
      %gt3A_845 = vector.broadcast %gt3A_844 : f32 to vector<16xf32>
      %gt3A_846 = arith.cmpf ogt, %get3A_843, %gt3A_845 : vector<16xf32>
      %sub3A_847 = arith.subf %get3A_829, %get3A_836 : vector<16xf32>
      %abs3A_848 = math.absf %sub3A_847 : vector<16xf32>
      %jit3A_849 = arith.constant 0.000000e+00 : f32
      %broadcast_in_dim3A_850 = vector.broadcast %jit3A_849 : f32 to vector<16xf32>
      %select_n3A_851 = arith.select %gt3A_846, %abs3A_848, %broadcast_in_dim3A_850 : vector<16xi1>, vector<16xf32>
      %add3A_852 = arith.addf %add3A_814, %select_n3A_851 : vector<16xf32>
      %jit3A_853 = arith.constant 1.000000e+00 : f32
      %jit3A_854 = arith.constant 0.000000e+00 : f32
      %broadcast_in_dim3A_855 = vector.broadcast %jit3A_853 : f32 to vector<16xf32>
      %broadcast_in_dim3A_856 = vector.broadcast %jit3A_854 : f32 to vector<16xf32>
      %select_n3A_857 = arith.select %gt3A_846, %broadcast_in_dim3A_855, %broadcast_in_dim3A_856 : vector<16xi1>, vector<16xf32>
      %add3A_858 = arith.addf %add3A_820, %select_n3A_857 : vector<16xf32>
      %scan3A_859 = arith.constant 3 : i32
      %scan3A_860 = arith.addi %scan3A_750, %scan3A_859 : i32
      %mul3A_861 = arith.constant 16 : i32
      %mul3A_862 = arith.muli %scan3A_860, %mul3A_861 : i32
      %get3A_863 = arith.constant 0 : i32
      %get3A_864 = arith.index_cast %get3A_863 : i32 to index
      %get3A_865 = arith.index_cast %mul3A_862 : i32 to index
      %get3A_866 = tpu.vector_load %arg5[%get3A_864, %get3A_865] {strides = array<i32>} : memref<2x16384xf32, #tpu.memory_space<vmem>>, vector<1x16xf32>,
      %get3A_867 = vector.shape_cast %get3A_866 : vector<1x16xf32> to vector<16xf32>
      %mul3A_868 = arith.constant 16 : i32
      %mul3A_869 = arith.muli %scan3A_860, %mul3A_868 : i32
      %get3A_870 = arith.constant 0 : i32
      %get3A_871 = arith.index_cast %get3A_870 : i32 to index
      %get3A_872 = arith.index_cast %mul3A_869 : i32 to index
      %get3A_873 = tpu.vector_load %arg6[%get3A_871, %get3A_872] {strides = array<i32>} : memref<2x16384xf32, #tpu.memory_space<vmem>>, vector<1x16xf32>,
      %get3A_874 = vector.shape_cast %get3A_873 : vector<1x16xf32> to vector<16xf32>
      %mul3A_875 = arith.constant 16 : i32
      %mul3A_876 = arith.muli %scan3A_860, %mul3A_875 : i32
      %get3A_877 = arith.constant 0 : i32
      %get3A_878 = arith.index_cast %get3A_877 : i32 to index
      %get3A_879 = arith.index_cast %mul3A_876 : i32 to index
      %get3A_880 = tpu.vector_load %arg7[%get3A_878, %get3A_879] {strides = array<i32>} : memref<2x16384xf32, #tpu.memory_space<vmem>>, vector<1x16xf32>,
      %get3A_881 = vector.shape_cast %get3A_880 : vector<1x16xf32> to vector<16xf32>
      %gt3A_882 = arith.constant 0.000000e+00 : f32
      %gt3A_883 = vector.broadcast %gt3A_882 : f32 to vector<16xf32>
      %gt3A_884 = arith.cmpf ogt, %get3A_881, %gt3A_883 : vector<16xf32>
      %sub3A_885 = arith.subf %get3A_867, %get3A_874 : vector<16xf32>
      %abs3A_886 = math.absf %sub3A_885 : vector<16xf32>
      %jit3A_887 = arith.constant 0.000000e+00 : f32
      %broadcast_in_dim3A_888 = vector.broadcast %jit3A_887 : f32 to vector<16xf32>
      %select_n3A_889 = arith.select %gt3A_884, %abs3A_886, %broadcast_in_dim3A_888 : vector<16xi1>, vector<16xf32>
      %add3A_890 = arith.addf %add3A_852, %select_n3A_889 : vector<16xf32>
      %jit3A_891 = arith.constant 1.000000e+00 : f32
      %jit3A_892 = arith.constant 0.000000e+00 : f32
      %broadcast_in_dim3A_893 = vector.broadcast %jit3A_891 : f32 to vector<16xf32>
      %broadcast_in_dim3A_894 = vector.broadcast %jit3A_892 : f32 to vector<16xf32>
      %select_n3A_895 = arith.select %gt3A_884, %broadcast_in_dim3A_893, %broadcast_in_dim3A_894 : vector<16xi1>, vector<16xf32>
      %add3A_896 = arith.addf %add3A_858, %select_n3A_895 : vector<16xf32>
      %scan3A_897 = arith.constant 4 : i32
      %scan3A_898 = arith.addi %scan3A_750, %scan3A_897 : i32
      %mul3A_899 = arith.constant 16 : i32
      %mul3A_900 = arith.muli %scan3A_898, %mul3A_899 : i32
      %get3A_901 = arith.constant 0 : i32
      %get3A_902 = arith.index_cast %get3A_901 : i32 to index
      %get3A_903 = arith.index_cast %mul3A_900 : i32 to index
      %get3A_904 = tpu.vector_load %arg5[%get3A_902, %get3A_903] {strides = array<i32>} : memref<2x16384xf32, #tpu.memory_space<vmem>>, vector<1x16xf32>,
      %get3A_905 = vector.shape_cast %get3A_904 : vector<1x16xf32> to vector<16xf32>
      %mul3A_906 = arith.constant 16 : i32
      %mul3A_907 = arith.muli %scan3A_898, %mul3A_906 : i32
      %get3A_908 = arith.constant 0 : i32
      %get3A_909 = arith.index_cast %get3A_908 : i32 to index
      %get3A_910 = arith.index_cast %mul3A_907 : i32 to index
      %get3A_911 = tpu.vector_load %arg6[%get3A_909, %get3A_910] {strides = array<i32>} : memref<2x16384xf32, #tpu.memory_space<vmem>>, vector<1x16xf32>,
      %get3A_912 = vector.shape_cast %get3A_911 : vector<1x16xf32> to vector<16xf32>
      %mul3A_913 = arith.constant 16 : i32
      %mul3A_914 = arith.muli %scan3A_898, %mul3A_913 : i32
      %get3A_915 = arith.constant 0 : i32
      %get3A_916 = arith.index_cast %get3A_915 : i32 to index
      %get3A_917 = arith.index_cast %mul3A_914 : i32 to index
      %get3A_918 = tpu.vector_load %arg7[%get3A_916, %get3A_917] {strides = array<i32>} : memref<2x16384xf32, #tpu.memory_space<vmem>>, vector<1x16xf32>,
      %get3A_919 = vector.shape_cast %get3A_918 : vector<1x16xf32> to vector<16xf32>
      %gt3A_920 = arith.constant 0.000000e+00 : f32
      %gt3A_921 = vector.broadcast %gt3A_920 : f32 to vector<16xf32>
      %gt3A_922 = arith.cmpf ogt, %get3A_919, %gt3A_921 : vector<16xf32>
      %sub3A_923 = arith.subf %get3A_905, %get3A_912 : vector<16xf32>
      %abs3A_924 = math.absf %sub3A_923 : vector<16xf32>
      %jit3A_925 = arith.constant 0.000000e+00 : f32
      %broadcast_in_dim3A_926 = vector.broadcast %jit3A_925 : f32 to vector<16xf32>
      %select_n3A_927 = arith.select %gt3A_922, %abs3A_924, %broadcast_in_dim3A_926 : vector<16xi1>, vector<16xf32>
      %add3A_928 = arith.addf %add3A_890, %select_n3A_927 : vector<16xf32>
      %jit3A_929 = arith.constant 1.000000e+00 : f32
      %jit3A_930 = arith.constant 0.000000e+00 : f32
      %broadcast_in_dim3A_931 = vector.broadcast %jit3A_929 : f32 to vector<16xf32>
      %broadcast_in_dim3A_932 = vector.broadcast %jit3A_930 : f32 to vector<16xf32>
      %select_n3A_933 = arith.select %gt3A_922, %broadcast_in_dim3A_931, %broadcast_in_dim3A_932 : vector<16xi1>, vector<16xf32>
      %add3A_934 = arith.addf %add3A_896, %select_n3A_933 : vector<16xf32>
      %scan3A_935 = arith.constant 5 : i32
      %scan3A_936 = arith.addi %scan3A_750, %scan3A_935 : i32
      %mul3A_937 = arith.constant 16 : i32
      %mul3A_938 = arith.muli %scan3A_936, %mul3A_937 : i32
      %get3A_939 = arith.constant 0 : i32
      %get3A_940 = arith.index_cast %get3A_939 : i32 to index
      %get3A_941 = arith.index_cast %mul3A_938 : i32 to index
      %get3A_942 = tpu.vector_load %arg5[%get3A_940, %get3A_941] {strides = array<i32>} : memref<2x16384xf32, #tpu.memory_space<vmem>>, vector<1x16xf32>,
      %get3A_943 = vector.shape_cast %get3A_942 : vector<1x16xf32> to vector<16xf32>
      %mul3A_944 = arith.constant 16 : i32
      %mul3A_945 = arith.muli %scan3A_936, %mul3A_944 : i32
      %get3A_946 = arith.constant 0 : i32
      %get3A_947 = arith.index_cast %get3A_946 : i32 to index
      %get3A_948 = arith.index_cast %mul3A_945 : i32 to index
      %get3A_949 = tpu.vector_load %arg6[%get3A_947, %get3A_948] {strides = array<i32>} : memref<2x16384xf32, #tpu.memory_space<vmem>>, vector<1x16xf32>,
      %get3A_950 = vector.shape_cast %get3A_949 : vector<1x16xf32> to vector<16xf32>
      %mul3A_951 = arith.constant 16 : i32
      %mul3A_952 = arith.muli %scan3A_936, %mul3A_951 : i32
      %get3A_953 = arith.constant 0 : i32
      %get3A_954 = arith.index_cast %get3A_953 : i32 to index
      %get3A_955 = arith.index_cast %mul3A_952 : i32 to index
      %get3A_956 = tpu.vector_load %arg7[%get3A_954, %get3A_955] {strides = array<i32>} : memref<2x16384xf32, #tpu.memory_space<vmem>>, vector<1x16xf32>,
      %get3A_957 = vector.shape_cast %get3A_956 : vector<1x16xf32> to vector<16xf32>
      %gt3A_958 = arith.constant 0.000000e+00 : f32
      %gt3A_959 = vector.broadcast %gt3A_958 : f32 to vector<16xf32>
      %gt3A_960 = arith.cmpf ogt, %get3A_957, %gt3A_959 : vector<16xf32>
      %sub3A_961 = arith.subf %get3A_943, %get3A_950 : vector<16xf32>
      %abs3A_962 = math.absf %sub3A_961 : vector<16xf32>
      %jit3A_963 = arith.constant 0.000000e+00 : f32
      %broadcast_in_dim3A_964 = vector.broadcast %jit3A_963 : f32 to vector<16xf32>
      %select_n3A_965 = arith.select %gt3A_960, %abs3A_962, %broadcast_in_dim3A_964 : vector<16xi1>, vector<16xf32>
      %add3A_966 = arith.addf %add3A_928, %select_n3A_965 : vector<16xf32>
      %jit3A_967 = arith.constant 1.000000e+00 : f32
      %jit3A_968 = arith.constant 0.000000e+00 : f32
      %broadcast_in_dim3A_969 = vector.broadcast %jit3A_967 : f32 to vector<16xf32>
      %broadcast_in_dim3A_970 = vector.broadcast %jit3A_968 : f32 to vector<16xf32>
      %select_n3A_971 = arith.select %gt3A_960, %broadcast_in_dim3A_969, %broadcast_in_dim3A_970 : vector<16xi1>, vector<16xf32>
      %add3A_972 = arith.addf %add3A_934, %select_n3A_971 : vector<16xf32>
      %scan3A_973 = arith.constant 6 : i32
      %scan3A_974 = arith.addi %scan3A_750, %scan3A_973 : i32
      %mul3A_975 = arith.constant 16 : i32
      %mul3A_976 = arith.muli %scan3A_974, %mul3A_975 : i32
      %get3A_977 = arith.constant 0 : i32
      %get3A_978 = arith.index_cast %get3A_977 : i32 to index
      %get3A_979 = arith.index_cast %mul3A_976 : i32 to index
      %get3A_980 = tpu.vector_load %arg5[%get3A_978, %get3A_979] {strides = array<i32>} : memref<2x16384xf32, #tpu.memory_space<vmem>>, vector<1x16xf32>,
      %get3A_981 = vector.shape_cast %get3A_980 : vector<1x16xf32> to vector<16xf32>
      %mul3A_982 = arith.constant 16 : i32
      %mul3A_983 = arith.muli %scan3A_974, %mul3A_982 : i32
      %get3A_984 = arith.constant 0 : i32
      %get3A_985 = arith.index_cast %get3A_984 : i32 to index
      %get3A_986 = arith.index_cast %mul3A_983 : i32 to index
      %get3A_987 = tpu.vector_load %arg6[%get3A_985, %get3A_986] {strides = array<i32>} : memref<2x16384xf32, #tpu.memory_space<vmem>>, vector<1x16xf32>,
      %get3A_988 = vector.shape_cast %get3A_987 : vector<1x16xf32> to vector<16xf32>
      %mul3A_989 = arith.constant 16 : i32
      %mul3A_990 = arith.muli %scan3A_974, %mul3A_989 : i32
      %get3A_991 = arith.constant 0 : i32
      %get3A_992 = arith.index_cast %get3A_991 : i32 to index
      %get3A_993 = arith.index_cast %mul3A_990 : i32 to index
      %get3A_994 = tpu.vector_load %arg7[%get3A_992, %get3A_993] {strides = array<i32>} : memref<2x16384xf32, #tpu.memory_space<vmem>>, vector<1x16xf32>,
      %get3A_995 = vector.shape_cast %get3A_994 : vector<1x16xf32> to vector<16xf32>
      %gt3A_996 = arith.constant 0.000000e+00 : f32
      %gt3A_997 = vector.broadcast %gt3A_996 : f32 to vector<16xf32>
      %gt3A_998 = arith.cmpf ogt, %get3A_995, %gt3A_997 : vector<16xf32>
      %sub3A_999 = arith.subf %get3A_981, %get3A_988 : vector<16xf32>
      %abs3A_1000 = math.absf %sub3A_999 : vector<16xf32>
      %jit3A_1001 = arith.constant 0.000000e+00 : f32
      %broadcast_in_dim3A_1002 = vector.broadcast %jit3A_1001 : f32 to vector<16xf32>
      %select_n3A_1003 = arith.select %gt3A_998, %abs3A_1000, %broadcast_in_dim3A_1002 : vector<16xi1>, vector<16xf32>
      %add3A_1004 = arith.addf %add3A_966, %select_n3A_1003 : vector<16xf32>
      %jit3A_1005 = arith.constant 1.000000e+00 : f32
      %jit3A_1006 = arith.constant 0.000000e+00 : f32
      %broadcast_in_dim3A_1007 = vector.broadcast %jit3A_1005 : f32 to vector<16xf32>
      %broadcast_in_dim3A_1008 = vector.broadcast %jit3A_1006 : f32 to vector<16xf32>
      %select_n3A_1009 = arith.select %gt3A_998, %broadcast_in_dim3A_1007, %broadcast_in_dim3A_1008 : vector<16xi1>, vector<16xf32>
      %add3A_1010 = arith.addf %add3A_972, %select_n3A_1009 : vector<16xf32>
      %scan3A_1011 = arith.constant 7 : i32
      %scan3A_1012 = arith.addi %scan3A_750, %scan3A_1011 : i32
      %mul3A_1013 = arith.constant 16 : i32
      %mul3A_1014 = arith.muli %scan3A_1012, %mul3A_1013 : i32
      %get3A_1015 = arith.constant 0 : i32
      %get3A_1016 = arith.index_cast %get3A_1015 : i32 to index
      %get3A_1017 = arith.index_cast %mul3A_1014 : i32 to index
      %get3A_1018 = tpu.vector_load %arg5[%get3A_1016, %get3A_1017] {strides = array<i32>} : memref<2x16384xf32, #tpu.memory_space<vmem>>, vector<1x16xf32>,
      %get3A_1019 = vector.shape_cast %get3A_1018 : vector<1x16xf32> to vector<16xf32>
      %mul3A_1020 = arith.constant 16 : i32
      %mul3A_1021 = arith.muli %scan3A_1012, %mul3A_1020 : i32
      %get3A_1022 = arith.constant 0 : i32
      %get3A_1023 = arith.index_cast %get3A_1022 : i32 to index
      %get3A_1024 = arith.index_cast %mul3A_1021 : i32 to index
      %get3A_1025 = tpu.vector_load %arg6[%get3A_1023, %get3A_1024] {strides = array<i32>} : memref<2x16384xf32, #tpu.memory_space<vmem>>, vector<1x16xf32>,
      %get3A_1026 = vector.shape_cast %get3A_1025 : vector<1x16xf32> to vector<16xf32>
      %mul3A_1027 = arith.constant 16 : i32
      %mul3A_1028 = arith.muli %scan3A_1012, %mul3A_1027 : i32
      %get3A_1029 = arith.constant 0 : i32
      %get3A_1030 = arith.index_cast %get3A_1029 : i32 to index
      %get3A_1031 = arith.index_cast %mul3A_1028 : i32 to index
      %get3A_1032 = tpu.vector_load %arg7[%get3A_1030, %get3A_1031] {strides = array<i32>} : memref<2x16384xf32, #tpu.memory_space<vmem>>, vector<1x16xf32>,
      %get3A_1033 = vector.shape_cast %get3A_1032 : vector<1x16xf32> to vector<16xf32>
      %gt3A_1034 = arith.constant 0.000000e+00 : f32
      %gt3A_1035 = vector.broadcast %gt3A_1034 : f32 to vector<16xf32>
      %gt3A_1036 = arith.cmpf ogt, %get3A_1033, %gt3A_1035 : vector<16xf32>
      %sub3A_1037 = arith.subf %get3A_1019, %get3A_1026 : vector<16xf32>
      %abs3A_1038 = math.absf %sub3A_1037 : vector<16xf32>
      %jit3A_1039 = arith.constant 0.000000e+00 : f32
      %broadcast_in_dim3A_1040 = vector.broadcast %jit3A_1039 : f32 to vector<16xf32>
      %select_n3A_1041 = arith.select %gt3A_1036, %abs3A_1038, %broadcast_in_dim3A_1040 : vector<16xi1>, vector<16xf32>
      %add3A_1042 = arith.addf %add3A_1004, %select_n3A_1041 : vector<16xf32>
      %jit3A_1043 = arith.constant 1.000000e+00 : f32
      %jit3A_1044 = arith.constant 0.000000e+00 : f32
      %broadcast_in_dim3A_1045 = vector.broadcast %jit3A_1043 : f32 to vector<16xf32>
      %broadcast_in_dim3A_1046 = vector.broadcast %jit3A_1044 : f32 to vector<16xf32>
      %select_n3A_1047 = arith.select %gt3A_1036, %broadcast_in_dim3A_1045, %broadcast_in_dim3A_1046 : vector<16xi1>, vector<16xf32>
      %add3A_1048 = arith.addf %add3A_1010, %select_n3A_1047 : vector<16xf32>
      scf.yield %add3A_1042, %add3A_1048 : vector<16xf32>, vector<16xf32>
    }
    %scan3A_137 = arith.constant 1024 : i32
    %add3A_138 = arith.constant 32768 : i32
    %add3A_139 = arith.addi %add3A_4, %add3A_138 : i32
    %dma_start3A_140 = arith.constant 0 : i32
    %dma_start3A_141 = arith.constant 0 : i32
    %dma_start3A_142 = arith.constant 0 : i32
    %dma_start3A_143 = arith.constant 0 : i32
    %dma_start3A_144 = tpu.memref_slice %arg5[%dma_start3A_140, %dma_start3A_143] : memref<2x16384xf32, #tpu.memory_space<vmem>> -> memref<1x16384xf32, #tpu.memory_space<vmem>>
    %dma_start3A_145 = tpu.memref_squeeze %dma_start3A_144 : memref<1x16384xf32, #tpu.memory_space<vmem>> -> memref<16384xf32, #tpu.memory_space<vmem>>
    %dma_start3A_146 = tpu.memref_slice %arg2[%add3A_139] : memref<4194304xf32, #tpu.memory_space<hbm>> -> memref<16384xf32, #tpu.memory_space<hbm>>
    %dma_start3A_147 = tpu.memref_slice %arg9[%dma_start3A_141, %dma_start3A_142] : memref<2x3x!tpu.dma_semaphore, #tpu.memory_space<semaphore_mem>> -> memref<1x1x!tpu.dma_semaphore, #tpu.memory_space<semaphore_mem>>
    %dma_start3A_148 = tpu.memref_squeeze %dma_start3A_147 : memref<1x1x!tpu.dma_semaphore, #tpu.memory_space<semaphore_mem>> -> memref<!tpu.dma_semaphore, #tpu.memory_space<semaphore_mem>>
    %dma_start3A_149 = arith.constant 0 : i32
    %dma_start3A_150 = tpu.memref_slice %arg5[%dma_start3A_140, %dma_start3A_149] : memref<2x16384xf32, #tpu.memory_space<vmem>> -> memref<1x16384xf32, #tpu.memory_space<vmem>>
    %dma_start3A_151 = tpu.memref_squeeze %dma_start3A_150 : memref<1x16384xf32, #tpu.memory_space<vmem>> -> memref<16384xf32, #tpu.memory_space<vmem>>
    %dma_start3A_152 = tpu.memref_slice %arg2[%add3A_139] : memref<4194304xf32, #tpu.memory_space<hbm>> -> memref<16384xf32, #tpu.memory_space<hbm>>
    tpu.enqueue_dma source(%dma_start3A_152 : memref<16384xf32, #tpu.memory_space<hbm>>) target(%dma_start3A_151 : memref<16384xf32, #tpu.memory_space<vmem>>) target_semaphore(%dma_start3A_148 : memref<!tpu.dma_semaphore, #tpu.memory_space<semaphore_mem>>)
    %dma_start3A_153 = arith.constant 0 : i32
    %dma_start3A_154 = arith.constant 0 : i32
    %dma_start3A_155 = arith.constant 1 : i32
    %dma_start3A_156 = arith.constant 0 : i32
    %dma_start3A_157 = tpu.memref_slice %arg6[%dma_start3A_153, %dma_start3A_156] : memref<2x16384xf32, #tpu.memory_space<vmem>> -> memref<1x16384xf32, #tpu.memory_space<vmem>>
    %dma_start3A_158 = tpu.memref_squeeze %dma_start3A_157 : memref<1x16384xf32, #tpu.memory_space<vmem>> -> memref<16384xf32, #tpu.memory_space<vmem>>
    %dma_start3A_159 = tpu.memref_slice %arg3[%add3A_139] : memref<8388608xf32, #tpu.memory_space<hbm>> -> memref<16384xf32, #tpu.memory_space<hbm>>
    %dma_start3A_160 = tpu.memref_slice %arg9[%dma_start3A_154, %dma_start3A_155] : memref<2x3x!tpu.dma_semaphore, #tpu.memory_space<semaphore_mem>> -> memref<1x1x!tpu.dma_semaphore, #tpu.memory_space<semaphore_mem>>
    %dma_start3A_161 = tpu.memref_squeeze %dma_start3A_160 : memref<1x1x!tpu.dma_semaphore, #tpu.memory_space<semaphore_mem>> -> memref<!tpu.dma_semaphore, #tpu.memory_space<semaphore_mem>>
    %dma_start3A_162 = arith.constant 0 : i32
    %dma_start3A_163 = tpu.memref_slice %arg6[%dma_start3A_153, %dma_start3A_162] : memref<2x16384xf32, #tpu.memory_space<vmem>> -> memref<1x16384xf32, #tpu.memory_space<vmem>>
    %dma_start3A_164 = tpu.memref_squeeze %dma_start3A_163 : memref<1x16384xf32, #tpu.memory_space<vmem>> -> memref<16384xf32, #tpu.memory_space<vmem>>
    %dma_start3A_165 = tpu.memref_slice %arg3[%add3A_139] : memref<8388608xf32, #tpu.memory_space<hbm>> -> memref<16384xf32, #tpu.memory_space<hbm>>
    tpu.enqueue_dma source(%dma_start3A_165 : memref<16384xf32, #tpu.memory_space<hbm>>) target(%dma_start3A_164 : memref<16384xf32, #tpu.memory_space<vmem>>) target_semaphore(%dma_start3A_161 : memref<!tpu.dma_semaphore, #tpu.memory_space<semaphore_mem>>)
    %add3A_166 = arith.constant 4194304 : i32
    %add3A_167 = arith.addi %add3A_166, %add3A_139 : i32
    %dma_start3A_168 = arith.constant 0 : i32
    %dma_start3A_169 = arith.constant 0 : i32
    %dma_start3A_170 = arith.constant 2 : i32
    %dma_start3A_171 = arith.constant 0 : i32
    %dma_start3A_172 = tpu.memref_slice %arg7[%dma_start3A_168, %dma_start3A_171] : memref<2x16384xf32, #tpu.memory_space<vmem>> -> memref<1x16384xf32, #tpu.memory_space<vmem>>
    %dma_start3A_173 = tpu.memref_squeeze %dma_start3A_172 : memref<1x16384xf32, #tpu.memory_space<vmem>> -> memref<16384xf32, #tpu.memory_space<vmem>>
    %dma_start3A_174 = tpu.memref_slice %arg3[%add3A_167] : memref<8388608xf32, #tpu.memory_space<hbm>> -> memref<16384xf32, #tpu.memory_space<hbm>>
    %dma_start3A_175 = tpu.memref_slice %arg9[%dma_start3A_169, %dma_start3A_170] : memref<2x3x!tpu.dma_semaphore, #tpu.memory_space<semaphore_mem>> -> memref<1x1x!tpu.dma_semaphore, #tpu.memory_space<semaphore_mem>>
    %dma_start3A_176 = tpu.memref_squeeze %dma_start3A_175 : memref<1x1x!tpu.dma_semaphore, #tpu.memory_space<semaphore_mem>> -> memref<!tpu.dma_semaphore, #tpu.memory_space<semaphore_mem>>
    %dma_start3A_177 = arith.constant 0 : i32
    %dma_start3A_178 = tpu.memref_slice %arg7[%dma_start3A_168, %dma_start3A_177] : memref<2x16384xf32, #tpu.memory_space<vmem>> -> memref<1x16384xf32, #tpu.memory_space<vmem>>
    %dma_start3A_179 = tpu.memref_squeeze %dma_start3A_178 : memref<1x16384xf32, #tpu.memory_space<vmem>> -> memref<16384xf32, #tpu.memory_space<vmem>>
    %dma_start3A_180 = tpu.memref_slice %arg3[%add3A_167] : memref<8388608xf32, #tpu.memory_space<hbm>> -> memref<16384xf32, #tpu.memory_space<hbm>>
    tpu.enqueue_dma source(%dma_start3A_180 : memref<16384xf32, #tpu.memory_space<hbm>>) target(%dma_start3A_179 : memref<16384xf32, #tpu.memory_space<vmem>>) target_semaphore(%dma_start3A_176 : memref<!tpu.dma_semaphore, #tpu.memory_space<semaphore_mem>>)
    %add3A_181 = arith.constant 16384 : i32
    %add3A_182 = arith.addi %add3A_4, %add3A_181 : i32
    %dma_wait3A_183 = arith.constant 1 : i32
    %dma_wait3A_184 = arith.constant 1 : i32
    %dma_wait3A_185 = arith.constant 0 : i32
    %dma_wait3A_186 = arith.constant 0 : i32
    %dma_wait3A_187 = tpu.memref_slice %arg5[%dma_wait3A_183, %dma_wait3A_186] : memref<2x16384xf32, #tpu.memory_space<vmem>> -> memref<1x16384xf32, #tpu.memory_space<vmem>>
    %dma_wait3A_188 = tpu.memref_squeeze %dma_wait3A_187 : memref<1x16384xf32, #tpu.memory_space<vmem>> -> memref<16384xf32, #tpu.memory_space<vmem>>
    %dma_wait3A_189 = tpu.memref_slice %arg2[%add3A_182] : memref<4194304xf32, #tpu.memory_space<hbm>> -> memref<16384xf32, #tpu.memory_space<hbm>>
    %dma_wait3A_190 = tpu.memref_slice %arg9[%dma_wait3A_184, %dma_wait3A_185] : memref<2x3x!tpu.dma_semaphore, #tpu.memory_space<semaphore_mem>> -> memref<1x1x!tpu.dma_semaphore, #tpu.memory_space<semaphore_mem>>
    %dma_wait3A_191 = tpu.memref_squeeze %dma_wait3A_190 : memref<1x1x!tpu.dma_semaphore, #tpu.memory_space<semaphore_mem>> -> memref<!tpu.dma_semaphore, #tpu.memory_space<semaphore_mem>>
    %dma_wait3A_192 = arith.constant 0 : i32
    %dma_wait3A_193 = tpu.memref_slice %arg5[%dma_wait3A_183, %dma_wait3A_192] : memref<2x16384xf32, #tpu.memory_space<vmem>> -> memref<1x16384xf32, #tpu.memory_space<vmem>>
    %dma_wait3A_194 = tpu.memref_squeeze %dma_wait3A_193 : memref<1x16384xf32, #tpu.memory_space<vmem>> -> memref<16384xf32, #tpu.memory_space<vmem>>
    %dma_wait3A_195 = tpu.memref_slice %arg2[%add3A_182] : memref<4194304xf32, #tpu.memory_space<hbm>> -> memref<16384xf32, #tpu.memory_space<hbm>>
    tpu.wait_dma2 semaphore(%dma_wait3A_191 : memref<!tpu.dma_semaphore, #tpu.memory_space<semaphore_mem>>) src(%dma_wait3A_195 : memref<16384xf32, #tpu.memory_space<hbm>>) dst(%dma_wait3A_194 : memref<16384xf32, #tpu.memory_space<vmem>>)
    %dma_wait3A_196 = arith.constant 1 : i32
    %dma_wait3A_197 = arith.constant 1 : i32
    %dma_wait3A_198 = arith.constant 1 : i32
    %dma_wait3A_199 = arith.constant 0 : i32
    %dma_wait3A_200 = tpu.memref_slice %arg6[%dma_wait3A_196, %dma_wait3A_199] : memref<2x16384xf32, #tpu.memory_space<vmem>> -> memref<1x16384xf32, #tpu.memory_space<vmem>>
    %dma_wait3A_201 = tpu.memref_squeeze %dma_wait3A_200 : memref<1x16384xf32, #tpu.memory_space<vmem>> -> memref<16384xf32, #tpu.memory_space<vmem>>
    %dma_wait3A_202 = tpu.memref_slice %arg3[%add3A_182] : memref<8388608xf32, #tpu.memory_space<hbm>> -> memref<16384xf32, #tpu.memory_space<hbm>>
    %dma_wait3A_203 = tpu.memref_slice %arg9[%dma_wait3A_197, %dma_wait3A_198] : memref<2x3x!tpu.dma_semaphore, #tpu.memory_space<semaphore_mem>> -> memref<1x1x!tpu.dma_semaphore, #tpu.memory_space<semaphore_mem>>
    %dma_wait3A_204 = tpu.memref_squeeze %dma_wait3A_203 : memref<1x1x!tpu.dma_semaphore, #tpu.memory_space<semaphore_mem>> -> memref<!tpu.dma_semaphore, #tpu.memory_space<semaphore_mem>>
    %dma_wait3A_205 = arith.constant 0 : i32
    %dma_wait3A_206 = tpu.memref_slice %arg6[%dma_wait3A_196, %dma_wait3A_205] : memref<2x16384xf32, #tpu.memory_space<vmem>> -> memref<1x16384xf32, #tpu.memory_space<vmem>>
    %dma_wait3A_207 = tpu.memref_squeeze %dma_wait3A_206 : memref<1x16384xf32, #tpu.memory_space<vmem>> -> memref<16384xf32, #tpu.memory_space<vmem>>
    %dma_wait3A_208 = tpu.memref_slice %arg3[%add3A_182] : memref<8388608xf32, #tpu.memory_space<hbm>> -> memref<16384xf32, #tpu.memory_space<hbm>>
    tpu.wait_dma2 semaphore(%dma_wait3A_204 : memref<!tpu.dma_semaphore, #tpu.memory_space<semaphore_mem>>) src(%dma_wait3A_208 : memref<16384xf32, #tpu.memory_space<hbm>>) dst(%dma_wait3A_207 : memref<16384xf32, #tpu.memory_space<vmem>>)
    %add3A_209 = arith.constant 4194304 : i32
    %add3A_210 = arith.addi %add3A_209, %add3A_182 : i32
    %dma_wait3A_211 = arith.constant 1 : i32
    %dma_wait3A_212 = arith.constant 1 : i32
    %dma_wait3A_213 = arith.constant 2 : i32
    %dma_wait3A_214 = arith.constant 0 : i32
    %dma_wait3A_215 = tpu.memref_slice %arg7[%dma_wait3A_211, %dma_wait3A_214] : memref<2x16384xf32, #tpu.memory_space<vmem>> -> memref<1x16384xf32, #tpu.memory_space<vmem>>
    %dma_wait3A_216 = tpu.memref_squeeze %dma_wait3A_215 : memref<1x16384xf32, #tpu.memory_space<vmem>> -> memref<16384xf32, #tpu.memory_space<vmem>>
    %dma_wait3A_217 = tpu.memref_slice %arg3[%add3A_210] : memref<8388608xf32, #tpu.memory_space<hbm>> -> memref<16384xf32, #tpu.memory_space<hbm>>
    %dma_wait3A_218 = tpu.memref_slice %arg9[%dma_wait3A_212, %dma_wait3A_213] : memref<2x3x!tpu.dma_semaphore, #tpu.memory_space<semaphore_mem>> -> memref<1x1x!tpu.dma_semaphore, #tpu.memory_space<semaphore_mem>>
    %dma_wait3A_219 = tpu.memref_squeeze %dma_wait3A_218 : memref<1x1x!tpu.dma_semaphore, #tpu.memory_space<semaphore_mem>> -> memref<!tpu.dma_semaphore, #tpu.memory_space<semaphore_mem>>
    %dma_wait3A_220 = arith.constant 0 : i32
    %dma_wait3A_221 = tpu.memref_slice %arg7[%dma_wait3A_211, %dma_wait3A_220] : memref<2x16384xf32, #tpu.memory_space<vmem>> -> memref<1x16384xf32, #tpu.memory_space<vmem>>
    %dma_wait3A_222 = tpu.memref_squeeze %dma_wait3A_221 : memref<1x16384xf32, #tpu.memory_space<vmem>> -> memref<16384xf32, #tpu.memory_space<vmem>>
    %dma_wait3A_223 = tpu.memref_slice %arg3[%add3A_210] : memref<8388608xf32, #tpu.memory_space<hbm>> -> memref<16384xf32, #tpu.memory_space<hbm>>
    tpu.wait_dma2 semaphore(%dma_wait3A_219 : memref<!tpu.dma_semaphore, #tpu.memory_space<semaphore_mem>>) src(%dma_wait3A_223 : memref<16384xf32, #tpu.memory_space<hbm>>) dst(%dma_wait3A_222 : memref<16384xf32, #tpu.memory_space<vmem>>)
    %scan3A_224 = arith.constant 0 : i32
    %scan3A_225 = arith.constant 1024 : i32
    %scan3A_226 = arith.addi %scan3A_224, %scan3A_225 : i32
    %scan3A_227 = arith.constant 8 : i32
    %scan3A_228:2 = scf.for %scan3A_750 = %scan3A_224 to %scan3A_226 step %scan3A_227 iter_args(%scan3A_751 = %scan3A_136#0, %scan3A_752 = %scan3A_136#1) -> (vector<16xf32>, vector<16xf32>)  : i32 {
      %mul3A_753 = arith.constant 16 : i32
      %mul3A_754 = arith.muli %scan3A_750, %mul3A_753 : i32
      %get3A = arith.constant 1 : i32
      %get3A_755 = arith.index_cast %get3A : i32 to index
      %get3A_756 = arith.index_cast %mul3A_754 : i32 to index
      %get3A_757 = tpu.vector_load %arg5[%get3A_755, %get3A_756] {strides = array<i32>} : memref<2x16384xf32, #tpu.memory_space<vmem>>, vector<1x16xf32>,
      %get3A_758 = vector.shape_cast %get3A_757 : vector<1x16xf32> to vector<16xf32>
      %mul3A_759 = arith.constant 16 : i32
      %mul3A_760 = arith.muli %scan3A_750, %mul3A_759 : i32
      %get3A_761 = arith.constant 1 : i32
      %get3A_762 = arith.index_cast %get3A_761 : i32 to index
      %get3A_763 = arith.index_cast %mul3A_760 : i32 to index
      %get3A_764 = tpu.vector_load %arg6[%get3A_762, %get3A_763] {strides = array<i32>} : memref<2x16384xf32, #tpu.memory_space<vmem>>, vector<1x16xf32>,
      %get3A_765 = vector.shape_cast %get3A_764 : vector<1x16xf32> to vector<16xf32>
      %mul3A_766 = arith.constant 16 : i32
      %mul3A_767 = arith.muli %scan3A_750, %mul3A_766 : i32
      %get3A_768 = arith.constant 1 : i32
      %get3A_769 = arith.index_cast %get3A_768 : i32 to index
      %get3A_770 = arith.index_cast %mul3A_767 : i32 to index
      %get3A_771 = tpu.vector_load %arg7[%get3A_769, %get3A_770] {strides = array<i32>} : memref<2x16384xf32, #tpu.memory_space<vmem>>, vector<1x16xf32>,
      %get3A_772 = vector.shape_cast %get3A_771 : vector<1x16xf32> to vector<16xf32>
      %gt3A = arith.constant 0.000000e+00 : f32
      %gt3A_773 = vector.broadcast %gt3A : f32 to vector<16xf32>
      %gt3A_774 = arith.cmpf ogt, %get3A_772, %gt3A_773 : vector<16xf32>
      %sub3A = arith.subf %get3A_758, %get3A_765 : vector<16xf32>
      %abs3A = math.absf %sub3A : vector<16xf32>
      %jit3A = arith.constant 0.000000e+00 : f32
      %broadcast_in_dim3A_775 = vector.broadcast %jit3A : f32 to vector<16xf32>
      %select_n3A = arith.select %gt3A_774, %abs3A, %broadcast_in_dim3A_775 : vector<16xi1>, vector<16xf32>
      %add3A_776 = arith.addf %scan3A_751, %select_n3A : vector<16xf32>
      %jit3A_777 = arith.constant 1.000000e+00 : f32
      %jit3A_778 = arith.constant 0.000000e+00 : f32
      %broadcast_in_dim3A_779 = vector.broadcast %jit3A_777 : f32 to vector<16xf32>
      %broadcast_in_dim3A_780 = vector.broadcast %jit3A_778 : f32 to vector<16xf32>
      %select_n3A_781 = arith.select %gt3A_774, %broadcast_in_dim3A_779, %broadcast_in_dim3A_780 : vector<16xi1>, vector<16xf32>
      %add3A_782 = arith.addf %scan3A_752, %select_n3A_781 : vector<16xf32>
      %scan3A_783 = arith.constant 1 : i32
      %scan3A_784 = arith.addi %scan3A_750, %scan3A_783 : i32
      %mul3A_785 = arith.constant 16 : i32
      %mul3A_786 = arith.muli %scan3A_784, %mul3A_785 : i32
      %get3A_787 = arith.constant 1 : i32
      %get3A_788 = arith.index_cast %get3A_787 : i32 to index
      %get3A_789 = arith.index_cast %mul3A_786 : i32 to index
      %get3A_790 = tpu.vector_load %arg5[%get3A_788, %get3A_789] {strides = array<i32>} : memref<2x16384xf32, #tpu.memory_space<vmem>>, vector<1x16xf32>,
      %get3A_791 = vector.shape_cast %get3A_790 : vector<1x16xf32> to vector<16xf32>
      %mul3A_792 = arith.constant 16 : i32
      %mul3A_793 = arith.muli %scan3A_784, %mul3A_792 : i32
      %get3A_794 = arith.constant 1 : i32
      %get3A_795 = arith.index_cast %get3A_794 : i32 to index
      %get3A_796 = arith.index_cast %mul3A_793 : i32 to index
      %get3A_797 = tpu.vector_load %arg6[%get3A_795, %get3A_796] {strides = array<i32>} : memref<2x16384xf32, #tpu.memory_space<vmem>>, vector<1x16xf32>,
      %get3A_798 = vector.shape_cast %get3A_797 : vector<1x16xf32> to vector<16xf32>
      %mul3A_799 = arith.constant 16 : i32
      %mul3A_800 = arith.muli %scan3A_784, %mul3A_799 : i32
      %get3A_801 = arith.constant 1 : i32
      %get3A_802 = arith.index_cast %get3A_801 : i32 to index
      %get3A_803 = arith.index_cast %mul3A_800 : i32 to index
      %get3A_804 = tpu.vector_load %arg7[%get3A_802, %get3A_803] {strides = array<i32>} : memref<2x16384xf32, #tpu.memory_space<vmem>>, vector<1x16xf32>,
      %get3A_805 = vector.shape_cast %get3A_804 : vector<1x16xf32> to vector<16xf32>
      %gt3A_806 = arith.constant 0.000000e+00 : f32
      %gt3A_807 = vector.broadcast %gt3A_806 : f32 to vector<16xf32>
      %gt3A_808 = arith.cmpf ogt, %get3A_805, %gt3A_807 : vector<16xf32>
      %sub3A_809 = arith.subf %get3A_791, %get3A_798 : vector<16xf32>
      %abs3A_810 = math.absf %sub3A_809 : vector<16xf32>
      %jit3A_811 = arith.constant 0.000000e+00 : f32
      %broadcast_in_dim3A_812 = vector.broadcast %jit3A_811 : f32 to vector<16xf32>
      %select_n3A_813 = arith.select %gt3A_808, %abs3A_810, %broadcast_in_dim3A_812 : vector<16xi1>, vector<16xf32>
      %add3A_814 = arith.addf %add3A_776, %select_n3A_813 : vector<16xf32>
      %jit3A_815 = arith.constant 1.000000e+00 : f32
      %jit3A_816 = arith.constant 0.000000e+00 : f32
      %broadcast_in_dim3A_817 = vector.broadcast %jit3A_815 : f32 to vector<16xf32>
      %broadcast_in_dim3A_818 = vector.broadcast %jit3A_816 : f32 to vector<16xf32>
      %select_n3A_819 = arith.select %gt3A_808, %broadcast_in_dim3A_817, %broadcast_in_dim3A_818 : vector<16xi1>, vector<16xf32>
      %add3A_820 = arith.addf %add3A_782, %select_n3A_819 : vector<16xf32>
      %scan3A_821 = arith.constant 2 : i32
      %scan3A_822 = arith.addi %scan3A_750, %scan3A_821 : i32
      %mul3A_823 = arith.constant 16 : i32
      %mul3A_824 = arith.muli %scan3A_822, %mul3A_823 : i32
      %get3A_825 = arith.constant 1 : i32
      %get3A_826 = arith.index_cast %get3A_825 : i32 to index
      %get3A_827 = arith.index_cast %mul3A_824 : i32 to index
      %get3A_828 = tpu.vector_load %arg5[%get3A_826, %get3A_827] {strides = array<i32>} : memref<2x16384xf32, #tpu.memory_space<vmem>>, vector<1x16xf32>,
      %get3A_829 = vector.shape_cast %get3A_828 : vector<1x16xf32> to vector<16xf32>
      %mul3A_830 = arith.constant 16 : i32
      %mul3A_831 = arith.muli %scan3A_822, %mul3A_830 : i32
      %get3A_832 = arith.constant 1 : i32
      %get3A_833 = arith.index_cast %get3A_832 : i32 to index
      %get3A_834 = arith.index_cast %mul3A_831 : i32 to index
      %get3A_835 = tpu.vector_load %arg6[%get3A_833, %get3A_834] {strides = array<i32>} : memref<2x16384xf32, #tpu.memory_space<vmem>>, vector<1x16xf32>,
      %get3A_836 = vector.shape_cast %get3A_835 : vector<1x16xf32> to vector<16xf32>
      %mul3A_837 = arith.constant 16 : i32
      %mul3A_838 = arith.muli %scan3A_822, %mul3A_837 : i32
      %get3A_839 = arith.constant 1 : i32
      %get3A_840 = arith.index_cast %get3A_839 : i32 to index
      %get3A_841 = arith.index_cast %mul3A_838 : i32 to index
      %get3A_842 = tpu.vector_load %arg7[%get3A_840, %get3A_841] {strides = array<i32>} : memref<2x16384xf32, #tpu.memory_space<vmem>>, vector<1x16xf32>,
      %get3A_843 = vector.shape_cast %get3A_842 : vector<1x16xf32> to vector<16xf32>
      %gt3A_844 = arith.constant 0.000000e+00 : f32
      %gt3A_845 = vector.broadcast %gt3A_844 : f32 to vector<16xf32>
      %gt3A_846 = arith.cmpf ogt, %get3A_843, %gt3A_845 : vector<16xf32>
      %sub3A_847 = arith.subf %get3A_829, %get3A_836 : vector<16xf32>
      %abs3A_848 = math.absf %sub3A_847 : vector<16xf32>
      %jit3A_849 = arith.constant 0.000000e+00 : f32
      %broadcast_in_dim3A_850 = vector.broadcast %jit3A_849 : f32 to vector<16xf32>
      %select_n3A_851 = arith.select %gt3A_846, %abs3A_848, %broadcast_in_dim3A_850 : vector<16xi1>, vector<16xf32>
      %add3A_852 = arith.addf %add3A_814, %select_n3A_851 : vector<16xf32>
      %jit3A_853 = arith.constant 1.000000e+00 : f32
      %jit3A_854 = arith.constant 0.000000e+00 : f32
      %broadcast_in_dim3A_855 = vector.broadcast %jit3A_853 : f32 to vector<16xf32>
      %broadcast_in_dim3A_856 = vector.broadcast %jit3A_854 : f32 to vector<16xf32>
      %select_n3A_857 = arith.select %gt3A_846, %broadcast_in_dim3A_855, %broadcast_in_dim3A_856 : vector<16xi1>, vector<16xf32>
      %add3A_858 = arith.addf %add3A_820, %select_n3A_857 : vector<16xf32>
      %scan3A_859 = arith.constant 3 : i32
      %scan3A_860 = arith.addi %scan3A_750, %scan3A_859 : i32
      %mul3A_861 = arith.constant 16 : i32
      %mul3A_862 = arith.muli %scan3A_860, %mul3A_861 : i32
      %get3A_863 = arith.constant 1 : i32
      %get3A_864 = arith.index_cast %get3A_863 : i32 to index
      %get3A_865 = arith.index_cast %mul3A_862 : i32 to index
      %get3A_866 = tpu.vector_load %arg5[%get3A_864, %get3A_865] {strides = array<i32>} : memref<2x16384xf32, #tpu.memory_space<vmem>>, vector<1x16xf32>,
      %get3A_867 = vector.shape_cast %get3A_866 : vector<1x16xf32> to vector<16xf32>
      %mul3A_868 = arith.constant 16 : i32
      %mul3A_869 = arith.muli %scan3A_860, %mul3A_868 : i32
      %get3A_870 = arith.constant 1 : i32
      %get3A_871 = arith.index_cast %get3A_870 : i32 to index
      %get3A_872 = arith.index_cast %mul3A_869 : i32 to index
      %get3A_873 = tpu.vector_load %arg6[%get3A_871, %get3A_872] {strides = array<i32>} : memref<2x16384xf32, #tpu.memory_space<vmem>>, vector<1x16xf32>,
      %get3A_874 = vector.shape_cast %get3A_873 : vector<1x16xf32> to vector<16xf32>
      %mul3A_875 = arith.constant 16 : i32
      %mul3A_876 = arith.muli %scan3A_860, %mul3A_875 : i32
      %get3A_877 = arith.constant 1 : i32
      %get3A_878 = arith.index_cast %get3A_877 : i32 to index
      %get3A_879 = arith.index_cast %mul3A_876 : i32 to index
      %get3A_880 = tpu.vector_load %arg7[%get3A_878, %get3A_879] {strides = array<i32>} : memref<2x16384xf32, #tpu.memory_space<vmem>>, vector<1x16xf32>,
      %get3A_881 = vector.shape_cast %get3A_880 : vector<1x16xf32> to vector<16xf32>
      %gt3A_882 = arith.constant 0.000000e+00 : f32
      %gt3A_883 = vector.broadcast %gt3A_882 : f32 to vector<16xf32>
      %gt3A_884 = arith.cmpf ogt, %get3A_881, %gt3A_883 : vector<16xf32>
      %sub3A_885 = arith.subf %get3A_867, %get3A_874 : vector<16xf32>
      %abs3A_886 = math.absf %sub3A_885 : vector<16xf32>
      %jit3A_887 = arith.constant 0.000000e+00 : f32
      %broadcast_in_dim3A_888 = vector.broadcast %jit3A_887 : f32 to vector<16xf32>
      %select_n3A_889 = arith.select %gt3A_884, %abs3A_886, %broadcast_in_dim3A_888 : vector<16xi1>, vector<16xf32>
      %add3A_890 = arith.addf %add3A_852, %select_n3A_889 : vector<16xf32>
      %jit3A_891 = arith.constant 1.000000e+00 : f32
      %jit3A_892 = arith.constant 0.000000e+00 : f32
      %broadcast_in_dim3A_893 = vector.broadcast %jit3A_891 : f32 to vector<16xf32>
      %broadcast_in_dim3A_894 = vector.broadcast %jit3A_892 : f32 to vector<16xf32>
      %select_n3A_895 = arith.select %gt3A_884, %broadcast_in_dim3A_893, %broadcast_in_dim3A_894 : vector<16xi1>, vector<16xf32>
      %add3A_896 = arith.addf %add3A_858, %select_n3A_895 : vector<16xf32>
      %scan3A_897 = arith.constant 4 : i32
      %scan3A_898 = arith.addi %scan3A_750, %scan3A_897 : i32
      %mul3A_899 = arith.constant 16 : i32
      %mul3A_900 = arith.muli %scan3A_898, %mul3A_899 : i32
      %get3A_901 = arith.constant 1 : i32
      %get3A_902 = arith.index_cast %get3A_901 : i32 to index
      %get3A_903 = arith.index_cast %mul3A_900 : i32 to index
      %get3A_904 = tpu.vector_load %arg5[%get3A_902, %get3A_903] {strides = array<i32>} : memref<2x16384xf32, #tpu.memory_space<vmem>>, vector<1x16xf32>,
      %get3A_905 = vector.shape_cast %get3A_904 : vector<1x16xf32> to vector<16xf32>
      %mul3A_906 = arith.constant 16 : i32
      %mul3A_907 = arith.muli %scan3A_898, %mul3A_906 : i32
      %get3A_908 = arith.constant 1 : i32
      %get3A_909 = arith.index_cast %get3A_908 : i32 to index
      %get3A_910 = arith.index_cast %mul3A_907 : i32 to index
      %get3A_911 = tpu.vector_load %arg6[%get3A_909, %get3A_910] {strides = array<i32>} : memref<2x16384xf32, #tpu.memory_space<vmem>>, vector<1x16xf32>,
      %get3A_912 = vector.shape_cast %get3A_911 : vector<1x16xf32> to vector<16xf32>
      %mul3A_913 = arith.constant 16 : i32
      %mul3A_914 = arith.muli %scan3A_898, %mul3A_913 : i32
      %get3A_915 = arith.constant 1 : i32
      %get3A_916 = arith.index_cast %get3A_915 : i32 to index
      %get3A_917 = arith.index_cast %mul3A_914 : i32 to index
      %get3A_918 = tpu.vector_load %arg7[%get3A_916, %get3A_917] {strides = array<i32>} : memref<2x16384xf32, #tpu.memory_space<vmem>>, vector<1x16xf32>,
      %get3A_919 = vector.shape_cast %get3A_918 : vector<1x16xf32> to vector<16xf32>
      %gt3A_920 = arith.constant 0.000000e+00 : f32
      %gt3A_921 = vector.broadcast %gt3A_920 : f32 to vector<16xf32>
      %gt3A_922 = arith.cmpf ogt, %get3A_919, %gt3A_921 : vector<16xf32>
      %sub3A_923 = arith.subf %get3A_905, %get3A_912 : vector<16xf32>
      %abs3A_924 = math.absf %sub3A_923 : vector<16xf32>
      %jit3A_925 = arith.constant 0.000000e+00 : f32
      %broadcast_in_dim3A_926 = vector.broadcast %jit3A_925 : f32 to vector<16xf32>
      %select_n3A_927 = arith.select %gt3A_922, %abs3A_924, %broadcast_in_dim3A_926 : vector<16xi1>, vector<16xf32>
      %add3A_928 = arith.addf %add3A_890, %select_n3A_927 : vector<16xf32>
      %jit3A_929 = arith.constant 1.000000e+00 : f32
      %jit3A_930 = arith.constant 0.000000e+00 : f32
      %broadcast_in_dim3A_931 = vector.broadcast %jit3A_929 : f32 to vector<16xf32>
      %broadcast_in_dim3A_932 = vector.broadcast %jit3A_930 : f32 to vector<16xf32>
      %select_n3A_933 = arith.select %gt3A_922, %broadcast_in_dim3A_931, %broadcast_in_dim3A_932 : vector<16xi1>, vector<16xf32>
      %add3A_934 = arith.addf %add3A_896, %select_n3A_933 : vector<16xf32>
      %scan3A_935 = arith.constant 5 : i32
      %scan3A_936 = arith.addi %scan3A_750, %scan3A_935 : i32
      %mul3A_937 = arith.constant 16 : i32
      %mul3A_938 = arith.muli %scan3A_936, %mul3A_937 : i32
      %get3A_939 = arith.constant 1 : i32
      %get3A_940 = arith.index_cast %get3A_939 : i32 to index
      %get3A_941 = arith.index_cast %mul3A_938 : i32 to index
      %get3A_942 = tpu.vector_load %arg5[%get3A_940, %get3A_941] {strides = array<i32>} : memref<2x16384xf32, #tpu.memory_space<vmem>>, vector<1x16xf32>,
      %get3A_943 = vector.shape_cast %get3A_942 : vector<1x16xf32> to vector<16xf32>
      %mul3A_944 = arith.constant 16 : i32
      %mul3A_945 = arith.muli %scan3A_936, %mul3A_944 : i32
      %get3A_946 = arith.constant 1 : i32
      %get3A_947 = arith.index_cast %get3A_946 : i32 to index
      %get3A_948 = arith.index_cast %mul3A_945 : i32 to index
      %get3A_949 = tpu.vector_load %arg6[%get3A_947, %get3A_948] {strides = array<i32>} : memref<2x16384xf32, #tpu.memory_space<vmem>>, vector<1x16xf32>,
      %get3A_950 = vector.shape_cast %get3A_949 : vector<1x16xf32> to vector<16xf32>
      %mul3A_951 = arith.constant 16 : i32
      %mul3A_952 = arith.muli %scan3A_936, %mul3A_951 : i32
      %get3A_953 = arith.constant 1 : i32
      %get3A_954 = arith.index_cast %get3A_953 : i32 to index
      %get3A_955 = arith.index_cast %mul3A_952 : i32 to index
      %get3A_956 = tpu.vector_load %arg7[%get3A_954, %get3A_955] {strides = array<i32>} : memref<2x16384xf32, #tpu.memory_space<vmem>>, vector<1x16xf32>,
      %get3A_957 = vector.shape_cast %get3A_956 : vector<1x16xf32> to vector<16xf32>
      %gt3A_958 = arith.constant 0.000000e+00 : f32
      %gt3A_959 = vector.broadcast %gt3A_958 : f32 to vector<16xf32>
      %gt3A_960 = arith.cmpf ogt, %get3A_957, %gt3A_959 : vector<16xf32>
      %sub3A_961 = arith.subf %get3A_943, %get3A_950 : vector<16xf32>
      %abs3A_962 = math.absf %sub3A_961 : vector<16xf32>
      %jit3A_963 = arith.constant 0.000000e+00 : f32
      %broadcast_in_dim3A_964 = vector.broadcast %jit3A_963 : f32 to vector<16xf32>
      %select_n3A_965 = arith.select %gt3A_960, %abs3A_962, %broadcast_in_dim3A_964 : vector<16xi1>, vector<16xf32>
      %add3A_966 = arith.addf %add3A_928, %select_n3A_965 : vector<16xf32>
      %jit3A_967 = arith.constant 1.000000e+00 : f32
      %jit3A_968 = arith.constant 0.000000e+00 : f32
      %broadcast_in_dim3A_969 = vector.broadcast %jit3A_967 : f32 to vector<16xf32>
      %broadcast_in_dim3A_970 = vector.broadcast %jit3A_968 : f32 to vector<16xf32>
      %select_n3A_971 = arith.select %gt3A_960, %broadcast_in_dim3A_969, %broadcast_in_dim3A_970 : vector<16xi1>, vector<16xf32>
      %add3A_972 = arith.addf %add3A_934, %select_n3A_971 : vector<16xf32>
      %scan3A_973 = arith.constant 6 : i32
      %scan3A_974 = arith.addi %scan3A_750, %scan3A_973 : i32
      %mul3A_975 = arith.constant 16 : i32
      %mul3A_976 = arith.muli %scan3A_974, %mul3A_975 : i32
      %get3A_977 = arith.constant 1 : i32
      %get3A_978 = arith.index_cast %get3A_977 : i32 to index
      %get3A_979 = arith.index_cast %mul3A_976 : i32 to index
      %get3A_980 = tpu.vector_load %arg5[%get3A_978, %get3A_979] {strides = array<i32>} : memref<2x16384xf32, #tpu.memory_space<vmem>>, vector<1x16xf32>,
      %get3A_981 = vector.shape_cast %get3A_980 : vector<1x16xf32> to vector<16xf32>
      %mul3A_982 = arith.constant 16 : i32
      %mul3A_983 = arith.muli %scan3A_974, %mul3A_982 : i32
      %get3A_984 = arith.constant 1 : i32
      %get3A_985 = arith.index_cast %get3A_984 : i32 to index
      %get3A_986 = arith.index_cast %mul3A_983 : i32 to index
      %get3A_987 = tpu.vector_load %arg6[%get3A_985, %get3A_986] {strides = array<i32>} : memref<2x16384xf32, #tpu.memory_space<vmem>>, vector<1x16xf32>,
      %get3A_988 = vector.shape_cast %get3A_987 : vector<1x16xf32> to vector<16xf32>
      %mul3A_989 = arith.constant 16 : i32
      %mul3A_990 = arith.muli %scan3A_974, %mul3A_989 : i32
      %get3A_991 = arith.constant 1 : i32
      %get3A_992 = arith.index_cast %get3A_991 : i32 to index
      %get3A_993 = arith.index_cast %mul3A_990 : i32 to index
      %get3A_994 = tpu.vector_load %arg7[%get3A_992, %get3A_993] {strides = array<i32>} : memref<2x16384xf32, #tpu.memory_space<vmem>>, vector<1x16xf32>,
      %get3A_995 = vector.shape_cast %get3A_994 : vector<1x16xf32> to vector<16xf32>
      %gt3A_996 = arith.constant 0.000000e+00 : f32
      %gt3A_997 = vector.broadcast %gt3A_996 : f32 to vector<16xf32>
      %gt3A_998 = arith.cmpf ogt, %get3A_995, %gt3A_997 : vector<16xf32>
      %sub3A_999 = arith.subf %get3A_981, %get3A_988 : vector<16xf32>
      %abs3A_1000 = math.absf %sub3A_999 : vector<16xf32>
      %jit3A_1001 = arith.constant 0.000000e+00 : f32
      %broadcast_in_dim3A_1002 = vector.broadcast %jit3A_1001 : f32 to vector<16xf32>
      %select_n3A_1003 = arith.select %gt3A_998, %abs3A_1000, %broadcast_in_dim3A_1002 : vector<16xi1>, vector<16xf32>
      %add3A_1004 = arith.addf %add3A_966, %select_n3A_1003 : vector<16xf32>
      %jit3A_1005 = arith.constant 1.000000e+00 : f32
      %jit3A_1006 = arith.constant 0.000000e+00 : f32
      %broadcast_in_dim3A_1007 = vector.broadcast %jit3A_1005 : f32 to vector<16xf32>
      %broadcast_in_dim3A_1008 = vector.broadcast %jit3A_1006 : f32 to vector<16xf32>
      %select_n3A_1009 = arith.select %gt3A_998, %broadcast_in_dim3A_1007, %broadcast_in_dim3A_1008 : vector<16xi1>, vector<16xf32>
      %add3A_1010 = arith.addf %add3A_972, %select_n3A_1009 : vector<16xf32>
      %scan3A_1011 = arith.constant 7 : i32
      %scan3A_1012 = arith.addi %scan3A_750, %scan3A_1011 : i32
      %mul3A_1013 = arith.constant 16 : i32
      %mul3A_1014 = arith.muli %scan3A_1012, %mul3A_1013 : i32
      %get3A_1015 = arith.constant 1 : i32
      %get3A_1016 = arith.index_cast %get3A_1015 : i32 to index
      %get3A_1017 = arith.index_cast %mul3A_1014 : i32 to index
      %get3A_1018 = tpu.vector_load %arg5[%get3A_1016, %get3A_1017] {strides = array<i32>} : memref<2x16384xf32, #tpu.memory_space<vmem>>, vector<1x16xf32>,
      %get3A_1019 = vector.shape_cast %get3A_1018 : vector<1x16xf32> to vector<16xf32>
      %mul3A_1020 = arith.constant 16 : i32
      %mul3A_1021 = arith.muli %scan3A_1012, %mul3A_1020 : i32
      %get3A_1022 = arith.constant 1 : i32
      %get3A_1023 = arith.index_cast %get3A_1022 : i32 to index
      %get3A_1024 = arith.index_cast %mul3A_1021 : i32 to index
      %get3A_1025 = tpu.vector_load %arg6[%get3A_1023, %get3A_1024] {strides = array<i32>} : memref<2x16384xf32, #tpu.memory_space<vmem>>, vector<1x16xf32>,
      %get3A_1026 = vector.shape_cast %get3A_1025 : vector<1x16xf32> to vector<16xf32>
      %mul3A_1027 = arith.constant 16 : i32
      %mul3A_1028 = arith.muli %scan3A_1012, %mul3A_1027 : i32
      %get3A_1029 = arith.constant 1 : i32
      %get3A_1030 = arith.index_cast %get3A_1029 : i32 to index
      %get3A_1031 = arith.index_cast %mul3A_1028 : i32 to index
      %get3A_1032 = tpu.vector_load %arg7[%get3A_1030, %get3A_1031] {strides = array<i32>} : memref<2x16384xf32, #tpu.memory_space<vmem>>, vector<1x16xf32>,
      %get3A_1033 = vector.shape_cast %get3A_1032 : vector<1x16xf32> to vector<16xf32>
      %gt3A_1034 = arith.constant 0.000000e+00 : f32
      %gt3A_1035 = vector.broadcast %gt3A_1034 : f32 to vector<16xf32>
      %gt3A_1036 = arith.cmpf ogt, %get3A_1033, %gt3A_1035 : vector<16xf32>
      %sub3A_1037 = arith.subf %get3A_1019, %get3A_1026 : vector<16xf32>
      %abs3A_1038 = math.absf %sub3A_1037 : vector<16xf32>
      %jit3A_1039 = arith.constant 0.000000e+00 : f32
      %broadcast_in_dim3A_1040 = vector.broadcast %jit3A_1039 : f32 to vector<16xf32>
      %select_n3A_1041 = arith.select %gt3A_1036, %abs3A_1038, %broadcast_in_dim3A_1040 : vector<16xi1>, vector<16xf32>
      %add3A_1042 = arith.addf %add3A_1004, %select_n3A_1041 : vector<16xf32>
      %jit3A_1043 = arith.constant 1.000000e+00 : f32
      %jit3A_1044 = arith.constant 0.000000e+00 : f32
      %broadcast_in_dim3A_1045 = vector.broadcast %jit3A_1043 : f32 to vector<16xf32>
      %broadcast_in_dim3A_1046 = vector.broadcast %jit3A_1044 : f32 to vector<16xf32>
      %select_n3A_1047 = arith.select %gt3A_1036, %broadcast_in_dim3A_1045, %broadcast_in_dim3A_1046 : vector<16xi1>, vector<16xf32>
      %add3A_1048 = arith.addf %add3A_1010, %select_n3A_1047 : vector<16xf32>
      scf.yield %add3A_1042, %add3A_1048 : vector<16xf32>, vector<16xf32>
    }
    %scan3A_229 = arith.constant 1024 : i32
    %add3A_230 = arith.constant 49152 : i32
    %add3A_231 = arith.addi %add3A_4, %add3A_230 : i32
    %dma_start3A_232 = arith.constant 1 : i32
    %dma_start3A_233 = arith.constant 1 : i32
    %dma_start3A_234 = arith.constant 0 : i32
    %dma_start3A_235 = arith.constant 0 : i32
    %dma_start3A_236 = tpu.memref_slice %arg5[%dma_start3A_232, %dma_start3A_235] : memref<2x16384xf32, #tpu.memory_space<vmem>> -> memref<1x16384xf32, #tpu.memory_space<vmem>>
    %dma_start3A_237 = tpu.memref_squeeze %dma_start3A_236 : memref<1x16384xf32, #tpu.memory_space<vmem>> -> memref<16384xf32, #tpu.memory_space<vmem>>
    %dma_start3A_238 = tpu.memref_slice %arg2[%add3A_231] : memref<4194304xf32, #tpu.memory_space<hbm>> -> memref<16384xf32, #tpu.memory_space<hbm>>
    %dma_start3A_239 = tpu.memref_slice %arg9[%dma_start3A_233, %dma_start3A_234] : memref<2x3x!tpu.dma_semaphore, #tpu.memory_space<semaphore_mem>> -> memref<1x1x!tpu.dma_semaphore, #tpu.memory_space<semaphore_mem>>
    %dma_start3A_240 = tpu.memref_squeeze %dma_start3A_239 : memref<1x1x!tpu.dma_semaphore, #tpu.memory_space<semaphore_mem>> -> memref<!tpu.dma_semaphore, #tpu.memory_space<semaphore_mem>>
    %dma_start3A_241 = arith.constant 0 : i32
    %dma_start3A_242 = tpu.memref_slice %arg5[%dma_start3A_232, %dma_start3A_241] : memref<2x16384xf32, #tpu.memory_space<vmem>> -> memref<1x16384xf32, #tpu.memory_space<vmem>>
    %dma_start3A_243 = tpu.memref_squeeze %dma_start3A_242 : memref<1x16384xf32, #tpu.memory_space<vmem>> -> memref<16384xf32, #tpu.memory_space<vmem>>
    %dma_start3A_244 = tpu.memref_slice %arg2[%add3A_231] : memref<4194304xf32, #tpu.memory_space<hbm>> -> memref<16384xf32, #tpu.memory_space<hbm>>
    tpu.enqueue_dma source(%dma_start3A_244 : memref<16384xf32, #tpu.memory_space<hbm>>) target(%dma_start3A_243 : memref<16384xf32, #tpu.memory_space<vmem>>) target_semaphore(%dma_start3A_240 : memref<!tpu.dma_semaphore, #tpu.memory_space<semaphore_mem>>)
    %dma_start3A_245 = arith.constant 1 : i32
    %dma_start3A_246 = arith.constant 1 : i32
    %dma_start3A_247 = arith.constant 1 : i32
    %dma_start3A_248 = arith.constant 0 : i32
    %dma_start3A_249 = tpu.memref_slice %arg6[%dma_start3A_245, %dma_start3A_248] : memref<2x16384xf32, #tpu.memory_space<vmem>> -> memref<1x16384xf32, #tpu.memory_space<vmem>>
    %dma_start3A_250 = tpu.memref_squeeze %dma_start3A_249 : memref<1x16384xf32, #tpu.memory_space<vmem>> -> memref<16384xf32, #tpu.memory_space<vmem>>
    %dma_start3A_251 = tpu.memref_slice %arg3[%add3A_231] : memref<8388608xf32, #tpu.memory_space<hbm>> -> memref<16384xf32, #tpu.memory_space<hbm>>
    %dma_start3A_252 = tpu.memref_slice %arg9[%dma_start3A_246, %dma_start3A_247] : memref<2x3x!tpu.dma_semaphore, #tpu.memory_space<semaphore_mem>> -> memref<1x1x!tpu.dma_semaphore, #tpu.memory_space<semaphore_mem>>
    %dma_start3A_253 = tpu.memref_squeeze %dma_start3A_252 : memref<1x1x!tpu.dma_semaphore, #tpu.memory_space<semaphore_mem>> -> memref<!tpu.dma_semaphore, #tpu.memory_space<semaphore_mem>>
    %dma_start3A_254 = arith.constant 0 : i32
    %dma_start3A_255 = tpu.memref_slice %arg6[%dma_start3A_245, %dma_start3A_254] : memref<2x16384xf32, #tpu.memory_space<vmem>> -> memref<1x16384xf32, #tpu.memory_space<vmem>>
    %dma_start3A_256 = tpu.memref_squeeze %dma_start3A_255 : memref<1x16384xf32, #tpu.memory_space<vmem>> -> memref<16384xf32, #tpu.memory_space<vmem>>
    %dma_start3A_257 = tpu.memref_slice %arg3[%add3A_231] : memref<8388608xf32, #tpu.memory_space<hbm>> -> memref<16384xf32, #tpu.memory_space<hbm>>
    tpu.enqueue_dma source(%dma_start3A_257 : memref<16384xf32, #tpu.memory_space<hbm>>) target(%dma_start3A_256 : memref<16384xf32, #tpu.memory_space<vmem>>) target_semaphore(%dma_start3A_253 : memref<!tpu.dma_semaphore, #tpu.memory_space<semaphore_mem>>)
    %add3A_258 = arith.constant 4194304 : i32
    %add3A_259 = arith.addi %add3A_258, %add3A_231 : i32
    %dma_start3A_260 = arith.constant 1 : i32
    %dma_start3A_261 = arith.constant 1 : i32
    %dma_start3A_262 = arith.constant 2 : i32
    %dma_start3A_263 = arith.constant 0 : i32
    %dma_start3A_264 = tpu.memref_slice %arg7[%dma_start3A_260, %dma_start3A_263] : memref<2x16384xf32, #tpu.memory_space<vmem>> -> memref<1x16384xf32, #tpu.memory_space<vmem>>
    %dma_start3A_265 = tpu.memref_squeeze %dma_start3A_264 : memref<1x16384xf32, #tpu.memory_space<vmem>> -> memref<16384xf32, #tpu.memory_space<vmem>>
    %dma_start3A_266 = tpu.memref_slice %arg3[%add3A_259] : memref<8388608xf32, #tpu.memory_space<hbm>> -> memref<16384xf32, #tpu.memory_space<hbm>>
    %dma_start3A_267 = tpu.memref_slice %arg9[%dma_start3A_261, %dma_start3A_262] : memref<2x3x!tpu.dma_semaphore, #tpu.memory_space<semaphore_mem>> -> memref<1x1x!tpu.dma_semaphore, #tpu.memory_space<semaphore_mem>>
    %dma_start3A_268 = tpu.memref_squeeze %dma_start3A_267 : memref<1x1x!tpu.dma_semaphore, #tpu.memory_space<semaphore_mem>> -> memref<!tpu.dma_semaphore, #tpu.memory_space<semaphore_mem>>
    %dma_start3A_269 = arith.constant 0 : i32
    %dma_start3A_270 = tpu.memref_slice %arg7[%dma_start3A_260, %dma_start3A_269] : memref<2x16384xf32, #tpu.memory_space<vmem>> -> memref<1x16384xf32, #tpu.memory_space<vmem>>
    %dma_start3A_271 = tpu.memref_squeeze %dma_start3A_270 : memref<1x16384xf32, #tpu.memory_space<vmem>> -> memref<16384xf32, #tpu.memory_space<vmem>>
    %dma_start3A_272 = tpu.memref_slice %arg3[%add3A_259] : memref<8388608xf32, #tpu.memory_space<hbm>> -> memref<16384xf32, #tpu.memory_space<hbm>>
    tpu.enqueue_dma source(%dma_start3A_272 : memref<16384xf32, #tpu.memory_space<hbm>>) target(%dma_start3A_271 : memref<16384xf32, #tpu.memory_space<vmem>>) target_semaphore(%dma_start3A_268 : memref<!tpu.dma_semaphore, #tpu.memory_space<semaphore_mem>>)
    %add3A_273 = arith.constant 32768 : i32
    %add3A_274 = arith.addi %add3A_4, %add3A_273 : i32
    %dma_wait3A_275 = arith.constant 0 : i32
    %dma_wait3A_276 = arith.constant 0 : i32
    %dma_wait3A_277 = arith.constant 0 : i32
    %dma_wait3A_278 = arith.constant 0 : i32
    %dma_wait3A_279 = tpu.memref_slice %arg5[%dma_wait3A_275, %dma_wait3A_278] : memref<2x16384xf32, #tpu.memory_space<vmem>> -> memref<1x16384xf32, #tpu.memory_space<vmem>>
    %dma_wait3A_280 = tpu.memref_squeeze %dma_wait3A_279 : memref<1x16384xf32, #tpu.memory_space<vmem>> -> memref<16384xf32, #tpu.memory_space<vmem>>
    %dma_wait3A_281 = tpu.memref_slice %arg2[%add3A_274] : memref<4194304xf32, #tpu.memory_space<hbm>> -> memref<16384xf32, #tpu.memory_space<hbm>>
    %dma_wait3A_282 = tpu.memref_slice %arg9[%dma_wait3A_276, %dma_wait3A_277] : memref<2x3x!tpu.dma_semaphore, #tpu.memory_space<semaphore_mem>> -> memref<1x1x!tpu.dma_semaphore, #tpu.memory_space<semaphore_mem>>
    %dma_wait3A_283 = tpu.memref_squeeze %dma_wait3A_282 : memref<1x1x!tpu.dma_semaphore, #tpu.memory_space<semaphore_mem>> -> memref<!tpu.dma_semaphore, #tpu.memory_space<semaphore_mem>>
    %dma_wait3A_284 = arith.constant 0 : i32
    %dma_wait3A_285 = tpu.memref_slice %arg5[%dma_wait3A_275, %dma_wait3A_284] : memref<2x16384xf32, #tpu.memory_space<vmem>> -> memref<1x16384xf32, #tpu.memory_space<vmem>>
    %dma_wait3A_286 = tpu.memref_squeeze %dma_wait3A_285 : memref<1x16384xf32, #tpu.memory_space<vmem>> -> memref<16384xf32, #tpu.memory_space<vmem>>
    %dma_wait3A_287 = tpu.memref_slice %arg2[%add3A_274] : memref<4194304xf32, #tpu.memory_space<hbm>> -> memref<16384xf32, #tpu.memory_space<hbm>>
    tpu.wait_dma2 semaphore(%dma_wait3A_283 : memref<!tpu.dma_semaphore, #tpu.memory_space<semaphore_mem>>) src(%dma_wait3A_287 : memref<16384xf32, #tpu.memory_space<hbm>>) dst(%dma_wait3A_286 : memref<16384xf32, #tpu.memory_space<vmem>>)
    %dma_wait3A_288 = arith.constant 0 : i32
    %dma_wait3A_289 = arith.constant 0 : i32
    %dma_wait3A_290 = arith.constant 1 : i32
    %dma_wait3A_291 = arith.constant 0 : i32
    %dma_wait3A_292 = tpu.memref_slice %arg6[%dma_wait3A_288, %dma_wait3A_291] : memref<2x16384xf32, #tpu.memory_space<vmem>> -> memref<1x16384xf32, #tpu.memory_space<vmem>>
    %dma_wait3A_293 = tpu.memref_squeeze %dma_wait3A_292 : memref<1x16384xf32, #tpu.memory_space<vmem>> -> memref<16384xf32, #tpu.memory_space<vmem>>
    %dma_wait3A_294 = tpu.memref_slice %arg3[%add3A_274] : memref<8388608xf32, #tpu.memory_space<hbm>> -> memref<16384xf32, #tpu.memory_space<hbm>>
    %dma_wait3A_295 = tpu.memref_slice %arg9[%dma_wait3A_289, %dma_wait3A_290] : memref<2x3x!tpu.dma_semaphore, #tpu.memory_space<semaphore_mem>> -> memref<1x1x!tpu.dma_semaphore, #tpu.memory_space<semaphore_mem>>
    %dma_wait3A_296 = tpu.memref_squeeze %dma_wait3A_295 : memref<1x1x!tpu.dma_semaphore, #tpu.memory_space<semaphore_mem>> -> memref<!tpu.dma_semaphore, #tpu.memory_space<semaphore_mem>>
    %dma_wait3A_297 = arith.constant 0 : i32
    %dma_wait3A_298 = tpu.memref_slice %arg6[%dma_wait3A_288, %dma_wait3A_297] : memref<2x16384xf32, #tpu.memory_space<vmem>> -> memref<1x16384xf32, #tpu.memory_space<vmem>>
    %dma_wait3A_299 = tpu.memref_squeeze %dma_wait3A_298 : memref<1x16384xf32, #tpu.memory_space<vmem>> -> memref<16384xf32, #tpu.memory_space<vmem>>
    %dma_wait3A_300 = tpu.memref_slice %arg3[%add3A_274] : memref<8388608xf32, #tpu.memory_space<hbm>> -> memref<16384xf32, #tpu.memory_space<hbm>>
    tpu.wait_dma2 semaphore(%dma_wait3A_296 : memref<!tpu.dma_semaphore, #tpu.memory_space<semaphore_mem>>) src(%dma_wait3A_300 : memref<16384xf32, #tpu.memory_space<hbm>>) dst(%dma_wait3A_299 : memref<16384xf32, #tpu.memory_space<vmem>>)
    %add3A_301 = arith.constant 4194304 : i32
    %add3A_302 = arith.addi %add3A_301, %add3A_274 : i32
    %dma_wait3A_303 = arith.constant 0 : i32
    %dma_wait3A_304 = arith.constant 0 : i32
    %dma_wait3A_305 = arith.constant 2 : i32
    %dma_wait3A_306 = arith.constant 0 : i32
    %dma_wait3A_307 = tpu.memref_slice %arg7[%dma_wait3A_303, %dma_wait3A_306] : memref<2x16384xf32, #tpu.memory_space<vmem>> -> memref<1x16384xf32, #tpu.memory_space<vmem>>
    %dma_wait3A_308 = tpu.memref_squeeze %dma_wait3A_307 : memref<1x16384xf32, #tpu.memory_space<vmem>> -> memref<16384xf32, #tpu.memory_space<vmem>>
    %dma_wait3A_309 = tpu.memref_slice %arg3[%add3A_302] : memref<8388608xf32, #tpu.memory_space<hbm>> -> memref<16384xf32, #tpu.memory_space<hbm>>
    %dma_wait3A_310 = tpu.memref_slice %arg9[%dma_wait3A_304, %dma_wait3A_305] : memref<2x3x!tpu.dma_semaphore, #tpu.memory_space<semaphore_mem>> -> memref<1x1x!tpu.dma_semaphore, #tpu.memory_space<semaphore_mem>>
    %dma_wait3A_311 = tpu.memref_squeeze %dma_wait3A_310 : memref<1x1x!tpu.dma_semaphore, #tpu.memory_space<semaphore_mem>> -> memref<!tpu.dma_semaphore, #tpu.memory_space<semaphore_mem>>
    %dma_wait3A_312 = arith.constant 0 : i32
    %dma_wait3A_313 = tpu.memref_slice %arg7[%dma_wait3A_303, %dma_wait3A_312] : memref<2x16384xf32, #tpu.memory_space<vmem>> -> memref<1x16384xf32, #tpu.memory_space<vmem>>
    %dma_wait3A_314 = tpu.memref_squeeze %dma_wait3A_313 : memref<1x16384xf32, #tpu.memory_space<vmem>> -> memref<16384xf32, #tpu.memory_space<vmem>>
    %dma_wait3A_315 = tpu.memref_slice %arg3[%add3A_302] : memref<8388608xf32, #tpu.memory_space<hbm>> -> memref<16384xf32, #tpu.memory_space<hbm>>
    tpu.wait_dma2 semaphore(%dma_wait3A_311 : memref<!tpu.dma_semaphore, #tpu.memory_space<semaphore_mem>>) src(%dma_wait3A_315 : memref<16384xf32, #tpu.memory_space<hbm>>) dst(%dma_wait3A_314 : memref<16384xf32, #tpu.memory_space<vmem>>)
    %scan3A_316 = arith.constant 0 : i32
    %scan3A_317 = arith.constant 1024 : i32
    %scan3A_318 = arith.addi %scan3A_316, %scan3A_317 : i32
    %scan3A_319 = arith.constant 8 : i32
    %scan3A_320:2 = scf.for %scan3A_750 = %scan3A_316 to %scan3A_318 step %scan3A_319 iter_args(%scan3A_751 = %scan3A_228#0, %scan3A_752 = %scan3A_228#1) -> (vector<16xf32>, vector<16xf32>)  : i32 {
      %mul3A_753 = arith.constant 16 : i32
      %mul3A_754 = arith.muli %scan3A_750, %mul3A_753 : i32
      %get3A = arith.constant 0 : i32
      %get3A_755 = arith.index_cast %get3A : i32 to index
      %get3A_756 = arith.index_cast %mul3A_754 : i32 to index
      %get3A_757 = tpu.vector_load %arg5[%get3A_755, %get3A_756] {strides = array<i32>} : memref<2x16384xf32, #tpu.memory_space<vmem>>, vector<1x16xf32>,
      %get3A_758 = vector.shape_cast %get3A_757 : vector<1x16xf32> to vector<16xf32>
      %mul3A_759 = arith.constant 16 : i32
      %mul3A_760 = arith.muli %scan3A_750, %mul3A_759 : i32
      %get3A_761 = arith.constant 0 : i32
      %get3A_762 = arith.index_cast %get3A_761 : i32 to index
      %get3A_763 = arith.index_cast %mul3A_760 : i32 to index
      %get3A_764 = tpu.vector_load %arg6[%get3A_762, %get3A_763] {strides = array<i32>} : memref<2x16384xf32, #tpu.memory_space<vmem>>, vector<1x16xf32>,
      %get3A_765 = vector.shape_cast %get3A_764 : vector<1x16xf32> to vector<16xf32>
      %mul3A_766 = arith.constant 16 : i32
      %mul3A_767 = arith.muli %scan3A_750, %mul3A_766 : i32
      %get3A_768 = arith.constant 0 : i32
      %get3A_769 = arith.index_cast %get3A_768 : i32 to index
      %get3A_770 = arith.index_cast %mul3A_767 : i32 to index
      %get3A_771 = tpu.vector_load %arg7[%get3A_769, %get3A_770] {strides = array<i32>} : memref<2x16384xf32, #tpu.memory_space<vmem>>, vector<1x16xf32>,
      %get3A_772 = vector.shape_cast %get3A_771 : vector<1x16xf32> to vector<16xf32>
      %gt3A = arith.constant 0.000000e+00 : f32
      %gt3A_773 = vector.broadcast %gt3A : f32 to vector<16xf32>
      %gt3A_774 = arith.cmpf ogt, %get3A_772, %gt3A_773 : vector<16xf32>
      %sub3A = arith.subf %get3A_758, %get3A_765 : vector<16xf32>
      %abs3A = math.absf %sub3A : vector<16xf32>
      %jit3A = arith.constant 0.000000e+00 : f32
      %broadcast_in_dim3A_775 = vector.broadcast %jit3A : f32 to vector<16xf32>
      %select_n3A = arith.select %gt3A_774, %abs3A, %broadcast_in_dim3A_775 : vector<16xi1>, vector<16xf32>
      %add3A_776 = arith.addf %scan3A_751, %select_n3A : vector<16xf32>
      %jit3A_777 = arith.constant 1.000000e+00 : f32
      %jit3A_778 = arith.constant 0.000000e+00 : f32
      %broadcast_in_dim3A_779 = vector.broadcast %jit3A_777 : f32 to vector<16xf32>
      %broadcast_in_dim3A_780 = vector.broadcast %jit3A_778 : f32 to vector<16xf32>
      %select_n3A_781 = arith.select %gt3A_774, %broadcast_in_dim3A_779, %broadcast_in_dim3A_780 : vector<16xi1>, vector<16xf32>
      %add3A_782 = arith.addf %scan3A_752, %select_n3A_781 : vector<16xf32>
      %scan3A_783 = arith.constant 1 : i32
      %scan3A_784 = arith.addi %scan3A_750, %scan3A_783 : i32
      %mul3A_785 = arith.constant 16 : i32
      %mul3A_786 = arith.muli %scan3A_784, %mul3A_785 : i32
      %get3A_787 = arith.constant 0 : i32
      %get3A_788 = arith.index_cast %get3A_787 : i32 to index
      %get3A_789 = arith.index_cast %mul3A_786 : i32 to index
      %get3A_790 = tpu.vector_load %arg5[%get3A_788, %get3A_789] {strides = array<i32>} : memref<2x16384xf32, #tpu.memory_space<vmem>>, vector<1x16xf32>,
      %get3A_791 = vector.shape_cast %get3A_790 : vector<1x16xf32> to vector<16xf32>
      %mul3A_792 = arith.constant 16 : i32
      %mul3A_793 = arith.muli %scan3A_784, %mul3A_792 : i32
      %get3A_794 = arith.constant 0 : i32
      %get3A_795 = arith.index_cast %get3A_794 : i32 to index
      %get3A_796 = arith.index_cast %mul3A_793 : i32 to index
      %get3A_797 = tpu.vector_load %arg6[%get3A_795, %get3A_796] {strides = array<i32>} : memref<2x16384xf32, #tpu.memory_space<vmem>>, vector<1x16xf32>,
      %get3A_798 = vector.shape_cast %get3A_797 : vector<1x16xf32> to vector<16xf32>
      %mul3A_799 = arith.constant 16 : i32
      %mul3A_800 = arith.muli %scan3A_784, %mul3A_799 : i32
      %get3A_801 = arith.constant 0 : i32
      %get3A_802 = arith.index_cast %get3A_801 : i32 to index
      %get3A_803 = arith.index_cast %mul3A_800 : i32 to index
      %get3A_804 = tpu.vector_load %arg7[%get3A_802, %get3A_803] {strides = array<i32>} : memref<2x16384xf32, #tpu.memory_space<vmem>>, vector<1x16xf32>,
      %get3A_805 = vector.shape_cast %get3A_804 : vector<1x16xf32> to vector<16xf32>
      %gt3A_806 = arith.constant 0.000000e+00 : f32
      %gt3A_807 = vector.broadcast %gt3A_806 : f32 to vector<16xf32>
      %gt3A_808 = arith.cmpf ogt, %get3A_805, %gt3A_807 : vector<16xf32>
      %sub3A_809 = arith.subf %get3A_791, %get3A_798 : vector<16xf32>
      %abs3A_810 = math.absf %sub3A_809 : vector<16xf32>
      %jit3A_811 = arith.constant 0.000000e+00 : f32
      %broadcast_in_dim3A_812 = vector.broadcast %jit3A_811 : f32 to vector<16xf32>
      %select_n3A_813 = arith.select %gt3A_808, %abs3A_810, %broadcast_in_dim3A_812 : vector<16xi1>, vector<16xf32>
      %add3A_814 = arith.addf %add3A_776, %select_n3A_813 : vector<16xf32>
      %jit3A_815 = arith.constant 1.000000e+00 : f32
      %jit3A_816 = arith.constant 0.000000e+00 : f32
      %broadcast_in_dim3A_817 = vector.broadcast %jit3A_815 : f32 to vector<16xf32>
      %broadcast_in_dim3A_818 = vector.broadcast %jit3A_816 : f32 to vector<16xf32>
      %select_n3A_819 = arith.select %gt3A_808, %broadcast_in_dim3A_817, %broadcast_in_dim3A_818 : vector<16xi1>, vector<16xf32>
      %add3A_820 = arith.addf %add3A_782, %select_n3A_819 : vector<16xf32>
      %scan3A_821 = arith.constant 2 : i32
      %scan3A_822 = arith.addi %scan3A_750, %scan3A_821 : i32
      %mul3A_823 = arith.constant 16 : i32
      %mul3A_824 = arith.muli %scan3A_822, %mul3A_823 : i32
      %get3A_825 = arith.constant 0 : i32
      %get3A_826 = arith.index_cast %get3A_825 : i32 to index
      %get3A_827 = arith.index_cast %mul3A_824 : i32 to index
      %get3A_828 = tpu.vector_load %arg5[%get3A_826, %get3A_827] {strides = array<i32>} : memref<2x16384xf32, #tpu.memory_space<vmem>>, vector<1x16xf32>,
      %get3A_829 = vector.shape_cast %get3A_828 : vector<1x16xf32> to vector<16xf32>
      %mul3A_830 = arith.constant 16 : i32
      %mul3A_831 = arith.muli %scan3A_822, %mul3A_830 : i32
      %get3A_832 = arith.constant 0 : i32
      %get3A_833 = arith.index_cast %get3A_832 : i32 to index
      %get3A_834 = arith.index_cast %mul3A_831 : i32 to index
      %get3A_835 = tpu.vector_load %arg6[%get3A_833, %get3A_834] {strides = array<i32>} : memref<2x16384xf32, #tpu.memory_space<vmem>>, vector<1x16xf32>,
      %get3A_836 = vector.shape_cast %get3A_835 : vector<1x16xf32> to vector<16xf32>
      %mul3A_837 = arith.constant 16 : i32
      %mul3A_838 = arith.muli %scan3A_822, %mul3A_837 : i32
      %get3A_839 = arith.constant 0 : i32
      %get3A_840 = arith.index_cast %get3A_839 : i32 to index
      %get3A_841 = arith.index_cast %mul3A_838 : i32 to index
      %get3A_842 = tpu.vector_load %arg7[%get3A_840, %get3A_841] {strides = array<i32>} : memref<2x16384xf32, #tpu.memory_space<vmem>>, vector<1x16xf32>,
      %get3A_843 = vector.shape_cast %get3A_842 : vector<1x16xf32> to vector<16xf32>
      %gt3A_844 = arith.constant 0.000000e+00 : f32
      %gt3A_845 = vector.broadcast %gt3A_844 : f32 to vector<16xf32>
      %gt3A_846 = arith.cmpf ogt, %get3A_843, %gt3A_845 : vector<16xf32>
      %sub3A_847 = arith.subf %get3A_829, %get3A_836 : vector<16xf32>
      %abs3A_848 = math.absf %sub3A_847 : vector<16xf32>
      %jit3A_849 = arith.constant 0.000000e+00 : f32
      %broadcast_in_dim3A_850 = vector.broadcast %jit3A_849 : f32 to vector<16xf32>
      %select_n3A_851 = arith.select %gt3A_846, %abs3A_848, %broadcast_in_dim3A_850 : vector<16xi1>, vector<16xf32>
      %add3A_852 = arith.addf %add3A_814, %select_n3A_851 : vector<16xf32>
      %jit3A_853 = arith.constant 1.000000e+00 : f32
      %jit3A_854 = arith.constant 0.000000e+00 : f32
      %broadcast_in_dim3A_855 = vector.broadcast %jit3A_853 : f32 to vector<16xf32>
      %broadcast_in_dim3A_856 = vector.broadcast %jit3A_854 : f32 to vector<16xf32>
      %select_n3A_857 = arith.select %gt3A_846, %broadcast_in_dim3A_855, %broadcast_in_dim3A_856 : vector<16xi1>, vector<16xf32>
      %add3A_858 = arith.addf %add3A_820, %select_n3A_857 : vector<16xf32>
      %scan3A_859 = arith.constant 3 : i32
      %scan3A_860 = arith.addi %scan3A_750, %scan3A_859 : i32
      %mul3A_861 = arith.constant 16 : i32
      %mul3A_862 = arith.muli %scan3A_860, %mul3A_861 : i32
      %get3A_863 = arith.constant 0 : i32
      %get3A_864 = arith.index_cast %get3A_863 : i32 to index
      %get3A_865 = arith.index_cast %mul3A_862 : i32 to index
      %get3A_866 = tpu.vector_load %arg5[%get3A_864, %get3A_865] {strides = array<i32>} : memref<2x16384xf32, #tpu.memory_space<vmem>>, vector<1x16xf32>,
      %get3A_867 = vector.shape_cast %get3A_866 : vector<1x16xf32> to vector<16xf32>
      %mul3A_868 = arith.constant 16 : i32
      %mul3A_869 = arith.muli %scan3A_860, %mul3A_868 : i32
      %get3A_870 = arith.constant 0 : i32
      %get3A_871 = arith.index_cast %get3A_870 : i32 to index
      %get3A_872 = arith.index_cast %mul3A_869 : i32 to index
      %get3A_873 = tpu.vector_load %arg6[%get3A_871, %get3A_872] {strides = array<i32>} : memref<2x16384xf32, #tpu.memory_space<vmem>>, vector<1x16xf32>,
      %get3A_874 = vector.shape_cast %get3A_873 : vector<1x16xf32> to vector<16xf32>
      %mul3A_875 = arith.constant 16 : i32
      %mul3A_876 = arith.muli %scan3A_860, %mul3A_875 : i32
      %get3A_877 = arith.constant 0 : i32
      %get3A_878 = arith.index_cast %get3A_877 : i32 to index
      %get3A_879 = arith.index_cast %mul3A_876 : i32 to index
      %get3A_880 = tpu.vector_load %arg7[%get3A_878, %get3A_879] {strides = array<i32>} : memref<2x16384xf32, #tpu.memory_space<vmem>>, vector<1x16xf32>,
      %get3A_881 = vector.shape_cast %get3A_880 : vector<1x16xf32> to vector<16xf32>
      %gt3A_882 = arith.constant 0.000000e+00 : f32
      %gt3A_883 = vector.broadcast %gt3A_882 : f32 to vector<16xf32>
      %gt3A_884 = arith.cmpf ogt, %get3A_881, %gt3A_883 : vector<16xf32>
      %sub3A_885 = arith.subf %get3A_867, %get3A_874 : vector<16xf32>
      %abs3A_886 = math.absf %sub3A_885 : vector<16xf32>
      %jit3A_887 = arith.constant 0.000000e+00 : f32
      %broadcast_in_dim3A_888 = vector.broadcast %jit3A_887 : f32 to vector<16xf32>
      %select_n3A_889 = arith.select %gt3A_884, %abs3A_886, %broadcast_in_dim3A_888 : vector<16xi1>, vector<16xf32>
      %add3A_890 = arith.addf %add3A_852, %select_n3A_889 : vector<16xf32>
      %jit3A_891 = arith.constant 1.000000e+00 : f32
      %jit3A_892 = arith.constant 0.000000e+00 : f32
      %broadcast_in_dim3A_893 = vector.broadcast %jit3A_891 : f32 to vector<16xf32>
      %broadcast_in_dim3A_894 = vector.broadcast %jit3A_892 : f32 to vector<16xf32>
      %select_n3A_895 = arith.select %gt3A_884, %broadcast_in_dim3A_893, %broadcast_in_dim3A_894 : vector<16xi1>, vector<16xf32>
      %add3A_896 = arith.addf %add3A_858, %select_n3A_895 : vector<16xf32>
      %scan3A_897 = arith.constant 4 : i32
      %scan3A_898 = arith.addi %scan3A_750, %scan3A_897 : i32
      %mul3A_899 = arith.constant 16 : i32
      %mul3A_900 = arith.muli %scan3A_898, %mul3A_899 : i32
      %get3A_901 = arith.constant 0 : i32
      %get3A_902 = arith.index_cast %get3A_901 : i32 to index
      %get3A_903 = arith.index_cast %mul3A_900 : i32 to index
      %get3A_904 = tpu.vector_load %arg5[%get3A_902, %get3A_903] {strides = array<i32>} : memref<2x16384xf32, #tpu.memory_space<vmem>>, vector<1x16xf32>,
      %get3A_905 = vector.shape_cast %get3A_904 : vector<1x16xf32> to vector<16xf32>
      %mul3A_906 = arith.constant 16 : i32
      %mul3A_907 = arith.muli %scan3A_898, %mul3A_906 : i32
      %get3A_908 = arith.constant 0 : i32
      %get3A_909 = arith.index_cast %get3A_908 : i32 to index
      %get3A_910 = arith.index_cast %mul3A_907 : i32 to index
      %get3A_911 = tpu.vector_load %arg6[%get3A_909, %get3A_910] {strides = array<i32>} : memref<2x16384xf32, #tpu.memory_space<vmem>>, vector<1x16xf32>,
      %get3A_912 = vector.shape_cast %get3A_911 : vector<1x16xf32> to vector<16xf32>
      %mul3A_913 = arith.constant 16 : i32
      %mul3A_914 = arith.muli %scan3A_898, %mul3A_913 : i32
      %get3A_915 = arith.constant 0 : i32
      %get3A_916 = arith.index_cast %get3A_915 : i32 to index
      %get3A_917 = arith.index_cast %mul3A_914 : i32 to index
      %get3A_918 = tpu.vector_load %arg7[%get3A_916, %get3A_917] {strides = array<i32>} : memref<2x16384xf32, #tpu.memory_space<vmem>>, vector<1x16xf32>,
      %get3A_919 = vector.shape_cast %get3A_918 : vector<1x16xf32> to vector<16xf32>
      %gt3A_920 = arith.constant 0.000000e+00 : f32
      %gt3A_921 = vector.broadcast %gt3A_920 : f32 to vector<16xf32>
      %gt3A_922 = arith.cmpf ogt, %get3A_919, %gt3A_921 : vector<16xf32>
      %sub3A_923 = arith.subf %get3A_905, %get3A_912 : vector<16xf32>
      %abs3A_924 = math.absf %sub3A_923 : vector<16xf32>
      %jit3A_925 = arith.constant 0.000000e+00 : f32
      %broadcast_in_dim3A_926 = vector.broadcast %jit3A_925 : f32 to vector<16xf32>
      %select_n3A_927 = arith.select %gt3A_922, %abs3A_924, %broadcast_in_dim3A_926 : vector<16xi1>, vector<16xf32>
      %add3A_928 = arith.addf %add3A_890, %select_n3A_927 : vector<16xf32>
      %jit3A_929 = arith.constant 1.000000e+00 : f32
      %jit3A_930 = arith.constant 0.000000e+00 : f32
      %broadcast_in_dim3A_931 = vector.broadcast %jit3A_929 : f32 to vector<16xf32>
      %broadcast_in_dim3A_932 = vector.broadcast %jit3A_930 : f32 to vector<16xf32>
      %select_n3A_933 = arith.select %gt3A_922, %broadcast_in_dim3A_931, %broadcast_in_dim3A_932 : vector<16xi1>, vector<16xf32>
      %add3A_934 = arith.addf %add3A_896, %select_n3A_933 : vector<16xf32>
      %scan3A_935 = arith.constant 5 : i32
      %scan3A_936 = arith.addi %scan3A_750, %scan3A_935 : i32
      %mul3A_937 = arith.constant 16 : i32
      %mul3A_938 = arith.muli %scan3A_936, %mul3A_937 : i32
      %get3A_939 = arith.constant 0 : i32
      %get3A_940 = arith.index_cast %get3A_939 : i32 to index
      %get3A_941 = arith.index_cast %mul3A_938 : i32 to index
      %get3A_942 = tpu.vector_load %arg5[%get3A_940, %get3A_941] {strides = array<i32>} : memref<2x16384xf32, #tpu.memory_space<vmem>>, vector<1x16xf32>,
      %get3A_943 = vector.shape_cast %get3A_942 : vector<1x16xf32> to vector<16xf32>
      %mul3A_944 = arith.constant 16 : i32
      %mul3A_945 = arith.muli %scan3A_936, %mul3A_944 : i32
      %get3A_946 = arith.constant 0 : i32
      %get3A_947 = arith.index_cast %get3A_946 : i32 to index
      %get3A_948 = arith.index_cast %mul3A_945 : i32 to index
      %get3A_949 = tpu.vector_load %arg6[%get3A_947, %get3A_948] {strides = array<i32>} : memref<2x16384xf32, #tpu.memory_space<vmem>>, vector<1x16xf32>,
      %get3A_950 = vector.shape_cast %get3A_949 : vector<1x16xf32> to vector<16xf32>
      %mul3A_951 = arith.constant 16 : i32
      %mul3A_952 = arith.muli %scan3A_936, %mul3A_951 : i32
      %get3A_953 = arith.constant 0 : i32
      %get3A_954 = arith.index_cast %get3A_953 : i32 to index
      %get3A_955 = arith.index_cast %mul3A_952 : i32 to index
      %get3A_956 = tpu.vector_load %arg7[%get3A_954, %get3A_955] {strides = array<i32>} : memref<2x16384xf32, #tpu.memory_space<vmem>>, vector<1x16xf32>,
      %get3A_957 = vector.shape_cast %get3A_956 : vector<1x16xf32> to vector<16xf32>
      %gt3A_958 = arith.constant 0.000000e+00 : f32
      %gt3A_959 = vector.broadcast %gt3A_958 : f32 to vector<16xf32>
      %gt3A_960 = arith.cmpf ogt, %get3A_957, %gt3A_959 : vector<16xf32>
      %sub3A_961 = arith.subf %get3A_943, %get3A_950 : vector<16xf32>
      %abs3A_962 = math.absf %sub3A_961 : vector<16xf32>
      %jit3A_963 = arith.constant 0.000000e+00 : f32
      %broadcast_in_dim3A_964 = vector.broadcast %jit3A_963 : f32 to vector<16xf32>
      %select_n3A_965 = arith.select %gt3A_960, %abs3A_962, %broadcast_in_dim3A_964 : vector<16xi1>, vector<16xf32>
      %add3A_966 = arith.addf %add3A_928, %select_n3A_965 : vector<16xf32>
      %jit3A_967 = arith.constant 1.000000e+00 : f32
      %jit3A_968 = arith.constant 0.000000e+00 : f32
      %broadcast_in_dim3A_969 = vector.broadcast %jit3A_967 : f32 to vector<16xf32>
      %broadcast_in_dim3A_970 = vector.broadcast %jit3A_968 : f32 to vector<16xf32>
      %select_n3A_971 = arith.select %gt3A_960, %broadcast_in_dim3A_969, %broadcast_in_dim3A_970 : vector<16xi1>, vector<16xf32>
      %add3A_972 = arith.addf %add3A_934, %select_n3A_971 : vector<16xf32>
      %scan3A_973 = arith.constant 6 : i32
      %scan3A_974 = arith.addi %scan3A_750, %scan3A_973 : i32
      %mul3A_975 = arith.constant 16 : i32
      %mul3A_976 = arith.muli %scan3A_974, %mul3A_975 : i32
      %get3A_977 = arith.constant 0 : i32
      %get3A_978 = arith.index_cast %get3A_977 : i32 to index
      %get3A_979 = arith.index_cast %mul3A_976 : i32 to index
      %get3A_980 = tpu.vector_load %arg5[%get3A_978, %get3A_979] {strides = array<i32>} : memref<2x16384xf32, #tpu.memory_space<vmem>>, vector<1x16xf32>,
      %get3A_981 = vector.shape_cast %get3A_980 : vector<1x16xf32> to vector<16xf32>
      %mul3A_982 = arith.constant 16 : i32
      %mul3A_983 = arith.muli %scan3A_974, %mul3A_982 : i32
      %get3A_984 = arith.constant 0 : i32
      %get3A_985 = arith.index_cast %get3A_984 : i32 to index
      %get3A_986 = arith.index_cast %mul3A_983 : i32 to index
      %get3A_987 = tpu.vector_load %arg6[%get3A_985, %get3A_986] {strides = array<i32>} : memref<2x16384xf32, #tpu.memory_space<vmem>>, vector<1x16xf32>,
      %get3A_988 = vector.shape_cast %get3A_987 : vector<1x16xf32> to vector<16xf32>
      %mul3A_989 = arith.constant 16 : i32
      %mul3A_990 = arith.muli %scan3A_974, %mul3A_989 : i32
      %get3A_991 = arith.constant 0 : i32
      %get3A_992 = arith.index_cast %get3A_991 : i32 to index
      %get3A_993 = arith.index_cast %mul3A_990 : i32 to index
      %get3A_994 = tpu.vector_load %arg7[%get3A_992, %get3A_993] {strides = array<i32>} : memref<2x16384xf32, #tpu.memory_space<vmem>>, vector<1x16xf32>,
      %get3A_995 = vector.shape_cast %get3A_994 : vector<1x16xf32> to vector<16xf32>
      %gt3A_996 = arith.constant 0.000000e+00 : f32
      %gt3A_997 = vector.broadcast %gt3A_996 : f32 to vector<16xf32>
      %gt3A_998 = arith.cmpf ogt, %get3A_995, %gt3A_997 : vector<16xf32>
      %sub3A_999 = arith.subf %get3A_981, %get3A_988 : vector<16xf32>
      %abs3A_1000 = math.absf %sub3A_999 : vector<16xf32>
      %jit3A_1001 = arith.constant 0.000000e+00 : f32
      %broadcast_in_dim3A_1002 = vector.broadcast %jit3A_1001 : f32 to vector<16xf32>
      %select_n3A_1003 = arith.select %gt3A_998, %abs3A_1000, %broadcast_in_dim3A_1002 : vector<16xi1>, vector<16xf32>
      %add3A_1004 = arith.addf %add3A_966, %select_n3A_1003 : vector<16xf32>
      %jit3A_1005 = arith.constant 1.000000e+00 : f32
      %jit3A_1006 = arith.constant 0.000000e+00 : f32
      %broadcast_in_dim3A_1007 = vector.broadcast %jit3A_1005 : f32 to vector<16xf32>
      %broadcast_in_dim3A_1008 = vector.broadcast %jit3A_1006 : f32 to vector<16xf32>
      %select_n3A_1009 = arith.select %gt3A_998, %broadcast_in_dim3A_1007, %broadcast_in_dim3A_1008 : vector<16xi1>, vector<16xf32>
      %add3A_1010 = arith.addf %add3A_972, %select_n3A_1009 : vector<16xf32>
      %scan3A_1011 = arith.constant 7 : i32
      %scan3A_1012 = arith.addi %scan3A_750, %scan3A_1011 : i32
      %mul3A_1013 = arith.constant 16 : i32
      %mul3A_1014 = arith.muli %scan3A_1012, %mul3A_1013 : i32
      %get3A_1015 = arith.constant 0 : i32
      %get3A_1016 = arith.index_cast %get3A_1015 : i32 to index
      %get3A_1017 = arith.index_cast %mul3A_1014 : i32 to index
      %get3A_1018 = tpu.vector_load %arg5[%get3A_1016, %get3A_1017] {strides = array<i32>} : memref<2x16384xf32, #tpu.memory_space<vmem>>, vector<1x16xf32>,
      %get3A_1019 = vector.shape_cast %get3A_1018 : vector<1x16xf32> to vector<16xf32>
      %mul3A_1020 = arith.constant 16 : i32
      %mul3A_1021 = arith.muli %scan3A_1012, %mul3A_1020 : i32
      %get3A_1022 = arith.constant 0 : i32
      %get3A_1023 = arith.index_cast %get3A_1022 : i32 to index
      %get3A_1024 = arith.index_cast %mul3A_1021 : i32 to index
      %get3A_1025 = tpu.vector_load %arg6[%get3A_1023, %get3A_1024] {strides = array<i32>} : memref<2x16384xf32, #tpu.memory_space<vmem>>, vector<1x16xf32>,
      %get3A_1026 = vector.shape_cast %get3A_1025 : vector<1x16xf32> to vector<16xf32>
      %mul3A_1027 = arith.constant 16 : i32
      %mul3A_1028 = arith.muli %scan3A_1012, %mul3A_1027 : i32
      %get3A_1029 = arith.constant 0 : i32
      %get3A_1030 = arith.index_cast %get3A_1029 : i32 to index
      %get3A_1031 = arith.index_cast %mul3A_1028 : i32 to index
      %get3A_1032 = tpu.vector_load %arg7[%get3A_1030, %get3A_1031] {strides = array<i32>} : memref<2x16384xf32, #tpu.memory_space<vmem>>, vector<1x16xf32>,
      %get3A_1033 = vector.shape_cast %get3A_1032 : vector<1x16xf32> to vector<16xf32>
      %gt3A_1034 = arith.constant 0.000000e+00 : f32
      %gt3A_1035 = vector.broadcast %gt3A_1034 : f32 to vector<16xf32>
      %gt3A_1036 = arith.cmpf ogt, %get3A_1033, %gt3A_1035 : vector<16xf32>
      %sub3A_1037 = arith.subf %get3A_1019, %get3A_1026 : vector<16xf32>
      %abs3A_1038 = math.absf %sub3A_1037 : vector<16xf32>
      %jit3A_1039 = arith.constant 0.000000e+00 : f32
      %broadcast_in_dim3A_1040 = vector.broadcast %jit3A_1039 : f32 to vector<16xf32>
      %select_n3A_1041 = arith.select %gt3A_1036, %abs3A_1038, %broadcast_in_dim3A_1040 : vector<16xi1>, vector<16xf32>
      %add3A_1042 = arith.addf %add3A_1004, %select_n3A_1041 : vector<16xf32>
      %jit3A_1043 = arith.constant 1.000000e+00 : f32
      %jit3A_1044 = arith.constant 0.000000e+00 : f32
      %broadcast_in_dim3A_1045 = vector.broadcast %jit3A_1043 : f32 to vector<16xf32>
      %broadcast_in_dim3A_1046 = vector.broadcast %jit3A_1044 : f32 to vector<16xf32>
      %select_n3A_1047 = arith.select %gt3A_1036, %broadcast_in_dim3A_1045, %broadcast_in_dim3A_1046 : vector<16xi1>, vector<16xf32>
      %add3A_1048 = arith.addf %add3A_1010, %select_n3A_1047 : vector<16xf32>
      scf.yield %add3A_1042, %add3A_1048 : vector<16xf32>, vector<16xf32>
    }
    %scan3A_321 = arith.constant 1024 : i32
    %add3A_322 = arith.constant 65536 : i32
    %add3A_323 = arith.addi %add3A_4, %add3A_322 : i32
    %dma_start3A_324 = arith.constant 0 : i32
    %dma_start3A_325 = arith.constant 0 : i32
    %dma_start3A_326 = arith.constant 0 : i32
    %dma_start3A_327 = arith.constant 0 : i32
    %dma_start3A_328 = tpu.memref_slice %arg5[%dma_start3A_324, %dma_start3A_327] : memref<2x16384xf32, #tpu.memory_space<vmem>> -> memref<1x16384xf32, #tpu.memory_space<vmem>>
    %dma_start3A_329 = tpu.memref_squeeze %dma_start3A_328 : memref<1x16384xf32, #tpu.memory_space<vmem>> -> memref<16384xf32, #tpu.memory_space<vmem>>
    %dma_start3A_330 = tpu.memref_slice %arg2[%add3A_323] : memref<4194304xf32, #tpu.memory_space<hbm>> -> memref<16384xf32, #tpu.memory_space<hbm>>
    %dma_start3A_331 = tpu.memref_slice %arg9[%dma_start3A_325, %dma_start3A_326] : memref<2x3x!tpu.dma_semaphore, #tpu.memory_space<semaphore_mem>> -> memref<1x1x!tpu.dma_semaphore, #tpu.memory_space<semaphore_mem>>
    %dma_start3A_332 = tpu.memref_squeeze %dma_start3A_331 : memref<1x1x!tpu.dma_semaphore, #tpu.memory_space<semaphore_mem>> -> memref<!tpu.dma_semaphore, #tpu.memory_space<semaphore_mem>>
    %dma_start3A_333 = arith.constant 0 : i32
    %dma_start3A_334 = tpu.memref_slice %arg5[%dma_start3A_324, %dma_start3A_333] : memref<2x16384xf32, #tpu.memory_space<vmem>> -> memref<1x16384xf32, #tpu.memory_space<vmem>>
    %dma_start3A_335 = tpu.memref_squeeze %dma_start3A_334 : memref<1x16384xf32, #tpu.memory_space<vmem>> -> memref<16384xf32, #tpu.memory_space<vmem>>
    %dma_start3A_336 = tpu.memref_slice %arg2[%add3A_323] : memref<4194304xf32, #tpu.memory_space<hbm>> -> memref<16384xf32, #tpu.memory_space<hbm>>
    tpu.enqueue_dma source(%dma_start3A_336 : memref<16384xf32, #tpu.memory_space<hbm>>) target(%dma_start3A_335 : memref<16384xf32, #tpu.memory_space<vmem>>) target_semaphore(%dma_start3A_332 : memref<!tpu.dma_semaphore, #tpu.memory_space<semaphore_mem>>)
    %dma_start3A_337 = arith.constant 0 : i32
    %dma_start3A_338 = arith.constant 0 : i32
    %dma_start3A_339 = arith.constant 1 : i32
    %dma_start3A_340 = arith.constant 0 : i32
    %dma_start3A_341 = tpu.memref_slice %arg6[%dma_start3A_337, %dma_start3A_340] : memref<2x16384xf32, #tpu.memory_space<vmem>> -> memref<1x16384xf32, #tpu.memory_space<vmem>>
    %dma_start3A_342 = tpu.memref_squeeze %dma_start3A_341 : memref<1x16384xf32, #tpu.memory_space<vmem>> -> memref<16384xf32, #tpu.memory_space<vmem>>
    %dma_start3A_343 = tpu.memref_slice %arg3[%add3A_323] : memref<8388608xf32, #tpu.memory_space<hbm>> -> memref<16384xf32, #tpu.memory_space<hbm>>
    %dma_start3A_344 = tpu.memref_slice %arg9[%dma_start3A_338, %dma_start3A_339] : memref<2x3x!tpu.dma_semaphore, #tpu.memory_space<semaphore_mem>> -> memref<1x1x!tpu.dma_semaphore, #tpu.memory_space<semaphore_mem>>
    %dma_start3A_345 = tpu.memref_squeeze %dma_start3A_344 : memref<1x1x!tpu.dma_semaphore, #tpu.memory_space<semaphore_mem>> -> memref<!tpu.dma_semaphore, #tpu.memory_space<semaphore_mem>>
    %dma_start3A_346 = arith.constant 0 : i32
    %dma_start3A_347 = tpu.memref_slice %arg6[%dma_start3A_337, %dma_start3A_346] : memref<2x16384xf32, #tpu.memory_space<vmem>> -> memref<1x16384xf32, #tpu.memory_space<vmem>>
    %dma_start3A_348 = tpu.memref_squeeze %dma_start3A_347 : memref<1x16384xf32, #tpu.memory_space<vmem>> -> memref<16384xf32, #tpu.memory_space<vmem>>
    %dma_start3A_349 = tpu.memref_slice %arg3[%add3A_323] : memref<8388608xf32, #tpu.memory_space<hbm>> -> memref<16384xf32, #tpu.memory_space<hbm>>
    tpu.enqueue_dma source(%dma_start3A_349 : memref<16384xf32, #tpu.memory_space<hbm>>) target(%dma_start3A_348 : memref<16384xf32, #tpu.memory_space<vmem>>) target_semaphore(%dma_start3A_345 : memref<!tpu.dma_semaphore, #tpu.memory_space<semaphore_mem>>)
    %add3A_350 = arith.constant 4194304 : i32
    %add3A_351 = arith.addi %add3A_350, %add3A_323 : i32
    %dma_start3A_352 = arith.constant 0 : i32
    %dma_start3A_353 = arith.constant 0 : i32
    %dma_start3A_354 = arith.constant 2 : i32
    %dma_start3A_355 = arith.constant 0 : i32
    %dma_start3A_356 = tpu.memref_slice %arg7[%dma_start3A_352, %dma_start3A_355] : memref<2x16384xf32, #tpu.memory_space<vmem>> -> memref<1x16384xf32, #tpu.memory_space<vmem>>
    %dma_start3A_357 = tpu.memref_squeeze %dma_start3A_356 : memref<1x16384xf32, #tpu.memory_space<vmem>> -> memref<16384xf32, #tpu.memory_space<vmem>>
    %dma_start3A_358 = tpu.memref_slice %arg3[%add3A_351] : memref<8388608xf32, #tpu.memory_space<hbm>> -> memref<16384xf32, #tpu.memory_space<hbm>>
    %dma_start3A_359 = tpu.memref_slice %arg9[%dma_start3A_353, %dma_start3A_354] : memref<2x3x!tpu.dma_semaphore, #tpu.memory_space<semaphore_mem>> -> memref<1x1x!tpu.dma_semaphore, #tpu.memory_space<semaphore_mem>>
    %dma_start3A_360 = tpu.memref_squeeze %dma_start3A_359 : memref<1x1x!tpu.dma_semaphore, #tpu.memory_space<semaphore_mem>> -> memref<!tpu.dma_semaphore, #tpu.memory_space<semaphore_mem>>
    %dma_start3A_361 = arith.constant 0 : i32
    %dma_start3A_362 = tpu.memref_slice %arg7[%dma_start3A_352, %dma_start3A_361] : memref<2x16384xf32, #tpu.memory_space<vmem>> -> memref<1x16384xf32, #tpu.memory_space<vmem>>
    %dma_start3A_363 = tpu.memref_squeeze %dma_start3A_362 : memref<1x16384xf32, #tpu.memory_space<vmem>> -> memref<16384xf32, #tpu.memory_space<vmem>>
    %dma_start3A_364 = tpu.memref_slice %arg3[%add3A_351] : memref<8388608xf32, #tpu.memory_space<hbm>> -> memref<16384xf32, #tpu.memory_space<hbm>>
    tpu.enqueue_dma source(%dma_start3A_364 : memref<16384xf32, #tpu.memory_space<hbm>>) target(%dma_start3A_363 : memref<16384xf32, #tpu.memory_space<vmem>>) target_semaphore(%dma_start3A_360 : memref<!tpu.dma_semaphore, #tpu.memory_space<semaphore_mem>>)
    %add3A_365 = arith.constant 49152 : i32
    %add3A_366 = arith.addi %add3A_4, %add3A_365 : i32
    %dma_wait3A_367 = arith.constant 1 : i32
    %dma_wait3A_368 = arith.constant 1 : i32
    %dma_wait3A_369 = arith.constant 0 : i32
    %dma_wait3A_370 = arith.constant 0 : i32
    %dma_wait3A_371 = tpu.memref_slice %arg5[%dma_wait3A_367, %dma_wait3A_370] : memref<2x16384xf32, #tpu.memory_space<vmem>> -> memref<1x16384xf32, #tpu.memory_space<vmem>>
    %dma_wait3A_372 = tpu.memref_squeeze %dma_wait3A_371 : memref<1x16384xf32, #tpu.memory_space<vmem>> -> memref<16384xf32, #tpu.memory_space<vmem>>
    %dma_wait3A_373 = tpu.memref_slice %arg2[%add3A_366] : memref<4194304xf32, #tpu.memory_space<hbm>> -> memref<16384xf32, #tpu.memory_space<hbm>>
    %dma_wait3A_374 = tpu.memref_slice %arg9[%dma_wait3A_368, %dma_wait3A_369] : memref<2x3x!tpu.dma_semaphore, #tpu.memory_space<semaphore_mem>> -> memref<1x1x!tpu.dma_semaphore, #tpu.memory_space<semaphore_mem>>
    %dma_wait3A_375 = tpu.memref_squeeze %dma_wait3A_374 : memref<1x1x!tpu.dma_semaphore, #tpu.memory_space<semaphore_mem>> -> memref<!tpu.dma_semaphore, #tpu.memory_space<semaphore_mem>>
    %dma_wait3A_376 = arith.constant 0 : i32
    %dma_wait3A_377 = tpu.memref_slice %arg5[%dma_wait3A_367, %dma_wait3A_376] : memref<2x16384xf32, #tpu.memory_space<vmem>> -> memref<1x16384xf32, #tpu.memory_space<vmem>>
    %dma_wait3A_378 = tpu.memref_squeeze %dma_wait3A_377 : memref<1x16384xf32, #tpu.memory_space<vmem>> -> memref<16384xf32, #tpu.memory_space<vmem>>
    %dma_wait3A_379 = tpu.memref_slice %arg2[%add3A_366] : memref<4194304xf32, #tpu.memory_space<hbm>> -> memref<16384xf32, #tpu.memory_space<hbm>>
    tpu.wait_dma2 semaphore(%dma_wait3A_375 : memref<!tpu.dma_semaphore, #tpu.memory_space<semaphore_mem>>) src(%dma_wait3A_379 : memref<16384xf32, #tpu.memory_space<hbm>>) dst(%dma_wait3A_378 : memref<16384xf32, #tpu.memory_space<vmem>>)
    %dma_wait3A_380 = arith.constant 1 : i32
    %dma_wait3A_381 = arith.constant 1 : i32
    %dma_wait3A_382 = arith.constant 1 : i32
    %dma_wait3A_383 = arith.constant 0 : i32
    %dma_wait3A_384 = tpu.memref_slice %arg6[%dma_wait3A_380, %dma_wait3A_383] : memref<2x16384xf32, #tpu.memory_space<vmem>> -> memref<1x16384xf32, #tpu.memory_space<vmem>>
    %dma_wait3A_385 = tpu.memref_squeeze %dma_wait3A_384 : memref<1x16384xf32, #tpu.memory_space<vmem>> -> memref<16384xf32, #tpu.memory_space<vmem>>
    %dma_wait3A_386 = tpu.memref_slice %arg3[%add3A_366] : memref<8388608xf32, #tpu.memory_space<hbm>> -> memref<16384xf32, #tpu.memory_space<hbm>>
    %dma_wait3A_387 = tpu.memref_slice %arg9[%dma_wait3A_381, %dma_wait3A_382] : memref<2x3x!tpu.dma_semaphore, #tpu.memory_space<semaphore_mem>> -> memref<1x1x!tpu.dma_semaphore, #tpu.memory_space<semaphore_mem>>
    %dma_wait3A_388 = tpu.memref_squeeze %dma_wait3A_387 : memref<1x1x!tpu.dma_semaphore, #tpu.memory_space<semaphore_mem>> -> memref<!tpu.dma_semaphore, #tpu.memory_space<semaphore_mem>>
    %dma_wait3A_389 = arith.constant 0 : i32
    %dma_wait3A_390 = tpu.memref_slice %arg6[%dma_wait3A_380, %dma_wait3A_389] : memref<2x16384xf32, #tpu.memory_space<vmem>> -> memref<1x16384xf32, #tpu.memory_space<vmem>>
    %dma_wait3A_391 = tpu.memref_squeeze %dma_wait3A_390 : memref<1x16384xf32, #tpu.memory_space<vmem>> -> memref<16384xf32, #tpu.memory_space<vmem>>
    %dma_wait3A_392 = tpu.memref_slice %arg3[%add3A_366] : memref<8388608xf32, #tpu.memory_space<hbm>> -> memref<16384xf32, #tpu.memory_space<hbm>>
    tpu.wait_dma2 semaphore(%dma_wait3A_388 : memref<!tpu.dma_semaphore, #tpu.memory_space<semaphore_mem>>) src(%dma_wait3A_392 : memref<16384xf32, #tpu.memory_space<hbm>>) dst(%dma_wait3A_391 : memref<16384xf32, #tpu.memory_space<vmem>>)
    %add3A_393 = arith.constant 4194304 : i32
    %add3A_394 = arith.addi %add3A_393, %add3A_366 : i32
    %dma_wait3A_395 = arith.constant 1 : i32
    %dma_wait3A_396 = arith.constant 1 : i32
    %dma_wait3A_397 = arith.constant 2 : i32
    %dma_wait3A_398 = arith.constant 0 : i32
    %dma_wait3A_399 = tpu.memref_slice %arg7[%dma_wait3A_395, %dma_wait3A_398] : memref<2x16384xf32, #tpu.memory_space<vmem>> -> memref<1x16384xf32, #tpu.memory_space<vmem>>
    %dma_wait3A_400 = tpu.memref_squeeze %dma_wait3A_399 : memref<1x16384xf32, #tpu.memory_space<vmem>> -> memref<16384xf32, #tpu.memory_space<vmem>>
    %dma_wait3A_401 = tpu.memref_slice %arg3[%add3A_394] : memref<8388608xf32, #tpu.memory_space<hbm>> -> memref<16384xf32, #tpu.memory_space<hbm>>
    %dma_wait3A_402 = tpu.memref_slice %arg9[%dma_wait3A_396, %dma_wait3A_397] : memref<2x3x!tpu.dma_semaphore, #tpu.memory_space<semaphore_mem>> -> memref<1x1x!tpu.dma_semaphore, #tpu.memory_space<semaphore_mem>>
    %dma_wait3A_403 = tpu.memref_squeeze %dma_wait3A_402 : memref<1x1x!tpu.dma_semaphore, #tpu.memory_space<semaphore_mem>> -> memref<!tpu.dma_semaphore, #tpu.memory_space<semaphore_mem>>
    %dma_wait3A_404 = arith.constant 0 : i32
    %dma_wait3A_405 = tpu.memref_slice %arg7[%dma_wait3A_395, %dma_wait3A_404] : memref<2x16384xf32, #tpu.memory_space<vmem>> -> memref<1x16384xf32, #tpu.memory_space<vmem>>
    %dma_wait3A_406 = tpu.memref_squeeze %dma_wait3A_405 : memref<1x16384xf32, #tpu.memory_space<vmem>> -> memref<16384xf32, #tpu.memory_space<vmem>>
    %dma_wait3A_407 = tpu.memref_slice %arg3[%add3A_394] : memref<8388608xf32, #tpu.memory_space<hbm>> -> memref<16384xf32, #tpu.memory_space<hbm>>
    tpu.wait_dma2 semaphore(%dma_wait3A_403 : memref<!tpu.dma_semaphore, #tpu.memory_space<semaphore_mem>>) src(%dma_wait3A_407 : memref<16384xf32, #tpu.memory_space<hbm>>) dst(%dma_wait3A_406 : memref<16384xf32, #tpu.memory_space<vmem>>)
    %scan3A_408 = arith.constant 0 : i32
    %scan3A_409 = arith.constant 1024 : i32
    %scan3A_410 = arith.addi %scan3A_408, %scan3A_409 : i32
    %scan3A_411 = arith.constant 8 : i32
    %scan3A_412:2 = scf.for %scan3A_750 = %scan3A_408 to %scan3A_410 step %scan3A_411 iter_args(%scan3A_751 = %scan3A_320#0, %scan3A_752 = %scan3A_320#1) -> (vector<16xf32>, vector<16xf32>)  : i32 {
      %mul3A_753 = arith.constant 16 : i32
      %mul3A_754 = arith.muli %scan3A_750, %mul3A_753 : i32
      %get3A = arith.constant 1 : i32
      %get3A_755 = arith.index_cast %get3A : i32 to index
      %get3A_756 = arith.index_cast %mul3A_754 : i32 to index
      %get3A_757 = tpu.vector_load %arg5[%get3A_755, %get3A_756] {strides = array<i32>} : memref<2x16384xf32, #tpu.memory_space<vmem>>, vector<1x16xf32>,
      %get3A_758 = vector.shape_cast %get3A_757 : vector<1x16xf32> to vector<16xf32>
      %mul3A_759 = arith.constant 16 : i32
      %mul3A_760 = arith.muli %scan3A_750, %mul3A_759 : i32
      %get3A_761 = arith.constant 1 : i32
      %get3A_762 = arith.index_cast %get3A_761 : i32 to index
      %get3A_763 = arith.index_cast %mul3A_760 : i32 to index
      %get3A_764 = tpu.vector_load %arg6[%get3A_762, %get3A_763] {strides = array<i32>} : memref<2x16384xf32, #tpu.memory_space<vmem>>, vector<1x16xf32>,
      %get3A_765 = vector.shape_cast %get3A_764 : vector<1x16xf32> to vector<16xf32>
      %mul3A_766 = arith.constant 16 : i32
      %mul3A_767 = arith.muli %scan3A_750, %mul3A_766 : i32
      %get3A_768 = arith.constant 1 : i32
      %get3A_769 = arith.index_cast %get3A_768 : i32 to index
      %get3A_770 = arith.index_cast %mul3A_767 : i32 to index
      %get3A_771 = tpu.vector_load %arg7[%get3A_769, %get3A_770] {strides = array<i32>} : memref<2x16384xf32, #tpu.memory_space<vmem>>, vector<1x16xf32>,
      %get3A_772 = vector.shape_cast %get3A_771 : vector<1x16xf32> to vector<16xf32>
      %gt3A = arith.constant 0.000000e+00 : f32
      %gt3A_773 = vector.broadcast %gt3A : f32 to vector<16xf32>
      %gt3A_774 = arith.cmpf ogt, %get3A_772, %gt3A_773 : vector<16xf32>
      %sub3A = arith.subf %get3A_758, %get3A_765 : vector<16xf32>
      %abs3A = math.absf %sub3A : vector<16xf32>
      %jit3A = arith.constant 0.000000e+00 : f32
      %broadcast_in_dim3A_775 = vector.broadcast %jit3A : f32 to vector<16xf32>
      %select_n3A = arith.select %gt3A_774, %abs3A, %broadcast_in_dim3A_775 : vector<16xi1>, vector<16xf32>
      %add3A_776 = arith.addf %scan3A_751, %select_n3A : vector<16xf32>
      %jit3A_777 = arith.constant 1.000000e+00 : f32
      %jit3A_778 = arith.constant 0.000000e+00 : f32
      %broadcast_in_dim3A_779 = vector.broadcast %jit3A_777 : f32 to vector<16xf32>
      %broadcast_in_dim3A_780 = vector.broadcast %jit3A_778 : f32 to vector<16xf32>
      %select_n3A_781 = arith.select %gt3A_774, %broadcast_in_dim3A_779, %broadcast_in_dim3A_780 : vector<16xi1>, vector<16xf32>
      %add3A_782 = arith.addf %scan3A_752, %select_n3A_781 : vector<16xf32>
      %scan3A_783 = arith.constant 1 : i32
      %scan3A_784 = arith.addi %scan3A_750, %scan3A_783 : i32
      %mul3A_785 = arith.constant 16 : i32
      %mul3A_786 = arith.muli %scan3A_784, %mul3A_785 : i32
      %get3A_787 = arith.constant 1 : i32
      %get3A_788 = arith.index_cast %get3A_787 : i32 to index
      %get3A_789 = arith.index_cast %mul3A_786 : i32 to index
      %get3A_790 = tpu.vector_load %arg5[%get3A_788, %get3A_789] {strides = array<i32>} : memref<2x16384xf32, #tpu.memory_space<vmem>>, vector<1x16xf32>,
      %get3A_791 = vector.shape_cast %get3A_790 : vector<1x16xf32> to vector<16xf32>
      %mul3A_792 = arith.constant 16 : i32
      %mul3A_793 = arith.muli %scan3A_784, %mul3A_792 : i32
      %get3A_794 = arith.constant 1 : i32
      %get3A_795 = arith.index_cast %get3A_794 : i32 to index
      %get3A_796 = arith.index_cast %mul3A_793 : i32 to index
      %get3A_797 = tpu.vector_load %arg6[%get3A_795, %get3A_796] {strides = array<i32>} : memref<2x16384xf32, #tpu.memory_space<vmem>>, vector<1x16xf32>,
      %get3A_798 = vector.shape_cast %get3A_797 : vector<1x16xf32> to vector<16xf32>
      %mul3A_799 = arith.constant 16 : i32
      %mul3A_800 = arith.muli %scan3A_784, %mul3A_799 : i32
      %get3A_801 = arith.constant 1 : i32
      %get3A_802 = arith.index_cast %get3A_801 : i32 to index
      %get3A_803 = arith.index_cast %mul3A_800 : i32 to index
      %get3A_804 = tpu.vector_load %arg7[%get3A_802, %get3A_803] {strides = array<i32>} : memref<2x16384xf32, #tpu.memory_space<vmem>>, vector<1x16xf32>,
      %get3A_805 = vector.shape_cast %get3A_804 : vector<1x16xf32> to vector<16xf32>
      %gt3A_806 = arith.constant 0.000000e+00 : f32
      %gt3A_807 = vector.broadcast %gt3A_806 : f32 to vector<16xf32>
      %gt3A_808 = arith.cmpf ogt, %get3A_805, %gt3A_807 : vector<16xf32>
      %sub3A_809 = arith.subf %get3A_791, %get3A_798 : vector<16xf32>
      %abs3A_810 = math.absf %sub3A_809 : vector<16xf32>
      %jit3A_811 = arith.constant 0.000000e+00 : f32
      %broadcast_in_dim3A_812 = vector.broadcast %jit3A_811 : f32 to vector<16xf32>
      %select_n3A_813 = arith.select %gt3A_808, %abs3A_810, %broadcast_in_dim3A_812 : vector<16xi1>, vector<16xf32>
      %add3A_814 = arith.addf %add3A_776, %select_n3A_813 : vector<16xf32>
      %jit3A_815 = arith.constant 1.000000e+00 : f32
      %jit3A_816 = arith.constant 0.000000e+00 : f32
      %broadcast_in_dim3A_817 = vector.broadcast %jit3A_815 : f32 to vector<16xf32>
      %broadcast_in_dim3A_818 = vector.broadcast %jit3A_816 : f32 to vector<16xf32>
      %select_n3A_819 = arith.select %gt3A_808, %broadcast_in_dim3A_817, %broadcast_in_dim3A_818 : vector<16xi1>, vector<16xf32>
      %add3A_820 = arith.addf %add3A_782, %select_n3A_819 : vector<16xf32>
      %scan3A_821 = arith.constant 2 : i32
      %scan3A_822 = arith.addi %scan3A_750, %scan3A_821 : i32
      %mul3A_823 = arith.constant 16 : i32
      %mul3A_824 = arith.muli %scan3A_822, %mul3A_823 : i32
      %get3A_825 = arith.constant 1 : i32
      %get3A_826 = arith.index_cast %get3A_825 : i32 to index
      %get3A_827 = arith.index_cast %mul3A_824 : i32 to index
      %get3A_828 = tpu.vector_load %arg5[%get3A_826, %get3A_827] {strides = array<i32>} : memref<2x16384xf32, #tpu.memory_space<vmem>>, vector<1x16xf32>,
      %get3A_829 = vector.shape_cast %get3A_828 : vector<1x16xf32> to vector<16xf32>
      %mul3A_830 = arith.constant 16 : i32
      %mul3A_831 = arith.muli %scan3A_822, %mul3A_830 : i32
      %get3A_832 = arith.constant 1 : i32
      %get3A_833 = arith.index_cast %get3A_832 : i32 to index
      %get3A_834 = arith.index_cast %mul3A_831 : i32 to index
      %get3A_835 = tpu.vector_load %arg6[%get3A_833, %get3A_834] {strides = array<i32>} : memref<2x16384xf32, #tpu.memory_space<vmem>>, vector<1x16xf32>,
      %get3A_836 = vector.shape_cast %get3A_835 : vector<1x16xf32> to vector<16xf32>
      %mul3A_837 = arith.constant 16 : i32
      %mul3A_838 = arith.muli %scan3A_822, %mul3A_837 : i32
      %get3A_839 = arith.constant 1 : i32
      %get3A_840 = arith.index_cast %get3A_839 : i32 to index
      %get3A_841 = arith.index_cast %mul3A_838 : i32 to index
      %get3A_842 = tpu.vector_load %arg7[%get3A_840, %get3A_841] {strides = array<i32>} : memref<2x16384xf32, #tpu.memory_space<vmem>>, vector<1x16xf32>,
      %get3A_843 = vector.shape_cast %get3A_842 : vector<1x16xf32> to vector<16xf32>
      %gt3A_844 = arith.constant 0.000000e+00 : f32
      %gt3A_845 = vector.broadcast %gt3A_844 : f32 to vector<16xf32>
      %gt3A_846 = arith.cmpf ogt, %get3A_843, %gt3A_845 : vector<16xf32>
      %sub3A_847 = arith.subf %get3A_829, %get3A_836 : vector<16xf32>
      %abs3A_848 = math.absf %sub3A_847 : vector<16xf32>
      %jit3A_849 = arith.constant 0.000000e+00 : f32
      %broadcast_in_dim3A_850 = vector.broadcast %jit3A_849 : f32 to vector<16xf32>
      %select_n3A_851 = arith.select %gt3A_846, %abs3A_848, %broadcast_in_dim3A_850 : vector<16xi1>, vector<16xf32>
      %add3A_852 = arith.addf %add3A_814, %select_n3A_851 : vector<16xf32>
      %jit3A_853 = arith.constant 1.000000e+00 : f32
      %jit3A_854 = arith.constant 0.000000e+00 : f32
      %broadcast_in_dim3A_855 = vector.broadcast %jit3A_853 : f32 to vector<16xf32>
      %broadcast_in_dim3A_856 = vector.broadcast %jit3A_854 : f32 to vector<16xf32>
      %select_n3A_857 = arith.select %gt3A_846, %broadcast_in_dim3A_855, %broadcast_in_dim3A_856 : vector<16xi1>, vector<16xf32>
      %add3A_858 = arith.addf %add3A_820, %select_n3A_857 : vector<16xf32>
      %scan3A_859 = arith.constant 3 : i32
      %scan3A_860 = arith.addi %scan3A_750, %scan3A_859 : i32
      %mul3A_861 = arith.constant 16 : i32
      %mul3A_862 = arith.muli %scan3A_860, %mul3A_861 : i32
      %get3A_863 = arith.constant 1 : i32
      %get3A_864 = arith.index_cast %get3A_863 : i32 to index
      %get3A_865 = arith.index_cast %mul3A_862 : i32 to index
      %get3A_866 = tpu.vector_load %arg5[%get3A_864, %get3A_865] {strides = array<i32>} : memref<2x16384xf32, #tpu.memory_space<vmem>>, vector<1x16xf32>,
      %get3A_867 = vector.shape_cast %get3A_866 : vector<1x16xf32> to vector<16xf32>
      %mul3A_868 = arith.constant 16 : i32
      %mul3A_869 = arith.muli %scan3A_860, %mul3A_868 : i32
      %get3A_870 = arith.constant 1 : i32
      %get3A_871 = arith.index_cast %get3A_870 : i32 to index
      %get3A_872 = arith.index_cast %mul3A_869 : i32 to index
      %get3A_873 = tpu.vector_load %arg6[%get3A_871, %get3A_872] {strides = array<i32>} : memref<2x16384xf32, #tpu.memory_space<vmem>>, vector<1x16xf32>,
      %get3A_874 = vector.shape_cast %get3A_873 : vector<1x16xf32> to vector<16xf32>
      %mul3A_875 = arith.constant 16 : i32
      %mul3A_876 = arith.muli %scan3A_860, %mul3A_875 : i32
      %get3A_877 = arith.constant 1 : i32
      %get3A_878 = arith.index_cast %get3A_877 : i32 to index
      %get3A_879 = arith.index_cast %mul3A_876 : i32 to index
      %get3A_880 = tpu.vector_load %arg7[%get3A_878, %get3A_879] {strides = array<i32>} : memref<2x16384xf32, #tpu.memory_space<vmem>>, vector<1x16xf32>,
      %get3A_881 = vector.shape_cast %get3A_880 : vector<1x16xf32> to vector<16xf32>
      %gt3A_882 = arith.constant 0.000000e+00 : f32
      %gt3A_883 = vector.broadcast %gt3A_882 : f32 to vector<16xf32>
      %gt3A_884 = arith.cmpf ogt, %get3A_881, %gt3A_883 : vector<16xf32>
      %sub3A_885 = arith.subf %get3A_867, %get3A_874 : vector<16xf32>
      %abs3A_886 = math.absf %sub3A_885 : vector<16xf32>
      %jit3A_887 = arith.constant 0.000000e+00 : f32
      %broadcast_in_dim3A_888 = vector.broadcast %jit3A_887 : f32 to vector<16xf32>
      %select_n3A_889 = arith.select %gt3A_884, %abs3A_886, %broadcast_in_dim3A_888 : vector<16xi1>, vector<16xf32>
      %add3A_890 = arith.addf %add3A_852, %select_n3A_889 : vector<16xf32>
      %jit3A_891 = arith.constant 1.000000e+00 : f32
      %jit3A_892 = arith.constant 0.000000e+00 : f32
      %broadcast_in_dim3A_893 = vector.broadcast %jit3A_891 : f32 to vector<16xf32>
      %broadcast_in_dim3A_894 = vector.broadcast %jit3A_892 : f32 to vector<16xf32>
      %select_n3A_895 = arith.select %gt3A_884, %broadcast_in_dim3A_893, %broadcast_in_dim3A_894 : vector<16xi1>, vector<16xf32>
      %add3A_896 = arith.addf %add3A_858, %select_n3A_895 : vector<16xf32>
      %scan3A_897 = arith.constant 4 : i32
      %scan3A_898 = arith.addi %scan3A_750, %scan3A_897 : i32
      %mul3A_899 = arith.constant 16 : i32
      %mul3A_900 = arith.muli %scan3A_898, %mul3A_899 : i32
      %get3A_901 = arith.constant 1 : i32
      %get3A_902 = arith.index_cast %get3A_901 : i32 to index
      %get3A_903 = arith.index_cast %mul3A_900 : i32 to index
      %get3A_904 = tpu.vector_load %arg5[%get3A_902, %get3A_903] {strides = array<i32>} : memref<2x16384xf32, #tpu.memory_space<vmem>>, vector<1x16xf32>,
      %get3A_905 = vector.shape_cast %get3A_904 : vector<1x16xf32> to vector<16xf32>
      %mul3A_906 = arith.constant 16 : i32
      %mul3A_907 = arith.muli %scan3A_898, %mul3A_906 : i32
      %get3A_908 = arith.constant 1 : i32
      %get3A_909 = arith.index_cast %get3A_908 : i32 to index
      %get3A_910 = arith.index_cast %mul3A_907 : i32 to index
      %get3A_911 = tpu.vector_load %arg6[%get3A_909, %get3A_910] {strides = array<i32>} : memref<2x16384xf32, #tpu.memory_space<vmem>>, vector<1x16xf32>,
      %get3A_912 = vector.shape_cast %get3A_911 : vector<1x16xf32> to vector<16xf32>
      %mul3A_913 = arith.constant 16 : i32
      %mul3A_914 = arith.muli %scan3A_898, %mul3A_913 : i32
      %get3A_915 = arith.constant 1 : i32
      %get3A_916 = arith.index_cast %get3A_915 : i32 to index
      %get3A_917 = arith.index_cast %mul3A_914 : i32 to index
      %get3A_918 = tpu.vector_load %arg7[%get3A_916, %get3A_917] {strides = array<i32>} : memref<2x16384xf32, #tpu.memory_space<vmem>>, vector<1x16xf32>,
      %get3A_919 = vector.shape_cast %get3A_918 : vector<1x16xf32> to vector<16xf32>
      %gt3A_920 = arith.constant 0.000000e+00 : f32
      %gt3A_921 = vector.broadcast %gt3A_920 : f32 to vector<16xf32>
      %gt3A_922 = arith.cmpf ogt, %get3A_919, %gt3A_921 : vector<16xf32>
      %sub3A_923 = arith.subf %get3A_905, %get3A_912 : vector<16xf32>
      %abs3A_924 = math.absf %sub3A_923 : vector<16xf32>
      %jit3A_925 = arith.constant 0.000000e+00 : f32
      %broadcast_in_dim3A_926 = vector.broadcast %jit3A_925 : f32 to vector<16xf32>
      %select_n3A_927 = arith.select %gt3A_922, %abs3A_924, %broadcast_in_dim3A_926 : vector<16xi1>, vector<16xf32>
      %add3A_928 = arith.addf %add3A_890, %select_n3A_927 : vector<16xf32>
      %jit3A_929 = arith.constant 1.000000e+00 : f32
      %jit3A_930 = arith.constant 0.000000e+00 : f32
      %broadcast_in_dim3A_931 = vector.broadcast %jit3A_929 : f32 to vector<16xf32>
      %broadcast_in_dim3A_932 = vector.broadcast %jit3A_930 : f32 to vector<16xf32>
      %select_n3A_933 = arith.select %gt3A_922, %broadcast_in_dim3A_931, %broadcast_in_dim3A_932 : vector<16xi1>, vector<16xf32>
      %add3A_934 = arith.addf %add3A_896, %select_n3A_933 : vector<16xf32>
      %scan3A_935 = arith.constant 5 : i32
      %scan3A_936 = arith.addi %scan3A_750, %scan3A_935 : i32
      %mul3A_937 = arith.constant 16 : i32
      %mul3A_938 = arith.muli %scan3A_936, %mul3A_937 : i32
      %get3A_939 = arith.constant 1 : i32
      %get3A_940 = arith.index_cast %get3A_939 : i32 to index
      %get3A_941 = arith.index_cast %mul3A_938 : i32 to index
      %get3A_942 = tpu.vector_load %arg5[%get3A_940, %get3A_941] {strides = array<i32>} : memref<2x16384xf32, #tpu.memory_space<vmem>>, vector<1x16xf32>,
      %get3A_943 = vector.shape_cast %get3A_942 : vector<1x16xf32> to vector<16xf32>
      %mul3A_944 = arith.constant 16 : i32
      %mul3A_945 = arith.muli %scan3A_936, %mul3A_944 : i32
      %get3A_946 = arith.constant 1 : i32
      %get3A_947 = arith.index_cast %get3A_946 : i32 to index
      %get3A_948 = arith.index_cast %mul3A_945 : i32 to index
      %get3A_949 = tpu.vector_load %arg6[%get3A_947, %get3A_948] {strides = array<i32>} : memref<2x16384xf32, #tpu.memory_space<vmem>>, vector<1x16xf32>,
      %get3A_950 = vector.shape_cast %get3A_949 : vector<1x16xf32> to vector<16xf32>
      %mul3A_951 = arith.constant 16 : i32
      %mul3A_952 = arith.muli %scan3A_936, %mul3A_951 : i32
      %get3A_953 = arith.constant 1 : i32
      %get3A_954 = arith.index_cast %get3A_953 : i32 to index
      %get3A_955 = arith.index_cast %mul3A_952 : i32 to index
      %get3A_956 = tpu.vector_load %arg7[%get3A_954, %get3A_955] {strides = array<i32>} : memref<2x16384xf32, #tpu.memory_space<vmem>>, vector<1x16xf32>,
      %get3A_957 = vector.shape_cast %get3A_956 : vector<1x16xf32> to vector<16xf32>
      %gt3A_958 = arith.constant 0.000000e+00 : f32
      %gt3A_959 = vector.broadcast %gt3A_958 : f32 to vector<16xf32>
      %gt3A_960 = arith.cmpf ogt, %get3A_957, %gt3A_959 : vector<16xf32>
      %sub3A_961 = arith.subf %get3A_943, %get3A_950 : vector<16xf32>
      %abs3A_962 = math.absf %sub3A_961 : vector<16xf32>
      %jit3A_963 = arith.constant 0.000000e+00 : f32
      %broadcast_in_dim3A_964 = vector.broadcast %jit3A_963 : f32 to vector<16xf32>
      %select_n3A_965 = arith.select %gt3A_960, %abs3A_962, %broadcast_in_dim3A_964 : vector<16xi1>, vector<16xf32>
      %add3A_966 = arith.addf %add3A_928, %select_n3A_965 : vector<16xf32>
      %jit3A_967 = arith.constant 1.000000e+00 : f32
      %jit3A_968 = arith.constant 0.000000e+00 : f32
      %broadcast_in_dim3A_969 = vector.broadcast %jit3A_967 : f32 to vector<16xf32>
      %broadcast_in_dim3A_970 = vector.broadcast %jit3A_968 : f32 to vector<16xf32>
      %select_n3A_971 = arith.select %gt3A_960, %broadcast_in_dim3A_969, %broadcast_in_dim3A_970 : vector<16xi1>, vector<16xf32>
      %add3A_972 = arith.addf %add3A_934, %select_n3A_971 : vector<16xf32>
      %scan3A_973 = arith.constant 6 : i32
      %scan3A_974 = arith.addi %scan3A_750, %scan3A_973 : i32
      %mul3A_975 = arith.constant 16 : i32
      %mul3A_976 = arith.muli %scan3A_974, %mul3A_975 : i32
      %get3A_977 = arith.constant 1 : i32
      %get3A_978 = arith.index_cast %get3A_977 : i32 to index
      %get3A_979 = arith.index_cast %mul3A_976 : i32 to index
      %get3A_980 = tpu.vector_load %arg5[%get3A_978, %get3A_979] {strides = array<i32>} : memref<2x16384xf32, #tpu.memory_space<vmem>>, vector<1x16xf32>,
      %get3A_981 = vector.shape_cast %get3A_980 : vector<1x16xf32> to vector<16xf32>
      %mul3A_982 = arith.constant 16 : i32
      %mul3A_983 = arith.muli %scan3A_974, %mul3A_982 : i32
      %get3A_984 = arith.constant 1 : i32
      %get3A_985 = arith.index_cast %get3A_984 : i32 to index
      %get3A_986 = arith.index_cast %mul3A_983 : i32 to index
      %get3A_987 = tpu.vector_load %arg6[%get3A_985, %get3A_986] {strides = array<i32>} : memref<2x16384xf32, #tpu.memory_space<vmem>>, vector<1x16xf32>,
      %get3A_988 = vector.shape_cast %get3A_987 : vector<1x16xf32> to vector<16xf32>
      %mul3A_989 = arith.constant 16 : i32
      %mul3A_990 = arith.muli %scan3A_974, %mul3A_989 : i32
      %get3A_991 = arith.constant 1 : i32
      %get3A_992 = arith.index_cast %get3A_991 : i32 to index
      %get3A_993 = arith.index_cast %mul3A_990 : i32 to index
      %get3A_994 = tpu.vector_load %arg7[%get3A_992, %get3A_993] {strides = array<i32>} : memref<2x16384xf32, #tpu.memory_space<vmem>>, vector<1x16xf32>,
      %get3A_995 = vector.shape_cast %get3A_994 : vector<1x16xf32> to vector<16xf32>
      %gt3A_996 = arith.constant 0.000000e+00 : f32
      %gt3A_997 = vector.broadcast %gt3A_996 : f32 to vector<16xf32>
      %gt3A_998 = arith.cmpf ogt, %get3A_995, %gt3A_997 : vector<16xf32>
      %sub3A_999 = arith.subf %get3A_981, %get3A_988 : vector<16xf32>
      %abs3A_1000 = math.absf %sub3A_999 : vector<16xf32>
      %jit3A_1001 = arith.constant 0.000000e+00 : f32
      %broadcast_in_dim3A_1002 = vector.broadcast %jit3A_1001 : f32 to vector<16xf32>
      %select_n3A_1003 = arith.select %gt3A_998, %abs3A_1000, %broadcast_in_dim3A_1002 : vector<16xi1>, vector<16xf32>
      %add3A_1004 = arith.addf %add3A_966, %select_n3A_1003 : vector<16xf32>
      %jit3A_1005 = arith.constant 1.000000e+00 : f32
      %jit3A_1006 = arith.constant 0.000000e+00 : f32
      %broadcast_in_dim3A_1007 = vector.broadcast %jit3A_1005 : f32 to vector<16xf32>
      %broadcast_in_dim3A_1008 = vector.broadcast %jit3A_1006 : f32 to vector<16xf32>
      %select_n3A_1009 = arith.select %gt3A_998, %broadcast_in_dim3A_1007, %broadcast_in_dim3A_1008 : vector<16xi1>, vector<16xf32>
      %add3A_1010 = arith.addf %add3A_972, %select_n3A_1009 : vector<16xf32>
      %scan3A_1011 = arith.constant 7 : i32
      %scan3A_1012 = arith.addi %scan3A_750, %scan3A_1011 : i32
      %mul3A_1013 = arith.constant 16 : i32
      %mul3A_1014 = arith.muli %scan3A_1012, %mul3A_1013 : i32
      %get3A_1015 = arith.constant 1 : i32
      %get3A_1016 = arith.index_cast %get3A_1015 : i32 to index
      %get3A_1017 = arith.index_cast %mul3A_1014 : i32 to index
      %get3A_1018 = tpu.vector_load %arg5[%get3A_1016, %get3A_1017] {strides = array<i32>} : memref<2x16384xf32, #tpu.memory_space<vmem>>, vector<1x16xf32>,
      %get3A_1019 = vector.shape_cast %get3A_1018 : vector<1x16xf32> to vector<16xf32>
      %mul3A_1020 = arith.constant 16 : i32
      %mul3A_1021 = arith.muli %scan3A_1012, %mul3A_1020 : i32
      %get3A_1022 = arith.constant 1 : i32
      %get3A_1023 = arith.index_cast %get3A_1022 : i32 to index
      %get3A_1024 = arith.index_cast %mul3A_1021 : i32 to index
      %get3A_1025 = tpu.vector_load %arg6[%get3A_1023, %get3A_1024] {strides = array<i32>} : memref<2x16384xf32, #tpu.memory_space<vmem>>, vector<1x16xf32>,
      %get3A_1026 = vector.shape_cast %get3A_1025 : vector<1x16xf32> to vector<16xf32>
      %mul3A_1027 = arith.constant 16 : i32
      %mul3A_1028 = arith.muli %scan3A_1012, %mul3A_1027 : i32
      %get3A_1029 = arith.constant 1 : i32
      %get3A_1030 = arith.index_cast %get3A_1029 : i32 to index
      %get3A_1031 = arith.index_cast %mul3A_1028 : i32 to index
      %get3A_1032 = tpu.vector_load %arg7[%get3A_1030, %get3A_1031] {strides = array<i32>} : memref<2x16384xf32, #tpu.memory_space<vmem>>, vector<1x16xf32>,
      %get3A_1033 = vector.shape_cast %get3A_1032 : vector<1x16xf32> to vector<16xf32>
      %gt3A_1034 = arith.constant 0.000000e+00 : f32
      %gt3A_1035 = vector.broadcast %gt3A_1034 : f32 to vector<16xf32>
      %gt3A_1036 = arith.cmpf ogt, %get3A_1033, %gt3A_1035 : vector<16xf32>
      %sub3A_1037 = arith.subf %get3A_1019, %get3A_1026 : vector<16xf32>
      %abs3A_1038 = math.absf %sub3A_1037 : vector<16xf32>
      %jit3A_1039 = arith.constant 0.000000e+00 : f32
      %broadcast_in_dim3A_1040 = vector.broadcast %jit3A_1039 : f32 to vector<16xf32>
      %select_n3A_1041 = arith.select %gt3A_1036, %abs3A_1038, %broadcast_in_dim3A_1040 : vector<16xi1>, vector<16xf32>
      %add3A_1042 = arith.addf %add3A_1004, %select_n3A_1041 : vector<16xf32>
      %jit3A_1043 = arith.constant 1.000000e+00 : f32
      %jit3A_1044 = arith.constant 0.000000e+00 : f32
      %broadcast_in_dim3A_1045 = vector.broadcast %jit3A_1043 : f32 to vector<16xf32>
      %broadcast_in_dim3A_1046 = vector.broadcast %jit3A_1044 : f32 to vector<16xf32>
      %select_n3A_1047 = arith.select %gt3A_1036, %broadcast_in_dim3A_1045, %broadcast_in_dim3A_1046 : vector<16xi1>, vector<16xf32>
      %add3A_1048 = arith.addf %add3A_1010, %select_n3A_1047 : vector<16xf32>
      scf.yield %add3A_1042, %add3A_1048 : vector<16xf32>, vector<16xf32>
    }
    %scan3A_413 = arith.constant 1024 : i32
    %add3A_414 = arith.constant 81920 : i32
    %add3A_415 = arith.addi %add3A_4, %add3A_414 : i32
    %dma_start3A_416 = arith.constant 1 : i32
    %dma_start3A_417 = arith.constant 1 : i32
    %dma_start3A_418 = arith.constant 0 : i32
    %dma_start3A_419 = arith.constant 0 : i32
    %dma_start3A_420 = tpu.memref_slice %arg5[%dma_start3A_416, %dma_start3A_419] : memref<2x16384xf32, #tpu.memory_space<vmem>> -> memref<1x16384xf32, #tpu.memory_space<vmem>>
    %dma_start3A_421 = tpu.memref_squeeze %dma_start3A_420 : memref<1x16384xf32, #tpu.memory_space<vmem>> -> memref<16384xf32, #tpu.memory_space<vmem>>
    %dma_start3A_422 = tpu.memref_slice %arg2[%add3A_415] : memref<4194304xf32, #tpu.memory_space<hbm>> -> memref<16384xf32, #tpu.memory_space<hbm>>
    %dma_start3A_423 = tpu.memref_slice %arg9[%dma_start3A_417, %dma_start3A_418] : memref<2x3x!tpu.dma_semaphore, #tpu.memory_space<semaphore_mem>> -> memref<1x1x!tpu.dma_semaphore, #tpu.memory_space<semaphore_mem>>
    %dma_start3A_424 = tpu.memref_squeeze %dma_start3A_423 : memref<1x1x!tpu.dma_semaphore, #tpu.memory_space<semaphore_mem>> -> memref<!tpu.dma_semaphore, #tpu.memory_space<semaphore_mem>>
    %dma_start3A_425 = arith.constant 0 : i32
    %dma_start3A_426 = tpu.memref_slice %arg5[%dma_start3A_416, %dma_start3A_425] : memref<2x16384xf32, #tpu.memory_space<vmem>> -> memref<1x16384xf32, #tpu.memory_space<vmem>>
    %dma_start3A_427 = tpu.memref_squeeze %dma_start3A_426 : memref<1x16384xf32, #tpu.memory_space<vmem>> -> memref<16384xf32, #tpu.memory_space<vmem>>
    %dma_start3A_428 = tpu.memref_slice %arg2[%add3A_415] : memref<4194304xf32, #tpu.memory_space<hbm>> -> memref<16384xf32, #tpu.memory_space<hbm>>
    tpu.enqueue_dma source(%dma_start3A_428 : memref<16384xf32, #tpu.memory_space<hbm>>) target(%dma_start3A_427 : memref<16384xf32, #tpu.memory_space<vmem>>) target_semaphore(%dma_start3A_424 : memref<!tpu.dma_semaphore, #tpu.memory_space<semaphore_mem>>)
    %dma_start3A_429 = arith.constant 1 : i32
    %dma_start3A_430 = arith.constant 1 : i32
    %dma_start3A_431 = arith.constant 1 : i32
    %dma_start3A_432 = arith.constant 0 : i32
    %dma_start3A_433 = tpu.memref_slice %arg6[%dma_start3A_429, %dma_start3A_432] : memref<2x16384xf32, #tpu.memory_space<vmem>> -> memref<1x16384xf32, #tpu.memory_space<vmem>>
    %dma_start3A_434 = tpu.memref_squeeze %dma_start3A_433 : memref<1x16384xf32, #tpu.memory_space<vmem>> -> memref<16384xf32, #tpu.memory_space<vmem>>
    %dma_start3A_435 = tpu.memref_slice %arg3[%add3A_415] : memref<8388608xf32, #tpu.memory_space<hbm>> -> memref<16384xf32, #tpu.memory_space<hbm>>
    %dma_start3A_436 = tpu.memref_slice %arg9[%dma_start3A_430, %dma_start3A_431] : memref<2x3x!tpu.dma_semaphore, #tpu.memory_space<semaphore_mem>> -> memref<1x1x!tpu.dma_semaphore, #tpu.memory_space<semaphore_mem>>
    %dma_start3A_437 = tpu.memref_squeeze %dma_start3A_436 : memref<1x1x!tpu.dma_semaphore, #tpu.memory_space<semaphore_mem>> -> memref<!tpu.dma_semaphore, #tpu.memory_space<semaphore_mem>>
    %dma_start3A_438 = arith.constant 0 : i32
    %dma_start3A_439 = tpu.memref_slice %arg6[%dma_start3A_429, %dma_start3A_438] : memref<2x16384xf32, #tpu.memory_space<vmem>> -> memref<1x16384xf32, #tpu.memory_space<vmem>>
    %dma_start3A_440 = tpu.memref_squeeze %dma_start3A_439 : memref<1x16384xf32, #tpu.memory_space<vmem>> -> memref<16384xf32, #tpu.memory_space<vmem>>
    %dma_start3A_441 = tpu.memref_slice %arg3[%add3A_415] : memref<8388608xf32, #tpu.memory_space<hbm>> -> memref<16384xf32, #tpu.memory_space<hbm>>
    tpu.enqueue_dma source(%dma_start3A_441 : memref<16384xf32, #tpu.memory_space<hbm>>) target(%dma_start3A_440 : memref<16384xf32, #tpu.memory_space<vmem>>) target_semaphore(%dma_start3A_437 : memref<!tpu.dma_semaphore, #tpu.memory_space<semaphore_mem>>)
    %add3A_442 = arith.constant 4194304 : i32
    %add3A_443 = arith.addi %add3A_442, %add3A_415 : i32
    %dma_start3A_444 = arith.constant 1 : i32
    %dma_start3A_445 = arith.constant 1 : i32
    %dma_start3A_446 = arith.constant 2 : i32
    %dma_start3A_447 = arith.constant 0 : i32
    %dma_start3A_448 = tpu.memref_slice %arg7[%dma_start3A_444, %dma_start3A_447] : memref<2x16384xf32, #tpu.memory_space<vmem>> -> memref<1x16384xf32, #tpu.memory_space<vmem>>
    %dma_start3A_449 = tpu.memref_squeeze %dma_start3A_448 : memref<1x16384xf32, #tpu.memory_space<vmem>> -> memref<16384xf32, #tpu.memory_space<vmem>>
    %dma_start3A_450 = tpu.memref_slice %arg3[%add3A_443] : memref<8388608xf32, #tpu.memory_space<hbm>> -> memref<16384xf32, #tpu.memory_space<hbm>>
    %dma_start3A_451 = tpu.memref_slice %arg9[%dma_start3A_445, %dma_start3A_446] : memref<2x3x!tpu.dma_semaphore, #tpu.memory_space<semaphore_mem>> -> memref<1x1x!tpu.dma_semaphore, #tpu.memory_space<semaphore_mem>>
    %dma_start3A_452 = tpu.memref_squeeze %dma_start3A_451 : memref<1x1x!tpu.dma_semaphore, #tpu.memory_space<semaphore_mem>> -> memref<!tpu.dma_semaphore, #tpu.memory_space<semaphore_mem>>
    %dma_start3A_453 = arith.constant 0 : i32
    %dma_start3A_454 = tpu.memref_slice %arg7[%dma_start3A_444, %dma_start3A_453] : memref<2x16384xf32, #tpu.memory_space<vmem>> -> memref<1x16384xf32, #tpu.memory_space<vmem>>
    %dma_start3A_455 = tpu.memref_squeeze %dma_start3A_454 : memref<1x16384xf32, #tpu.memory_space<vmem>> -> memref<16384xf32, #tpu.memory_space<vmem>>
    %dma_start3A_456 = tpu.memref_slice %arg3[%add3A_443] : memref<8388608xf32, #tpu.memory_space<hbm>> -> memref<16384xf32, #tpu.memory_space<hbm>>
    tpu.enqueue_dma source(%dma_start3A_456 : memref<16384xf32, #tpu.memory_space<hbm>>) target(%dma_start3A_455 : memref<16384xf32, #tpu.memory_space<vmem>>) target_semaphore(%dma_start3A_452 : memref<!tpu.dma_semaphore, #tpu.memory_space<semaphore_mem>>)
    %add3A_457 = arith.constant 65536 : i32
    %add3A_458 = arith.addi %add3A_4, %add3A_457 : i32
    %dma_wait3A_459 = arith.constant 0 : i32
    %dma_wait3A_460 = arith.constant 0 : i32
    %dma_wait3A_461 = arith.constant 0 : i32
    %dma_wait3A_462 = arith.constant 0 : i32
    %dma_wait3A_463 = tpu.memref_slice %arg5[%dma_wait3A_459, %dma_wait3A_462] : memref<2x16384xf32, #tpu.memory_space<vmem>> -> memref<1x16384xf32, #tpu.memory_space<vmem>>
    %dma_wait3A_464 = tpu.memref_squeeze %dma_wait3A_463 : memref<1x16384xf32, #tpu.memory_space<vmem>> -> memref<16384xf32, #tpu.memory_space<vmem>>
    %dma_wait3A_465 = tpu.memref_slice %arg2[%add3A_458] : memref<4194304xf32, #tpu.memory_space<hbm>> -> memref<16384xf32, #tpu.memory_space<hbm>>
    %dma_wait3A_466 = tpu.memref_slice %arg9[%dma_wait3A_460, %dma_wait3A_461] : memref<2x3x!tpu.dma_semaphore, #tpu.memory_space<semaphore_mem>> -> memref<1x1x!tpu.dma_semaphore, #tpu.memory_space<semaphore_mem>>
    %dma_wait3A_467 = tpu.memref_squeeze %dma_wait3A_466 : memref<1x1x!tpu.dma_semaphore, #tpu.memory_space<semaphore_mem>> -> memref<!tpu.dma_semaphore, #tpu.memory_space<semaphore_mem>>
    %dma_wait3A_468 = arith.constant 0 : i32
    %dma_wait3A_469 = tpu.memref_slice %arg5[%dma_wait3A_459, %dma_wait3A_468] : memref<2x16384xf32, #tpu.memory_space<vmem>> -> memref<1x16384xf32, #tpu.memory_space<vmem>>
    %dma_wait3A_470 = tpu.memref_squeeze %dma_wait3A_469 : memref<1x16384xf32, #tpu.memory_space<vmem>> -> memref<16384xf32, #tpu.memory_space<vmem>>
    %dma_wait3A_471 = tpu.memref_slice %arg2[%add3A_458] : memref<4194304xf32, #tpu.memory_space<hbm>> -> memref<16384xf32, #tpu.memory_space<hbm>>
    tpu.wait_dma2 semaphore(%dma_wait3A_467 : memref<!tpu.dma_semaphore, #tpu.memory_space<semaphore_mem>>) src(%dma_wait3A_471 : memref<16384xf32, #tpu.memory_space<hbm>>) dst(%dma_wait3A_470 : memref<16384xf32, #tpu.memory_space<vmem>>)
    %dma_wait3A_472 = arith.constant 0 : i32
    %dma_wait3A_473 = arith.constant 0 : i32
    %dma_wait3A_474 = arith.constant 1 : i32
    %dma_wait3A_475 = arith.constant 0 : i32
    %dma_wait3A_476 = tpu.memref_slice %arg6[%dma_wait3A_472, %dma_wait3A_475] : memref<2x16384xf32, #tpu.memory_space<vmem>> -> memref<1x16384xf32, #tpu.memory_space<vmem>>
    %dma_wait3A_477 = tpu.memref_squeeze %dma_wait3A_476 : memref<1x16384xf32, #tpu.memory_space<vmem>> -> memref<16384xf32, #tpu.memory_space<vmem>>
    %dma_wait3A_478 = tpu.memref_slice %arg3[%add3A_458] : memref<8388608xf32, #tpu.memory_space<hbm>> -> memref<16384xf32, #tpu.memory_space<hbm>>
    %dma_wait3A_479 = tpu.memref_slice %arg9[%dma_wait3A_473, %dma_wait3A_474] : memref<2x3x!tpu.dma_semaphore, #tpu.memory_space<semaphore_mem>> -> memref<1x1x!tpu.dma_semaphore, #tpu.memory_space<semaphore_mem>>
    %dma_wait3A_480 = tpu.memref_squeeze %dma_wait3A_479 : memref<1x1x!tpu.dma_semaphore, #tpu.memory_space<semaphore_mem>> -> memref<!tpu.dma_semaphore, #tpu.memory_space<semaphore_mem>>
    %dma_wait3A_481 = arith.constant 0 : i32
    %dma_wait3A_482 = tpu.memref_slice %arg6[%dma_wait3A_472, %dma_wait3A_481] : memref<2x16384xf32, #tpu.memory_space<vmem>> -> memref<1x16384xf32, #tpu.memory_space<vmem>>
    %dma_wait3A_483 = tpu.memref_squeeze %dma_wait3A_482 : memref<1x16384xf32, #tpu.memory_space<vmem>> -> memref<16384xf32, #tpu.memory_space<vmem>>
    %dma_wait3A_484 = tpu.memref_slice %arg3[%add3A_458] : memref<8388608xf32, #tpu.memory_space<hbm>> -> memref<16384xf32, #tpu.memory_space<hbm>>
    tpu.wait_dma2 semaphore(%dma_wait3A_480 : memref<!tpu.dma_semaphore, #tpu.memory_space<semaphore_mem>>) src(%dma_wait3A_484 : memref<16384xf32, #tpu.memory_space<hbm>>) dst(%dma_wait3A_483 : memref<16384xf32, #tpu.memory_space<vmem>>)
    %add3A_485 = arith.constant 4194304 : i32
    %add3A_486 = arith.addi %add3A_485, %add3A_458 : i32
    %dma_wait3A_487 = arith.constant 0 : i32
    %dma_wait3A_488 = arith.constant 0 : i32
    %dma_wait3A_489 = arith.constant 2 : i32
    %dma_wait3A_490 = arith.constant 0 : i32
    %dma_wait3A_491 = tpu.memref_slice %arg7[%dma_wait3A_487, %dma_wait3A_490] : memref<2x16384xf32, #tpu.memory_space<vmem>> -> memref<1x16384xf32, #tpu.memory_space<vmem>>
    %dma_wait3A_492 = tpu.memref_squeeze %dma_wait3A_491 : memref<1x16384xf32, #tpu.memory_space<vmem>> -> memref<16384xf32, #tpu.memory_space<vmem>>
    %dma_wait3A_493 = tpu.memref_slice %arg3[%add3A_486] : memref<8388608xf32, #tpu.memory_space<hbm>> -> memref<16384xf32, #tpu.memory_space<hbm>>
    %dma_wait3A_494 = tpu.memref_slice %arg9[%dma_wait3A_488, %dma_wait3A_489] : memref<2x3x!tpu.dma_semaphore, #tpu.memory_space<semaphore_mem>> -> memref<1x1x!tpu.dma_semaphore, #tpu.memory_space<semaphore_mem>>
    %dma_wait3A_495 = tpu.memref_squeeze %dma_wait3A_494 : memref<1x1x!tpu.dma_semaphore, #tpu.memory_space<semaphore_mem>> -> memref<!tpu.dma_semaphore, #tpu.memory_space<semaphore_mem>>
    %dma_wait3A_496 = arith.constant 0 : i32
    %dma_wait3A_497 = tpu.memref_slice %arg7[%dma_wait3A_487, %dma_wait3A_496] : memref<2x16384xf32, #tpu.memory_space<vmem>> -> memref<1x16384xf32, #tpu.memory_space<vmem>>
    %dma_wait3A_498 = tpu.memref_squeeze %dma_wait3A_497 : memref<1x16384xf32, #tpu.memory_space<vmem>> -> memref<16384xf32, #tpu.memory_space<vmem>>
    %dma_wait3A_499 = tpu.memref_slice %arg3[%add3A_486] : memref<8388608xf32, #tpu.memory_space<hbm>> -> memref<16384xf32, #tpu.memory_space<hbm>>
    tpu.wait_dma2 semaphore(%dma_wait3A_495 : memref<!tpu.dma_semaphore, #tpu.memory_space<semaphore_mem>>) src(%dma_wait3A_499 : memref<16384xf32, #tpu.memory_space<hbm>>) dst(%dma_wait3A_498 : memref<16384xf32, #tpu.memory_space<vmem>>)
    %scan3A_500 = arith.constant 0 : i32
    %scan3A_501 = arith.constant 1024 : i32
    %scan3A_502 = arith.addi %scan3A_500, %scan3A_501 : i32
    %scan3A_503 = arith.constant 8 : i32
    %scan3A_504:2 = scf.for %scan3A_750 = %scan3A_500 to %scan3A_502 step %scan3A_503 iter_args(%scan3A_751 = %scan3A_412#0, %scan3A_752 = %scan3A_412#1) -> (vector<16xf32>, vector<16xf32>)  : i32 {
      %mul3A_753 = arith.constant 16 : i32
      %mul3A_754 = arith.muli %scan3A_750, %mul3A_753 : i32
      %get3A = arith.constant 0 : i32
      %get3A_755 = arith.index_cast %get3A : i32 to index
      %get3A_756 = arith.index_cast %mul3A_754 : i32 to index
      %get3A_757 = tpu.vector_load %arg5[%get3A_755, %get3A_756] {strides = array<i32>} : memref<2x16384xf32, #tpu.memory_space<vmem>>, vector<1x16xf32>,
      %get3A_758 = vector.shape_cast %get3A_757 : vector<1x16xf32> to vector<16xf32>
      %mul3A_759 = arith.constant 16 : i32
      %mul3A_760 = arith.muli %scan3A_750, %mul3A_759 : i32
      %get3A_761 = arith.constant 0 : i32
      %get3A_762 = arith.index_cast %get3A_761 : i32 to index
      %get3A_763 = arith.index_cast %mul3A_760 : i32 to index
      %get3A_764 = tpu.vector_load %arg6[%get3A_762, %get3A_763] {strides = array<i32>} : memref<2x16384xf32, #tpu.memory_space<vmem>>, vector<1x16xf32>,
      %get3A_765 = vector.shape_cast %get3A_764 : vector<1x16xf32> to vector<16xf32>
      %mul3A_766 = arith.constant 16 : i32
      %mul3A_767 = arith.muli %scan3A_750, %mul3A_766 : i32
      %get3A_768 = arith.constant 0 : i32
      %get3A_769 = arith.index_cast %get3A_768 : i32 to index
      %get3A_770 = arith.index_cast %mul3A_767 : i32 to index
      %get3A_771 = tpu.vector_load %arg7[%get3A_769, %get3A_770] {strides = array<i32>} : memref<2x16384xf32, #tpu.memory_space<vmem>>, vector<1x16xf32>,
      %get3A_772 = vector.shape_cast %get3A_771 : vector<1x16xf32> to vector<16xf32>
      %gt3A = arith.constant 0.000000e+00 : f32
      %gt3A_773 = vector.broadcast %gt3A : f32 to vector<16xf32>
      %gt3A_774 = arith.cmpf ogt, %get3A_772, %gt3A_773 : vector<16xf32>
      %sub3A = arith.subf %get3A_758, %get3A_765 : vector<16xf32>
      %abs3A = math.absf %sub3A : vector<16xf32>
      %jit3A = arith.constant 0.000000e+00 : f32
      %broadcast_in_dim3A_775 = vector.broadcast %jit3A : f32 to vector<16xf32>
      %select_n3A = arith.select %gt3A_774, %abs3A, %broadcast_in_dim3A_775 : vector<16xi1>, vector<16xf32>
      %add3A_776 = arith.addf %scan3A_751, %select_n3A : vector<16xf32>
      %jit3A_777 = arith.constant 1.000000e+00 : f32
      %jit3A_778 = arith.constant 0.000000e+00 : f32
      %broadcast_in_dim3A_779 = vector.broadcast %jit3A_777 : f32 to vector<16xf32>
      %broadcast_in_dim3A_780 = vector.broadcast %jit3A_778 : f32 to vector<16xf32>
      %select_n3A_781 = arith.select %gt3A_774, %broadcast_in_dim3A_779, %broadcast_in_dim3A_780 : vector<16xi1>, vector<16xf32>
      %add3A_782 = arith.addf %scan3A_752, %select_n3A_781 : vector<16xf32>
      %scan3A_783 = arith.constant 1 : i32
      %scan3A_784 = arith.addi %scan3A_750, %scan3A_783 : i32
      %mul3A_785 = arith.constant 16 : i32
      %mul3A_786 = arith.muli %scan3A_784, %mul3A_785 : i32
      %get3A_787 = arith.constant 0 : i32
      %get3A_788 = arith.index_cast %get3A_787 : i32 to index
      %get3A_789 = arith.index_cast %mul3A_786 : i32 to index
      %get3A_790 = tpu.vector_load %arg5[%get3A_788, %get3A_789] {strides = array<i32>} : memref<2x16384xf32, #tpu.memory_space<vmem>>, vector<1x16xf32>,
      %get3A_791 = vector.shape_cast %get3A_790 : vector<1x16xf32> to vector<16xf32>
      %mul3A_792 = arith.constant 16 : i32
      %mul3A_793 = arith.muli %scan3A_784, %mul3A_792 : i32
      %get3A_794 = arith.constant 0 : i32
      %get3A_795 = arith.index_cast %get3A_794 : i32 to index
      %get3A_796 = arith.index_cast %mul3A_793 : i32 to index
      %get3A_797 = tpu.vector_load %arg6[%get3A_795, %get3A_796] {strides = array<i32>} : memref<2x16384xf32, #tpu.memory_space<vmem>>, vector<1x16xf32>,
      %get3A_798 = vector.shape_cast %get3A_797 : vector<1x16xf32> to vector<16xf32>
      %mul3A_799 = arith.constant 16 : i32
      %mul3A_800 = arith.muli %scan3A_784, %mul3A_799 : i32
      %get3A_801 = arith.constant 0 : i32
      %get3A_802 = arith.index_cast %get3A_801 : i32 to index
      %get3A_803 = arith.index_cast %mul3A_800 : i32 to index
      %get3A_804 = tpu.vector_load %arg7[%get3A_802, %get3A_803] {strides = array<i32>} : memref<2x16384xf32, #tpu.memory_space<vmem>>, vector<1x16xf32>,
      %get3A_805 = vector.shape_cast %get3A_804 : vector<1x16xf32> to vector<16xf32>
      %gt3A_806 = arith.constant 0.000000e+00 : f32
      %gt3A_807 = vector.broadcast %gt3A_806 : f32 to vector<16xf32>
      %gt3A_808 = arith.cmpf ogt, %get3A_805, %gt3A_807 : vector<16xf32>
      %sub3A_809 = arith.subf %get3A_791, %get3A_798 : vector<16xf32>
      %abs3A_810 = math.absf %sub3A_809 : vector<16xf32>
      %jit3A_811 = arith.constant 0.000000e+00 : f32
      %broadcast_in_dim3A_812 = vector.broadcast %jit3A_811 : f32 to vector<16xf32>
      %select_n3A_813 = arith.select %gt3A_808, %abs3A_810, %broadcast_in_dim3A_812 : vector<16xi1>, vector<16xf32>
      %add3A_814 = arith.addf %add3A_776, %select_n3A_813 : vector<16xf32>
      %jit3A_815 = arith.constant 1.000000e+00 : f32
      %jit3A_816 = arith.constant 0.000000e+00 : f32
      %broadcast_in_dim3A_817 = vector.broadcast %jit3A_815 : f32 to vector<16xf32>
      %broadcast_in_dim3A_818 = vector.broadcast %jit3A_816 : f32 to vector<16xf32>
      %select_n3A_819 = arith.select %gt3A_808, %broadcast_in_dim3A_817, %broadcast_in_dim3A_818 : vector<16xi1>, vector<16xf32>
      %add3A_820 = arith.addf %add3A_782, %select_n3A_819 : vector<16xf32>
      %scan3A_821 = arith.constant 2 : i32
      %scan3A_822 = arith.addi %scan3A_750, %scan3A_821 : i32
      %mul3A_823 = arith.constant 16 : i32
      %mul3A_824 = arith.muli %scan3A_822, %mul3A_823 : i32
      %get3A_825 = arith.constant 0 : i32
      %get3A_826 = arith.index_cast %get3A_825 : i32 to index
      %get3A_827 = arith.index_cast %mul3A_824 : i32 to index
      %get3A_828 = tpu.vector_load %arg5[%get3A_826, %get3A_827] {strides = array<i32>} : memref<2x16384xf32, #tpu.memory_space<vmem>>, vector<1x16xf32>,
      %get3A_829 = vector.shape_cast %get3A_828 : vector<1x16xf32> to vector<16xf32>
      %mul3A_830 = arith.constant 16 : i32
      %mul3A_831 = arith.muli %scan3A_822, %mul3A_830 : i32
      %get3A_832 = arith.constant 0 : i32
      %get3A_833 = arith.index_cast %get3A_832 : i32 to index
      %get3A_834 = arith.index_cast %mul3A_831 : i32 to index
      %get3A_835 = tpu.vector_load %arg6[%get3A_833, %get3A_834] {strides = array<i32>} : memref<2x16384xf32, #tpu.memory_space<vmem>>, vector<1x16xf32>,
      %get3A_836 = vector.shape_cast %get3A_835 : vector<1x16xf32> to vector<16xf32>
      %mul3A_837 = arith.constant 16 : i32
      %mul3A_838 = arith.muli %scan3A_822, %mul3A_837 : i32
      %get3A_839 = arith.constant 0 : i32
      %get3A_840 = arith.index_cast %get3A_839 : i32 to index
      %get3A_841 = arith.index_cast %mul3A_838 : i32 to index
      %get3A_842 = tpu.vector_load %arg7[%get3A_840, %get3A_841] {strides = array<i32>} : memref<2x16384xf32, #tpu.memory_space<vmem>>, vector<1x16xf32>,
      %get3A_843 = vector.shape_cast %get3A_842 : vector<1x16xf32> to vector<16xf32>
      %gt3A_844 = arith.constant 0.000000e+00 : f32
      %gt3A_845 = vector.broadcast %gt3A_844 : f32 to vector<16xf32>
      %gt3A_846 = arith.cmpf ogt, %get3A_843, %gt3A_845 : vector<16xf32>
      %sub3A_847 = arith.subf %get3A_829, %get3A_836 : vector<16xf32>
      %abs3A_848 = math.absf %sub3A_847 : vector<16xf32>
      %jit3A_849 = arith.constant 0.000000e+00 : f32
      %broadcast_in_dim3A_850 = vector.broadcast %jit3A_849 : f32 to vector<16xf32>
      %select_n3A_851 = arith.select %gt3A_846, %abs3A_848, %broadcast_in_dim3A_850 : vector<16xi1>, vector<16xf32>
      %add3A_852 = arith.addf %add3A_814, %select_n3A_851 : vector<16xf32>
      %jit3A_853 = arith.constant 1.000000e+00 : f32
      %jit3A_854 = arith.constant 0.000000e+00 : f32
      %broadcast_in_dim3A_855 = vector.broadcast %jit3A_853 : f32 to vector<16xf32>
      %broadcast_in_dim3A_856 = vector.broadcast %jit3A_854 : f32 to vector<16xf32>
      %select_n3A_857 = arith.select %gt3A_846, %broadcast_in_dim3A_855, %broadcast_in_dim3A_856 : vector<16xi1>, vector<16xf32>
      %add3A_858 = arith.addf %add3A_820, %select_n3A_857 : vector<16xf32>
      %scan3A_859 = arith.constant 3 : i32
      %scan3A_860 = arith.addi %scan3A_750, %scan3A_859 : i32
      %mul3A_861 = arith.constant 16 : i32
      %mul3A_862 = arith.muli %scan3A_860, %mul3A_861 : i32
      %get3A_863 = arith.constant 0 : i32
      %get3A_864 = arith.index_cast %get3A_863 : i32 to index
      %get3A_865 = arith.index_cast %mul3A_862 : i32 to index
      %get3A_866 = tpu.vector_load %arg5[%get3A_864, %get3A_865] {strides = array<i32>} : memref<2x16384xf32, #tpu.memory_space<vmem>>, vector<1x16xf32>,
      %get3A_867 = vector.shape_cast %get3A_866 : vector<1x16xf32> to vector<16xf32>
      %mul3A_868 = arith.constant 16 : i32
      %mul3A_869 = arith.muli %scan3A_860, %mul3A_868 : i32
      %get3A_870 = arith.constant 0 : i32
      %get3A_871 = arith.index_cast %get3A_870 : i32 to index
      %get3A_872 = arith.index_cast %mul3A_869 : i32 to index
      %get3A_873 = tpu.vector_load %arg6[%get3A_871, %get3A_872] {strides = array<i32>} : memref<2x16384xf32, #tpu.memory_space<vmem>>, vector<1x16xf32>,
      %get3A_874 = vector.shape_cast %get3A_873 : vector<1x16xf32> to vector<16xf32>
      %mul3A_875 = arith.constant 16 : i32
      %mul3A_876 = arith.muli %scan3A_860, %mul3A_875 : i32
      %get3A_877 = arith.constant 0 : i32
      %get3A_878 = arith.index_cast %get3A_877 : i32 to index
      %get3A_879 = arith.index_cast %mul3A_876 : i32 to index
      %get3A_880 = tpu.vector_load %arg7[%get3A_878, %get3A_879] {strides = array<i32>} : memref<2x16384xf32, #tpu.memory_space<vmem>>, vector<1x16xf32>,
      %get3A_881 = vector.shape_cast %get3A_880 : vector<1x16xf32> to vector<16xf32>
      %gt3A_882 = arith.constant 0.000000e+00 : f32
      %gt3A_883 = vector.broadcast %gt3A_882 : f32 to vector<16xf32>
      %gt3A_884 = arith.cmpf ogt, %get3A_881, %gt3A_883 : vector<16xf32>
      %sub3A_885 = arith.subf %get3A_867, %get3A_874 : vector<16xf32>
      %abs3A_886 = math.absf %sub3A_885 : vector<16xf32>
      %jit3A_887 = arith.constant 0.000000e+00 : f32
      %broadcast_in_dim3A_888 = vector.broadcast %jit3A_887 : f32 to vector<16xf32>
      %select_n3A_889 = arith.select %gt3A_884, %abs3A_886, %broadcast_in_dim3A_888 : vector<16xi1>, vector<16xf32>
      %add3A_890 = arith.addf %add3A_852, %select_n3A_889 : vector<16xf32>
      %jit3A_891 = arith.constant 1.000000e+00 : f32
      %jit3A_892 = arith.constant 0.000000e+00 : f32
      %broadcast_in_dim3A_893 = vector.broadcast %jit3A_891 : f32 to vector<16xf32>
      %broadcast_in_dim3A_894 = vector.broadcast %jit3A_892 : f32 to vector<16xf32>
      %select_n3A_895 = arith.select %gt3A_884, %broadcast_in_dim3A_893, %broadcast_in_dim3A_894 : vector<16xi1>, vector<16xf32>
      %add3A_896 = arith.addf %add3A_858, %select_n3A_895 : vector<16xf32>
      %scan3A_897 = arith.constant 4 : i32
      %scan3A_898 = arith.addi %scan3A_750, %scan3A_897 : i32
      %mul3A_899 = arith.constant 16 : i32
      %mul3A_900 = arith.muli %scan3A_898, %mul3A_899 : i32
      %get3A_901 = arith.constant 0 : i32
      %get3A_902 = arith.index_cast %get3A_901 : i32 to index
      %get3A_903 = arith.index_cast %mul3A_900 : i32 to index
      %get3A_904 = tpu.vector_load %arg5[%get3A_902, %get3A_903] {strides = array<i32>} : memref<2x16384xf32, #tpu.memory_space<vmem>>, vector<1x16xf32>,
      %get3A_905 = vector.shape_cast %get3A_904 : vector<1x16xf32> to vector<16xf32>
      %mul3A_906 = arith.constant 16 : i32
      %mul3A_907 = arith.muli %scan3A_898, %mul3A_906 : i32
      %get3A_908 = arith.constant 0 : i32
      %get3A_909 = arith.index_cast %get3A_908 : i32 to index
      %get3A_910 = arith.index_cast %mul3A_907 : i32 to index
      %get3A_911 = tpu.vector_load %arg6[%get3A_909, %get3A_910] {strides = array<i32>} : memref<2x16384xf32, #tpu.memory_space<vmem>>, vector<1x16xf32>,
      %get3A_912 = vector.shape_cast %get3A_911 : vector<1x16xf32> to vector<16xf32>
      %mul3A_913 = arith.constant 16 : i32
      %mul3A_914 = arith.muli %scan3A_898, %mul3A_913 : i32
      %get3A_915 = arith.constant 0 : i32
      %get3A_916 = arith.index_cast %get3A_915 : i32 to index
      %get3A_917 = arith.index_cast %mul3A_914 : i32 to index
      %get3A_918 = tpu.vector_load %arg7[%get3A_916, %get3A_917] {strides = array<i32>} : memref<2x16384xf32, #tpu.memory_space<vmem>>, vector<1x16xf32>,
      %get3A_919 = vector.shape_cast %get3A_918 : vector<1x16xf32> to vector<16xf32>
      %gt3A_920 = arith.constant 0.000000e+00 : f32
      %gt3A_921 = vector.broadcast %gt3A_920 : f32 to vector<16xf32>
      %gt3A_922 = arith.cmpf ogt, %get3A_919, %gt3A_921 : vector<16xf32>
      %sub3A_923 = arith.subf %get3A_905, %get3A_912 : vector<16xf32>
      %abs3A_924 = math.absf %sub3A_923 : vector<16xf32>
      %jit3A_925 = arith.constant 0.000000e+00 : f32
      %broadcast_in_dim3A_926 = vector.broadcast %jit3A_925 : f32 to vector<16xf32>
      %select_n3A_927 = arith.select %gt3A_922, %abs3A_924, %broadcast_in_dim3A_926 : vector<16xi1>, vector<16xf32>
      %add3A_928 = arith.addf %add3A_890, %select_n3A_927 : vector<16xf32>
      %jit3A_929 = arith.constant 1.000000e+00 : f32
      %jit3A_930 = arith.constant 0.000000e+00 : f32
      %broadcast_in_dim3A_931 = vector.broadcast %jit3A_929 : f32 to vector<16xf32>
      %broadcast_in_dim3A_932 = vector.broadcast %jit3A_930 : f32 to vector<16xf32>
      %select_n3A_933 = arith.select %gt3A_922, %broadcast_in_dim3A_931, %broadcast_in_dim3A_932 : vector<16xi1>, vector<16xf32>
      %add3A_934 = arith.addf %add3A_896, %select_n3A_933 : vector<16xf32>
      %scan3A_935 = arith.constant 5 : i32
      %scan3A_936 = arith.addi %scan3A_750, %scan3A_935 : i32
      %mul3A_937 = arith.constant 16 : i32
      %mul3A_938 = arith.muli %scan3A_936, %mul3A_937 : i32
      %get3A_939 = arith.constant 0 : i32
      %get3A_940 = arith.index_cast %get3A_939 : i32 to index
      %get3A_941 = arith.index_cast %mul3A_938 : i32 to index
      %get3A_942 = tpu.vector_load %arg5[%get3A_940, %get3A_941] {strides = array<i32>} : memref<2x16384xf32, #tpu.memory_space<vmem>>, vector<1x16xf32>,
      %get3A_943 = vector.shape_cast %get3A_942 : vector<1x16xf32> to vector<16xf32>
      %mul3A_944 = arith.constant 16 : i32
      %mul3A_945 = arith.muli %scan3A_936, %mul3A_944 : i32
      %get3A_946 = arith.constant 0 : i32
      %get3A_947 = arith.index_cast %get3A_946 : i32 to index
      %get3A_948 = arith.index_cast %mul3A_945 : i32 to index
      %get3A_949 = tpu.vector_load %arg6[%get3A_947, %get3A_948] {strides = array<i32>} : memref<2x16384xf32, #tpu.memory_space<vmem>>, vector<1x16xf32>,
      %get3A_950 = vector.shape_cast %get3A_949 : vector<1x16xf32> to vector<16xf32>
      %mul3A_951 = arith.constant 16 : i32
      %mul3A_952 = arith.muli %scan3A_936, %mul3A_951 : i32
      %get3A_953 = arith.constant 0 : i32
      %get3A_954 = arith.index_cast %get3A_953 : i32 to index
      %get3A_955 = arith.index_cast %mul3A_952 : i32 to index
      %get3A_956 = tpu.vector_load %arg7[%get3A_954, %get3A_955] {strides = array<i32>} : memref<2x16384xf32, #tpu.memory_space<vmem>>, vector<1x16xf32>,
      %get3A_957 = vector.shape_cast %get3A_956 : vector<1x16xf32> to vector<16xf32>
      %gt3A_958 = arith.constant 0.000000e+00 : f32
      %gt3A_959 = vector.broadcast %gt3A_958 : f32 to vector<16xf32>
      %gt3A_960 = arith.cmpf ogt, %get3A_957, %gt3A_959 : vector<16xf32>
      %sub3A_961 = arith.subf %get3A_943, %get3A_950 : vector<16xf32>
      %abs3A_962 = math.absf %sub3A_961 : vector<16xf32>
      %jit3A_963 = arith.constant 0.000000e+00 : f32
      %broadcast_in_dim3A_964 = vector.broadcast %jit3A_963 : f32 to vector<16xf32>
      %select_n3A_965 = arith.select %gt3A_960, %abs3A_962, %broadcast_in_dim3A_964 : vector<16xi1>, vector<16xf32>
      %add3A_966 = arith.addf %add3A_928, %select_n3A_965 : vector<16xf32>
      %jit3A_967 = arith.constant 1.000000e+00 : f32
      %jit3A_968 = arith.constant 0.000000e+00 : f32
      %broadcast_in_dim3A_969 = vector.broadcast %jit3A_967 : f32 to vector<16xf32>
      %broadcast_in_dim3A_970 = vector.broadcast %jit3A_968 : f32 to vector<16xf32>
      %select_n3A_971 = arith.select %gt3A_960, %broadcast_in_dim3A_969, %broadcast_in_dim3A_970 : vector<16xi1>, vector<16xf32>
      %add3A_972 = arith.addf %add3A_934, %select_n3A_971 : vector<16xf32>
      %scan3A_973 = arith.constant 6 : i32
      %scan3A_974 = arith.addi %scan3A_750, %scan3A_973 : i32
      %mul3A_975 = arith.constant 16 : i32
      %mul3A_976 = arith.muli %scan3A_974, %mul3A_975 : i32
      %get3A_977 = arith.constant 0 : i32
      %get3A_978 = arith.index_cast %get3A_977 : i32 to index
      %get3A_979 = arith.index_cast %mul3A_976 : i32 to index
      %get3A_980 = tpu.vector_load %arg5[%get3A_978, %get3A_979] {strides = array<i32>} : memref<2x16384xf32, #tpu.memory_space<vmem>>, vector<1x16xf32>,
      %get3A_981 = vector.shape_cast %get3A_980 : vector<1x16xf32> to vector<16xf32>
      %mul3A_982 = arith.constant 16 : i32
      %mul3A_983 = arith.muli %scan3A_974, %mul3A_982 : i32
      %get3A_984 = arith.constant 0 : i32
      %get3A_985 = arith.index_cast %get3A_984 : i32 to index
      %get3A_986 = arith.index_cast %mul3A_983 : i32 to index
      %get3A_987 = tpu.vector_load %arg6[%get3A_985, %get3A_986] {strides = array<i32>} : memref<2x16384xf32, #tpu.memory_space<vmem>>, vector<1x16xf32>,
      %get3A_988 = vector.shape_cast %get3A_987 : vector<1x16xf32> to vector<16xf32>
      %mul3A_989 = arith.constant 16 : i32
      %mul3A_990 = arith.muli %scan3A_974, %mul3A_989 : i32
      %get3A_991 = arith.constant 0 : i32
      %get3A_992 = arith.index_cast %get3A_991 : i32 to index
      %get3A_993 = arith.index_cast %mul3A_990 : i32 to index
      %get3A_994 = tpu.vector_load %arg7[%get3A_992, %get3A_993] {strides = array<i32>} : memref<2x16384xf32, #tpu.memory_space<vmem>>, vector<1x16xf32>,
      %get3A_995 = vector.shape_cast %get3A_994 : vector<1x16xf32> to vector<16xf32>
      %gt3A_996 = arith.constant 0.000000e+00 : f32
      %gt3A_997 = vector.broadcast %gt3A_996 : f32 to vector<16xf32>
      %gt3A_998 = arith.cmpf ogt, %get3A_995, %gt3A_997 : vector<16xf32>
      %sub3A_999 = arith.subf %get3A_981, %get3A_988 : vector<16xf32>
      %abs3A_1000 = math.absf %sub3A_999 : vector<16xf32>
      %jit3A_1001 = arith.constant 0.000000e+00 : f32
      %broadcast_in_dim3A_1002 = vector.broadcast %jit3A_1001 : f32 to vector<16xf32>
      %select_n3A_1003 = arith.select %gt3A_998, %abs3A_1000, %broadcast_in_dim3A_1002 : vector<16xi1>, vector<16xf32>
      %add3A_1004 = arith.addf %add3A_966, %select_n3A_1003 : vector<16xf32>
      %jit3A_1005 = arith.constant 1.000000e+00 : f32
      %jit3A_1006 = arith.constant 0.000000e+00 : f32
      %broadcast_in_dim3A_1007 = vector.broadcast %jit3A_1005 : f32 to vector<16xf32>
      %broadcast_in_dim3A_1008 = vector.broadcast %jit3A_1006 : f32 to vector<16xf32>
      %select_n3A_1009 = arith.select %gt3A_998, %broadcast_in_dim3A_1007, %broadcast_in_dim3A_1008 : vector<16xi1>, vector<16xf32>
      %add3A_1010 = arith.addf %add3A_972, %select_n3A_1009 : vector<16xf32>
      %scan3A_1011 = arith.constant 7 : i32
      %scan3A_1012 = arith.addi %scan3A_750, %scan3A_1011 : i32
      %mul3A_1013 = arith.constant 16 : i32
      %mul3A_1014 = arith.muli %scan3A_1012, %mul3A_1013 : i32
      %get3A_1015 = arith.constant 0 : i32
      %get3A_1016 = arith.index_cast %get3A_1015 : i32 to index
      %get3A_1017 = arith.index_cast %mul3A_1014 : i32 to index
      %get3A_1018 = tpu.vector_load %arg5[%get3A_1016, %get3A_1017] {strides = array<i32>} : memref<2x16384xf32, #tpu.memory_space<vmem>>, vector<1x16xf32>,
      %get3A_1019 = vector.shape_cast %get3A_1018 : vector<1x16xf32> to vector<16xf32>
      %mul3A_1020 = arith.constant 16 : i32
      %mul3A_1021 = arith.muli %scan3A_1012, %mul3A_1020 : i32
      %get3A_1022 = arith.constant 0 : i32
      %get3A_1023 = arith.index_cast %get3A_1022 : i32 to index
      %get3A_1024 = arith.index_cast %mul3A_1021 : i32 to index
      %get3A_1025 = tpu.vector_load %arg6[%get3A_1023, %get3A_1024] {strides = array<i32>} : memref<2x16384xf32, #tpu.memory_space<vmem>>, vector<1x16xf32>,
      %get3A_1026 = vector.shape_cast %get3A_1025 : vector<1x16xf32> to vector<16xf32>
      %mul3A_1027 = arith.constant 16 : i32
      %mul3A_1028 = arith.muli %scan3A_1012, %mul3A_1027 : i32
      %get3A_1029 = arith.constant 0 : i32
      %get3A_1030 = arith.index_cast %get3A_1029 : i32 to index
      %get3A_1031 = arith.index_cast %mul3A_1028 : i32 to index
      %get3A_1032 = tpu.vector_load %arg7[%get3A_1030, %get3A_1031] {strides = array<i32>} : memref<2x16384xf32, #tpu.memory_space<vmem>>, vector<1x16xf32>,
      %get3A_1033 = vector.shape_cast %get3A_1032 : vector<1x16xf32> to vector<16xf32>
      %gt3A_1034 = arith.constant 0.000000e+00 : f32
      %gt3A_1035 = vector.broadcast %gt3A_1034 : f32 to vector<16xf32>
      %gt3A_1036 = arith.cmpf ogt, %get3A_1033, %gt3A_1035 : vector<16xf32>
      %sub3A_1037 = arith.subf %get3A_1019, %get3A_1026 : vector<16xf32>
      %abs3A_1038 = math.absf %sub3A_1037 : vector<16xf32>
      %jit3A_1039 = arith.constant 0.000000e+00 : f32
      %broadcast_in_dim3A_1040 = vector.broadcast %jit3A_1039 : f32 to vector<16xf32>
      %select_n3A_1041 = arith.select %gt3A_1036, %abs3A_1038, %broadcast_in_dim3A_1040 : vector<16xi1>, vector<16xf32>
      %add3A_1042 = arith.addf %add3A_1004, %select_n3A_1041 : vector<16xf32>
      %jit3A_1043 = arith.constant 1.000000e+00 : f32
      %jit3A_1044 = arith.constant 0.000000e+00 : f32
      %broadcast_in_dim3A_1045 = vector.broadcast %jit3A_1043 : f32 to vector<16xf32>
      %broadcast_in_dim3A_1046 = vector.broadcast %jit3A_1044 : f32 to vector<16xf32>
      %select_n3A_1047 = arith.select %gt3A_1036, %broadcast_in_dim3A_1045, %broadcast_in_dim3A_1046 : vector<16xi1>, vector<16xf32>
      %add3A_1048 = arith.addf %add3A_1010, %select_n3A_1047 : vector<16xf32>
      scf.yield %add3A_1042, %add3A_1048 : vector<16xf32>, vector<16xf32>
    }
    %scan3A_505 = arith.constant 1024 : i32
    %add3A_506 = arith.constant 98304 : i32
    %add3A_507 = arith.addi %add3A_4, %add3A_506 : i32
    %dma_start3A_508 = arith.constant 0 : i32
    %dma_start3A_509 = arith.constant 0 : i32
    %dma_start3A_510 = arith.constant 0 : i32
    %dma_start3A_511 = arith.constant 0 : i32
    %dma_start3A_512 = tpu.memref_slice %arg5[%dma_start3A_508, %dma_start3A_511] : memref<2x16384xf32, #tpu.memory_space<vmem>> -> memref<1x16384xf32, #tpu.memory_space<vmem>>
    %dma_start3A_513 = tpu.memref_squeeze %dma_start3A_512 : memref<1x16384xf32, #tpu.memory_space<vmem>> -> memref<16384xf32, #tpu.memory_space<vmem>>
    %dma_start3A_514 = tpu.memref_slice %arg2[%add3A_507] : memref<4194304xf32, #tpu.memory_space<hbm>> -> memref<16384xf32, #tpu.memory_space<hbm>>
    %dma_start3A_515 = tpu.memref_slice %arg9[%dma_start3A_509, %dma_start3A_510] : memref<2x3x!tpu.dma_semaphore, #tpu.memory_space<semaphore_mem>> -> memref<1x1x!tpu.dma_semaphore, #tpu.memory_space<semaphore_mem>>
    %dma_start3A_516 = tpu.memref_squeeze %dma_start3A_515 : memref<1x1x!tpu.dma_semaphore, #tpu.memory_space<semaphore_mem>> -> memref<!tpu.dma_semaphore, #tpu.memory_space<semaphore_mem>>
    %dma_start3A_517 = arith.constant 0 : i32
    %dma_start3A_518 = tpu.memref_slice %arg5[%dma_start3A_508, %dma_start3A_517] : memref<2x16384xf32, #tpu.memory_space<vmem>> -> memref<1x16384xf32, #tpu.memory_space<vmem>>
    %dma_start3A_519 = tpu.memref_squeeze %dma_start3A_518 : memref<1x16384xf32, #tpu.memory_space<vmem>> -> memref<16384xf32, #tpu.memory_space<vmem>>
    %dma_start3A_520 = tpu.memref_slice %arg2[%add3A_507] : memref<4194304xf32, #tpu.memory_space<hbm>> -> memref<16384xf32, #tpu.memory_space<hbm>>
    tpu.enqueue_dma source(%dma_start3A_520 : memref<16384xf32, #tpu.memory_space<hbm>>) target(%dma_start3A_519 : memref<16384xf32, #tpu.memory_space<vmem>>) target_semaphore(%dma_start3A_516 : memref<!tpu.dma_semaphore, #tpu.memory_space<semaphore_mem>>)
    %dma_start3A_521 = arith.constant 0 : i32
    %dma_start3A_522 = arith.constant 0 : i32
    %dma_start3A_523 = arith.constant 1 : i32
    %dma_start3A_524 = arith.constant 0 : i32
    %dma_start3A_525 = tpu.memref_slice %arg6[%dma_start3A_521, %dma_start3A_524] : memref<2x16384xf32, #tpu.memory_space<vmem>> -> memref<1x16384xf32, #tpu.memory_space<vmem>>
    %dma_start3A_526 = tpu.memref_squeeze %dma_start3A_525 : memref<1x16384xf32, #tpu.memory_space<vmem>> -> memref<16384xf32, #tpu.memory_space<vmem>>
    %dma_start3A_527 = tpu.memref_slice %arg3[%add3A_507] : memref<8388608xf32, #tpu.memory_space<hbm>> -> memref<16384xf32, #tpu.memory_space<hbm>>
    %dma_start3A_528 = tpu.memref_slice %arg9[%dma_start3A_522, %dma_start3A_523] : memref<2x3x!tpu.dma_semaphore, #tpu.memory_space<semaphore_mem>> -> memref<1x1x!tpu.dma_semaphore, #tpu.memory_space<semaphore_mem>>
    %dma_start3A_529 = tpu.memref_squeeze %dma_start3A_528 : memref<1x1x!tpu.dma_semaphore, #tpu.memory_space<semaphore_mem>> -> memref<!tpu.dma_semaphore, #tpu.memory_space<semaphore_mem>>
    %dma_start3A_530 = arith.constant 0 : i32
    %dma_start3A_531 = tpu.memref_slice %arg6[%dma_start3A_521, %dma_start3A_530] : memref<2x16384xf32, #tpu.memory_space<vmem>> -> memref<1x16384xf32, #tpu.memory_space<vmem>>
    %dma_start3A_532 = tpu.memref_squeeze %dma_start3A_531 : memref<1x16384xf32, #tpu.memory_space<vmem>> -> memref<16384xf32, #tpu.memory_space<vmem>>
    %dma_start3A_533 = tpu.memref_slice %arg3[%add3A_507] : memref<8388608xf32, #tpu.memory_space<hbm>> -> memref<16384xf32, #tpu.memory_space<hbm>>
    tpu.enqueue_dma source(%dma_start3A_533 : memref<16384xf32, #tpu.memory_space<hbm>>) target(%dma_start3A_532 : memref<16384xf32, #tpu.memory_space<vmem>>) target_semaphore(%dma_start3A_529 : memref<!tpu.dma_semaphore, #tpu.memory_space<semaphore_mem>>)
    %add3A_534 = arith.constant 4194304 : i32
    %add3A_535 = arith.addi %add3A_534, %add3A_507 : i32
    %dma_start3A_536 = arith.constant 0 : i32
    %dma_start3A_537 = arith.constant 0 : i32
    %dma_start3A_538 = arith.constant 2 : i32
    %dma_start3A_539 = arith.constant 0 : i32
    %dma_start3A_540 = tpu.memref_slice %arg7[%dma_start3A_536, %dma_start3A_539] : memref<2x16384xf32, #tpu.memory_space<vmem>> -> memref<1x16384xf32, #tpu.memory_space<vmem>>
    %dma_start3A_541 = tpu.memref_squeeze %dma_start3A_540 : memref<1x16384xf32, #tpu.memory_space<vmem>> -> memref<16384xf32, #tpu.memory_space<vmem>>
    %dma_start3A_542 = tpu.memref_slice %arg3[%add3A_535] : memref<8388608xf32, #tpu.memory_space<hbm>> -> memref<16384xf32, #tpu.memory_space<hbm>>
    %dma_start3A_543 = tpu.memref_slice %arg9[%dma_start3A_537, %dma_start3A_538] : memref<2x3x!tpu.dma_semaphore, #tpu.memory_space<semaphore_mem>> -> memref<1x1x!tpu.dma_semaphore, #tpu.memory_space<semaphore_mem>>
    %dma_start3A_544 = tpu.memref_squeeze %dma_start3A_543 : memref<1x1x!tpu.dma_semaphore, #tpu.memory_space<semaphore_mem>> -> memref<!tpu.dma_semaphore, #tpu.memory_space<semaphore_mem>>
    %dma_start3A_545 = arith.constant 0 : i32
    %dma_start3A_546 = tpu.memref_slice %arg7[%dma_start3A_536, %dma_start3A_545] : memref<2x16384xf32, #tpu.memory_space<vmem>> -> memref<1x16384xf32, #tpu.memory_space<vmem>>
    %dma_start3A_547 = tpu.memref_squeeze %dma_start3A_546 : memref<1x16384xf32, #tpu.memory_space<vmem>> -> memref<16384xf32, #tpu.memory_space<vmem>>
    %dma_start3A_548 = tpu.memref_slice %arg3[%add3A_535] : memref<8388608xf32, #tpu.memory_space<hbm>> -> memref<16384xf32, #tpu.memory_space<hbm>>
    tpu.enqueue_dma source(%dma_start3A_548 : memref<16384xf32, #tpu.memory_space<hbm>>) target(%dma_start3A_547 : memref<16384xf32, #tpu.memory_space<vmem>>) target_semaphore(%dma_start3A_544 : memref<!tpu.dma_semaphore, #tpu.memory_space<semaphore_mem>>)
    %add3A_549 = arith.constant 81920 : i32
    %add3A_550 = arith.addi %add3A_4, %add3A_549 : i32
    %dma_wait3A_551 = arith.constant 1 : i32
    %dma_wait3A_552 = arith.constant 1 : i32
    %dma_wait3A_553 = arith.constant 0 : i32
    %dma_wait3A_554 = arith.constant 0 : i32
    %dma_wait3A_555 = tpu.memref_slice %arg5[%dma_wait3A_551, %dma_wait3A_554] : memref<2x16384xf32, #tpu.memory_space<vmem>> -> memref<1x16384xf32, #tpu.memory_space<vmem>>
    %dma_wait3A_556 = tpu.memref_squeeze %dma_wait3A_555 : memref<1x16384xf32, #tpu.memory_space<vmem>> -> memref<16384xf32, #tpu.memory_space<vmem>>
    %dma_wait3A_557 = tpu.memref_slice %arg2[%add3A_550] : memref<4194304xf32, #tpu.memory_space<hbm>> -> memref<16384xf32, #tpu.memory_space<hbm>>
    %dma_wait3A_558 = tpu.memref_slice %arg9[%dma_wait3A_552, %dma_wait3A_553] : memref<2x3x!tpu.dma_semaphore, #tpu.memory_space<semaphore_mem>> -> memref<1x1x!tpu.dma_semaphore, #tpu.memory_space<semaphore_mem>>
    %dma_wait3A_559 = tpu.memref_squeeze %dma_wait3A_558 : memref<1x1x!tpu.dma_semaphore, #tpu.memory_space<semaphore_mem>> -> memref<!tpu.dma_semaphore, #tpu.memory_space<semaphore_mem>>
    %dma_wait3A_560 = arith.constant 0 : i32
    %dma_wait3A_561 = tpu.memref_slice %arg5[%dma_wait3A_551, %dma_wait3A_560] : memref<2x16384xf32, #tpu.memory_space<vmem>> -> memref<1x16384xf32, #tpu.memory_space<vmem>>
    %dma_wait3A_562 = tpu.memref_squeeze %dma_wait3A_561 : memref<1x16384xf32, #tpu.memory_space<vmem>> -> memref<16384xf32, #tpu.memory_space<vmem>>
    %dma_wait3A_563 = tpu.memref_slice %arg2[%add3A_550] : memref<4194304xf32, #tpu.memory_space<hbm>> -> memref<16384xf32, #tpu.memory_space<hbm>>
    tpu.wait_dma2 semaphore(%dma_wait3A_559 : memref<!tpu.dma_semaphore, #tpu.memory_space<semaphore_mem>>) src(%dma_wait3A_563 : memref<16384xf32, #tpu.memory_space<hbm>>) dst(%dma_wait3A_562 : memref<16384xf32, #tpu.memory_space<vmem>>)
    %dma_wait3A_564 = arith.constant 1 : i32
    %dma_wait3A_565 = arith.constant 1 : i32
    %dma_wait3A_566 = arith.constant 1 : i32
    %dma_wait3A_567 = arith.constant 0 : i32
    %dma_wait3A_568 = tpu.memref_slice %arg6[%dma_wait3A_564, %dma_wait3A_567] : memref<2x16384xf32, #tpu.memory_space<vmem>> -> memref<1x16384xf32, #tpu.memory_space<vmem>>
    %dma_wait3A_569 = tpu.memref_squeeze %dma_wait3A_568 : memref<1x16384xf32, #tpu.memory_space<vmem>> -> memref<16384xf32, #tpu.memory_space<vmem>>
    %dma_wait3A_570 = tpu.memref_slice %arg3[%add3A_550] : memref<8388608xf32, #tpu.memory_space<hbm>> -> memref<16384xf32, #tpu.memory_space<hbm>>
    %dma_wait3A_571 = tpu.memref_slice %arg9[%dma_wait3A_565, %dma_wait3A_566] : memref<2x3x!tpu.dma_semaphore, #tpu.memory_space<semaphore_mem>> -> memref<1x1x!tpu.dma_semaphore, #tpu.memory_space<semaphore_mem>>
    %dma_wait3A_572 = tpu.memref_squeeze %dma_wait3A_571 : memref<1x1x!tpu.dma_semaphore, #tpu.memory_space<semaphore_mem>> -> memref<!tpu.dma_semaphore, #tpu.memory_space<semaphore_mem>>
    %dma_wait3A_573 = arith.constant 0 : i32
    %dma_wait3A_574 = tpu.memref_slice %arg6[%dma_wait3A_564, %dma_wait3A_573] : memref<2x16384xf32, #tpu.memory_space<vmem>> -> memref<1x16384xf32, #tpu.memory_space<vmem>>
    %dma_wait3A_575 = tpu.memref_squeeze %dma_wait3A_574 : memref<1x16384xf32, #tpu.memory_space<vmem>> -> memref<16384xf32, #tpu.memory_space<vmem>>
    %dma_wait3A_576 = tpu.memref_slice %arg3[%add3A_550] : memref<8388608xf32, #tpu.memory_space<hbm>> -> memref<16384xf32, #tpu.memory_space<hbm>>
    tpu.wait_dma2 semaphore(%dma_wait3A_572 : memref<!tpu.dma_semaphore, #tpu.memory_space<semaphore_mem>>) src(%dma_wait3A_576 : memref<16384xf32, #tpu.memory_space<hbm>>) dst(%dma_wait3A_575 : memref<16384xf32, #tpu.memory_space<vmem>>)
    %add3A_577 = arith.constant 4194304 : i32
    %add3A_578 = arith.addi %add3A_577, %add3A_550 : i32
    %dma_wait3A_579 = arith.constant 1 : i32
    %dma_wait3A_580 = arith.constant 1 : i32
    %dma_wait3A_581 = arith.constant 2 : i32
    %dma_wait3A_582 = arith.constant 0 : i32
    %dma_wait3A_583 = tpu.memref_slice %arg7[%dma_wait3A_579, %dma_wait3A_582] : memref<2x16384xf32, #tpu.memory_space<vmem>> -> memref<1x16384xf32, #tpu.memory_space<vmem>>
    %dma_wait3A_584 = tpu.memref_squeeze %dma_wait3A_583 : memref<1x16384xf32, #tpu.memory_space<vmem>> -> memref<16384xf32, #tpu.memory_space<vmem>>
    %dma_wait3A_585 = tpu.memref_slice %arg3[%add3A_578] : memref<8388608xf32, #tpu.memory_space<hbm>> -> memref<16384xf32, #tpu.memory_space<hbm>>
    %dma_wait3A_586 = tpu.memref_slice %arg9[%dma_wait3A_580, %dma_wait3A_581] : memref<2x3x!tpu.dma_semaphore, #tpu.memory_space<semaphore_mem>> -> memref<1x1x!tpu.dma_semaphore, #tpu.memory_space<semaphore_mem>>
    %dma_wait3A_587 = tpu.memref_squeeze %dma_wait3A_586 : memref<1x1x!tpu.dma_semaphore, #tpu.memory_space<semaphore_mem>> -> memref<!tpu.dma_semaphore, #tpu.memory_space<semaphore_mem>>
    %dma_wait3A_588 = arith.constant 0 : i32
    %dma_wait3A_589 = tpu.memref_slice %arg7[%dma_wait3A_579, %dma_wait3A_588] : memref<2x16384xf32, #tpu.memory_space<vmem>> -> memref<1x16384xf32, #tpu.memory_space<vmem>>
    %dma_wait3A_590 = tpu.memref_squeeze %dma_wait3A_589 : memref<1x16384xf32, #tpu.memory_space<vmem>> -> memref<16384xf32, #tpu.memory_space<vmem>>
    %dma_wait3A_591 = tpu.memref_slice %arg3[%add3A_578] : memref<8388608xf32, #tpu.memory_space<hbm>> -> memref<16384xf32, #tpu.memory_space<hbm>>
    tpu.wait_dma2 semaphore(%dma_wait3A_587 : memref<!tpu.dma_semaphore, #tpu.memory_space<semaphore_mem>>) src(%dma_wait3A_591 : memref<16384xf32, #tpu.memory_space<hbm>>) dst(%dma_wait3A_590 : memref<16384xf32, #tpu.memory_space<vmem>>)
    %scan3A_592 = arith.constant 0 : i32
    %scan3A_593 = arith.constant 1024 : i32
    %scan3A_594 = arith.addi %scan3A_592, %scan3A_593 : i32
    %scan3A_595 = arith.constant 8 : i32
    %scan3A_596:2 = scf.for %scan3A_750 = %scan3A_592 to %scan3A_594 step %scan3A_595 iter_args(%scan3A_751 = %scan3A_504#0, %scan3A_752 = %scan3A_504#1) -> (vector<16xf32>, vector<16xf32>)  : i32 {
      %mul3A_753 = arith.constant 16 : i32
      %mul3A_754 = arith.muli %scan3A_750, %mul3A_753 : i32
      %get3A = arith.constant 1 : i32
      %get3A_755 = arith.index_cast %get3A : i32 to index
      %get3A_756 = arith.index_cast %mul3A_754 : i32 to index
      %get3A_757 = tpu.vector_load %arg5[%get3A_755, %get3A_756] {strides = array<i32>} : memref<2x16384xf32, #tpu.memory_space<vmem>>, vector<1x16xf32>,
      %get3A_758 = vector.shape_cast %get3A_757 : vector<1x16xf32> to vector<16xf32>
      %mul3A_759 = arith.constant 16 : i32
      %mul3A_760 = arith.muli %scan3A_750, %mul3A_759 : i32
      %get3A_761 = arith.constant 1 : i32
      %get3A_762 = arith.index_cast %get3A_761 : i32 to index
      %get3A_763 = arith.index_cast %mul3A_760 : i32 to index
      %get3A_764 = tpu.vector_load %arg6[%get3A_762, %get3A_763] {strides = array<i32>} : memref<2x16384xf32, #tpu.memory_space<vmem>>, vector<1x16xf32>,
      %get3A_765 = vector.shape_cast %get3A_764 : vector<1x16xf32> to vector<16xf32>
      %mul3A_766 = arith.constant 16 : i32
      %mul3A_767 = arith.muli %scan3A_750, %mul3A_766 : i32
      %get3A_768 = arith.constant 1 : i32
      %get3A_769 = arith.index_cast %get3A_768 : i32 to index
      %get3A_770 = arith.index_cast %mul3A_767 : i32 to index
      %get3A_771 = tpu.vector_load %arg7[%get3A_769, %get3A_770] {strides = array<i32>} : memref<2x16384xf32, #tpu.memory_space<vmem>>, vector<1x16xf32>,
      %get3A_772 = vector.shape_cast %get3A_771 : vector<1x16xf32> to vector<16xf32>
      %gt3A = arith.constant 0.000000e+00 : f32
      %gt3A_773 = vector.broadcast %gt3A : f32 to vector<16xf32>
      %gt3A_774 = arith.cmpf ogt, %get3A_772, %gt3A_773 : vector<16xf32>
      %sub3A = arith.subf %get3A_758, %get3A_765 : vector<16xf32>
      %abs3A = math.absf %sub3A : vector<16xf32>
      %jit3A = arith.constant 0.000000e+00 : f32
      %broadcast_in_dim3A_775 = vector.broadcast %jit3A : f32 to vector<16xf32>
      %select_n3A = arith.select %gt3A_774, %abs3A, %broadcast_in_dim3A_775 : vector<16xi1>, vector<16xf32>
      %add3A_776 = arith.addf %scan3A_751, %select_n3A : vector<16xf32>
      %jit3A_777 = arith.constant 1.000000e+00 : f32
      %jit3A_778 = arith.constant 0.000000e+00 : f32
      %broadcast_in_dim3A_779 = vector.broadcast %jit3A_777 : f32 to vector<16xf32>
      %broadcast_in_dim3A_780 = vector.broadcast %jit3A_778 : f32 to vector<16xf32>
      %select_n3A_781 = arith.select %gt3A_774, %broadcast_in_dim3A_779, %broadcast_in_dim3A_780 : vector<16xi1>, vector<16xf32>
      %add3A_782 = arith.addf %scan3A_752, %select_n3A_781 : vector<16xf32>
      %scan3A_783 = arith.constant 1 : i32
      %scan3A_784 = arith.addi %scan3A_750, %scan3A_783 : i32
      %mul3A_785 = arith.constant 16 : i32
      %mul3A_786 = arith.muli %scan3A_784, %mul3A_785 : i32
      %get3A_787 = arith.constant 1 : i32
      %get3A_788 = arith.index_cast %get3A_787 : i32 to index
      %get3A_789 = arith.index_cast %mul3A_786 : i32 to index
      %get3A_790 = tpu.vector_load %arg5[%get3A_788, %get3A_789] {strides = array<i32>} : memref<2x16384xf32, #tpu.memory_space<vmem>>, vector<1x16xf32>,
      %get3A_791 = vector.shape_cast %get3A_790 : vector<1x16xf32> to vector<16xf32>
      %mul3A_792 = arith.constant 16 : i32
      %mul3A_793 = arith.muli %scan3A_784, %mul3A_792 : i32
      %get3A_794 = arith.constant 1 : i32
      %get3A_795 = arith.index_cast %get3A_794 : i32 to index
      %get3A_796 = arith.index_cast %mul3A_793 : i32 to index
      %get3A_797 = tpu.vector_load %arg6[%get3A_795, %get3A_796] {strides = array<i32>} : memref<2x16384xf32, #tpu.memory_space<vmem>>, vector<1x16xf32>,
      %get3A_798 = vector.shape_cast %get3A_797 : vector<1x16xf32> to vector<16xf32>
      %mul3A_799 = arith.constant 16 : i32
      %mul3A_800 = arith.muli %scan3A_784, %mul3A_799 : i32
      %get3A_801 = arith.constant 1 : i32
      %get3A_802 = arith.index_cast %get3A_801 : i32 to index
      %get3A_803 = arith.index_cast %mul3A_800 : i32 to index
      %get3A_804 = tpu.vector_load %arg7[%get3A_802, %get3A_803] {strides = array<i32>} : memref<2x16384xf32, #tpu.memory_space<vmem>>, vector<1x16xf32>,
      %get3A_805 = vector.shape_cast %get3A_804 : vector<1x16xf32> to vector<16xf32>
      %gt3A_806 = arith.constant 0.000000e+00 : f32
      %gt3A_807 = vector.broadcast %gt3A_806 : f32 to vector<16xf32>
      %gt3A_808 = arith.cmpf ogt, %get3A_805, %gt3A_807 : vector<16xf32>
      %sub3A_809 = arith.subf %get3A_791, %get3A_798 : vector<16xf32>
      %abs3A_810 = math.absf %sub3A_809 : vector<16xf32>
      %jit3A_811 = arith.constant 0.000000e+00 : f32
      %broadcast_in_dim3A_812 = vector.broadcast %jit3A_811 : f32 to vector<16xf32>
      %select_n3A_813 = arith.select %gt3A_808, %abs3A_810, %broadcast_in_dim3A_812 : vector<16xi1>, vector<16xf32>
      %add3A_814 = arith.addf %add3A_776, %select_n3A_813 : vector<16xf32>
      %jit3A_815 = arith.constant 1.000000e+00 : f32
      %jit3A_816 = arith.constant 0.000000e+00 : f32
      %broadcast_in_dim3A_817 = vector.broadcast %jit3A_815 : f32 to vector<16xf32>
      %broadcast_in_dim3A_818 = vector.broadcast %jit3A_816 : f32 to vector<16xf32>
      %select_n3A_819 = arith.select %gt3A_808, %broadcast_in_dim3A_817, %broadcast_in_dim3A_818 : vector<16xi1>, vector<16xf32>
      %add3A_820 = arith.addf %add3A_782, %select_n3A_819 : vector<16xf32>
      %scan3A_821 = arith.constant 2 : i32
      %scan3A_822 = arith.addi %scan3A_750, %scan3A_821 : i32
      %mul3A_823 = arith.constant 16 : i32
      %mul3A_824 = arith.muli %scan3A_822, %mul3A_823 : i32
      %get3A_825 = arith.constant 1 : i32
      %get3A_826 = arith.index_cast %get3A_825 : i32 to index
      %get3A_827 = arith.index_cast %mul3A_824 : i32 to index
      %get3A_828 = tpu.vector_load %arg5[%get3A_826, %get3A_827] {strides = array<i32>} : memref<2x16384xf32, #tpu.memory_space<vmem>>, vector<1x16xf32>,
      %get3A_829 = vector.shape_cast %get3A_828 : vector<1x16xf32> to vector<16xf32>
      %mul3A_830 = arith.constant 16 : i32
      %mul3A_831 = arith.muli %scan3A_822, %mul3A_830 : i32
      %get3A_832 = arith.constant 1 : i32
      %get3A_833 = arith.index_cast %get3A_832 : i32 to index
      %get3A_834 = arith.index_cast %mul3A_831 : i32 to index
      %get3A_835 = tpu.vector_load %arg6[%get3A_833, %get3A_834] {strides = array<i32>} : memref<2x16384xf32, #tpu.memory_space<vmem>>, vector<1x16xf32>,
      %get3A_836 = vector.shape_cast %get3A_835 : vector<1x16xf32> to vector<16xf32>
      %mul3A_837 = arith.constant 16 : i32
      %mul3A_838 = arith.muli %scan3A_822, %mul3A_837 : i32
      %get3A_839 = arith.constant 1 : i32
      %get3A_840 = arith.index_cast %get3A_839 : i32 to index
      %get3A_841 = arith.index_cast %mul3A_838 : i32 to index
      %get3A_842 = tpu.vector_load %arg7[%get3A_840, %get3A_841] {strides = array<i32>} : memref<2x16384xf32, #tpu.memory_space<vmem>>, vector<1x16xf32>,
      %get3A_843 = vector.shape_cast %get3A_842 : vector<1x16xf32> to vector<16xf32>
      %gt3A_844 = arith.constant 0.000000e+00 : f32
      %gt3A_845 = vector.broadcast %gt3A_844 : f32 to vector<16xf32>
      %gt3A_846 = arith.cmpf ogt, %get3A_843, %gt3A_845 : vector<16xf32>
      %sub3A_847 = arith.subf %get3A_829, %get3A_836 : vector<16xf32>
      %abs3A_848 = math.absf %sub3A_847 : vector<16xf32>
      %jit3A_849 = arith.constant 0.000000e+00 : f32
      %broadcast_in_dim3A_850 = vector.broadcast %jit3A_849 : f32 to vector<16xf32>
      %select_n3A_851 = arith.select %gt3A_846, %abs3A_848, %broadcast_in_dim3A_850 : vector<16xi1>, vector<16xf32>
      %add3A_852 = arith.addf %add3A_814, %select_n3A_851 : vector<16xf32>
      %jit3A_853 = arith.constant 1.000000e+00 : f32
      %jit3A_854 = arith.constant 0.000000e+00 : f32
      %broadcast_in_dim3A_855 = vector.broadcast %jit3A_853 : f32 to vector<16xf32>
      %broadcast_in_dim3A_856 = vector.broadcast %jit3A_854 : f32 to vector<16xf32>
      %select_n3A_857 = arith.select %gt3A_846, %broadcast_in_dim3A_855, %broadcast_in_dim3A_856 : vector<16xi1>, vector<16xf32>
      %add3A_858 = arith.addf %add3A_820, %select_n3A_857 : vector<16xf32>
      %scan3A_859 = arith.constant 3 : i32
      %scan3A_860 = arith.addi %scan3A_750, %scan3A_859 : i32
      %mul3A_861 = arith.constant 16 : i32
      %mul3A_862 = arith.muli %scan3A_860, %mul3A_861 : i32
      %get3A_863 = arith.constant 1 : i32
      %get3A_864 = arith.index_cast %get3A_863 : i32 to index
      %get3A_865 = arith.index_cast %mul3A_862 : i32 to index
      %get3A_866 = tpu.vector_load %arg5[%get3A_864, %get3A_865] {strides = array<i32>} : memref<2x16384xf32, #tpu.memory_space<vmem>>, vector<1x16xf32>,
      %get3A_867 = vector.shape_cast %get3A_866 : vector<1x16xf32> to vector<16xf32>
      %mul3A_868 = arith.constant 16 : i32
      %mul3A_869 = arith.muli %scan3A_860, %mul3A_868 : i32
      %get3A_870 = arith.constant 1 : i32
      %get3A_871 = arith.index_cast %get3A_870 : i32 to index
      %get3A_872 = arith.index_cast %mul3A_869 : i32 to index
      %get3A_873 = tpu.vector_load %arg6[%get3A_871, %get3A_872] {strides = array<i32>} : memref<2x16384xf32, #tpu.memory_space<vmem>>, vector<1x16xf32>,
      %get3A_874 = vector.shape_cast %get3A_873 : vector<1x16xf32> to vector<16xf32>
      %mul3A_875 = arith.constant 16 : i32
      %mul3A_876 = arith.muli %scan3A_860, %mul3A_875 : i32
      %get3A_877 = arith.constant 1 : i32
      %get3A_878 = arith.index_cast %get3A_877 : i32 to index
      %get3A_879 = arith.index_cast %mul3A_876 : i32 to index
      %get3A_880 = tpu.vector_load %arg7[%get3A_878, %get3A_879] {strides = array<i32>} : memref<2x16384xf32, #tpu.memory_space<vmem>>, vector<1x16xf32>,
      %get3A_881 = vector.shape_cast %get3A_880 : vector<1x16xf32> to vector<16xf32>
      %gt3A_882 = arith.constant 0.000000e+00 : f32
      %gt3A_883 = vector.broadcast %gt3A_882 : f32 to vector<16xf32>
      %gt3A_884 = arith.cmpf ogt, %get3A_881, %gt3A_883 : vector<16xf32>
      %sub3A_885 = arith.subf %get3A_867, %get3A_874 : vector<16xf32>
      %abs3A_886 = math.absf %sub3A_885 : vector<16xf32>
      %jit3A_887 = arith.constant 0.000000e+00 : f32
      %broadcast_in_dim3A_888 = vector.broadcast %jit3A_887 : f32 to vector<16xf32>
      %select_n3A_889 = arith.select %gt3A_884, %abs3A_886, %broadcast_in_dim3A_888 : vector<16xi1>, vector<16xf32>
      %add3A_890 = arith.addf %add3A_852, %select_n3A_889 : vector<16xf32>
      %jit3A_891 = arith.constant 1.000000e+00 : f32
      %jit3A_892 = arith.constant 0.000000e+00 : f32
      %broadcast_in_dim3A_893 = vector.broadcast %jit3A_891 : f32 to vector<16xf32>
      %broadcast_in_dim3A_894 = vector.broadcast %jit3A_892 : f32 to vector<16xf32>
      %select_n3A_895 = arith.select %gt3A_884, %broadcast_in_dim3A_893, %broadcast_in_dim3A_894 : vector<16xi1>, vector<16xf32>
      %add3A_896 = arith.addf %add3A_858, %select_n3A_895 : vector<16xf32>
      %scan3A_897 = arith.constant 4 : i32
      %scan3A_898 = arith.addi %scan3A_750, %scan3A_897 : i32
      %mul3A_899 = arith.constant 16 : i32
      %mul3A_900 = arith.muli %scan3A_898, %mul3A_899 : i32
      %get3A_901 = arith.constant 1 : i32
      %get3A_902 = arith.index_cast %get3A_901 : i32 to index
      %get3A_903 = arith.index_cast %mul3A_900 : i32 to index
      %get3A_904 = tpu.vector_load %arg5[%get3A_902, %get3A_903] {strides = array<i32>} : memref<2x16384xf32, #tpu.memory_space<vmem>>, vector<1x16xf32>,
      %get3A_905 = vector.shape_cast %get3A_904 : vector<1x16xf32> to vector<16xf32>
      %mul3A_906 = arith.constant 16 : i32
      %mul3A_907 = arith.muli %scan3A_898, %mul3A_906 : i32
      %get3A_908 = arith.constant 1 : i32
      %get3A_909 = arith.index_cast %get3A_908 : i32 to index
      %get3A_910 = arith.index_cast %mul3A_907 : i32 to index
      %get3A_911 = tpu.vector_load %arg6[%get3A_909, %get3A_910] {strides = array<i32>} : memref<2x16384xf32, #tpu.memory_space<vmem>>, vector<1x16xf32>,
      %get3A_912 = vector.shape_cast %get3A_911 : vector<1x16xf32> to vector<16xf32>
      %mul3A_913 = arith.constant 16 : i32
      %mul3A_914 = arith.muli %scan3A_898, %mul3A_913 : i32
      %get3A_915 = arith.constant 1 : i32
      %get3A_916 = arith.index_cast %get3A_915 : i32 to index
      %get3A_917 = arith.index_cast %mul3A_914 : i32 to index
      %get3A_918 = tpu.vector_load %arg7[%get3A_916, %get3A_917] {strides = array<i32>} : memref<2x16384xf32, #tpu.memory_space<vmem>>, vector<1x16xf32>,
      %get3A_919 = vector.shape_cast %get3A_918 : vector<1x16xf32> to vector<16xf32>
      %gt3A_920 = arith.constant 0.000000e+00 : f32
      %gt3A_921 = vector.broadcast %gt3A_920 : f32 to vector<16xf32>
      %gt3A_922 = arith.cmpf ogt, %get3A_919, %gt3A_921 : vector<16xf32>
      %sub3A_923 = arith.subf %get3A_905, %get3A_912 : vector<16xf32>
      %abs3A_924 = math.absf %sub3A_923 : vector<16xf32>
      %jit3A_925 = arith.constant 0.000000e+00 : f32
      %broadcast_in_dim3A_926 = vector.broadcast %jit3A_925 : f32 to vector<16xf32>
      %select_n3A_927 = arith.select %gt3A_922, %abs3A_924, %broadcast_in_dim3A_926 : vector<16xi1>, vector<16xf32>
      %add3A_928 = arith.addf %add3A_890, %select_n3A_927 : vector<16xf32>
      %jit3A_929 = arith.constant 1.000000e+00 : f32
      %jit3A_930 = arith.constant 0.000000e+00 : f32
      %broadcast_in_dim3A_931 = vector.broadcast %jit3A_929 : f32 to vector<16xf32>
      %broadcast_in_dim3A_932 = vector.broadcast %jit3A_930 : f32 to vector<16xf32>
      %select_n3A_933 = arith.select %gt3A_922, %broadcast_in_dim3A_931, %broadcast_in_dim3A_932 : vector<16xi1>, vector<16xf32>
      %add3A_934 = arith.addf %add3A_896, %select_n3A_933 : vector<16xf32>
      %scan3A_935 = arith.constant 5 : i32
      %scan3A_936 = arith.addi %scan3A_750, %scan3A_935 : i32
      %mul3A_937 = arith.constant 16 : i32
      %mul3A_938 = arith.muli %scan3A_936, %mul3A_937 : i32
      %get3A_939 = arith.constant 1 : i32
      %get3A_940 = arith.index_cast %get3A_939 : i32 to index
      %get3A_941 = arith.index_cast %mul3A_938 : i32 to index
      %get3A_942 = tpu.vector_load %arg5[%get3A_940, %get3A_941] {strides = array<i32>} : memref<2x16384xf32, #tpu.memory_space<vmem>>, vector<1x16xf32>,
      %get3A_943 = vector.shape_cast %get3A_942 : vector<1x16xf32> to vector<16xf32>
      %mul3A_944 = arith.constant 16 : i32
      %mul3A_945 = arith.muli %scan3A_936, %mul3A_944 : i32
      %get3A_946 = arith.constant 1 : i32
      %get3A_947 = arith.index_cast %get3A_946 : i32 to index
      %get3A_948 = arith.index_cast %mul3A_945 : i32 to index
      %get3A_949 = tpu.vector_load %arg6[%get3A_947, %get3A_948] {strides = array<i32>} : memref<2x16384xf32, #tpu.memory_space<vmem>>, vector<1x16xf32>,
      %get3A_950 = vector.shape_cast %get3A_949 : vector<1x16xf32> to vector<16xf32>
      %mul3A_951 = arith.constant 16 : i32
      %mul3A_952 = arith.muli %scan3A_936, %mul3A_951 : i32
      %get3A_953 = arith.constant 1 : i32
      %get3A_954 = arith.index_cast %get3A_953 : i32 to index
      %get3A_955 = arith.index_cast %mul3A_952 : i32 to index
      %get3A_956 = tpu.vector_load %arg7[%get3A_954, %get3A_955] {strides = array<i32>} : memref<2x16384xf32, #tpu.memory_space<vmem>>, vector<1x16xf32>,
      %get3A_957 = vector.shape_cast %get3A_956 : vector<1x16xf32> to vector<16xf32>
      %gt3A_958 = arith.constant 0.000000e+00 : f32
      %gt3A_959 = vector.broadcast %gt3A_958 : f32 to vector<16xf32>
      %gt3A_960 = arith.cmpf ogt, %get3A_957, %gt3A_959 : vector<16xf32>
      %sub3A_961 = arith.subf %get3A_943, %get3A_950 : vector<16xf32>
      %abs3A_962 = math.absf %sub3A_961 : vector<16xf32>
      %jit3A_963 = arith.constant 0.000000e+00 : f32
      %broadcast_in_dim3A_964 = vector.broadcast %jit3A_963 : f32 to vector<16xf32>
      %select_n3A_965 = arith.select %gt3A_960, %abs3A_962, %broadcast_in_dim3A_964 : vector<16xi1>, vector<16xf32>
      %add3A_966 = arith.addf %add3A_928, %select_n3A_965 : vector<16xf32>
      %jit3A_967 = arith.constant 1.000000e+00 : f32
      %jit3A_968 = arith.constant 0.000000e+00 : f32
      %broadcast_in_dim3A_969 = vector.broadcast %jit3A_967 : f32 to vector<16xf32>
      %broadcast_in_dim3A_970 = vector.broadcast %jit3A_968 : f32 to vector<16xf32>
      %select_n3A_971 = arith.select %gt3A_960, %broadcast_in_dim3A_969, %broadcast_in_dim3A_970 : vector<16xi1>, vector<16xf32>
      %add3A_972 = arith.addf %add3A_934, %select_n3A_971 : vector<16xf32>
      %scan3A_973 = arith.constant 6 : i32
      %scan3A_974 = arith.addi %scan3A_750, %scan3A_973 : i32
      %mul3A_975 = arith.constant 16 : i32
      %mul3A_976 = arith.muli %scan3A_974, %mul3A_975 : i32
      %get3A_977 = arith.constant 1 : i32
      %get3A_978 = arith.index_cast %get3A_977 : i32 to index
      %get3A_979 = arith.index_cast %mul3A_976 : i32 to index
      %get3A_980 = tpu.vector_load %arg5[%get3A_978, %get3A_979] {strides = array<i32>} : memref<2x16384xf32, #tpu.memory_space<vmem>>, vector<1x16xf32>,
      %get3A_981 = vector.shape_cast %get3A_980 : vector<1x16xf32> to vector<16xf32>
      %mul3A_982 = arith.constant 16 : i32
      %mul3A_983 = arith.muli %scan3A_974, %mul3A_982 : i32
      %get3A_984 = arith.constant 1 : i32
      %get3A_985 = arith.index_cast %get3A_984 : i32 to index
      %get3A_986 = arith.index_cast %mul3A_983 : i32 to index
      %get3A_987 = tpu.vector_load %arg6[%get3A_985, %get3A_986] {strides = array<i32>} : memref<2x16384xf32, #tpu.memory_space<vmem>>, vector<1x16xf32>,
      %get3A_988 = vector.shape_cast %get3A_987 : vector<1x16xf32> to vector<16xf32>
      %mul3A_989 = arith.constant 16 : i32
      %mul3A_990 = arith.muli %scan3A_974, %mul3A_989 : i32
      %get3A_991 = arith.constant 1 : i32
      %get3A_992 = arith.index_cast %get3A_991 : i32 to index
      %get3A_993 = arith.index_cast %mul3A_990 : i32 to index
      %get3A_994 = tpu.vector_load %arg7[%get3A_992, %get3A_993] {strides = array<i32>} : memref<2x16384xf32, #tpu.memory_space<vmem>>, vector<1x16xf32>,
      %get3A_995 = vector.shape_cast %get3A_994 : vector<1x16xf32> to vector<16xf32>
      %gt3A_996 = arith.constant 0.000000e+00 : f32
      %gt3A_997 = vector.broadcast %gt3A_996 : f32 to vector<16xf32>
      %gt3A_998 = arith.cmpf ogt, %get3A_995, %gt3A_997 : vector<16xf32>
      %sub3A_999 = arith.subf %get3A_981, %get3A_988 : vector<16xf32>
      %abs3A_1000 = math.absf %sub3A_999 : vector<16xf32>
      %jit3A_1001 = arith.constant 0.000000e+00 : f32
      %broadcast_in_dim3A_1002 = vector.broadcast %jit3A_1001 : f32 to vector<16xf32>
      %select_n3A_1003 = arith.select %gt3A_998, %abs3A_1000, %broadcast_in_dim3A_1002 : vector<16xi1>, vector<16xf32>
      %add3A_1004 = arith.addf %add3A_966, %select_n3A_1003 : vector<16xf32>
      %jit3A_1005 = arith.constant 1.000000e+00 : f32
      %jit3A_1006 = arith.constant 0.000000e+00 : f32
      %broadcast_in_dim3A_1007 = vector.broadcast %jit3A_1005 : f32 to vector<16xf32>
      %broadcast_in_dim3A_1008 = vector.broadcast %jit3A_1006 : f32 to vector<16xf32>
      %select_n3A_1009 = arith.select %gt3A_998, %broadcast_in_dim3A_1007, %broadcast_in_dim3A_1008 : vector<16xi1>, vector<16xf32>
      %add3A_1010 = arith.addf %add3A_972, %select_n3A_1009 : vector<16xf32>
      %scan3A_1011 = arith.constant 7 : i32
      %scan3A_1012 = arith.addi %scan3A_750, %scan3A_1011 : i32
      %mul3A_1013 = arith.constant 16 : i32
      %mul3A_1014 = arith.muli %scan3A_1012, %mul3A_1013 : i32
      %get3A_1015 = arith.constant 1 : i32
      %get3A_1016 = arith.index_cast %get3A_1015 : i32 to index
      %get3A_1017 = arith.index_cast %mul3A_1014 : i32 to index
      %get3A_1018 = tpu.vector_load %arg5[%get3A_1016, %get3A_1017] {strides = array<i32>} : memref<2x16384xf32, #tpu.memory_space<vmem>>, vector<1x16xf32>,
      %get3A_1019 = vector.shape_cast %get3A_1018 : vector<1x16xf32> to vector<16xf32>
      %mul3A_1020 = arith.constant 16 : i32
      %mul3A_1021 = arith.muli %scan3A_1012, %mul3A_1020 : i32
      %get3A_1022 = arith.constant 1 : i32
      %get3A_1023 = arith.index_cast %get3A_1022 : i32 to index
      %get3A_1024 = arith.index_cast %mul3A_1021 : i32 to index
      %get3A_1025 = tpu.vector_load %arg6[%get3A_1023, %get3A_1024] {strides = array<i32>} : memref<2x16384xf32, #tpu.memory_space<vmem>>, vector<1x16xf32>,
      %get3A_1026 = vector.shape_cast %get3A_1025 : vector<1x16xf32> to vector<16xf32>
      %mul3A_1027 = arith.constant 16 : i32
      %mul3A_1028 = arith.muli %scan3A_1012, %mul3A_1027 : i32
      %get3A_1029 = arith.constant 1 : i32
      %get3A_1030 = arith.index_cast %get3A_1029 : i32 to index
      %get3A_1031 = arith.index_cast %mul3A_1028 : i32 to index
      %get3A_1032 = tpu.vector_load %arg7[%get3A_1030, %get3A_1031] {strides = array<i32>} : memref<2x16384xf32, #tpu.memory_space<vmem>>, vector<1x16xf32>,
      %get3A_1033 = vector.shape_cast %get3A_1032 : vector<1x16xf32> to vector<16xf32>
      %gt3A_1034 = arith.constant 0.000000e+00 : f32
      %gt3A_1035 = vector.broadcast %gt3A_1034 : f32 to vector<16xf32>
      %gt3A_1036 = arith.cmpf ogt, %get3A_1033, %gt3A_1035 : vector<16xf32>
      %sub3A_1037 = arith.subf %get3A_1019, %get3A_1026 : vector<16xf32>
      %abs3A_1038 = math.absf %sub3A_1037 : vector<16xf32>
      %jit3A_1039 = arith.constant 0.000000e+00 : f32
      %broadcast_in_dim3A_1040 = vector.broadcast %jit3A_1039 : f32 to vector<16xf32>
      %select_n3A_1041 = arith.select %gt3A_1036, %abs3A_1038, %broadcast_in_dim3A_1040 : vector<16xi1>, vector<16xf32>
      %add3A_1042 = arith.addf %add3A_1004, %select_n3A_1041 : vector<16xf32>
      %jit3A_1043 = arith.constant 1.000000e+00 : f32
      %jit3A_1044 = arith.constant 0.000000e+00 : f32
      %broadcast_in_dim3A_1045 = vector.broadcast %jit3A_1043 : f32 to vector<16xf32>
      %broadcast_in_dim3A_1046 = vector.broadcast %jit3A_1044 : f32 to vector<16xf32>
      %select_n3A_1047 = arith.select %gt3A_1036, %broadcast_in_dim3A_1045, %broadcast_in_dim3A_1046 : vector<16xi1>, vector<16xf32>
      %add3A_1048 = arith.addf %add3A_1010, %select_n3A_1047 : vector<16xf32>
      scf.yield %add3A_1042, %add3A_1048 : vector<16xf32>, vector<16xf32>
    }
    %scan3A_597 = arith.constant 1024 : i32
    %add3A_598 = arith.constant 114688 : i32
    %add3A_599 = arith.addi %add3A_4, %add3A_598 : i32
    %dma_start3A_600 = arith.constant 1 : i32
    %dma_start3A_601 = arith.constant 1 : i32
    %dma_start3A_602 = arith.constant 0 : i32
    %dma_start3A_603 = arith.constant 0 : i32
    %dma_start3A_604 = tpu.memref_slice %arg5[%dma_start3A_600, %dma_start3A_603] : memref<2x16384xf32, #tpu.memory_space<vmem>> -> memref<1x16384xf32, #tpu.memory_space<vmem>>
    %dma_start3A_605 = tpu.memref_squeeze %dma_start3A_604 : memref<1x16384xf32, #tpu.memory_space<vmem>> -> memref<16384xf32, #tpu.memory_space<vmem>>
    %dma_start3A_606 = tpu.memref_slice %arg2[%add3A_599] : memref<4194304xf32, #tpu.memory_space<hbm>> -> memref<16384xf32, #tpu.memory_space<hbm>>
    %dma_start3A_607 = tpu.memref_slice %arg9[%dma_start3A_601, %dma_start3A_602] : memref<2x3x!tpu.dma_semaphore, #tpu.memory_space<semaphore_mem>> -> memref<1x1x!tpu.dma_semaphore, #tpu.memory_space<semaphore_mem>>
    %dma_start3A_608 = tpu.memref_squeeze %dma_start3A_607 : memref<1x1x!tpu.dma_semaphore, #tpu.memory_space<semaphore_mem>> -> memref<!tpu.dma_semaphore, #tpu.memory_space<semaphore_mem>>
    %dma_start3A_609 = arith.constant 0 : i32
    %dma_start3A_610 = tpu.memref_slice %arg5[%dma_start3A_600, %dma_start3A_609] : memref<2x16384xf32, #tpu.memory_space<vmem>> -> memref<1x16384xf32, #tpu.memory_space<vmem>>
    %dma_start3A_611 = tpu.memref_squeeze %dma_start3A_610 : memref<1x16384xf32, #tpu.memory_space<vmem>> -> memref<16384xf32, #tpu.memory_space<vmem>>
    %dma_start3A_612 = tpu.memref_slice %arg2[%add3A_599] : memref<4194304xf32, #tpu.memory_space<hbm>> -> memref<16384xf32, #tpu.memory_space<hbm>>
    tpu.enqueue_dma source(%dma_start3A_612 : memref<16384xf32, #tpu.memory_space<hbm>>) target(%dma_start3A_611 : memref<16384xf32, #tpu.memory_space<vmem>>) target_semaphore(%dma_start3A_608 : memref<!tpu.dma_semaphore, #tpu.memory_space<semaphore_mem>>)
    %dma_start3A_613 = arith.constant 1 : i32
    %dma_start3A_614 = arith.constant 1 : i32
    %dma_start3A_615 = arith.constant 1 : i32
    %dma_start3A_616 = arith.constant 0 : i32
    %dma_start3A_617 = tpu.memref_slice %arg6[%dma_start3A_613, %dma_start3A_616] : memref<2x16384xf32, #tpu.memory_space<vmem>> -> memref<1x16384xf32, #tpu.memory_space<vmem>>
    %dma_start3A_618 = tpu.memref_squeeze %dma_start3A_617 : memref<1x16384xf32, #tpu.memory_space<vmem>> -> memref<16384xf32, #tpu.memory_space<vmem>>
    %dma_start3A_619 = tpu.memref_slice %arg3[%add3A_599] : memref<8388608xf32, #tpu.memory_space<hbm>> -> memref<16384xf32, #tpu.memory_space<hbm>>
    %dma_start3A_620 = tpu.memref_slice %arg9[%dma_start3A_614, %dma_start3A_615] : memref<2x3x!tpu.dma_semaphore, #tpu.memory_space<semaphore_mem>> -> memref<1x1x!tpu.dma_semaphore, #tpu.memory_space<semaphore_mem>>
    %dma_start3A_621 = tpu.memref_squeeze %dma_start3A_620 : memref<1x1x!tpu.dma_semaphore, #tpu.memory_space<semaphore_mem>> -> memref<!tpu.dma_semaphore, #tpu.memory_space<semaphore_mem>>
    %dma_start3A_622 = arith.constant 0 : i32
    %dma_start3A_623 = tpu.memref_slice %arg6[%dma_start3A_613, %dma_start3A_622] : memref<2x16384xf32, #tpu.memory_space<vmem>> -> memref<1x16384xf32, #tpu.memory_space<vmem>>
    %dma_start3A_624 = tpu.memref_squeeze %dma_start3A_623 : memref<1x16384xf32, #tpu.memory_space<vmem>> -> memref<16384xf32, #tpu.memory_space<vmem>>
    %dma_start3A_625 = tpu.memref_slice %arg3[%add3A_599] : memref<8388608xf32, #tpu.memory_space<hbm>> -> memref<16384xf32, #tpu.memory_space<hbm>>
    tpu.enqueue_dma source(%dma_start3A_625 : memref<16384xf32, #tpu.memory_space<hbm>>) target(%dma_start3A_624 : memref<16384xf32, #tpu.memory_space<vmem>>) target_semaphore(%dma_start3A_621 : memref<!tpu.dma_semaphore, #tpu.memory_space<semaphore_mem>>)
    %add3A_626 = arith.constant 4194304 : i32
    %add3A_627 = arith.addi %add3A_626, %add3A_599 : i32
    %dma_start3A_628 = arith.constant 1 : i32
    %dma_start3A_629 = arith.constant 1 : i32
    %dma_start3A_630 = arith.constant 2 : i32
    %dma_start3A_631 = arith.constant 0 : i32
    %dma_start3A_632 = tpu.memref_slice %arg7[%dma_start3A_628, %dma_start3A_631] : memref<2x16384xf32, #tpu.memory_space<vmem>> -> memref<1x16384xf32, #tpu.memory_space<vmem>>
    %dma_start3A_633 = tpu.memref_squeeze %dma_start3A_632 : memref<1x16384xf32, #tpu.memory_space<vmem>> -> memref<16384xf32, #tpu.memory_space<vmem>>
    %dma_start3A_634 = tpu.memref_slice %arg3[%add3A_627] : memref<8388608xf32, #tpu.memory_space<hbm>> -> memref<16384xf32, #tpu.memory_space<hbm>>
    %dma_start3A_635 = tpu.memref_slice %arg9[%dma_start3A_629, %dma_start3A_630] : memref<2x3x!tpu.dma_semaphore, #tpu.memory_space<semaphore_mem>> -> memref<1x1x!tpu.dma_semaphore, #tpu.memory_space<semaphore_mem>>
    %dma_start3A_636 = tpu.memref_squeeze %dma_start3A_635 : memref<1x1x!tpu.dma_semaphore, #tpu.memory_space<semaphore_mem>> -> memref<!tpu.dma_semaphore, #tpu.memory_space<semaphore_mem>>
    %dma_start3A_637 = arith.constant 0 : i32
    %dma_start3A_638 = tpu.memref_slice %arg7[%dma_start3A_628, %dma_start3A_637] : memref<2x16384xf32, #tpu.memory_space<vmem>> -> memref<1x16384xf32, #tpu.memory_space<vmem>>
    %dma_start3A_639 = tpu.memref_squeeze %dma_start3A_638 : memref<1x16384xf32, #tpu.memory_space<vmem>> -> memref<16384xf32, #tpu.memory_space<vmem>>
    %dma_start3A_640 = tpu.memref_slice %arg3[%add3A_627] : memref<8388608xf32, #tpu.memory_space<hbm>> -> memref<16384xf32, #tpu.memory_space<hbm>>
    tpu.enqueue_dma source(%dma_start3A_640 : memref<16384xf32, #tpu.memory_space<hbm>>) target(%dma_start3A_639 : memref<16384xf32, #tpu.memory_space<vmem>>) target_semaphore(%dma_start3A_636 : memref<!tpu.dma_semaphore, #tpu.memory_space<semaphore_mem>>)
    %add3A_641 = arith.constant 98304 : i32
    %add3A_642 = arith.addi %add3A_4, %add3A_641 : i32
    %dma_wait3A_643 = arith.constant 0 : i32
    %dma_wait3A_644 = arith.constant 0 : i32
    %dma_wait3A_645 = arith.constant 0 : i32
    %dma_wait3A_646 = arith.constant 0 : i32
    %dma_wait3A_647 = tpu.memref_slice %arg5[%dma_wait3A_643, %dma_wait3A_646] : memref<2x16384xf32, #tpu.memory_space<vmem>> -> memref<1x16384xf32, #tpu.memory_space<vmem>>
    %dma_wait3A_648 = tpu.memref_squeeze %dma_wait3A_647 : memref<1x16384xf32, #tpu.memory_space<vmem>> -> memref<16384xf32, #tpu.memory_space<vmem>>
    %dma_wait3A_649 = tpu.memref_slice %arg2[%add3A_642] : memref<4194304xf32, #tpu.memory_space<hbm>> -> memref<16384xf32, #tpu.memory_space<hbm>>
    %dma_wait3A_650 = tpu.memref_slice %arg9[%dma_wait3A_644, %dma_wait3A_645] : memref<2x3x!tpu.dma_semaphore, #tpu.memory_space<semaphore_mem>> -> memref<1x1x!tpu.dma_semaphore, #tpu.memory_space<semaphore_mem>>
    %dma_wait3A_651 = tpu.memref_squeeze %dma_wait3A_650 : memref<1x1x!tpu.dma_semaphore, #tpu.memory_space<semaphore_mem>> -> memref<!tpu.dma_semaphore, #tpu.memory_space<semaphore_mem>>
    %dma_wait3A_652 = arith.constant 0 : i32
    %dma_wait3A_653 = tpu.memref_slice %arg5[%dma_wait3A_643, %dma_wait3A_652] : memref<2x16384xf32, #tpu.memory_space<vmem>> -> memref<1x16384xf32, #tpu.memory_space<vmem>>
    %dma_wait3A_654 = tpu.memref_squeeze %dma_wait3A_653 : memref<1x16384xf32, #tpu.memory_space<vmem>> -> memref<16384xf32, #tpu.memory_space<vmem>>
    %dma_wait3A_655 = tpu.memref_slice %arg2[%add3A_642] : memref<4194304xf32, #tpu.memory_space<hbm>> -> memref<16384xf32, #tpu.memory_space<hbm>>
    tpu.wait_dma2 semaphore(%dma_wait3A_651 : memref<!tpu.dma_semaphore, #tpu.memory_space<semaphore_mem>>) src(%dma_wait3A_655 : memref<16384xf32, #tpu.memory_space<hbm>>) dst(%dma_wait3A_654 : memref<16384xf32, #tpu.memory_space<vmem>>)
    %dma_wait3A_656 = arith.constant 0 : i32
    %dma_wait3A_657 = arith.constant 0 : i32
    %dma_wait3A_658 = arith.constant 1 : i32
    %dma_wait3A_659 = arith.constant 0 : i32
    %dma_wait3A_660 = tpu.memref_slice %arg6[%dma_wait3A_656, %dma_wait3A_659] : memref<2x16384xf32, #tpu.memory_space<vmem>> -> memref<1x16384xf32, #tpu.memory_space<vmem>>
    %dma_wait3A_661 = tpu.memref_squeeze %dma_wait3A_660 : memref<1x16384xf32, #tpu.memory_space<vmem>> -> memref<16384xf32, #tpu.memory_space<vmem>>
    %dma_wait3A_662 = tpu.memref_slice %arg3[%add3A_642] : memref<8388608xf32, #tpu.memory_space<hbm>> -> memref<16384xf32, #tpu.memory_space<hbm>>
    %dma_wait3A_663 = tpu.memref_slice %arg9[%dma_wait3A_657, %dma_wait3A_658] : memref<2x3x!tpu.dma_semaphore, #tpu.memory_space<semaphore_mem>> -> memref<1x1x!tpu.dma_semaphore, #tpu.memory_space<semaphore_mem>>
    %dma_wait3A_664 = tpu.memref_squeeze %dma_wait3A_663 : memref<1x1x!tpu.dma_semaphore, #tpu.memory_space<semaphore_mem>> -> memref<!tpu.dma_semaphore, #tpu.memory_space<semaphore_mem>>
    %dma_wait3A_665 = arith.constant 0 : i32
    %dma_wait3A_666 = tpu.memref_slice %arg6[%dma_wait3A_656, %dma_wait3A_665] : memref<2x16384xf32, #tpu.memory_space<vmem>> -> memref<1x16384xf32, #tpu.memory_space<vmem>>
    %dma_wait3A_667 = tpu.memref_squeeze %dma_wait3A_666 : memref<1x16384xf32, #tpu.memory_space<vmem>> -> memref<16384xf32, #tpu.memory_space<vmem>>
    %dma_wait3A_668 = tpu.memref_slice %arg3[%add3A_642] : memref<8388608xf32, #tpu.memory_space<hbm>> -> memref<16384xf32, #tpu.memory_space<hbm>>
    tpu.wait_dma2 semaphore(%dma_wait3A_664 : memref<!tpu.dma_semaphore, #tpu.memory_space<semaphore_mem>>) src(%dma_wait3A_668 : memref<16384xf32, #tpu.memory_space<hbm>>) dst(%dma_wait3A_667 : memref<16384xf32, #tpu.memory_space<vmem>>)
    %add3A_669 = arith.constant 4194304 : i32
    %add3A_670 = arith.addi %add3A_669, %add3A_642 : i32
    %dma_wait3A_671 = arith.constant 0 : i32
    %dma_wait3A_672 = arith.constant 0 : i32
    %dma_wait3A_673 = arith.constant 2 : i32
    %dma_wait3A_674 = arith.constant 0 : i32
    %dma_wait3A_675 = tpu.memref_slice %arg7[%dma_wait3A_671, %dma_wait3A_674] : memref<2x16384xf32, #tpu.memory_space<vmem>> -> memref<1x16384xf32, #tpu.memory_space<vmem>>
    %dma_wait3A_676 = tpu.memref_squeeze %dma_wait3A_675 : memref<1x16384xf32, #tpu.memory_space<vmem>> -> memref<16384xf32, #tpu.memory_space<vmem>>
    %dma_wait3A_677 = tpu.memref_slice %arg3[%add3A_670] : memref<8388608xf32, #tpu.memory_space<hbm>> -> memref<16384xf32, #tpu.memory_space<hbm>>
    %dma_wait3A_678 = tpu.memref_slice %arg9[%dma_wait3A_672, %dma_wait3A_673] : memref<2x3x!tpu.dma_semaphore, #tpu.memory_space<semaphore_mem>> -> memref<1x1x!tpu.dma_semaphore, #tpu.memory_space<semaphore_mem>>
    %dma_wait3A_679 = tpu.memref_squeeze %dma_wait3A_678 : memref<1x1x!tpu.dma_semaphore, #tpu.memory_space<semaphore_mem>> -> memref<!tpu.dma_semaphore, #tpu.memory_space<semaphore_mem>>
    %dma_wait3A_680 = arith.constant 0 : i32
    %dma_wait3A_681 = tpu.memref_slice %arg7[%dma_wait3A_671, %dma_wait3A_680] : memref<2x16384xf32, #tpu.memory_space<vmem>> -> memref<1x16384xf32, #tpu.memory_space<vmem>>
    %dma_wait3A_682 = tpu.memref_squeeze %dma_wait3A_681 : memref<1x16384xf32, #tpu.memory_space<vmem>> -> memref<16384xf32, #tpu.memory_space<vmem>>
    %dma_wait3A_683 = tpu.memref_slice %arg3[%add3A_670] : memref<8388608xf32, #tpu.memory_space<hbm>> -> memref<16384xf32, #tpu.memory_space<hbm>>
    tpu.wait_dma2 semaphore(%dma_wait3A_679 : memref<!tpu.dma_semaphore, #tpu.memory_space<semaphore_mem>>) src(%dma_wait3A_683 : memref<16384xf32, #tpu.memory_space<hbm>>) dst(%dma_wait3A_682 : memref<16384xf32, #tpu.memory_space<vmem>>)
    %scan3A_684 = arith.constant 0 : i32
    %scan3A_685 = arith.constant 1024 : i32
    %scan3A_686 = arith.addi %scan3A_684, %scan3A_685 : i32
    %scan3A_687 = arith.constant 8 : i32
    %scan3A_688:2 = scf.for %scan3A_750 = %scan3A_684 to %scan3A_686 step %scan3A_687 iter_args(%scan3A_751 = %scan3A_596#0, %scan3A_752 = %scan3A_596#1) -> (vector<16xf32>, vector<16xf32>)  : i32 {
      %mul3A_753 = arith.constant 16 : i32
      %mul3A_754 = arith.muli %scan3A_750, %mul3A_753 : i32
      %get3A = arith.constant 0 : i32
      %get3A_755 = arith.index_cast %get3A : i32 to index
      %get3A_756 = arith.index_cast %mul3A_754 : i32 to index
      %get3A_757 = tpu.vector_load %arg5[%get3A_755, %get3A_756] {strides = array<i32>} : memref<2x16384xf32, #tpu.memory_space<vmem>>, vector<1x16xf32>,
      %get3A_758 = vector.shape_cast %get3A_757 : vector<1x16xf32> to vector<16xf32>
      %mul3A_759 = arith.constant 16 : i32
      %mul3A_760 = arith.muli %scan3A_750, %mul3A_759 : i32
      %get3A_761 = arith.constant 0 : i32
      %get3A_762 = arith.index_cast %get3A_761 : i32 to index
      %get3A_763 = arith.index_cast %mul3A_760 : i32 to index
      %get3A_764 = tpu.vector_load %arg6[%get3A_762, %get3A_763] {strides = array<i32>} : memref<2x16384xf32, #tpu.memory_space<vmem>>, vector<1x16xf32>,
      %get3A_765 = vector.shape_cast %get3A_764 : vector<1x16xf32> to vector<16xf32>
      %mul3A_766 = arith.constant 16 : i32
      %mul3A_767 = arith.muli %scan3A_750, %mul3A_766 : i32
      %get3A_768 = arith.constant 0 : i32
      %get3A_769 = arith.index_cast %get3A_768 : i32 to index
      %get3A_770 = arith.index_cast %mul3A_767 : i32 to index
      %get3A_771 = tpu.vector_load %arg7[%get3A_769, %get3A_770] {strides = array<i32>} : memref<2x16384xf32, #tpu.memory_space<vmem>>, vector<1x16xf32>,
      %get3A_772 = vector.shape_cast %get3A_771 : vector<1x16xf32> to vector<16xf32>
      %gt3A = arith.constant 0.000000e+00 : f32
      %gt3A_773 = vector.broadcast %gt3A : f32 to vector<16xf32>
      %gt3A_774 = arith.cmpf ogt, %get3A_772, %gt3A_773 : vector<16xf32>
      %sub3A = arith.subf %get3A_758, %get3A_765 : vector<16xf32>
      %abs3A = math.absf %sub3A : vector<16xf32>
      %jit3A = arith.constant 0.000000e+00 : f32
      %broadcast_in_dim3A_775 = vector.broadcast %jit3A : f32 to vector<16xf32>
      %select_n3A = arith.select %gt3A_774, %abs3A, %broadcast_in_dim3A_775 : vector<16xi1>, vector<16xf32>
      %add3A_776 = arith.addf %scan3A_751, %select_n3A : vector<16xf32>
      %jit3A_777 = arith.constant 1.000000e+00 : f32
      %jit3A_778 = arith.constant 0.000000e+00 : f32
      %broadcast_in_dim3A_779 = vector.broadcast %jit3A_777 : f32 to vector<16xf32>
      %broadcast_in_dim3A_780 = vector.broadcast %jit3A_778 : f32 to vector<16xf32>
      %select_n3A_781 = arith.select %gt3A_774, %broadcast_in_dim3A_779, %broadcast_in_dim3A_780 : vector<16xi1>, vector<16xf32>
      %add3A_782 = arith.addf %scan3A_752, %select_n3A_781 : vector<16xf32>
      %scan3A_783 = arith.constant 1 : i32
      %scan3A_784 = arith.addi %scan3A_750, %scan3A_783 : i32
      %mul3A_785 = arith.constant 16 : i32
      %mul3A_786 = arith.muli %scan3A_784, %mul3A_785 : i32
      %get3A_787 = arith.constant 0 : i32
      %get3A_788 = arith.index_cast %get3A_787 : i32 to index
      %get3A_789 = arith.index_cast %mul3A_786 : i32 to index
      %get3A_790 = tpu.vector_load %arg5[%get3A_788, %get3A_789] {strides = array<i32>} : memref<2x16384xf32, #tpu.memory_space<vmem>>, vector<1x16xf32>,
      %get3A_791 = vector.shape_cast %get3A_790 : vector<1x16xf32> to vector<16xf32>
      %mul3A_792 = arith.constant 16 : i32
      %mul3A_793 = arith.muli %scan3A_784, %mul3A_792 : i32
      %get3A_794 = arith.constant 0 : i32
      %get3A_795 = arith.index_cast %get3A_794 : i32 to index
      %get3A_796 = arith.index_cast %mul3A_793 : i32 to index
      %get3A_797 = tpu.vector_load %arg6[%get3A_795, %get3A_796] {strides = array<i32>} : memref<2x16384xf32, #tpu.memory_space<vmem>>, vector<1x16xf32>,
      %get3A_798 = vector.shape_cast %get3A_797 : vector<1x16xf32> to vector<16xf32>
      %mul3A_799 = arith.constant 16 : i32
      %mul3A_800 = arith.muli %scan3A_784, %mul3A_799 : i32
      %get3A_801 = arith.constant 0 : i32
      %get3A_802 = arith.index_cast %get3A_801 : i32 to index
      %get3A_803 = arith.index_cast %mul3A_800 : i32 to index
      %get3A_804 = tpu.vector_load %arg7[%get3A_802, %get3A_803] {strides = array<i32>} : memref<2x16384xf32, #tpu.memory_space<vmem>>, vector<1x16xf32>,
      %get3A_805 = vector.shape_cast %get3A_804 : vector<1x16xf32> to vector<16xf32>
      %gt3A_806 = arith.constant 0.000000e+00 : f32
      %gt3A_807 = vector.broadcast %gt3A_806 : f32 to vector<16xf32>
      %gt3A_808 = arith.cmpf ogt, %get3A_805, %gt3A_807 : vector<16xf32>
      %sub3A_809 = arith.subf %get3A_791, %get3A_798 : vector<16xf32>
      %abs3A_810 = math.absf %sub3A_809 : vector<16xf32>
      %jit3A_811 = arith.constant 0.000000e+00 : f32
      %broadcast_in_dim3A_812 = vector.broadcast %jit3A_811 : f32 to vector<16xf32>
      %select_n3A_813 = arith.select %gt3A_808, %abs3A_810, %broadcast_in_dim3A_812 : vector<16xi1>, vector<16xf32>
      %add3A_814 = arith.addf %add3A_776, %select_n3A_813 : vector<16xf32>
      %jit3A_815 = arith.constant 1.000000e+00 : f32
      %jit3A_816 = arith.constant 0.000000e+00 : f32
      %broadcast_in_dim3A_817 = vector.broadcast %jit3A_815 : f32 to vector<16xf32>
      %broadcast_in_dim3A_818 = vector.broadcast %jit3A_816 : f32 to vector<16xf32>
      %select_n3A_819 = arith.select %gt3A_808, %broadcast_in_dim3A_817, %broadcast_in_dim3A_818 : vector<16xi1>, vector<16xf32>
      %add3A_820 = arith.addf %add3A_782, %select_n3A_819 : vector<16xf32>
      %scan3A_821 = arith.constant 2 : i32
      %scan3A_822 = arith.addi %scan3A_750, %scan3A_821 : i32
      %mul3A_823 = arith.constant 16 : i32
      %mul3A_824 = arith.muli %scan3A_822, %mul3A_823 : i32
      %get3A_825 = arith.constant 0 : i32
      %get3A_826 = arith.index_cast %get3A_825 : i32 to index
      %get3A_827 = arith.index_cast %mul3A_824 : i32 to index
      %get3A_828 = tpu.vector_load %arg5[%get3A_826, %get3A_827] {strides = array<i32>} : memref<2x16384xf32, #tpu.memory_space<vmem>>, vector<1x16xf32>,
      %get3A_829 = vector.shape_cast %get3A_828 : vector<1x16xf32> to vector<16xf32>
      %mul3A_830 = arith.constant 16 : i32
      %mul3A_831 = arith.muli %scan3A_822, %mul3A_830 : i32
      %get3A_832 = arith.constant 0 : i32
      %get3A_833 = arith.index_cast %get3A_832 : i32 to index
      %get3A_834 = arith.index_cast %mul3A_831 : i32 to index
      %get3A_835 = tpu.vector_load %arg6[%get3A_833, %get3A_834] {strides = array<i32>} : memref<2x16384xf32, #tpu.memory_space<vmem>>, vector<1x16xf32>,
      %get3A_836 = vector.shape_cast %get3A_835 : vector<1x16xf32> to vector<16xf32>
      %mul3A_837 = arith.constant 16 : i32
      %mul3A_838 = arith.muli %scan3A_822, %mul3A_837 : i32
      %get3A_839 = arith.constant 0 : i32
      %get3A_840 = arith.index_cast %get3A_839 : i32 to index
      %get3A_841 = arith.index_cast %mul3A_838 : i32 to index
      %get3A_842 = tpu.vector_load %arg7[%get3A_840, %get3A_841] {strides = array<i32>} : memref<2x16384xf32, #tpu.memory_space<vmem>>, vector<1x16xf32>,
      %get3A_843 = vector.shape_cast %get3A_842 : vector<1x16xf32> to vector<16xf32>
      %gt3A_844 = arith.constant 0.000000e+00 : f32
      %gt3A_845 = vector.broadcast %gt3A_844 : f32 to vector<16xf32>
      %gt3A_846 = arith.cmpf ogt, %get3A_843, %gt3A_845 : vector<16xf32>
      %sub3A_847 = arith.subf %get3A_829, %get3A_836 : vector<16xf32>
      %abs3A_848 = math.absf %sub3A_847 : vector<16xf32>
      %jit3A_849 = arith.constant 0.000000e+00 : f32
      %broadcast_in_dim3A_850 = vector.broadcast %jit3A_849 : f32 to vector<16xf32>
      %select_n3A_851 = arith.select %gt3A_846, %abs3A_848, %broadcast_in_dim3A_850 : vector<16xi1>, vector<16xf32>
      %add3A_852 = arith.addf %add3A_814, %select_n3A_851 : vector<16xf32>
      %jit3A_853 = arith.constant 1.000000e+00 : f32
      %jit3A_854 = arith.constant 0.000000e+00 : f32
      %broadcast_in_dim3A_855 = vector.broadcast %jit3A_853 : f32 to vector<16xf32>
      %broadcast_in_dim3A_856 = vector.broadcast %jit3A_854 : f32 to vector<16xf32>
      %select_n3A_857 = arith.select %gt3A_846, %broadcast_in_dim3A_855, %broadcast_in_dim3A_856 : vector<16xi1>, vector<16xf32>
      %add3A_858 = arith.addf %add3A_820, %select_n3A_857 : vector<16xf32>
      %scan3A_859 = arith.constant 3 : i32
      %scan3A_860 = arith.addi %scan3A_750, %scan3A_859 : i32
      %mul3A_861 = arith.constant 16 : i32
      %mul3A_862 = arith.muli %scan3A_860, %mul3A_861 : i32
      %get3A_863 = arith.constant 0 : i32
      %get3A_864 = arith.index_cast %get3A_863 : i32 to index
      %get3A_865 = arith.index_cast %mul3A_862 : i32 to index
      %get3A_866 = tpu.vector_load %arg5[%get3A_864, %get3A_865] {strides = array<i32>} : memref<2x16384xf32, #tpu.memory_space<vmem>>, vector<1x16xf32>,
      %get3A_867 = vector.shape_cast %get3A_866 : vector<1x16xf32> to vector<16xf32>
      %mul3A_868 = arith.constant 16 : i32
      %mul3A_869 = arith.muli %scan3A_860, %mul3A_868 : i32
      %get3A_870 = arith.constant 0 : i32
      %get3A_871 = arith.index_cast %get3A_870 : i32 to index
      %get3A_872 = arith.index_cast %mul3A_869 : i32 to index
      %get3A_873 = tpu.vector_load %arg6[%get3A_871, %get3A_872] {strides = array<i32>} : memref<2x16384xf32, #tpu.memory_space<vmem>>, vector<1x16xf32>,
      %get3A_874 = vector.shape_cast %get3A_873 : vector<1x16xf32> to vector<16xf32>
      %mul3A_875 = arith.constant 16 : i32
      %mul3A_876 = arith.muli %scan3A_860, %mul3A_875 : i32
      %get3A_877 = arith.constant 0 : i32
      %get3A_878 = arith.index_cast %get3A_877 : i32 to index
      %get3A_879 = arith.index_cast %mul3A_876 : i32 to index
      %get3A_880 = tpu.vector_load %arg7[%get3A_878, %get3A_879] {strides = array<i32>} : memref<2x16384xf32, #tpu.memory_space<vmem>>, vector<1x16xf32>,
      %get3A_881 = vector.shape_cast %get3A_880 : vector<1x16xf32> to vector<16xf32>
      %gt3A_882 = arith.constant 0.000000e+00 : f32
      %gt3A_883 = vector.broadcast %gt3A_882 : f32 to vector<16xf32>
      %gt3A_884 = arith.cmpf ogt, %get3A_881, %gt3A_883 : vector<16xf32>
      %sub3A_885 = arith.subf %get3A_867, %get3A_874 : vector<16xf32>
      %abs3A_886 = math.absf %sub3A_885 : vector<16xf32>
      %jit3A_887 = arith.constant 0.000000e+00 : f32
      %broadcast_in_dim3A_888 = vector.broadcast %jit3A_887 : f32 to vector<16xf32>
      %select_n3A_889 = arith.select %gt3A_884, %abs3A_886, %broadcast_in_dim3A_888 : vector<16xi1>, vector<16xf32>
      %add3A_890 = arith.addf %add3A_852, %select_n3A_889 : vector<16xf32>
      %jit3A_891 = arith.constant 1.000000e+00 : f32
      %jit3A_892 = arith.constant 0.000000e+00 : f32
      %broadcast_in_dim3A_893 = vector.broadcast %jit3A_891 : f32 to vector<16xf32>
      %broadcast_in_dim3A_894 = vector.broadcast %jit3A_892 : f32 to vector<16xf32>
      %select_n3A_895 = arith.select %gt3A_884, %broadcast_in_dim3A_893, %broadcast_in_dim3A_894 : vector<16xi1>, vector<16xf32>
      %add3A_896 = arith.addf %add3A_858, %select_n3A_895 : vector<16xf32>
      %scan3A_897 = arith.constant 4 : i32
      %scan3A_898 = arith.addi %scan3A_750, %scan3A_897 : i32
      %mul3A_899 = arith.constant 16 : i32
      %mul3A_900 = arith.muli %scan3A_898, %mul3A_899 : i32
      %get3A_901 = arith.constant 0 : i32
      %get3A_902 = arith.index_cast %get3A_901 : i32 to index
      %get3A_903 = arith.index_cast %mul3A_900 : i32 to index
      %get3A_904 = tpu.vector_load %arg5[%get3A_902, %get3A_903] {strides = array<i32>} : memref<2x16384xf32, #tpu.memory_space<vmem>>, vector<1x16xf32>,
      %get3A_905 = vector.shape_cast %get3A_904 : vector<1x16xf32> to vector<16xf32>
      %mul3A_906 = arith.constant 16 : i32
      %mul3A_907 = arith.muli %scan3A_898, %mul3A_906 : i32
      %get3A_908 = arith.constant 0 : i32
      %get3A_909 = arith.index_cast %get3A_908 : i32 to index
      %get3A_910 = arith.index_cast %mul3A_907 : i32 to index
      %get3A_911 = tpu.vector_load %arg6[%get3A_909, %get3A_910] {strides = array<i32>} : memref<2x16384xf32, #tpu.memory_space<vmem>>, vector<1x16xf32>,
      %get3A_912 = vector.shape_cast %get3A_911 : vector<1x16xf32> to vector<16xf32>
      %mul3A_913 = arith.constant 16 : i32
      %mul3A_914 = arith.muli %scan3A_898, %mul3A_913 : i32
      %get3A_915 = arith.constant 0 : i32
      %get3A_916 = arith.index_cast %get3A_915 : i32 to index
      %get3A_917 = arith.index_cast %mul3A_914 : i32 to index
      %get3A_918 = tpu.vector_load %arg7[%get3A_916, %get3A_917] {strides = array<i32>} : memref<2x16384xf32, #tpu.memory_space<vmem>>, vector<1x16xf32>,
      %get3A_919 = vector.shape_cast %get3A_918 : vector<1x16xf32> to vector<16xf32>
      %gt3A_920 = arith.constant 0.000000e+00 : f32
      %gt3A_921 = vector.broadcast %gt3A_920 : f32 to vector<16xf32>
      %gt3A_922 = arith.cmpf ogt, %get3A_919, %gt3A_921 : vector<16xf32>
      %sub3A_923 = arith.subf %get3A_905, %get3A_912 : vector<16xf32>
      %abs3A_924 = math.absf %sub3A_923 : vector<16xf32>
      %jit3A_925 = arith.constant 0.000000e+00 : f32
      %broadcast_in_dim3A_926 = vector.broadcast %jit3A_925 : f32 to vector<16xf32>
      %select_n3A_927 = arith.select %gt3A_922, %abs3A_924, %broadcast_in_dim3A_926 : vector<16xi1>, vector<16xf32>
      %add3A_928 = arith.addf %add3A_890, %select_n3A_927 : vector<16xf32>
      %jit3A_929 = arith.constant 1.000000e+00 : f32
      %jit3A_930 = arith.constant 0.000000e+00 : f32
      %broadcast_in_dim3A_931 = vector.broadcast %jit3A_929 : f32 to vector<16xf32>
      %broadcast_in_dim3A_932 = vector.broadcast %jit3A_930 : f32 to vector<16xf32>
      %select_n3A_933 = arith.select %gt3A_922, %broadcast_in_dim3A_931, %broadcast_in_dim3A_932 : vector<16xi1>, vector<16xf32>
      %add3A_934 = arith.addf %add3A_896, %select_n3A_933 : vector<16xf32>
      %scan3A_935 = arith.constant 5 : i32
      %scan3A_936 = arith.addi %scan3A_750, %scan3A_935 : i32
      %mul3A_937 = arith.constant 16 : i32
      %mul3A_938 = arith.muli %scan3A_936, %mul3A_937 : i32
      %get3A_939 = arith.constant 0 : i32
      %get3A_940 = arith.index_cast %get3A_939 : i32 to index
      %get3A_941 = arith.index_cast %mul3A_938 : i32 to index
      %get3A_942 = tpu.vector_load %arg5[%get3A_940, %get3A_941] {strides = array<i32>} : memref<2x16384xf32, #tpu.memory_space<vmem>>, vector<1x16xf32>,
      %get3A_943 = vector.shape_cast %get3A_942 : vector<1x16xf32> to vector<16xf32>
      %mul3A_944 = arith.constant 16 : i32
      %mul3A_945 = arith.muli %scan3A_936, %mul3A_944 : i32
      %get3A_946 = arith.constant 0 : i32
      %get3A_947 = arith.index_cast %get3A_946 : i32 to index
      %get3A_948 = arith.index_cast %mul3A_945 : i32 to index
      %get3A_949 = tpu.vector_load %arg6[%get3A_947, %get3A_948] {strides = array<i32>} : memref<2x16384xf32, #tpu.memory_space<vmem>>, vector<1x16xf32>,
      %get3A_950 = vector.shape_cast %get3A_949 : vector<1x16xf32> to vector<16xf32>
      %mul3A_951 = arith.constant 16 : i32
      %mul3A_952 = arith.muli %scan3A_936, %mul3A_951 : i32
      %get3A_953 = arith.constant 0 : i32
      %get3A_954 = arith.index_cast %get3A_953 : i32 to index
      %get3A_955 = arith.index_cast %mul3A_952 : i32 to index
      %get3A_956 = tpu.vector_load %arg7[%get3A_954, %get3A_955] {strides = array<i32>} : memref<2x16384xf32, #tpu.memory_space<vmem>>, vector<1x16xf32>,
      %get3A_957 = vector.shape_cast %get3A_956 : vector<1x16xf32> to vector<16xf32>
      %gt3A_958 = arith.constant 0.000000e+00 : f32
      %gt3A_959 = vector.broadcast %gt3A_958 : f32 to vector<16xf32>
      %gt3A_960 = arith.cmpf ogt, %get3A_957, %gt3A_959 : vector<16xf32>
      %sub3A_961 = arith.subf %get3A_943, %get3A_950 : vector<16xf32>
      %abs3A_962 = math.absf %sub3A_961 : vector<16xf32>
      %jit3A_963 = arith.constant 0.000000e+00 : f32
      %broadcast_in_dim3A_964 = vector.broadcast %jit3A_963 : f32 to vector<16xf32>
      %select_n3A_965 = arith.select %gt3A_960, %abs3A_962, %broadcast_in_dim3A_964 : vector<16xi1>, vector<16xf32>
      %add3A_966 = arith.addf %add3A_928, %select_n3A_965 : vector<16xf32>
      %jit3A_967 = arith.constant 1.000000e+00 : f32
      %jit3A_968 = arith.constant 0.000000e+00 : f32
      %broadcast_in_dim3A_969 = vector.broadcast %jit3A_967 : f32 to vector<16xf32>
      %broadcast_in_dim3A_970 = vector.broadcast %jit3A_968 : f32 to vector<16xf32>
      %select_n3A_971 = arith.select %gt3A_960, %broadcast_in_dim3A_969, %broadcast_in_dim3A_970 : vector<16xi1>, vector<16xf32>
      %add3A_972 = arith.addf %add3A_934, %select_n3A_971 : vector<16xf32>
      %scan3A_973 = arith.constant 6 : i32
      %scan3A_974 = arith.addi %scan3A_750, %scan3A_973 : i32
      %mul3A_975 = arith.constant 16 : i32
      %mul3A_976 = arith.muli %scan3A_974, %mul3A_975 : i32
      %get3A_977 = arith.constant 0 : i32
      %get3A_978 = arith.index_cast %get3A_977 : i32 to index
      %get3A_979 = arith.index_cast %mul3A_976 : i32 to index
      %get3A_980 = tpu.vector_load %arg5[%get3A_978, %get3A_979] {strides = array<i32>} : memref<2x16384xf32, #tpu.memory_space<vmem>>, vector<1x16xf32>,
      %get3A_981 = vector.shape_cast %get3A_980 : vector<1x16xf32> to vector<16xf32>
      %mul3A_982 = arith.constant 16 : i32
      %mul3A_983 = arith.muli %scan3A_974, %mul3A_982 : i32
      %get3A_984 = arith.constant 0 : i32
      %get3A_985 = arith.index_cast %get3A_984 : i32 to index
      %get3A_986 = arith.index_cast %mul3A_983 : i32 to index
      %get3A_987 = tpu.vector_load %arg6[%get3A_985, %get3A_986] {strides = array<i32>} : memref<2x16384xf32, #tpu.memory_space<vmem>>, vector<1x16xf32>,
      %get3A_988 = vector.shape_cast %get3A_987 : vector<1x16xf32> to vector<16xf32>
      %mul3A_989 = arith.constant 16 : i32
      %mul3A_990 = arith.muli %scan3A_974, %mul3A_989 : i32
      %get3A_991 = arith.constant 0 : i32
      %get3A_992 = arith.index_cast %get3A_991 : i32 to index
      %get3A_993 = arith.index_cast %mul3A_990 : i32 to index
      %get3A_994 = tpu.vector_load %arg7[%get3A_992, %get3A_993] {strides = array<i32>} : memref<2x16384xf32, #tpu.memory_space<vmem>>, vector<1x16xf32>,
      %get3A_995 = vector.shape_cast %get3A_994 : vector<1x16xf32> to vector<16xf32>
      %gt3A_996 = arith.constant 0.000000e+00 : f32
      %gt3A_997 = vector.broadcast %gt3A_996 : f32 to vector<16xf32>
      %gt3A_998 = arith.cmpf ogt, %get3A_995, %gt3A_997 : vector<16xf32>
      %sub3A_999 = arith.subf %get3A_981, %get3A_988 : vector<16xf32>
      %abs3A_1000 = math.absf %sub3A_999 : vector<16xf32>
      %jit3A_1001 = arith.constant 0.000000e+00 : f32
      %broadcast_in_dim3A_1002 = vector.broadcast %jit3A_1001 : f32 to vector<16xf32>
      %select_n3A_1003 = arith.select %gt3A_998, %abs3A_1000, %broadcast_in_dim3A_1002 : vector<16xi1>, vector<16xf32>
      %add3A_1004 = arith.addf %add3A_966, %select_n3A_1003 : vector<16xf32>
      %jit3A_1005 = arith.constant 1.000000e+00 : f32
      %jit3A_1006 = arith.constant 0.000000e+00 : f32
      %broadcast_in_dim3A_1007 = vector.broadcast %jit3A_1005 : f32 to vector<16xf32>
      %broadcast_in_dim3A_1008 = vector.broadcast %jit3A_1006 : f32 to vector<16xf32>
      %select_n3A_1009 = arith.select %gt3A_998, %broadcast_in_dim3A_1007, %broadcast_in_dim3A_1008 : vector<16xi1>, vector<16xf32>
      %add3A_1010 = arith.addf %add3A_972, %select_n3A_1009 : vector<16xf32>
      %scan3A_1011 = arith.constant 7 : i32
      %scan3A_1012 = arith.addi %scan3A_750, %scan3A_1011 : i32
      %mul3A_1013 = arith.constant 16 : i32
      %mul3A_1014 = arith.muli %scan3A_1012, %mul3A_1013 : i32
      %get3A_1015 = arith.constant 0 : i32
      %get3A_1016 = arith.index_cast %get3A_1015 : i32 to index
      %get3A_1017 = arith.index_cast %mul3A_1014 : i32 to index
      %get3A_1018 = tpu.vector_load %arg5[%get3A_1016, %get3A_1017] {strides = array<i32>} : memref<2x16384xf32, #tpu.memory_space<vmem>>, vector<1x16xf32>,
      %get3A_1019 = vector.shape_cast %get3A_1018 : vector<1x16xf32> to vector<16xf32>
      %mul3A_1020 = arith.constant 16 : i32
      %mul3A_1021 = arith.muli %scan3A_1012, %mul3A_1020 : i32
      %get3A_1022 = arith.constant 0 : i32
      %get3A_1023 = arith.index_cast %get3A_1022 : i32 to index
      %get3A_1024 = arith.index_cast %mul3A_1021 : i32 to index
      %get3A_1025 = tpu.vector_load %arg6[%get3A_1023, %get3A_1024] {strides = array<i32>} : memref<2x16384xf32, #tpu.memory_space<vmem>>, vector<1x16xf32>,
      %get3A_1026 = vector.shape_cast %get3A_1025 : vector<1x16xf32> to vector<16xf32>
      %mul3A_1027 = arith.constant 16 : i32
      %mul3A_1028 = arith.muli %scan3A_1012, %mul3A_1027 : i32
      %get3A_1029 = arith.constant 0 : i32
      %get3A_1030 = arith.index_cast %get3A_1029 : i32 to index
      %get3A_1031 = arith.index_cast %mul3A_1028 : i32 to index
      %get3A_1032 = tpu.vector_load %arg7[%get3A_1030, %get3A_1031] {strides = array<i32>} : memref<2x16384xf32, #tpu.memory_space<vmem>>, vector<1x16xf32>,
      %get3A_1033 = vector.shape_cast %get3A_1032 : vector<1x16xf32> to vector<16xf32>
      %gt3A_1034 = arith.constant 0.000000e+00 : f32
      %gt3A_1035 = vector.broadcast %gt3A_1034 : f32 to vector<16xf32>
      %gt3A_1036 = arith.cmpf ogt, %get3A_1033, %gt3A_1035 : vector<16xf32>
      %sub3A_1037 = arith.subf %get3A_1019, %get3A_1026 : vector<16xf32>
      %abs3A_1038 = math.absf %sub3A_1037 : vector<16xf32>
      %jit3A_1039 = arith.constant 0.000000e+00 : f32
      %broadcast_in_dim3A_1040 = vector.broadcast %jit3A_1039 : f32 to vector<16xf32>
      %select_n3A_1041 = arith.select %gt3A_1036, %abs3A_1038, %broadcast_in_dim3A_1040 : vector<16xi1>, vector<16xf32>
      %add3A_1042 = arith.addf %add3A_1004, %select_n3A_1041 : vector<16xf32>
      %jit3A_1043 = arith.constant 1.000000e+00 : f32
      %jit3A_1044 = arith.constant 0.000000e+00 : f32
      %broadcast_in_dim3A_1045 = vector.broadcast %jit3A_1043 : f32 to vector<16xf32>
      %broadcast_in_dim3A_1046 = vector.broadcast %jit3A_1044 : f32 to vector<16xf32>
      %select_n3A_1047 = arith.select %gt3A_1036, %broadcast_in_dim3A_1045, %broadcast_in_dim3A_1046 : vector<16xi1>, vector<16xf32>
      %add3A_1048 = arith.addf %add3A_1010, %select_n3A_1047 : vector<16xf32>
      scf.yield %add3A_1042, %add3A_1048 : vector<16xf32>, vector<16xf32>
    }
    %scan3A_689 = arith.constant 1024 : i32
    %add3A_690 = arith.constant 114688 : i32
    %add3A_691 = arith.addi %add3A_4, %add3A_690 : i32
    %dma_wait3A_692 = arith.constant 1 : i32
    %dma_wait3A_693 = arith.constant 1 : i32
    %dma_wait3A_694 = arith.constant 0 : i32
    %dma_wait3A_695 = arith.constant 0 : i32
    %dma_wait3A_696 = tpu.memref_slice %arg5[%dma_wait3A_692, %dma_wait3A_695] : memref<2x16384xf32, #tpu.memory_space<vmem>> -> memref<1x16384xf32, #tpu.memory_space<vmem>>
    %dma_wait3A_697 = tpu.memref_squeeze %dma_wait3A_696 : memref<1x16384xf32, #tpu.memory_space<vmem>> -> memref<16384xf32, #tpu.memory_space<vmem>>
    %dma_wait3A_698 = tpu.memref_slice %arg2[%add3A_691] : memref<4194304xf32, #tpu.memory_space<hbm>> -> memref<16384xf32, #tpu.memory_space<hbm>>
    %dma_wait3A_699 = tpu.memref_slice %arg9[%dma_wait3A_693, %dma_wait3A_694] : memref<2x3x!tpu.dma_semaphore, #tpu.memory_space<semaphore_mem>> -> memref<1x1x!tpu.dma_semaphore, #tpu.memory_space<semaphore_mem>>
    %dma_wait3A_700 = tpu.memref_squeeze %dma_wait3A_699 : memref<1x1x!tpu.dma_semaphore, #tpu.memory_space<semaphore_mem>> -> memref<!tpu.dma_semaphore, #tpu.memory_space<semaphore_mem>>
    %dma_wait3A_701 = arith.constant 0 : i32
    %dma_wait3A_702 = tpu.memref_slice %arg5[%dma_wait3A_692, %dma_wait3A_701] : memref<2x16384xf32, #tpu.memory_space<vmem>> -> memref<1x16384xf32, #tpu.memory_space<vmem>>
    %dma_wait3A_703 = tpu.memref_squeeze %dma_wait3A_702 : memref<1x16384xf32, #tpu.memory_space<vmem>> -> memref<16384xf32, #tpu.memory_space<vmem>>
    %dma_wait3A_704 = tpu.memref_slice %arg2[%add3A_691] : memref<4194304xf32, #tpu.memory_space<hbm>> -> memref<16384xf32, #tpu.memory_space<hbm>>
    tpu.wait_dma2 semaphore(%dma_wait3A_700 : memref<!tpu.dma_semaphore, #tpu.memory_space<semaphore_mem>>) src(%dma_wait3A_704 : memref<16384xf32, #tpu.memory_space<hbm>>) dst(%dma_wait3A_703 : memref<16384xf32, #tpu.memory_space<vmem>>)
    %dma_wait3A_705 = arith.constant 1 : i32
    %dma_wait3A_706 = arith.constant 1 : i32
    %dma_wait3A_707 = arith.constant 1 : i32
    %dma_wait3A_708 = arith.constant 0 : i32
    %dma_wait3A_709 = tpu.memref_slice %arg6[%dma_wait3A_705, %dma_wait3A_708] : memref<2x16384xf32, #tpu.memory_space<vmem>> -> memref<1x16384xf32, #tpu.memory_space<vmem>>
    %dma_wait3A_710 = tpu.memref_squeeze %dma_wait3A_709 : memref<1x16384xf32, #tpu.memory_space<vmem>> -> memref<16384xf32, #tpu.memory_space<vmem>>
    %dma_wait3A_711 = tpu.memref_slice %arg3[%add3A_691] : memref<8388608xf32, #tpu.memory_space<hbm>> -> memref<16384xf32, #tpu.memory_space<hbm>>
    %dma_wait3A_712 = tpu.memref_slice %arg9[%dma_wait3A_706, %dma_wait3A_707] : memref<2x3x!tpu.dma_semaphore, #tpu.memory_space<semaphore_mem>> -> memref<1x1x!tpu.dma_semaphore, #tpu.memory_space<semaphore_mem>>
    %dma_wait3A_713 = tpu.memref_squeeze %dma_wait3A_712 : memref<1x1x!tpu.dma_semaphore, #tpu.memory_space<semaphore_mem>> -> memref<!tpu.dma_semaphore, #tpu.memory_space<semaphore_mem>>
    %dma_wait3A_714 = arith.constant 0 : i32
    %dma_wait3A_715 = tpu.memref_slice %arg6[%dma_wait3A_705, %dma_wait3A_714] : memref<2x16384xf32, #tpu.memory_space<vmem>> -> memref<1x16384xf32, #tpu.memory_space<vmem>>
    %dma_wait3A_716 = tpu.memref_squeeze %dma_wait3A_715 : memref<1x16384xf32, #tpu.memory_space<vmem>> -> memref<16384xf32, #tpu.memory_space<vmem>>
    %dma_wait3A_717 = tpu.memref_slice %arg3[%add3A_691] : memref<8388608xf32, #tpu.memory_space<hbm>> -> memref<16384xf32, #tpu.memory_space<hbm>>
    tpu.wait_dma2 semaphore(%dma_wait3A_713 : memref<!tpu.dma_semaphore, #tpu.memory_space<semaphore_mem>>) src(%dma_wait3A_717 : memref<16384xf32, #tpu.memory_space<hbm>>) dst(%dma_wait3A_716 : memref<16384xf32, #tpu.memory_space<vmem>>)
    %add3A_718 = arith.constant 4194304 : i32
    %add3A_719 = arith.addi %add3A_718, %add3A_691 : i32
    %dma_wait3A_720 = arith.constant 1 : i32
    %dma_wait3A_721 = arith.constant 1 : i32
    %dma_wait3A_722 = arith.constant 2 : i32
    %dma_wait3A_723 = arith.constant 0 : i32
    %dma_wait3A_724 = tpu.memref_slice %arg7[%dma_wait3A_720, %dma_wait3A_723] : memref<2x16384xf32, #tpu.memory_space<vmem>> -> memref<1x16384xf32, #tpu.memory_space<vmem>>
    %dma_wait3A_725 = tpu.memref_squeeze %dma_wait3A_724 : memref<1x16384xf32, #tpu.memory_space<vmem>> -> memref<16384xf32, #tpu.memory_space<vmem>>
    %dma_wait3A_726 = tpu.memref_slice %arg3[%add3A_719] : memref<8388608xf32, #tpu.memory_space<hbm>> -> memref<16384xf32, #tpu.memory_space<hbm>>
    %dma_wait3A_727 = tpu.memref_slice %arg9[%dma_wait3A_721, %dma_wait3A_722] : memref<2x3x!tpu.dma_semaphore, #tpu.memory_space<semaphore_mem>> -> memref<1x1x!tpu.dma_semaphore, #tpu.memory_space<semaphore_mem>>
    %dma_wait3A_728 = tpu.memref_squeeze %dma_wait3A_727 : memref<1x1x!tpu.dma_semaphore, #tpu.memory_space<semaphore_mem>> -> memref<!tpu.dma_semaphore, #tpu.memory_space<semaphore_mem>>
    %dma_wait3A_729 = arith.constant 0 : i32
    %dma_wait3A_730 = tpu.memref_slice %arg7[%dma_wait3A_720, %dma_wait3A_729] : memref<2x16384xf32, #tpu.memory_space<vmem>> -> memref<1x16384xf32, #tpu.memory_space<vmem>>
    %dma_wait3A_731 = tpu.memref_squeeze %dma_wait3A_730 : memref<1x16384xf32, #tpu.memory_space<vmem>> -> memref<16384xf32, #tpu.memory_space<vmem>>
    %dma_wait3A_732 = tpu.memref_slice %arg3[%add3A_719] : memref<8388608xf32, #tpu.memory_space<hbm>> -> memref<16384xf32, #tpu.memory_space<hbm>>
    tpu.wait_dma2 semaphore(%dma_wait3A_728 : memref<!tpu.dma_semaphore, #tpu.memory_space<semaphore_mem>>) src(%dma_wait3A_732 : memref<16384xf32, #tpu.memory_space<hbm>>) dst(%dma_wait3A_731 : memref<16384xf32, #tpu.memory_space<vmem>>)
    %scan3A_733 = arith.constant 0 : i32
    %scan3A_734 = arith.constant 1024 : i32
    %scan3A_735 = arith.addi %scan3A_733, %scan3A_734 : i32
    %scan3A_736 = arith.constant 8 : i32
    %scan3A_737:2 = scf.for %scan3A_750 = %scan3A_733 to %scan3A_735 step %scan3A_736 iter_args(%scan3A_751 = %scan3A_688#0, %scan3A_752 = %scan3A_688#1) -> (vector<16xf32>, vector<16xf32>)  : i32 {
      %mul3A_753 = arith.constant 16 : i32
      %mul3A_754 = arith.muli %scan3A_750, %mul3A_753 : i32
      %get3A = arith.constant 1 : i32
      %get3A_755 = arith.index_cast %get3A : i32 to index
      %get3A_756 = arith.index_cast %mul3A_754 : i32 to index
      %get3A_757 = tpu.vector_load %arg5[%get3A_755, %get3A_756] {strides = array<i32>} : memref<2x16384xf32, #tpu.memory_space<vmem>>, vector<1x16xf32>,
      %get3A_758 = vector.shape_cast %get3A_757 : vector<1x16xf32> to vector<16xf32>
      %mul3A_759 = arith.constant 16 : i32
      %mul3A_760 = arith.muli %scan3A_750, %mul3A_759 : i32
      %get3A_761 = arith.constant 1 : i32
      %get3A_762 = arith.index_cast %get3A_761 : i32 to index
      %get3A_763 = arith.index_cast %mul3A_760 : i32 to index
      %get3A_764 = tpu.vector_load %arg6[%get3A_762, %get3A_763] {strides = array<i32>} : memref<2x16384xf32, #tpu.memory_space<vmem>>, vector<1x16xf32>,
      %get3A_765 = vector.shape_cast %get3A_764 : vector<1x16xf32> to vector<16xf32>
      %mul3A_766 = arith.constant 16 : i32
      %mul3A_767 = arith.muli %scan3A_750, %mul3A_766 : i32
      %get3A_768 = arith.constant 1 : i32
      %get3A_769 = arith.index_cast %get3A_768 : i32 to index
      %get3A_770 = arith.index_cast %mul3A_767 : i32 to index
      %get3A_771 = tpu.vector_load %arg7[%get3A_769, %get3A_770] {strides = array<i32>} : memref<2x16384xf32, #tpu.memory_space<vmem>>, vector<1x16xf32>,
      %get3A_772 = vector.shape_cast %get3A_771 : vector<1x16xf32> to vector<16xf32>
      %gt3A = arith.constant 0.000000e+00 : f32
      %gt3A_773 = vector.broadcast %gt3A : f32 to vector<16xf32>
      %gt3A_774 = arith.cmpf ogt, %get3A_772, %gt3A_773 : vector<16xf32>
      %sub3A = arith.subf %get3A_758, %get3A_765 : vector<16xf32>
      %abs3A = math.absf %sub3A : vector<16xf32>
      %jit3A = arith.constant 0.000000e+00 : f32
      %broadcast_in_dim3A_775 = vector.broadcast %jit3A : f32 to vector<16xf32>
      %select_n3A = arith.select %gt3A_774, %abs3A, %broadcast_in_dim3A_775 : vector<16xi1>, vector<16xf32>
      %add3A_776 = arith.addf %scan3A_751, %select_n3A : vector<16xf32>
      %jit3A_777 = arith.constant 1.000000e+00 : f32
      %jit3A_778 = arith.constant 0.000000e+00 : f32
      %broadcast_in_dim3A_779 = vector.broadcast %jit3A_777 : f32 to vector<16xf32>
      %broadcast_in_dim3A_780 = vector.broadcast %jit3A_778 : f32 to vector<16xf32>
      %select_n3A_781 = arith.select %gt3A_774, %broadcast_in_dim3A_779, %broadcast_in_dim3A_780 : vector<16xi1>, vector<16xf32>
      %add3A_782 = arith.addf %scan3A_752, %select_n3A_781 : vector<16xf32>
      %scan3A_783 = arith.constant 1 : i32
      %scan3A_784 = arith.addi %scan3A_750, %scan3A_783 : i32
      %mul3A_785 = arith.constant 16 : i32
      %mul3A_786 = arith.muli %scan3A_784, %mul3A_785 : i32
      %get3A_787 = arith.constant 1 : i32
      %get3A_788 = arith.index_cast %get3A_787 : i32 to index
      %get3A_789 = arith.index_cast %mul3A_786 : i32 to index
      %get3A_790 = tpu.vector_load %arg5[%get3A_788, %get3A_789] {strides = array<i32>} : memref<2x16384xf32, #tpu.memory_space<vmem>>, vector<1x16xf32>,
      %get3A_791 = vector.shape_cast %get3A_790 : vector<1x16xf32> to vector<16xf32>
      %mul3A_792 = arith.constant 16 : i32
      %mul3A_793 = arith.muli %scan3A_784, %mul3A_792 : i32
      %get3A_794 = arith.constant 1 : i32
      %get3A_795 = arith.index_cast %get3A_794 : i32 to index
      %get3A_796 = arith.index_cast %mul3A_793 : i32 to index
      %get3A_797 = tpu.vector_load %arg6[%get3A_795, %get3A_796] {strides = array<i32>} : memref<2x16384xf32, #tpu.memory_space<vmem>>, vector<1x16xf32>,
      %get3A_798 = vector.shape_cast %get3A_797 : vector<1x16xf32> to vector<16xf32>
      %mul3A_799 = arith.constant 16 : i32
      %mul3A_800 = arith.muli %scan3A_784, %mul3A_799 : i32
      %get3A_801 = arith.constant 1 : i32
      %get3A_802 = arith.index_cast %get3A_801 : i32 to index
      %get3A_803 = arith.index_cast %mul3A_800 : i32 to index
      %get3A_804 = tpu.vector_load %arg7[%get3A_802, %get3A_803] {strides = array<i32>} : memref<2x16384xf32, #tpu.memory_space<vmem>>, vector<1x16xf32>,
      %get3A_805 = vector.shape_cast %get3A_804 : vector<1x16xf32> to vector<16xf32>
      %gt3A_806 = arith.constant 0.000000e+00 : f32
      %gt3A_807 = vector.broadcast %gt3A_806 : f32 to vector<16xf32>
      %gt3A_808 = arith.cmpf ogt, %get3A_805, %gt3A_807 : vector<16xf32>
      %sub3A_809 = arith.subf %get3A_791, %get3A_798 : vector<16xf32>
      %abs3A_810 = math.absf %sub3A_809 : vector<16xf32>
      %jit3A_811 = arith.constant 0.000000e+00 : f32
      %broadcast_in_dim3A_812 = vector.broadcast %jit3A_811 : f32 to vector<16xf32>
      %select_n3A_813 = arith.select %gt3A_808, %abs3A_810, %broadcast_in_dim3A_812 : vector<16xi1>, vector<16xf32>
      %add3A_814 = arith.addf %add3A_776, %select_n3A_813 : vector<16xf32>
      %jit3A_815 = arith.constant 1.000000e+00 : f32
      %jit3A_816 = arith.constant 0.000000e+00 : f32
      %broadcast_in_dim3A_817 = vector.broadcast %jit3A_815 : f32 to vector<16xf32>
      %broadcast_in_dim3A_818 = vector.broadcast %jit3A_816 : f32 to vector<16xf32>
      %select_n3A_819 = arith.select %gt3A_808, %broadcast_in_dim3A_817, %broadcast_in_dim3A_818 : vector<16xi1>, vector<16xf32>
      %add3A_820 = arith.addf %add3A_782, %select_n3A_819 : vector<16xf32>
      %scan3A_821 = arith.constant 2 : i32
      %scan3A_822 = arith.addi %scan3A_750, %scan3A_821 : i32
      %mul3A_823 = arith.constant 16 : i32
      %mul3A_824 = arith.muli %scan3A_822, %mul3A_823 : i32
      %get3A_825 = arith.constant 1 : i32
      %get3A_826 = arith.index_cast %get3A_825 : i32 to index
      %get3A_827 = arith.index_cast %mul3A_824 : i32 to index
      %get3A_828 = tpu.vector_load %arg5[%get3A_826, %get3A_827] {strides = array<i32>} : memref<2x16384xf32, #tpu.memory_space<vmem>>, vector<1x16xf32>,
      %get3A_829 = vector.shape_cast %get3A_828 : vector<1x16xf32> to vector<16xf32>
      %mul3A_830 = arith.constant 16 : i32
      %mul3A_831 = arith.muli %scan3A_822, %mul3A_830 : i32
      %get3A_832 = arith.constant 1 : i32
      %get3A_833 = arith.index_cast %get3A_832 : i32 to index
      %get3A_834 = arith.index_cast %mul3A_831 : i32 to index
      %get3A_835 = tpu.vector_load %arg6[%get3A_833, %get3A_834] {strides = array<i32>} : memref<2x16384xf32, #tpu.memory_space<vmem>>, vector<1x16xf32>,
      %get3A_836 = vector.shape_cast %get3A_835 : vector<1x16xf32> to vector<16xf32>
      %mul3A_837 = arith.constant 16 : i32
      %mul3A_838 = arith.muli %scan3A_822, %mul3A_837 : i32
      %get3A_839 = arith.constant 1 : i32
      %get3A_840 = arith.index_cast %get3A_839 : i32 to index
      %get3A_841 = arith.index_cast %mul3A_838 : i32 to index
      %get3A_842 = tpu.vector_load %arg7[%get3A_840, %get3A_841] {strides = array<i32>} : memref<2x16384xf32, #tpu.memory_space<vmem>>, vector<1x16xf32>,
      %get3A_843 = vector.shape_cast %get3A_842 : vector<1x16xf32> to vector<16xf32>
      %gt3A_844 = arith.constant 0.000000e+00 : f32
      %gt3A_845 = vector.broadcast %gt3A_844 : f32 to vector<16xf32>
      %gt3A_846 = arith.cmpf ogt, %get3A_843, %gt3A_845 : vector<16xf32>
      %sub3A_847 = arith.subf %get3A_829, %get3A_836 : vector<16xf32>
      %abs3A_848 = math.absf %sub3A_847 : vector<16xf32>
      %jit3A_849 = arith.constant 0.000000e+00 : f32
      %broadcast_in_dim3A_850 = vector.broadcast %jit3A_849 : f32 to vector<16xf32>
      %select_n3A_851 = arith.select %gt3A_846, %abs3A_848, %broadcast_in_dim3A_850 : vector<16xi1>, vector<16xf32>
      %add3A_852 = arith.addf %add3A_814, %select_n3A_851 : vector<16xf32>
      %jit3A_853 = arith.constant 1.000000e+00 : f32
      %jit3A_854 = arith.constant 0.000000e+00 : f32
      %broadcast_in_dim3A_855 = vector.broadcast %jit3A_853 : f32 to vector<16xf32>
      %broadcast_in_dim3A_856 = vector.broadcast %jit3A_854 : f32 to vector<16xf32>
      %select_n3A_857 = arith.select %gt3A_846, %broadcast_in_dim3A_855, %broadcast_in_dim3A_856 : vector<16xi1>, vector<16xf32>
      %add3A_858 = arith.addf %add3A_820, %select_n3A_857 : vector<16xf32>
      %scan3A_859 = arith.constant 3 : i32
      %scan3A_860 = arith.addi %scan3A_750, %scan3A_859 : i32
      %mul3A_861 = arith.constant 16 : i32
      %mul3A_862 = arith.muli %scan3A_860, %mul3A_861 : i32
      %get3A_863 = arith.constant 1 : i32
      %get3A_864 = arith.index_cast %get3A_863 : i32 to index
      %get3A_865 = arith.index_cast %mul3A_862 : i32 to index
      %get3A_866 = tpu.vector_load %arg5[%get3A_864, %get3A_865] {strides = array<i32>} : memref<2x16384xf32, #tpu.memory_space<vmem>>, vector<1x16xf32>,
      %get3A_867 = vector.shape_cast %get3A_866 : vector<1x16xf32> to vector<16xf32>
      %mul3A_868 = arith.constant 16 : i32
      %mul3A_869 = arith.muli %scan3A_860, %mul3A_868 : i32
      %get3A_870 = arith.constant 1 : i32
      %get3A_871 = arith.index_cast %get3A_870 : i32 to index
      %get3A_872 = arith.index_cast %mul3A_869 : i32 to index
      %get3A_873 = tpu.vector_load %arg6[%get3A_871, %get3A_872] {strides = array<i32>} : memref<2x16384xf32, #tpu.memory_space<vmem>>, vector<1x16xf32>,
      %get3A_874 = vector.shape_cast %get3A_873 : vector<1x16xf32> to vector<16xf32>
      %mul3A_875 = arith.constant 16 : i32
      %mul3A_876 = arith.muli %scan3A_860, %mul3A_875 : i32
      %get3A_877 = arith.constant 1 : i32
      %get3A_878 = arith.index_cast %get3A_877 : i32 to index
      %get3A_879 = arith.index_cast %mul3A_876 : i32 to index
      %get3A_880 = tpu.vector_load %arg7[%get3A_878, %get3A_879] {strides = array<i32>} : memref<2x16384xf32, #tpu.memory_space<vmem>>, vector<1x16xf32>,
      %get3A_881 = vector.shape_cast %get3A_880 : vector<1x16xf32> to vector<16xf32>
      %gt3A_882 = arith.constant 0.000000e+00 : f32
      %gt3A_883 = vector.broadcast %gt3A_882 : f32 to vector<16xf32>
      %gt3A_884 = arith.cmpf ogt, %get3A_881, %gt3A_883 : vector<16xf32>
      %sub3A_885 = arith.subf %get3A_867, %get3A_874 : vector<16xf32>
      %abs3A_886 = math.absf %sub3A_885 : vector<16xf32>
      %jit3A_887 = arith.constant 0.000000e+00 : f32
      %broadcast_in_dim3A_888 = vector.broadcast %jit3A_887 : f32 to vector<16xf32>
      %select_n3A_889 = arith.select %gt3A_884, %abs3A_886, %broadcast_in_dim3A_888 : vector<16xi1>, vector<16xf32>
      %add3A_890 = arith.addf %add3A_852, %select_n3A_889 : vector<16xf32>
      %jit3A_891 = arith.constant 1.000000e+00 : f32
      %jit3A_892 = arith.constant 0.000000e+00 : f32
      %broadcast_in_dim3A_893 = vector.broadcast %jit3A_891 : f32 to vector<16xf32>
      %broadcast_in_dim3A_894 = vector.broadcast %jit3A_892 : f32 to vector<16xf32>
      %select_n3A_895 = arith.select %gt3A_884, %broadcast_in_dim3A_893, %broadcast_in_dim3A_894 : vector<16xi1>, vector<16xf32>
      %add3A_896 = arith.addf %add3A_858, %select_n3A_895 : vector<16xf32>
      %scan3A_897 = arith.constant 4 : i32
      %scan3A_898 = arith.addi %scan3A_750, %scan3A_897 : i32
      %mul3A_899 = arith.constant 16 : i32
      %mul3A_900 = arith.muli %scan3A_898, %mul3A_899 : i32
      %get3A_901 = arith.constant 1 : i32
      %get3A_902 = arith.index_cast %get3A_901 : i32 to index
      %get3A_903 = arith.index_cast %mul3A_900 : i32 to index
      %get3A_904 = tpu.vector_load %arg5[%get3A_902, %get3A_903] {strides = array<i32>} : memref<2x16384xf32, #tpu.memory_space<vmem>>, vector<1x16xf32>,
      %get3A_905 = vector.shape_cast %get3A_904 : vector<1x16xf32> to vector<16xf32>
      %mul3A_906 = arith.constant 16 : i32
      %mul3A_907 = arith.muli %scan3A_898, %mul3A_906 : i32
      %get3A_908 = arith.constant 1 : i32
      %get3A_909 = arith.index_cast %get3A_908 : i32 to index
      %get3A_910 = arith.index_cast %mul3A_907 : i32 to index
      %get3A_911 = tpu.vector_load %arg6[%get3A_909, %get3A_910] {strides = array<i32>} : memref<2x16384xf32, #tpu.memory_space<vmem>>, vector<1x16xf32>,
      %get3A_912 = vector.shape_cast %get3A_911 : vector<1x16xf32> to vector<16xf32>
      %mul3A_913 = arith.constant 16 : i32
      %mul3A_914 = arith.muli %scan3A_898, %mul3A_913 : i32
      %get3A_915 = arith.constant 1 : i32
      %get3A_916 = arith.index_cast %get3A_915 : i32 to index
      %get3A_917 = arith.index_cast %mul3A_914 : i32 to index
      %get3A_918 = tpu.vector_load %arg7[%get3A_916, %get3A_917] {strides = array<i32>} : memref<2x16384xf32, #tpu.memory_space<vmem>>, vector<1x16xf32>,
      %get3A_919 = vector.shape_cast %get3A_918 : vector<1x16xf32> to vector<16xf32>
      %gt3A_920 = arith.constant 0.000000e+00 : f32
      %gt3A_921 = vector.broadcast %gt3A_920 : f32 to vector<16xf32>
      %gt3A_922 = arith.cmpf ogt, %get3A_919, %gt3A_921 : vector<16xf32>
      %sub3A_923 = arith.subf %get3A_905, %get3A_912 : vector<16xf32>
      %abs3A_924 = math.absf %sub3A_923 : vector<16xf32>
      %jit3A_925 = arith.constant 0.000000e+00 : f32
      %broadcast_in_dim3A_926 = vector.broadcast %jit3A_925 : f32 to vector<16xf32>
      %select_n3A_927 = arith.select %gt3A_922, %abs3A_924, %broadcast_in_dim3A_926 : vector<16xi1>, vector<16xf32>
      %add3A_928 = arith.addf %add3A_890, %select_n3A_927 : vector<16xf32>
      %jit3A_929 = arith.constant 1.000000e+00 : f32
      %jit3A_930 = arith.constant 0.000000e+00 : f32
      %broadcast_in_dim3A_931 = vector.broadcast %jit3A_929 : f32 to vector<16xf32>
      %broadcast_in_dim3A_932 = vector.broadcast %jit3A_930 : f32 to vector<16xf32>
      %select_n3A_933 = arith.select %gt3A_922, %broadcast_in_dim3A_931, %broadcast_in_dim3A_932 : vector<16xi1>, vector<16xf32>
      %add3A_934 = arith.addf %add3A_896, %select_n3A_933 : vector<16xf32>
      %scan3A_935 = arith.constant 5 : i32
      %scan3A_936 = arith.addi %scan3A_750, %scan3A_935 : i32
      %mul3A_937 = arith.constant 16 : i32
      %mul3A_938 = arith.muli %scan3A_936, %mul3A_937 : i32
      %get3A_939 = arith.constant 1 : i32
      %get3A_940 = arith.index_cast %get3A_939 : i32 to index
      %get3A_941 = arith.index_cast %mul3A_938 : i32 to index
      %get3A_942 = tpu.vector_load %arg5[%get3A_940, %get3A_941] {strides = array<i32>} : memref<2x16384xf32, #tpu.memory_space<vmem>>, vector<1x16xf32>,
      %get3A_943 = vector.shape_cast %get3A_942 : vector<1x16xf32> to vector<16xf32>
      %mul3A_944 = arith.constant 16 : i32
      %mul3A_945 = arith.muli %scan3A_936, %mul3A_944 : i32
      %get3A_946 = arith.constant 1 : i32
      %get3A_947 = arith.index_cast %get3A_946 : i32 to index
      %get3A_948 = arith.index_cast %mul3A_945 : i32 to index
      %get3A_949 = tpu.vector_load %arg6[%get3A_947, %get3A_948] {strides = array<i32>} : memref<2x16384xf32, #tpu.memory_space<vmem>>, vector<1x16xf32>,
      %get3A_950 = vector.shape_cast %get3A_949 : vector<1x16xf32> to vector<16xf32>
      %mul3A_951 = arith.constant 16 : i32
      %mul3A_952 = arith.muli %scan3A_936, %mul3A_951 : i32
      %get3A_953 = arith.constant 1 : i32
      %get3A_954 = arith.index_cast %get3A_953 : i32 to index
      %get3A_955 = arith.index_cast %mul3A_952 : i32 to index
      %get3A_956 = tpu.vector_load %arg7[%get3A_954, %get3A_955] {strides = array<i32>} : memref<2x16384xf32, #tpu.memory_space<vmem>>, vector<1x16xf32>,
      %get3A_957 = vector.shape_cast %get3A_956 : vector<1x16xf32> to vector<16xf32>
      %gt3A_958 = arith.constant 0.000000e+00 : f32
      %gt3A_959 = vector.broadcast %gt3A_958 : f32 to vector<16xf32>
      %gt3A_960 = arith.cmpf ogt, %get3A_957, %gt3A_959 : vector<16xf32>
      %sub3A_961 = arith.subf %get3A_943, %get3A_950 : vector<16xf32>
      %abs3A_962 = math.absf %sub3A_961 : vector<16xf32>
      %jit3A_963 = arith.constant 0.000000e+00 : f32
      %broadcast_in_dim3A_964 = vector.broadcast %jit3A_963 : f32 to vector<16xf32>
      %select_n3A_965 = arith.select %gt3A_960, %abs3A_962, %broadcast_in_dim3A_964 : vector<16xi1>, vector<16xf32>
      %add3A_966 = arith.addf %add3A_928, %select_n3A_965 : vector<16xf32>
      %jit3A_967 = arith.constant 1.000000e+00 : f32
      %jit3A_968 = arith.constant 0.000000e+00 : f32
      %broadcast_in_dim3A_969 = vector.broadcast %jit3A_967 : f32 to vector<16xf32>
      %broadcast_in_dim3A_970 = vector.broadcast %jit3A_968 : f32 to vector<16xf32>
      %select_n3A_971 = arith.select %gt3A_960, %broadcast_in_dim3A_969, %broadcast_in_dim3A_970 : vector<16xi1>, vector<16xf32>
      %add3A_972 = arith.addf %add3A_934, %select_n3A_971 : vector<16xf32>
      %scan3A_973 = arith.constant 6 : i32
      %scan3A_974 = arith.addi %scan3A_750, %scan3A_973 : i32
      %mul3A_975 = arith.constant 16 : i32
      %mul3A_976 = arith.muli %scan3A_974, %mul3A_975 : i32
      %get3A_977 = arith.constant 1 : i32
      %get3A_978 = arith.index_cast %get3A_977 : i32 to index
      %get3A_979 = arith.index_cast %mul3A_976 : i32 to index
      %get3A_980 = tpu.vector_load %arg5[%get3A_978, %get3A_979] {strides = array<i32>} : memref<2x16384xf32, #tpu.memory_space<vmem>>, vector<1x16xf32>,
      %get3A_981 = vector.shape_cast %get3A_980 : vector<1x16xf32> to vector<16xf32>
      %mul3A_982 = arith.constant 16 : i32
      %mul3A_983 = arith.muli %scan3A_974, %mul3A_982 : i32
      %get3A_984 = arith.constant 1 : i32
      %get3A_985 = arith.index_cast %get3A_984 : i32 to index
      %get3A_986 = arith.index_cast %mul3A_983 : i32 to index
      %get3A_987 = tpu.vector_load %arg6[%get3A_985, %get3A_986] {strides = array<i32>} : memref<2x16384xf32, #tpu.memory_space<vmem>>, vector<1x16xf32>,
      %get3A_988 = vector.shape_cast %get3A_987 : vector<1x16xf32> to vector<16xf32>
      %mul3A_989 = arith.constant 16 : i32
      %mul3A_990 = arith.muli %scan3A_974, %mul3A_989 : i32
      %get3A_991 = arith.constant 1 : i32
      %get3A_992 = arith.index_cast %get3A_991 : i32 to index
      %get3A_993 = arith.index_cast %mul3A_990 : i32 to index
      %get3A_994 = tpu.vector_load %arg7[%get3A_992, %get3A_993] {strides = array<i32>} : memref<2x16384xf32, #tpu.memory_space<vmem>>, vector<1x16xf32>,
      %get3A_995 = vector.shape_cast %get3A_994 : vector<1x16xf32> to vector<16xf32>
      %gt3A_996 = arith.constant 0.000000e+00 : f32
      %gt3A_997 = vector.broadcast %gt3A_996 : f32 to vector<16xf32>
      %gt3A_998 = arith.cmpf ogt, %get3A_995, %gt3A_997 : vector<16xf32>
      %sub3A_999 = arith.subf %get3A_981, %get3A_988 : vector<16xf32>
      %abs3A_1000 = math.absf %sub3A_999 : vector<16xf32>
      %jit3A_1001 = arith.constant 0.000000e+00 : f32
      %broadcast_in_dim3A_1002 = vector.broadcast %jit3A_1001 : f32 to vector<16xf32>
      %select_n3A_1003 = arith.select %gt3A_998, %abs3A_1000, %broadcast_in_dim3A_1002 : vector<16xi1>, vector<16xf32>
      %add3A_1004 = arith.addf %add3A_966, %select_n3A_1003 : vector<16xf32>
      %jit3A_1005 = arith.constant 1.000000e+00 : f32
      %jit3A_1006 = arith.constant 0.000000e+00 : f32
      %broadcast_in_dim3A_1007 = vector.broadcast %jit3A_1005 : f32 to vector<16xf32>
      %broadcast_in_dim3A_1008 = vector.broadcast %jit3A_1006 : f32 to vector<16xf32>
      %select_n3A_1009 = arith.select %gt3A_998, %broadcast_in_dim3A_1007, %broadcast_in_dim3A_1008 : vector<16xi1>, vector<16xf32>
      %add3A_1010 = arith.addf %add3A_972, %select_n3A_1009 : vector<16xf32>
      %scan3A_1011 = arith.constant 7 : i32
      %scan3A_1012 = arith.addi %scan3A_750, %scan3A_1011 : i32
      %mul3A_1013 = arith.constant 16 : i32
      %mul3A_1014 = arith.muli %scan3A_1012, %mul3A_1013 : i32
      %get3A_1015 = arith.constant 1 : i32
      %get3A_1016 = arith.index_cast %get3A_1015 : i32 to index
      %get3A_1017 = arith.index_cast %mul3A_1014 : i32 to index
      %get3A_1018 = tpu.vector_load %arg5[%get3A_1016, %get3A_1017] {strides = array<i32>} : memref<2x16384xf32, #tpu.memory_space<vmem>>, vector<1x16xf32>,
      %get3A_1019 = vector.shape_cast %get3A_1018 : vector<1x16xf32> to vector<16xf32>
      %mul3A_1020 = arith.constant 16 : i32
      %mul3A_1021 = arith.muli %scan3A_1012, %mul3A_1020 : i32
      %get3A_1022 = arith.constant 1 : i32
      %get3A_1023 = arith.index_cast %get3A_1022 : i32 to index
      %get3A_1024 = arith.index_cast %mul3A_1021 : i32 to index
      %get3A_1025 = tpu.vector_load %arg6[%get3A_1023, %get3A_1024] {strides = array<i32>} : memref<2x16384xf32, #tpu.memory_space<vmem>>, vector<1x16xf32>,
      %get3A_1026 = vector.shape_cast %get3A_1025 : vector<1x16xf32> to vector<16xf32>
      %mul3A_1027 = arith.constant 16 : i32
      %mul3A_1028 = arith.muli %scan3A_1012, %mul3A_1027 : i32
      %get3A_1029 = arith.constant 1 : i32
      %get3A_1030 = arith.index_cast %get3A_1029 : i32 to index
      %get3A_1031 = arith.index_cast %mul3A_1028 : i32 to index
      %get3A_1032 = tpu.vector_load %arg7[%get3A_1030, %get3A_1031] {strides = array<i32>} : memref<2x16384xf32, #tpu.memory_space<vmem>>, vector<1x16xf32>,
      %get3A_1033 = vector.shape_cast %get3A_1032 : vector<1x16xf32> to vector<16xf32>
      %gt3A_1034 = arith.constant 0.000000e+00 : f32
      %gt3A_1035 = vector.broadcast %gt3A_1034 : f32 to vector<16xf32>
      %gt3A_1036 = arith.cmpf ogt, %get3A_1033, %gt3A_1035 : vector<16xf32>
      %sub3A_1037 = arith.subf %get3A_1019, %get3A_1026 : vector<16xf32>
      %abs3A_1038 = math.absf %sub3A_1037 : vector<16xf32>
      %jit3A_1039 = arith.constant 0.000000e+00 : f32
      %broadcast_in_dim3A_1040 = vector.broadcast %jit3A_1039 : f32 to vector<16xf32>
      %select_n3A_1041 = arith.select %gt3A_1036, %abs3A_1038, %broadcast_in_dim3A_1040 : vector<16xi1>, vector<16xf32>
      %add3A_1042 = arith.addf %add3A_1004, %select_n3A_1041 : vector<16xf32>
      %jit3A_1043 = arith.constant 1.000000e+00 : f32
      %jit3A_1044 = arith.constant 0.000000e+00 : f32
      %broadcast_in_dim3A_1045 = vector.broadcast %jit3A_1043 : f32 to vector<16xf32>
      %broadcast_in_dim3A_1046 = vector.broadcast %jit3A_1044 : f32 to vector<16xf32>
      %select_n3A_1047 = arith.select %gt3A_1036, %broadcast_in_dim3A_1045, %broadcast_in_dim3A_1046 : vector<16xi1>, vector<16xf32>
      %add3A_1048 = arith.addf %add3A_1010, %select_n3A_1047 : vector<16xf32>
      scf.yield %add3A_1042, %add3A_1048 : vector<16xf32>, vector<16xf32>
    }
    %scan3A_738 = arith.constant 1024 : i32
    %swap3A = arith.constant 0 : i32
    %swap3A_739 = arith.index_cast %swap3A : i32 to index
    %swap3A_740 = arith.constant 0 : index
    %swap3A_741 = tpu.vector_load %arg8[%swap3A_739, %swap3A_740] {strides = array<i32>} : memref<2x16xf32, #tpu.memory_space<vmem>>, vector<1x16xf32>,
    %swap3A_742 = vector.shape_cast %swap3A_741 : vector<1x16xf32> to vector<16xf32>
    %swap3A_743 = vector.shape_cast %scan3A_737#0 : vector<16xf32> to vector<1x16xf32>
    tpu.vector_store %arg8[%swap3A_739, %swap3A_740], %swap3A_743 {strides = array<i32>} : memref<2x16xf32, #tpu.memory_space<vmem>>, vector<1x16xf32>,
    %swap3A_744 = arith.constant 1 : i32
    %swap3A_745 = arith.index_cast %swap3A_744 : i32 to index
    %swap3A_746 = arith.constant 0 : index
    %swap3A_747 = tpu.vector_load %arg8[%swap3A_745, %swap3A_746] {strides = array<i32>} : memref<2x16xf32, #tpu.memory_space<vmem>>, vector<1x16xf32>,
    %swap3A_748 = vector.shape_cast %swap3A_747 : vector<1x16xf32> to vector<16xf32>
    %swap3A_749 = vector.shape_cast %scan3A_737#1 : vector<16xf32> to vector<1x16xf32>
    tpu.vector_store %arg8[%swap3A_745, %swap3A_746], %swap3A_749 {strides = array<i32>} : memref<2x16xf32, #tpu.memory_space<vmem>>, vector<1x16xf32>,
    "tpu.region"() ({
      %run_scoped3A = tpu.sem_alloc : memref<!tpu.dma_semaphore, #tpu.memory_space<semaphore_mem>>
      %dma_start3A_750 = arith.constant 0 : i32
      %dma_start3A_751 = arith.constant 0 : i32
      %dma_start3A_752 = tpu.memref_slice %arg4[%add3A, %dma_start3A_750, %dma_start3A_751] : memref<32x2x16xf32, #tpu.memory_space<hbm>> -> memref<1x2x16xf32, #tpu.memory_space<hbm>>
      %dma_start3A_753 = tpu.memref_squeeze %dma_start3A_752 : memref<1x2x16xf32, #tpu.memory_space<hbm>> -> memref<2x16xf32, #tpu.memory_space<hbm>>
      %dma_start3A_754 = arith.constant 0 : i32
      %dma_start3A_755 = arith.constant 0 : i32
      %dma_start3A_756 = tpu.memref_slice %arg4[%add3A, %dma_start3A_754, %dma_start3A_755] : memref<32x2x16xf32, #tpu.memory_space<hbm>> -> memref<1x2x16xf32, #tpu.memory_space<hbm>>
      %dma_start3A_757 = tpu.memref_squeeze %dma_start3A_756 : memref<1x2x16xf32, #tpu.memory_space<hbm>> -> memref<2x16xf32, #tpu.memory_space<hbm>>
      tpu.enqueue_dma source(%arg8 : memref<2x16xf32, #tpu.memory_space<vmem>>) target(%dma_start3A_757 : memref<2x16xf32, #tpu.memory_space<hbm>>) target_semaphore(%run_scoped3A : memref<!tpu.dma_semaphore, #tpu.memory_space<semaphore_mem>>)
      %dma_wait3A_758 = arith.constant 0 : i32
      %dma_wait3A_759 = arith.constant 0 : i32
      %dma_wait3A_760 = tpu.memref_slice %arg4[%add3A, %dma_wait3A_758, %dma_wait3A_759] : memref<32x2x16xf32, #tpu.memory_space<hbm>> -> memref<1x2x16xf32, #tpu.memory_space<hbm>>
      %dma_wait3A_761 = tpu.memref_squeeze %dma_wait3A_760 : memref<1x2x16xf32, #tpu.memory_space<hbm>> -> memref<2x16xf32, #tpu.memory_space<hbm>>
      %dma_wait3A_762 = arith.constant 0 : i32
      %dma_wait3A_763 = arith.constant 0 : i32
      %dma_wait3A_764 = tpu.memref_slice %arg4[%add3A, %dma_wait3A_762, %dma_wait3A_763] : memref<32x2x16xf32, #tpu.memory_space<hbm>> -> memref<1x2x16xf32, #tpu.memory_space<hbm>>
      %dma_wait3A_765 = tpu.memref_squeeze %dma_wait3A_764 : memref<1x2x16xf32, #tpu.memory_space<hbm>> -> memref<2x16xf32, #tpu.memory_space<hbm>>
      tpu.wait_dma2 semaphore(%run_scoped3A : memref<!tpu.dma_semaphore, #tpu.memory_space<semaphore_mem>>) src(%arg8 : memref<2x16xf32, #tpu.memory_space<vmem>>) dst(%dma_wait3A_765 : memref<2x16xf32, #tpu.memory_space<hbm>>)
      tpu.yield
    }) : () -> ()
    return
  }
}

</mosaic_0001>

<sc_bundles>
// kernel: kernel.3.cloned.1.call-start
scs
__scs_entry_jumppad:
0x0: {  	(pc) =	sbr.rel $0x88, $3  }
0x1: {  	(tag) =	ssettag $0x0;
	lr =	simm.s32 $0x1  }
0x2: {  	[smem:$0x3F9F] =	sst lr;
	_ =	strace $0xD0000000  }
0x3: {  	_ = 	snop  }
0x4: {  	_ = 	snop  }
0x5: {  	_ = 	snop  }
0x6: {  	_ = 	snop  }
0x7: {  	_ = 	snop  }
__scs_overlays_trampoline_lowered:
0x8: {  	[smem:$0x3FAE] =	sst s0  }
0x9: {  	[smem:$0x3FAF] =	sst s1  }
0xa: {  	[smem:$0x3FB0] =	sst s2  }
0xb: {  	[smem:$0x3FB1] =	sst s3  }
0xc: {  	[smem:$0x3FB2] =	sst s4  }
0xd: {  	[smem:$0x3FB3] =	sst s5  }
0xe: {  	[smem:$0x3FB4] =	sst s6  }
0xf: {  	[smem:$0x3FB5] =	sst s7  }
0x10: {  	[smem:$0x3FB6] =	sst s8  }
0x11: {  	[smem:$0x3FB7] =	sst s9;
	s0 =	simm.s32 @!p0 $0x0  }
0x12: {  	s1 =	sld [smem:$0x3F9D];
	s0 =	simm.s32 @p0 $0x1  }
0x13: {  	[smem:$0x3FB8] =	sst s0;
	s0 =	simm.s32 @!p1 $0x0  }
0x14: {  	s2 =	sld [smem:$0x3F9C];
	s0 =	simm.s32 @p1 $0x1  }
0x15: {  	[smem:$0x3FB9] =	sst s0;
	s0 =	simm.s32 @!p2 $0x0  }
0x16: {  	s3 =	sld [smem:$0x3FDB];
	s0 =	simm.s32 @p2 $0x1  }
0x17: {  	s4 =	simm.s32 $0x1BF5;
	[smem:$0x3FBB] =	sst s0  }
0x18: {  	s0 =	sld [smem:$0x3F9E];
	_ =	swait.ge [sflag:s4], $0x0  }
0x19: {  	s7 =	sld [smem:$0x3F9F]  }
0x1a: {  	s8 =	sadd.s32 $0xFFFFE003, lr  }
0x1b: {  	s9 =	sadd.s32 $0xFFFFFEF7, lr;
	s5 =	simm.s32 $0xFFFFFFFF;
	p2 =	slt.u32 s8, $0xFFFFF086  }
0x1c: {  	p1 =	slt.u32 s9, $0xF7A;
	s5 =	simm.s32 @!p2 $0x0  }
0x1d: {  	s5 =	simm.s32 @p1 $0x1;
	p0 =	seq.s32 s7, s2  }
0x1e: {  	s7 =	smul.u32 @!p0 $0xF7A, s2;
	p2 =	seq.s32 @!p0 s5, $0x0  }
0x1f: {  	s9 =	smul.u32 $0xF7A, s1;
	s8 =	simm.s32 @!p0 $0x1BF5;
	p2 =	por !p2, p0  }
0x20: {  	[sflag:s8] =	ssyncset.s32 @!p0 $0xFFFFF086;
	s6 =	sadd.s32 @!p0 s3, s7;
	s7 =	simm.s32 @!p0 $0x108  }
0x21: {  	s3 =	sadd.s32 s3, s9;
	s6 =	sadd.s32 @!p0 $0x88, s6;
	s7 =	simm.s32 @p2 $0x1082  }
0x22: {  	[simem:s7], [sflag:s8] =	dma.local @!p0 [hbm:s6], $0xF7A  }
0x23: {  	s9 =	sor.u32 $0xD0000000, s2;
	s6 =	simm.s32 $0x108;
	_ =	swait.ge @!p0 [sflag:s8], $0x0  }
0x24: {  	s3 =	sadd.s32 $0x88, s3;
	s6 =	simm.s32 @!p1 $0x1082;
	[sflag:s4] =	ssyncset.s32 $0xFFFFF086  }
0x25: {  	[simem:s6], [sflag:s4] =	dma.local [hbm:s3], $0xF7A  }
0x26: {  	[smem:$0x3F9F] =	sst s1;
	(tag) =	ssettag s2;
	_ =	strace s9  }
0x27: {  	s1 =	sld [smem:$0x3FAF]  }
0x28: {  	s2 =	sld [smem:$0x3FB0]  }
0x29: {  	s4 =	sld [smem:$0x3FB2]  }
0x2a: {  	p0 =	seq.s32 s5, $0x0;
	s5 =	sld [smem:$0x3FB3]  }
0x2b: {  	s6 =	sld [smem:$0x3FB4]  }
0x2c: {  	s7 =	sld [smem:$0x3FB5]  }
0x2d: {  	s3 =	simm.s32 $0x108;
	s8 =	sld [smem:$0x3FB6]  }
0x2e: {  	s3 =	simm.s32 @!p0 $0x1082;
	s9 =	sld [smem:$0x3FB7]  }
0x2f: {  	lr =	sadd.s32 s0, s3;
	s0 =	sld [smem:$0x3FAE]  }
0x30: {  	s3 =	sld [smem:$0x3FB1]  }
0x31: {  	[smem:$0x3FBA] =	sst s10  }
0x32: {  	s10 =	sld [smem:$0x3FB8];
	_ =	sdelay $0x3  }
0x33: {  	p0 =	seq.s32 s10, $0x1;
	s10 =	sld [smem:$0x3FBA];
	_ =	sdelay $0x3  }
0x34: {  	[smem:$0x3FBA] =	sst s10  }
0x35: {  	s10 =	sld [smem:$0x3FB9];
	_ =	sdelay $0x3  }
0x36: {  	p1 =	seq.s32 s10, $0x1;
	s10 =	sld [smem:$0x3FBA];
	_ =	sdelay $0x3  }
0x37: {  	[smem:$0x3FBA] =	sst s10  }
0x38: {  	s10 =	sld [smem:$0x3FBB]  }
0x39: {  	_ = 	snop;
	(pc) =	sbr.ind lr, $3  }
0x3a: {  	_ = 	snop  }
0x3b: {  	_ = 	snop  }
0x3c: {  	p2 =	seq.s32 s10, $0x1;
	s10 =	sld [smem:$0x3FBA]  }
0x3d: {  	_ =	shalt  }
0x3e: {  	_ =	shalt  }
0x3f: {  	_ =	shalt  }
0x40: {  	_ =	shalt  }
0x41: {  	_ =	shalt  }
0x42: {  	_ =	shalt  }
0x43: {  	_ =	shalt  }
0x44: {  	_ =	shalt  }
0x45: {  	_ =	shalt  }
0x46: {  	_ =	shalt  }
0x47: {  	_ =	shalt  }
0x48: {  	_ =	shalt  }
0x49: {  	_ =	shalt  }
0x4a: {  	_ =	shalt  }
0x4b: {  	_ =	shalt  }
0x4c: {  	_ =	shalt  }
0x4d: {  	_ =	shalt  }
0x4e: {  	_ =	shalt  }
0x4f: {  	_ =	shalt  }
0x50: {  	_ =	shalt  }
0x51: {  	_ =	shalt  }
0x52: {  	_ =	shalt  }
0x53: {  	_ =	shalt  }
0x54: {  	_ =	shalt  }
0x55: {  	_ =	shalt  }
0x56: {  	_ =	shalt  }
0x57: {  	_ =	shalt  }
0x58: {  	_ =	shalt  }
0x59: {  	_ =	shalt  }
0x5a: {  	_ =	shalt  }
0x5b: {  	_ =	shalt  }
0x5c: {  	_ =	shalt  }
0x5d: {  	_ =	shalt  }
0x5e: {  	_ =	shalt  }
0x5f: {  	_ =	shalt  }
0x60: {  	_ =	shalt  }
0x61: {  	_ =	shalt  }
0x62: {  	_ =	shalt  }
0x63: {  	_ =	shalt  }
0x64: {  	_ =	shalt  }
0x65: {  	_ =	shalt  }
0x66: {  	_ =	shalt  }
0x67: {  	_ =	shalt  }
0x68: {  	_ =	shalt  }
0x69: {  	_ =	shalt  }
0x6a: {  	_ =	shalt  }
0x6b: {  	_ =	shalt  }
0x6c: {  	_ =	shalt  }
0x6d: {  	_ =	shalt  }
0x6e: {  	_ =	shalt  }
0x6f: {  	_ =	shalt  }
0x70: {  	_ =	shalt  }
0x71: {  	_ =	shalt  }
0x72: {  	_ =	shalt  }
0x73: {  	_ =	shalt  }
0x74: {  	_ =	shalt  }
0x75: {  	_ =	shalt  }
0x76: {  	_ =	shalt  }
0x77: {  	_ =	shalt  }
0x78: {  	_ =	shalt  }
0x79: {  	_ =	shalt  }
0x7a: {  	_ =	shalt  }
0x7b: {  	_ =	shalt  }
0x7c: {  	_ =	shalt  }
0x7d: {  	_ =	shalt  }
0x7e: {  	_ =	shalt  }
0x7f: {  	_ =	shalt  }
0x80: {  	_ =	shalt  }
0x81: {  	_ =	shalt  }
0x82: {  	_ =	shalt  }
0x83: {  	_ =	shalt  }
0x84: {  	_ =	shalt  }
0x85: {  	_ =	shalt  }
0x86: {  	_ =	shalt  }
0x87: {  	_ =	shalt  }
.Lfunc_end0:
.L_simem_size_0:
called_computation_lowered:
.L_overlay_start_0:
0x88: {  	s2 =	sld [smem:$0x3FD9]  }
0x89: {  	s3 =	sld [smem:$0x3FFE];
	_ =	sdelay $0x1  }
0x8a: {  	s1 =	srdreg.scid  }
0x8b: {  	s0 =	sand.u32 $0x1, s1  }
0x8c: {  	s17 =	sshll.u32 s0, $0xA;
	s2 =	sadd.s32 s3, s2  }
0x8d: {  	s2 =	sadd.s32 s2, s17  }
0x8e: {  	[smem:$0x3FC6] =	sst s2  }
0x8f: {  	_ = 	snop  }
0x90: {  	s2 =	sld [smem:$0x3FC9]  }
0x91: {  	s18 =	sld [smem:$0x3FC8];
	(tm) =	ssettm $0x1  }
0x92: {  	s4 =	sld [smem:$0x3FFB];
	_ =	sdelay $0x3  }
0x93: {  	_ =	strace s4  }
0x94: {  	s4 =	sld [smem:$0x3FFC];
	_ =	sdelay $0x3  }
0x95: {  	_ =	strace s4  }
0x96: {  	s4 =	sld [smem:$0x3FFD];
	_ =	sdelay $0x3  }
0x97: {  	_ =	strace s4  }
0x98: {  	_ =	strace $0x8FFFFFFF  }
0x99: {  	s19 =	sld [smem:$0x3FDB];
	_ =	sdelay $0x1  }
0x9a: {  	s5 =	simm.s32 $_scs_section_size  }
0x9b: {  	s6 =	simm.s32 $_size__tile_overlayer_lowered;
	s7 =	simm.s32 $_tile_overlayer_lowered  }
0x9c: {  	s22 =	simm.s32 $0x1BFF;
	s21 =	sshll.u32 s7, $0x1;
	s4 =	sadd.s32 s5, s19  }
0x9d: {  	s8 =	simm.s32 $0x0;
	s20 =	sshll.u32 s6, $0x1;
	s6 =	sadd.s32 s21, s4  }
0x9e: {  	[timem:s8], [sflag:s22] =	dma.local [hbm:s6], s20  }
0x9f: {  	_ =	swait.ge [sflag:s22], s20  }
0xa0: {  	s5 =	ssub.s32 $0x0, s20;
	[sflag:s22] =	ssyncset.done $0x0  }
0xa1: {  	[sflag:s22] =	ssyncadd.s32 s5;
	_ =	sdelay $0x1  }
0xa2: {  	s23 =	simm.s32 $0x1B8B  }
0xa3: {  	_ =	swait.ge [sflag:s23], $0x1  }
0xa4: {  	[sflag:s23] =	ssyncset.done $0x0  }
0xa5: {  	s25 =	simm.s32 $0x1B8E;
	s24 =	sld [smem:$0x3FFE];
	[sflag:s23] =	ssyncadd.s32 $0xFFFFFFFF  }
0xa6: {  	s26 =	simm.s32 $execute0_lowered;
	[smem:$0x3FD2] =	sst s25  }
0xa7: {  	s6 =	sshll.u32 s26, $0x1;
	_ =	strace $0x80000046;
	[dreg:$0x1] =	wrdreg $0xFFFFFFFF  }
0xa8: {  	s28 =	simm.s32 $_size_execute0_lowered;
	s4 =	sadd.s32 s4, s6;
	[dreg:$0x0] =	wrdreg $0x0  }
0xa9: {  	s6 =	sshll.u32 s28, $0x1;
	[dreg:$0x2] =	wrdreg s4  }
0xaa: {  	[dreg:$0x3] =	wrdreg s6  }
0xab: {  	[dreg:$0x4] =	wrdreg $0xC0  }
0xac: {  	_ =	task [dreg:s8], $0x5FFFF  }
0xad: {  	[dreg:$0x1] =	wrdreg $0xFFFFFFFF  }
0xae: {  	[dreg:$0x0] =	wrdreg $0x60  }
0xaf: {  	[dreg:$0x2] =	wrdreg s2  }
0xb0: {  	[dreg:$0x3] =	wrdreg s18  }
0xb1: {  	[dreg:$0x4] =	wrdreg s24  }
0xb2: {  	[dreg:$0x5] =	wrdreg $0x9  }
0xb3: {  	_ =	task.clear_ibuf [dreg:s8], $0x6FFFF;
	_ =	strace $0x90000046  }
0xb4: {  	s29 =	simm.s32 $0x9;
	_ =	strace $0x80000048  }
0xb5: {  	_ =	swait.ge [sflag:s29], $0x1  }
0xb6: {  	[sflag:s29] =	ssyncadd.s32 $0xFFFFFFFF  }
0xb7: {  	_ =	strace $0x90000048  }
0xb8: {  	_ =	sfence  }
0xb9: {  	s30 =	sld [smem:$0x0];
	_ =	sdelay $0x2  }
0xba: {  	s31 =	sshll.u32 s1, $0xD;
	s1 =	sshrl.u32 s1, $0x2  }
0xbb: {  	s3 =	sand.u32 $0x4000, s31;
	s1 =	sadd.s32 s1, s30  }
0xbc: {  	s0 =	sor.u32 s3, s0;
	s1 =	sshll.u32 s1, $0x11  }
0xbd: {  	s0 =	sor.u32 s1, s0  }
0xbe: {  	s0 =	sadd.s32 $0x8F2B, s0  }
0xbf: {  	[sflag:s0] =	ssyncadd.remote.s32 $0x1  }
0xc0: {  	_ =	sfence.sel $0xFFFF  }
0xc1: {  	[dreg:$0x0] =	wrdreg $0xFFFFFFFF;
	(pc) =	sbr.abs _section_cstart, $3  }
0xc2: {  	[dreg:$0x1] =	wrdreg $0xFFFFFFFF  }
0xc3: {  	_ =	task.clear_ibuf [dreg:s8], $0x2FFFF;
	_ =	strace $0x9FFFFFFF  }
0xc4: {  	(tm) =	ssettm $0x7FFFFFFF  }
0xc5: {  	_ =	shalt  }
tec
execute0_lowered:
.L_overlay_start_1:
0x0: {  	(tag) =	ssettag $0x1  }
0x1: {  	s0 =	rddreg [dreg:$0x0]  }
0x2: {  	s1 =	rddreg [dreg:$0x1]  }
0x3: {  	s23 =	rddreg [dreg:$0x2]  }
0x4: {  	s2 =	srdreg.scid;
	s4 =	stileid.u32  }
0x5: {  	s30 =	simm.s32 $0x0;
	s3 =	sand.u32 $0x1, s2;
	s4 =	sshll.u32 s4, $0x1  }
0x6: {  	s2 =	simm.s32 $0x0;
	s5 =	ssub.s32 $0x2, s3;
	s24 =	sor.u32 s3, s4  }
0x7: {  	[smem:$0x7FF] =	sst s2;
	s25 =	sshrl.u32 s5, $0x1;
	s18 =	sshll.u32 s24, $0xE  }
0x8: {  	_ =	strace $0x80000047;
	s26 =	sshll.u32 s24, $0x5;
	s25 =	ssub.s32 s5, s25  }
0x9: {  	s3 =	sadd.s32 s1, s18;
	s4 =	sadd.s32 s0, s18;
	s7 =	sor.u32 $0x800, s18  }
0xa: {  	s10 =	sor.u32 $0x1000, s18;
	s13 =	sor.u32 $0x1800, s18;
	s15 =	sor.u32 $0x2000, s18  }
0xb: {  	s17 =	sor.u32 $0x2800, s18;
	s19 =	sor.u32 $0x3000, s18;
	s21 =	sor.u32 $0x3800, s18  }
0xc: {  	s5 =	sadd.s32 $0x80000, s3;
	s6 =	sadd.s32 s0, s7;
	s7 =	sadd.s32 s1, s7  }
0xd: {  	s8 =	sadd.s32 $0x80800, s3;
	s9 =	sadd.s32 s0, s10;
	s10 =	sadd.s32 s1, s10  }
0xe: {  	s11 =	sadd.s32 $0x81000, s3;
	s12 =	sadd.s32 s0, s13;
	s13 =	sadd.s32 s1, s13  }
0xf: {  	s14 =	sadd.s32 s0, s15;
	s15 =	sadd.s32 s1, s15;
	s16 =	sadd.s32 s0, s17  }
0x10: {  	s17 =	sadd.s32 s1, s17;
	s18 =	sadd.s32 s0, s19;
	s19 =	sadd.s32 s1, s19  }
0x11: {  	s20 =	sadd.s32 s0, s21;
	s21 =	sadd.s32 s1, s21;
	s22 =	sadd.s32 $0x81800, s3  }
0x12: {  	s0 =	sadd.s32 s23, s26;
	s24 =	sadd.s32 $0x82000, s3;
	s31 =	smax.u32 s25, $0x1  }
0x13: {  	s26 =	sadd.s32 $0x82800, s3;
	s28 =	sadd.s32 $0x83000, s3;
	[dreg:$0x4] =	wrdreg s0  }
0x14: {  	v0 =	vimm.f32 $0.0e+00;
	s29 =	sadd.s32 $0x83800, s3;
	s25 =	simm.s32 $0x6;
	[dreg:$0x5] =	wrdreg s31  }
.LBB2_1:
0x15: {  	s0 =	simm.s32 $0x10  }
0x16: {  	s31 =	sadd.s32 $0x0, s4;
	s1 =	simm.s32 $0x100;
	s23 =	simm.s32 $0x0  }
.LBB2_2:
0x17: {  	[tilespmem:s23], [sflag:$0x1] =	stream.linear.gather [hbm4b:s31+s2], $0x80, $0x38;
	[tilespmem:$0x18100] =	vst v63  }
0x18: {  	s31 =	smov.u32 s0;
	s23 =	smov.u32 s1;
	p0 =	sne.s32 s0, $0x7F0  }
.Ltmp0:
0x19: {  	s0 =	sadd.s32 $0x10, s0;
	(pc) =	sbr.rel @p0 .LBB2_2-.Ltmp0, $2  }
0x1a: {  	_ =	sdelay $0x2  }
0x1b: {  	s1 =	sadd.s32 $0x100, s1;
	s31 =	sadd.s32 s31, s4  }
0x1c: {  	[tilespmem:s23], [sflag:$0x1] =	stream.linear.gather [hbm4b:s31+s2], $0x80, $0x38;
	[tilespmem:$0x18100] =	vst v63  }
0x1d: {  	s0 =	simm.s32 $0x8000  }
0x1e: {  	s1 =	simm.s32 $0x10;
	s31 =	sadd.s32 $0x0, s3;
	s23 =	simm.s32 $0x8100  }
.LBB2_4:
0x1f: {  	[tilespmem:s0], [sflag:$0x2] =	stream.linear.gather [hbm4b:s31+s2], $0x80, $0x38;
	[tilespmem:$0x18100] =	vst v63  }
0x20: {  	s31 =	smov.u32 s1;
	s0 =	smov.u32 s23;
	p0 =	sne.s32 s1, $0x7F0  }
.Ltmp1:
0x21: {  	s1 =	sadd.s32 $0x10, s1;
	(pc) =	sbr.rel @p0 .LBB2_4-.Ltmp1, $2  }
0x22: {  	_ =	sdelay $0x2  }
0x23: {  	s23 =	sadd.s32 $0x100, s23;
	s31 =	sadd.s32 s31, s3  }
0x24: {  	[tilespmem:s0], [sflag:$0x2] =	stream.linear.gather [hbm4b:s31+s2], $0x80, $0x38;
	[tilespmem:$0x18100] =	vst v63  }
0x25: {  	s0 =	simm.s32 $0x10000  }
0x26: {  	s1 =	simm.s32 $0x10;
	s31 =	sadd.s32 $0x0, s5;
	s23 =	simm.s32 $0x10100  }
.LBB2_6:
0x27: {  	[tilespmem:s0], [sflag:$0x3] =	stream.linear.gather [hbm4b:s31+s2], $0x80, $0x38;
	[tilespmem:$0x18100] =	vst v63  }
0x28: {  	s31 =	smov.u32 s1;
	s0 =	smov.u32 s23;
	p0 =	sne.s32 s1, $0x7F0  }
.Ltmp2:
0x29: {  	s1 =	sadd.s32 $0x10, s1;
	(pc) =	sbr.rel @p0 .LBB2_6-.Ltmp2, $2  }
0x2a: {  	_ =	sdelay $0x2  }
0x2b: {  	s23 =	sadd.s32 $0x100, s23;
	s31 =	sadd.s32 s31, s5  }
0x2c: {  	[tilespmem:s0], [sflag:$0x3] =	stream.linear.gather [hbm4b:s31+s2], $0x80, $0x38;
	[tilespmem:$0x18100] =	vst v63  }
0x2d: {  	s0 =	simm.s32 $0x80  }
0x2e: {  	s1 =	simm.s32 $0x10;
	s31 =	sadd.s32 $0x0, s6;
	s23 =	simm.s32 $0x180  }
.LBB2_8:
0x2f: {  	[tilespmem:s0], [sflag:$0x4] =	stream.linear.gather [hbm4b:s31+s2], $0x80, $0x38;
	[tilespmem:$0x18100] =	vst v63  }
0x30: {  	s31 =	smov.u32 s1;
	s0 =	smov.u32 s23;
	p0 =	sne.s32 s1, $0x7F0  }
.Ltmp3:
0x31: {  	s1 =	sadd.s32 $0x10, s1;
	(pc) =	sbr.rel @p0 .LBB2_8-.Ltmp3, $2  }
0x32: {  	_ =	sdelay $0x2  }
0x33: {  	s23 =	sadd.s32 $0x100, s23;
	s31 =	sadd.s32 s31, s6  }
0x34: {  	[tilespmem:s0], [sflag:$0x4] =	stream.linear.gather [hbm4b:s31+s2], $0x80, $0x38;
	[tilespmem:$0x18100] =	vst v63  }
0x35: {  	s0 =	simm.s32 $0x8080  }
0x36: {  	s1 =	simm.s32 $0x10;
	s31 =	sadd.s32 $0x0, s7;
	s23 =	simm.s32 $0x8180  }
.LBB2_10:
0x37: {  	[tilespmem:s0], [sflag:$0x5] =	stream.linear.gather [hbm4b:s31+s2], $0x80, $0x38;
	[tilespmem:$0x18100] =	vst v63  }
0x38: {  	s31 =	smov.u32 s1;
	s0 =	smov.u32 s23;
	p0 =	sne.s32 s1, $0x7F0  }
.Ltmp4:
0x39: {  	s1 =	sadd.s32 $0x10, s1;
	(pc) =	sbr.rel @p0 .LBB2_10-.Ltmp4, $2  }
0x3a: {  	_ =	sdelay $0x2  }
0x3b: {  	s23 =	sadd.s32 $0x100, s23;
	s31 =	sadd.s32 s31, s7  }
0x3c: {  	[tilespmem:s0], [sflag:$0x5] =	stream.linear.gather [hbm4b:s31+s2], $0x80, $0x38;
	[tilespmem:$0x18100] =	vst v63  }
0x3d: {  	s0 =	simm.s32 $0x10080  }
0x3e: {  	s1 =	simm.s32 $0x10;
	s31 =	sadd.s32 $0x0, s8;
	s23 =	simm.s32 $0x10180  }
.LBB2_12:
0x3f: {  	[tilespmem:s0], [sflag:$0x6] =	stream.linear.gather [hbm4b:s31+s2], $0x80, $0x38;
	[tilespmem:$0x18100] =	vst v63  }
0x40: {  	s31 =	smov.u32 s1;
	s0 =	smov.u32 s23;
	p0 =	sne.s32 s1, $0x7F0  }
.Ltmp5:
0x41: {  	s1 =	sadd.s32 $0x10, s1;
	(pc) =	sbr.rel @p0 .LBB2_12-.Ltmp5, $2  }
0x42: {  	_ =	sdelay $0x2  }
0x43: {  	s23 =	sadd.s32 $0x100, s23;
	s31 =	sadd.s32 s31, s8  }
0x44: {  	[tilespmem:s0], [sflag:$0x6] =	stream.linear.gather [hbm4b:s31+s2], $0x80, $0x38;
	[tilespmem:$0x18100] =	vst v63  }
0x45: {  	s23 =	simm.s32 $0x1  }
0x46: {  	_ =	swait.ge [sflag:s23], $0x4000  }
0x47: {  	[sflag:s23] =	ssyncset.done $0x0  }
0x48: {  	s1 =	simm.s32 $0x2;
	[sflag:s23] =	ssyncadd.s32 $0xFFFFC000  }
0x49: {  	_ =	swait.ge [sflag:s1], $0x4000  }
0x4a: {  	[sflag:s1] =	ssyncset.done $0x0  }
0x4b: {  	s23 =	simm.s32 $0x3;
	[sflag:s1] =	ssyncadd.s32 $0xFFFFC000  }
0x4c: {  	_ =	swait.ge [sflag:s23], $0x4000  }
0x4d: {  	[sflag:s23] =	ssyncset.done $0x0  }
0x4e: {  	[sflag:s23] =	ssyncadd.s32 $0xFFFFC000;
	s23 =	simm.s32 $0x10040  }
0x4f: {  	v1 =	vld [tilespmem:s23+$0x20]  }
0x50: {  	v2 =	vld [tilespmem:s23+$0x10]  }
0x51: {  	v3 =	vld [tilespmem:s23+$0x0]  }
0x52: {  	v4 =	vld [tilespmem:s23+$0xFFFFFFF0]  }
0x53: {  	v5 =	vld [tilespmem:s23+$0xFFFFFFE0]  }
0x54: {  	s0 =	simm.s32 $0x40;
	v6 =	vld [tilespmem:s23+$0xFFFFFFD0]  }
0x55: {  	v7 =	vld [tilespmem:s0+$0xFFFFFFE0]  }
0x56: {  	v8 =	vld [tilespmem:s23+$0xFFFFFFC0]  }
0x57: {  	s31 =	simm.s32 $0x8040;
	v9 =	vld [tilespmem:s0+$0xFFFFFFC0]  }
0x58: {  	v10 =	vld [tilespmem:s31+$0xFFFFFFC0]  }
0x59: {  	v11 =	vld [tilespmem:s0+$0xFFFFFFD0]  }
0x5a: {  	v12 =	vld [tilespmem:s31+$0xFFFFFFD0]  }
0x5b: {  	v13 =	vld [tilespmem:s31+$0xFFFFFFE0]  }
0x5c: {  	v14 =	vimm.f32 $0.0e+00;
	v15 =	vld [tilespmem:s0+$0xFFFFFFF0];
	vm0 =	vgt.f32 v1, $0.0e+00  }
0x5d: {  	v1 =	vsub.f32 v9, v10;
	v9 =	vld [tilespmem:s31+$0xFFFFFFF0];
	vm2 =	vgt.f32 v3, $0.0e+00;
	vm1 =	vgt.f32 v2, $0.0e+00  }
0x5e: {  	vm3 =	vgt.f32 v6, $0.0e+00;
	vm4 =	vgt.f32 v5, $0.0e+00;
	vm5 =	vgt.f32 v4, $0.0e+00;
	v2 =	vld [tilespmem:s0+$0x0]  }
0x5f: {  	vm6 =	vgt.f32 v8, $0.0e+00;
	v3 =	vsub.f32 v11, v12;
	v5 =	vld [tilespmem:s31+$0x0];
	v1 =	vand.u32 $0x7FFFFFFF, v1  }
0x60: {  	v6 =	vsub.f32 v7, v13;
	v7 =	vld [tilespmem:s0+$0x10];
	v4 =	vsel vm6, $0x3F800000, v0;
	v1 =	vnsel vm6, $0x0, v1  }
0x61: {  	v4 =	vadd.f32 v4, v14;
	v8 =	vadd.f32 v1, v14;
	v1 =	vand.u32 $0x7FFFFFFF, v3;
	v3 =	vld [tilespmem:s31+$0x10]  }
0x62: {  	v11 =	vsel vm3, $0x3F800000, v0;
	v10 =	vnsel vm3, $0x0, v1;
	v63 =	vsub.f32 v15, v9;
	v1 =	vld [tilespmem:s0+$0x20]  }
0x63: {  	v6 =	vand.u32 $0x7FFFFFFF, v6;
	v9 =	vadd.f32 v11, v4;
	v4 =	vld [tilespmem:s31+$0x20];
	v8 =	vadd.f32 v10, v8  }
0x64: {  	v11 =	vsel vm4, $0x3F800000, v0;
	v10 =	vnsel vm4, $0x0, v6;
	v6 =	vsub.f32 v2, v5;
	v2 =	vld [tilespmem:s0+$0x30]  }
0x65: {  	v5 =	vld [tilespmem:s31+$0x30];
	v9 =	vadd.f32 v11, v9;
	v8 =	vadd.f32 v10, v8;
	v10 =	vand.u32 $0x7FFFFFFF, v63  }
0x66: {  	s1 =	simm.s32 $0x0;
	v11 =	vsel vm5, $0x3F800000, v0;
	v10 =	vnsel vm5, $0x0, v10;
	v7 =	vsub.f32 v7, v3;
	v3 =	vld [tilespmem:s23+$0x30];
	s23 =	simm.s32 $0x10140  }
.LBB2_14:
0x67: {  	v12 =	vld [tilespmem:s23+$0x20];
	v8 =	vadd.f32 v10, v8;
	v9 =	vadd.f32 v11, v9;
	v6 =	vand.u32 $0x7FFFFFFF, v6  }
0x68: {  	v11 =	vsel vm2, $0x3F800000, v0;
	v10 =	vld [tilespmem:s23+$0x10];
	v6 =	vnsel vm2, $0x0, v6;
	v1 =	vsub.f32 v1, v4  }
0x69: {  	v7 =	vand.u32 $0x7FFFFFFF, v7;
	v4 =	vld [tilespmem:s23+$0x0];
	v6 =	vadd.f32 v6, v8;
	v8 =	vadd.f32 v11, v9  }
0x6a: {  	v7 =	vnsel vm1, $0x0, v7;
	v11 =	vsel vm1, $0x3F800000, v0;
	v9 =	vld [tilespmem:s23+$0xFFFFFFF0];
	v2 =	vsub.f32 v2, v5  }
0x6b: {  	v1 =	vand.u32 $0x7FFFFFFF, v1;
	v5 =	vld [tilespmem:s23+$0xFFFFFFE0];
	v6 =	vadd.f32 v7, v6;
	v7 =	vadd.f32 v11, v8  }
0x6c: {  	s0 =	sadd.s32 $0x100, s0;
	v1 =	vnsel vm0, $0x0, v1;
	v11 =	vsel vm0, $0x3F800000, v0;
	vm0 =	vgt.f32 v3, $0.0e+00;
	v8 =	vld [tilespmem:s23+$0xFFFFFFD0]  }
0x6d: {  	v2 =	vand.u32 $0x7FFFFFFF, v2;
	v3 =	vld [tilespmem:s0+$0xFFFFFFE0];
	v1 =	vadd.f32 v1, v6;
	v6 =	vadd.f32 v11, v7  }
0x6e: {  	v2 =	vnsel vm0, $0x0, v2;
	v11 =	vsel vm0, $0x3F800000, v0;
	v7 =	vld [tilespmem:s23+$0xFFFFFFC0]  }
0x6f: {  	s31 =	sadd.s32 $0x100, s31;
	v13 =	vld [tilespmem:s0+$0xFFFFFFC0];
	v1 =	vadd.f32 v2, v1;
	v2 =	vadd.f32 v11, v6  }
0x70: {  	s1 =	sadd.s32 $0x8, s1;
	v6 =	vld [tilespmem:s31+$0xFFFFFFC0]  }
0x71: {  	p0 =	slt.u32 s1, $0x3F8;
	v11 =	vld [tilespmem:s0+$0xFFFFFFD0]  }
0x72: {  	v14 =	vld [tilespmem:s31+$0xFFFFFFD0]  }
0x73: {  	v15 =	vld [tilespmem:s31+$0xFFFFFFE0]  }
0x74: {  	vm0 =	vgt.f32 v12, $0.0e+00;
	v16 =	vld [tilespmem:s0+$0xFFFFFFF0]  }
0x75: {  	vm1 =	vgt.f32 v10, $0.0e+00;
	vm2 =	vgt.f32 v4, $0.0e+00;
	v6 =	vsub.f32 v13, v6;
	v12 =	vld [tilespmem:s31+$0xFFFFFFF0]  }
0x76: {  	vm3 =	vgt.f32 v9, $0.0e+00;
	vm5 =	vgt.f32 v5, $0.0e+00;
	vm4 =	vgt.f32 v8, $0.0e+00;
	v5 =	vld [tilespmem:s0+$0x0]  }
0x77: {  	vm6 =	vgt.f32 v7, $0.0e+00;
	v4 =	vand.u32 $0x7FFFFFFF, v6;
	v6 =	vsub.f32 v11, v14;
	v7 =	vld [tilespmem:s31+$0x0]  }
0x78: {  	v8 =	vsel vm6, $0x3F800000, v0;
	v4 =	vnsel vm6, $0x0, v4;
	v3 =	vsub.f32 v3, v15;
	v13 =	vld [tilespmem:s0+$0x10]  }
0x79: {  	v2 =	vadd.f32 v8, v2;
	v4 =	vadd.f32 v4, v1;
	v1 =	vand.u32 $0x7FFFFFFF, v6;
	v14 =	vld [tilespmem:s31+$0x10]  }
.Ltmp6:
0x7a: {  	v8 =	vsel vm4, $0x3F800000, v0;
	v6 =	vnsel vm4, $0x0, v1;
	v10 =	vsub.f32 v16, v12;
	v1 =	vld [tilespmem:s0+$0x20];
	(pc) =	sbr.rel @p0 .LBB2_14-.Ltmp6, $4  }
0x7b: {  	v11 =	vadd.f32 v8, v2;
	v2 =	vand.u32 $0x7FFFFFFF, v3;
	v9 =	vadd.f32 v6, v4;
	v4 =	vld [tilespmem:s31+$0x20]  }
0x7c: {  	v12 =	vsel vm5, $0x3F800000, v0;
	v3 =	vnsel vm5, $0x0, v2;
	v6 =	vsub.f32 v5, v7;
	v2 =	vld [tilespmem:s0+$0x30]  }
0x7d: {  	v8 =	vadd.f32 v3, v9;
	v9 =	vadd.f32 v12, v11;
	v3 =	vand.u32 $0x7FFFFFFF, v10;
	v5 =	vld [tilespmem:s31+$0x30]  }
0x7e: {  	v11 =	vsel vm3, $0x3F800000, v0;
	v10 =	vnsel vm3, $0x0, v3;
	v7 =	vsub.f32 v13, v14;
	v3 =	vld [tilespmem:s23+$0x30];
	s23 =	sadd.s32 $0x100, s23  }
0x7f: {  	v8 =	vadd.f32 v10, v8;
	v9 =	vadd.f32 v11, v9;
	v6 =	vand.u32 $0x7FFFFFFF, v6  }
0x80: {  	v57 =	vsel vm2, $0x3F800000, v0;
	v6 =	vnsel vm2, $0x0, v6;
	v1 =	vsub.f32 v1, v4  }
0x81: {  	v7 =	vand.u32 $0x7FFFFFFF, v7;
	v58 =	vadd.f32 v6, v8;
	v59 =	vadd.f32 v57, v9  }
0x82: {  	v60 =	vsel vm1, $0x3F800000, v0;
	v7 =	vnsel vm1, $0x0, v7;
	v2 =	vsub.f32 v2, v5  }
0x83: {  	v1 =	vand.u32 $0x7FFFFFFF, v1;
	v4 =	vadd.f32 v7, v58;
	v61 =	vadd.f32 v60, v59  }
0x84: {  	v62 =	vsel vm0, $0x3F800000, v0;
	v1 =	vnsel vm0, $0x0, v1;
	vm15 =	vgt.f32 v3, $0.0e+00  }
0x85: {  	v2 =	vand.u32 $0x7FFFFFFF, v2;
	v1 =	vadd.f32 v1, v4;
	v3 =	vadd.f32 v62, v61  }
0x86: {  	s0 =	simm.s32 $0x0;
	v63 =	vsel vm15, $0x3F800000, v0;
	v2 =	vnsel vm15, $0x0, v2  }
0x87: {  	s1 =	simm.s32 $0x10;
	s31 =	sadd.s32 $0x0, s9;
	s23 =	simm.s32 $0x100;
	v1 =	vadd.f32 v2, v1;
	v2 =	vadd.f32 v63, v3  }
.LBB2_16:
0x88: {  	[tilespmem:s0], [sflag:$0x1] =	stream.linear.gather [hbm4b:s31+s2], $0x80, $0x38;
	[tilespmem:$0x18100] =	vst v63  }
0x89: {  	s31 =	smov.u32 s1;
	s0 =	smov.u32 s23;
	p0 =	sne.s32 s1, $0x7F0  }
.Ltmp7:
0x8a: {  	s1 =	sadd.s32 $0x10, s1;
	(pc) =	sbr.rel @p0 .LBB2_16-.Ltmp7, $2  }
0x8b: {  	_ =	sdelay $0x2  }
0x8c: {  	s23 =	sadd.s32 $0x100, s23;
	s31 =	sadd.s32 s31, s9  }
0x8d: {  	[tilespmem:s0], [sflag:$0x1] =	stream.linear.gather [hbm4b:s31+s2], $0x80, $0x38;
	[tilespmem:$0x18100] =	vst v63  }
0x8e: {  	s0 =	simm.s32 $0x8000  }
0x8f: {  	s1 =	simm.s32 $0x10;
	s31 =	sadd.s32 $0x0, s10;
	s23 =	simm.s32 $0x8100  }
.LBB2_18:
0x90: {  	[tilespmem:s0], [sflag:$0x2] =	stream.linear.gather [hbm4b:s31+s2], $0x80, $0x38;
	[tilespmem:$0x18100] =	vst v63  }
0x91: {  	s31 =	smov.u32 s1;
	s0 =	smov.u32 s23;
	p0 =	sne.s32 s1, $0x7F0  }
.Ltmp8:
0x92: {  	s1 =	sadd.s32 $0x10, s1;
	(pc) =	sbr.rel @p0 .LBB2_18-.Ltmp8, $2  }
0x93: {  	_ =	sdelay $0x2  }
0x94: {  	s23 =	sadd.s32 $0x100, s23;
	s31 =	sadd.s32 s31, s10  }
0x95: {  	[tilespmem:s0], [sflag:$0x2] =	stream.linear.gather [hbm4b:s31+s2], $0x80, $0x38;
	[tilespmem:$0x18100] =	vst v63  }
0x96: {  	s0 =	simm.s32 $0x10000  }
0x97: {  	s1 =	simm.s32 $0x10;
	s31 =	sadd.s32 $0x0, s11;
	s23 =	simm.s32 $0x10100  }
.LBB2_20:
0x98: {  	[tilespmem:s0], [sflag:$0x3] =	stream.linear.gather [hbm4b:s31+s2], $0x80, $0x38;
	[tilespmem:$0x18100] =	vst v63  }
0x99: {  	s31 =	smov.u32 s1;
	s0 =	smov.u32 s23;
	p0 =	sne.s32 s1, $0x7F0  }
.Ltmp9:
0x9a: {  	s1 =	sadd.s32 $0x10, s1;
	(pc) =	sbr.rel @p0 .LBB2_20-.Ltmp9, $2  }
0x9b: {  	_ =	sdelay $0x2  }
0x9c: {  	s23 =	sadd.s32 $0x100, s23;
	s31 =	sadd.s32 s31, s11  }
0x9d: {  	[tilespmem:s0], [sflag:$0x3] =	stream.linear.gather [hbm4b:s31+s2], $0x80, $0x38;
	[tilespmem:$0x18100] =	vst v63  }
0x9e: {  	s1 =	simm.s32 $0x4  }
0x9f: {  	_ =	swait.ge [sflag:s1], $0x4000  }
0xa0: {  	[sflag:s1] =	ssyncset.done $0x0  }
0xa1: {  	s23 =	simm.s32 $0x5;
	[sflag:s1] =	ssyncadd.s32 $0xFFFFC000  }
0xa2: {  	_ =	swait.ge [sflag:s23], $0x4000  }
0xa3: {  	[sflag:s23] =	ssyncset.done $0x0  }
0xa4: {  	[sflag:s23] =	ssyncadd.s32 $0xFFFFC000  }
0xa5: {  	_ =	swait.ge [sflag:s25], $0x4000  }
0xa6: {  	[sflag:s25] =	ssyncset.done $0x0  }
0xa7: {  	s23 =	simm.s32 $0x100F0;
	[sflag:s25] =	ssyncadd.s32 $0xFFFFC000  }
0xa8: {  	v3 =	vld [tilespmem:s23+$0xFFFFFFF0]  }
0xa9: {  	v4 =	vld [tilespmem:s23+$0xFFFFFFE0]  }
0xaa: {  	v5 =	vld [tilespmem:s23+$0xFFFFFFD0]  }
0xab: {  	v6 =	vld [tilespmem:s23+$0xFFFFFFC0]  }
0xac: {  	v7 =	vld [tilespmem:s23+$0xFFFFFFB0]  }
0xad: {  	s0 =	simm.s32 $0xF0;
	v8 =	vld [tilespmem:s23+$0xFFFFFFA0]  }
0xae: {  	v9 =	vld [tilespmem:s0+$0xFFFFFFB0]  }
0xaf: {  	s31 =	simm.s32 $0x80F0;
	v11 =	vld [tilespmem:s0+$0xFFFFFF90]  }
0xb0: {  	v12 =	vld [tilespmem:s31+$0xFFFFFF90]  }
0xb1: {  	v10 =	vld [tilespmem:s23+$0xFFFFFF90]  }
0xb2: {  	v13 =	vld [tilespmem:s0+$0xFFFFFFA0]  }
0xb3: {  	v14 =	vld [tilespmem:s31+$0xFFFFFFA0]  }
0xb4: {  	v15 =	vld [tilespmem:s31+$0xFFFFFFB0]  }
0xb5: {  	v16 =	vld [tilespmem:s0+$0xFFFFFFC0];
	vm0 =	vgt.f32 v3, $0.0e+00;
	v3 =	vsub.f32 v11, v12  }
0xb6: {  	v11 =	vld [tilespmem:s31+$0xFFFFFFC0];
	vm2 =	vgt.f32 v5, $0.0e+00;
	vm1 =	vgt.f32 v4, $0.0e+00;
	vm3 =	vgt.f32 v8, $0.0e+00  }
0xb7: {  	vm4 =	vgt.f32 v7, $0.0e+00;
	vm5 =	vgt.f32 v6, $0.0e+00;
	v5 =	vld [tilespmem:s0+$0xFFFFFFD0];
	vm6 =	vgt.f32 v10, $0.0e+00  }
0xb8: {  	v4 =	vsub.f32 v13, v14;
	v6 =	vld [tilespmem:s31+$0xFFFFFFD0];
	v7 =	vsel vm6, $0x3F800000, v0;
	v3 =	vand.u32 $0x7FFFFFFF, v3  }
0xb9: {  	v63 =	vld [tilespmem:s0+$0xFFFFFFE0];
	v8 =	vsub.f32 v9, v15;
	v2 =	vadd.f32 v7, v2;
	v3 =	vnsel vm6, $0x0, v3  }
0xba: {  	v9 =	vsel vm3, $0x3F800000, v0;
	v7 =	vld [tilespmem:s31+$0xFFFFFFE0];
	v3 =	vadd.f32 v3, v1;
	v1 =	vand.u32 $0x7FFFFFFF, v4  }
0xbb: {  	v9 =	vadd.f32 v9, v2;
	v4 =	vnsel vm3, $0x0, v1;
	v1 =	vld [tilespmem:s0+$0xFFFFFFF0]  }
0xbc: {  	v2 =	vand.u32 $0x7FFFFFFF, v8;
	v10 =	vsub.f32 v16, v11;
	v3 =	vadd.f32 v4, v3;
	v4 =	vld [tilespmem:s31+$0xFFFFFFF0]  }
0xbd: {  	v8 =	vnsel vm4, $0x0, v2;
	v11 =	vsel vm4, $0x3F800000, v0;
	v6 =	vsub.f32 v5, v6;
	v2 =	vld [tilespmem:s0+$0x0]  }
0xbe: {  	v5 =	vld [tilespmem:s31+$0x0];
	v9 =	vadd.f32 v11, v9;
	v8 =	vadd.f32 v8, v3;
	v3 =	vand.u32 $0x7FFFFFFF, v10  }
0xbf: {  	s1 =	simm.s32 $0x0;
	v11 =	vsel vm5, $0x3F800000, v0;
	v7 =	vsub.f32 v63, v7;
	v10 =	vnsel vm5, $0x0, v3;
	v3 =	vld [tilespmem:s23+$0x0];
	s23 =	simm.s32 $0x101F0  }
.LBB2_22:
0xc0: {  	v12 =	vld [tilespmem:s23+$0xFFFFFFF0];
	v8 =	vadd.f32 v10, v8;
	v9 =	vadd.f32 v11, v9;
	v6 =	vand.u32 $0x7FFFFFFF, v6  }
0xc1: {  	v11 =	vsel vm2, $0x3F800000, v0;
	v10 =	vld [tilespmem:s23+$0xFFFFFFE0];
	v6 =	vnsel vm2, $0x0, v6;
	v1 =	vsub.f32 v1, v4  }
0xc2: {  	v7 =	vand.u32 $0x7FFFFFFF, v7;
	v4 =	vld [tilespmem:s23+$0xFFFFFFD0];
	v6 =	vadd.f32 v6, v8;
	v8 =	vadd.f32 v11, v9  }
0xc3: {  	v7 =	vnsel vm1, $0x0, v7;
	v11 =	vsel vm1, $0x3F800000, v0;
	v9 =	vld [tilespmem:s23+$0xFFFFFFC0];
	v2 =	vsub.f32 v2, v5  }
0xc4: {  	v1 =	vand.u32 $0x7FFFFFFF, v1;
	v5 =	vld [tilespmem:s23+$0xFFFFFFB0];
	v6 =	vadd.f32 v7, v6;
	v7 =	vadd.f32 v11, v8  }
0xc5: {  	s0 =	sadd.s32 $0x100, s0;
	v1 =	vnsel vm0, $0x0, v1;
	v11 =	vsel vm0, $0x3F800000, v0;
	vm0 =	vgt.f32 v3, $0.0e+00;
	v8 =	vld [tilespmem:s23+$0xFFFFFFA0]  }
0xc6: {  	v2 =	vand.u32 $0x7FFFFFFF, v2;
	v3 =	vld [tilespmem:s0+$0xFFFFFFB0];
	v1 =	vadd.f32 v1, v6;
	v6 =	vadd.f32 v11, v7  }
0xc7: {  	v2 =	vnsel vm0, $0x0, v2;
	v11 =	vsel vm0, $0x3F800000, v0;
	v7 =	vld [tilespmem:s23+$0xFFFFFF90]  }
0xc8: {  	s31 =	sadd.s32 $0x100, s31;
	v13 =	vld [tilespmem:s0+$0xFFFFFF90];
	v1 =	vadd.f32 v2, v1;
	v2 =	vadd.f32 v11, v6  }
0xc9: {  	s1 =	sadd.s32 $0x8, s1;
	v6 =	vld [tilespmem:s31+$0xFFFFFF90]  }
0xca: {  	p0 =	slt.u32 s1, $0x3F8;
	v11 =	vld [tilespmem:s0+$0xFFFFFFA0]  }
0xcb: {  	v14 =	vld [tilespmem:s31+$0xFFFFFFA0]  }
0xcc: {  	v15 =	vld [tilespmem:s31+$0xFFFFFFB0]  }
0xcd: {  	vm0 =	vgt.f32 v12, $0.0e+00;
	v16 =	vld [tilespmem:s0+$0xFFFFFFC0]  }
0xce: {  	vm1 =	vgt.f32 v10, $0.0e+00;
	vm2 =	vgt.f32 v4, $0.0e+00;
	v6 =	vsub.f32 v13, v6;
	v12 =	vld [tilespmem:s31+$0xFFFFFFC0]  }
0xcf: {  	vm3 =	vgt.f32 v9, $0.0e+00;
	vm5 =	vgt.f32 v5, $0.0e+00;
	vm4 =	vgt.f32 v8, $0.0e+00;
	v5 =	vld [tilespmem:s0+$0xFFFFFFD0]  }
0xd0: {  	vm6 =	vgt.f32 v7, $0.0e+00;
	v4 =	vand.u32 $0x7FFFFFFF, v6;
	v6 =	vsub.f32 v11, v14;
	v7 =	vld [tilespmem:s31+$0xFFFFFFD0]  }
0xd1: {  	v8 =	vsel vm6, $0x3F800000, v0;
	v4 =	vnsel vm6, $0x0, v4;
	v3 =	vsub.f32 v3, v15;
	v13 =	vld [tilespmem:s0+$0xFFFFFFE0]  }
0xd2: {  	v2 =	vadd.f32 v8, v2;
	v4 =	vadd.f32 v4, v1;
	v1 =	vand.u32 $0x7FFFFFFF, v6;
	v14 =	vld [tilespmem:s31+$0xFFFFFFE0]  }
.Ltmp10:
0xd3: {  	v8 =	vsel vm4, $0x3F800000, v0;
	v6 =	vnsel vm4, $0x0, v1;
	v10 =	vsub.f32 v16, v12;
	v1 =	vld [tilespmem:s0+$0xFFFFFFF0];
	(pc) =	sbr.rel @p0 .LBB2_22-.Ltmp10, $4  }
0xd4: {  	v11 =	vadd.f32 v8, v2;
	v2 =	vand.u32 $0x7FFFFFFF, v3;
	v9 =	vadd.f32 v6, v4;
	v4 =	vld [tilespmem:s31+$0xFFFFFFF0]  }
0xd5: {  	v12 =	vsel vm5, $0x3F800000, v0;
	v3 =	vnsel vm5, $0x0, v2;
	v6 =	vsub.f32 v5, v7;
	v2 =	vld [tilespmem:s0+$0x0]  }
0xd6: {  	v8 =	vadd.f32 v3, v9;
	v9 =	vadd.f32 v12, v11;
	v3 =	vand.u32 $0x7FFFFFFF, v10;
	v5 =	vld [tilespmem:s31+$0x0]  }
0xd7: {  	v11 =	vsel vm3, $0x3F800000, v0;
	v10 =	vnsel vm3, $0x0, v3;
	v7 =	vsub.f32 v13, v14;
	v3 =	vld [tilespmem:s23+$0x0];
	s23 =	sadd.s32 $0x100, s23  }
0xd8: {  	v8 =	vadd.f32 v10, v8;
	v9 =	vadd.f32 v11, v9;
	v6 =	vand.u32 $0x7FFFFFFF, v6  }
0xd9: {  	v57 =	vsel vm2, $0x3F800000, v0;
	v6 =	vnsel vm2, $0x0, v6;
	v1 =	vsub.f32 v1, v4  }
0xda: {  	v7 =	vand.u32 $0x7FFFFFFF, v7;
	v58 =	vadd.f32 v6, v8;
	v59 =	vadd.f32 v57, v9  }
0xdb: {  	v60 =	vsel vm1, $0x3F800000, v0;
	v7 =	vnsel vm1, $0x0, v7;
	v2 =	vsub.f32 v2, v5  }
0xdc: {  	v1 =	vand.u32 $0x7FFFFFFF, v1;
	v4 =	vadd.f32 v7, v58;
	v61 =	vadd.f32 v60, v59  }
0xdd: {  	v62 =	vsel vm0, $0x3F800000, v0;
	v1 =	vnsel vm0, $0x0, v1;
	vm15 =	vgt.f32 v3, $0.0e+00  }
0xde: {  	v2 =	vand.u32 $0x7FFFFFFF, v2;
	v1 =	vadd.f32 v1, v4;
	v3 =	vadd.f32 v62, v61  }
0xdf: {  	s0 =	simm.s32 $0x80;
	v63 =	vsel vm15, $0x3F800000, v0;
	v2 =	vnsel vm15, $0x0, v2  }
0xe0: {  	s1 =	simm.s32 $0x10;
	s31 =	sadd.s32 $0x0, s12;
	s23 =	simm.s32 $0x180;
	v1 =	vadd.f32 v2, v1;
	v2 =	vadd.f32 v63, v3  }
.LBB2_24:
0xe1: {  	[tilespmem:s0], [sflag:$0x4] =	stream.linear.gather [hbm4b:s31+s2], $0x80, $0x38;
	[tilespmem:$0x18100] =	vst v63  }
0xe2: {  	s31 =	smov.u32 s1;
	s0 =	smov.u32 s23;
	p0 =	sne.s32 s1, $0x7F0  }
.Ltmp11:
0xe3: {  	s1 =	sadd.s32 $0x10, s1;
	(pc) =	sbr.rel @p0 .LBB2_24-.Ltmp11, $2  }
0xe4: {  	_ =	sdelay $0x2  }
0xe5: {  	s23 =	sadd.s32 $0x100, s23;
	s31 =	sadd.s32 s31, s12  }
0xe6: {  	[tilespmem:s0], [sflag:$0x4] =	stream.linear.gather [hbm4b:s31+s2], $0x80, $0x38;
	[tilespmem:$0x18100] =	vst v63  }
0xe7: {  	s0 =	simm.s32 $0x8080  }
0xe8: {  	s1 =	simm.s32 $0x10;
	s31 =	sadd.s32 $0x0, s13;
	s23 =	simm.s32 $0x8180  }
.LBB2_26:
0xe9: {  	[tilespmem:s0], [sflag:$0x5] =	stream.linear.gather [hbm4b:s31+s2], $0x80, $0x38;
	[tilespmem:$0x18100] =	vst v63  }
0xea: {  	s31 =	smov.u32 s1;
	s0 =	smov.u32 s23;
	p0 =	sne.s32 s1, $0x7F0  }
.Ltmp12:
0xeb: {  	s1 =	sadd.s32 $0x10, s1;
	(pc) =	sbr.rel @p0 .LBB2_26-.Ltmp12, $2  }
0xec: {  	_ =	sdelay $0x2  }
0xed: {  	s23 =	sadd.s32 $0x100, s23;
	s31 =	sadd.s32 s31, s13  }
0xee: {  	[tilespmem:s0], [sflag:$0x5] =	stream.linear.gather [hbm4b:s31+s2], $0x80, $0x38;
	[tilespmem:$0x18100] =	vst v63  }
0xef: {  	s0 =	simm.s32 $0x10080  }
0xf0: {  	s1 =	simm.s32 $0x10;
	s31 =	sadd.s32 $0x0, s22;
	s23 =	simm.s32 $0x10180  }
.LBB2_28:
0xf1: {  	[tilespmem:s0], [sflag:$0x6] =	stream.linear.gather [hbm4b:s31+s2], $0x80, $0x38;
	[tilespmem:$0x18100] =	vst v63  }
0xf2: {  	s31 =	smov.u32 s1;
	s0 =	smov.u32 s23;
	p0 =	sne.s32 s1, $0x7F0  }
.Ltmp13:
0xf3: {  	s1 =	sadd.s32 $0x10, s1;
	(pc) =	sbr.rel @p0 .LBB2_28-.Ltmp13, $2  }
0xf4: {  	_ =	sdelay $0x2  }
0xf5: {  	s23 =	sadd.s32 $0x100, s23;
	s31 =	sadd.s32 s31, s22  }
0xf6: {  	[tilespmem:s0], [sflag:$0x6] =	stream.linear.gather [hbm4b:s31+s2], $0x80, $0x38;
	[tilespmem:$0x18100] =	vst v63  }
0xf7: {  	s23 =	simm.s32 $0x1  }
0xf8: {  	_ =	swait.ge [sflag:s23], $0x4000  }
0xf9: {  	[sflag:s23] =	ssyncset.done $0x0  }
0xfa: {  	s1 =	simm.s32 $0x2;
	[sflag:s23] =	ssyncadd.s32 $0xFFFFC000  }
0xfb: {  	_ =	swait.ge [sflag:s1], $0x4000  }
0xfc: {  	[sflag:s1] =	ssyncset.done $0x0  }
0xfd: {  	s23 =	simm.s32 $0x3;
	[sflag:s1] =	ssyncadd.s32 $0xFFFFC000  }
0xfe: {  	_ =	swait.ge [sflag:s23], $0x4000  }
0xff: {  	[sflag:s23] =	ssyncset.done $0x0  }
0x100: {  	[sflag:s23] =	ssyncadd.s32 $0xFFFFC000;
	s23 =	simm.s32 $0x10040  }
0x101: {  	v3 =	vld [tilespmem:s23+$0x20]  }
0x102: {  	v4 =	vld [tilespmem:s23+$0x10]  }
0x103: {  	v5 =	vld [tilespmem:s23+$0x0]  }
0x104: {  	v6 =	vld [tilespmem:s23+$0xFFFFFFF0]  }
0x105: {  	v7 =	vld [tilespmem:s23+$0xFFFFFFE0]  }
0x106: {  	s0 =	simm.s32 $0x40;
	v8 =	vld [tilespmem:s23+$0xFFFFFFD0]  }
0x107: {  	v9 =	vld [tilespmem:s0+$0xFFFFFFE0]  }
0x108: {  	s31 =	simm.s32 $0x8040;
	v11 =	vld [tilespmem:s0+$0xFFFFFFC0]  }
0x109: {  	v12 =	vld [tilespmem:s31+$0xFFFFFFC0]  }
0x10a: {  	v10 =	vld [tilespmem:s23+$0xFFFFFFC0]  }
0x10b: {  	v13 =	vld [tilespmem:s0+$0xFFFFFFD0]  }
0x10c: {  	v14 =	vld [tilespmem:s31+$0xFFFFFFD0]  }
0x10d: {  	v15 =	vld [tilespmem:s31+$0xFFFFFFE0]  }
0x10e: {  	v16 =	vld [tilespmem:s0+$0xFFFFFFF0];
	vm0 =	vgt.f32 v3, $0.0e+00;
	v3 =	vsub.f32 v11, v12  }
0x10f: {  	v11 =	vld [tilespmem:s31+$0xFFFFFFF0];
	vm2 =	vgt.f32 v5, $0.0e+00;
	vm1 =	vgt.f32 v4, $0.0e+00;
	vm3 =	vgt.f32 v8, $0.0e+00  }
0x110: {  	vm4 =	vgt.f32 v7, $0.0e+00;
	vm5 =	vgt.f32 v6, $0.0e+00;
	v5 =	vld [tilespmem:s0+$0x0];
	vm6 =	vgt.f32 v10, $0.0e+00  }
0x111: {  	v4 =	vsub.f32 v13, v14;
	v6 =	vld [tilespmem:s31+$0x0];
	v7 =	vsel vm6, $0x3F800000, v0;
	v3 =	vand.u32 $0x7FFFFFFF, v3  }
0x112: {  	v63 =	vld [tilespmem:s0+$0x10];
	v8 =	vsub.f32 v9, v15;
	v2 =	vadd.f32 v7, v2;
	v3 =	vnsel vm6, $0x0, v3  }
0x113: {  	v9 =	vsel vm3, $0x3F800000, v0;
	v7 =	vld [tilespmem:s31+$0x10];
	v3 =	vadd.f32 v3, v1;
	v1 =	vand.u32 $0x7FFFFFFF, v4  }
0x114: {  	v9 =	vadd.f32 v9, v2;
	v4 =	vnsel vm3, $0x0, v1;
	v1 =	vld [tilespmem:s0+$0x20]  }
0x115: {  	v2 =	vand.u32 $0x7FFFFFFF, v8;
	v10 =	vsub.f32 v16, v11;
	v3 =	vadd.f32 v4, v3;
	v4 =	vld [tilespmem:s31+$0x20]  }
0x116: {  	v8 =	vnsel vm4, $0x0, v2;
	v11 =	vsel vm4, $0x3F800000, v0;
	v6 =	vsub.f32 v5, v6;
	v2 =	vld [tilespmem:s0+$0x30]  }
0x117: {  	v5 =	vld [tilespmem:s31+$0x30];
	v9 =	vadd.f32 v11, v9;
	v8 =	vadd.f32 v8, v3;
	v3 =	vand.u32 $0x7FFFFFFF, v10  }
0x118: {  	s1 =	simm.s32 $0x0;
	v11 =	vsel vm5, $0x3F800000, v0;
	v7 =	vsub.f32 v63, v7;
	v10 =	vnsel vm5, $0x0, v3;
	v3 =	vld [tilespmem:s23+$0x30];
	s23 =	simm.s32 $0x10140  }
.LBB2_30:
0x119: {  	v12 =	vld [tilespmem:s23+$0x20];
	v8 =	vadd.f32 v10, v8;
	v9 =	vadd.f32 v11, v9;
	v6 =	vand.u32 $0x7FFFFFFF, v6  }
0x11a: {  	v11 =	vsel vm2, $0x3F800000, v0;
	v10 =	vld [tilespmem:s23+$0x10];
	v6 =	vnsel vm2, $0x0, v6;
	v1 =	vsub.f32 v1, v4  }
0x11b: {  	v7 =	vand.u32 $0x7FFFFFFF, v7;
	v4 =	vld [tilespmem:s23+$0x0];
	v6 =	vadd.f32 v6, v8;
	v8 =	vadd.f32 v11, v9  }
0x11c: {  	v7 =	vnsel vm1, $0x0, v7;
	v11 =	vsel vm1, $0x3F800000, v0;
	v9 =	vld [tilespmem:s23+$0xFFFFFFF0];
	v2 =	vsub.f32 v2, v5  }
0x11d: {  	v1 =	vand.u32 $0x7FFFFFFF, v1;
	v5 =	vld [tilespmem:s23+$0xFFFFFFE0];
	v6 =	vadd.f32 v7, v6;
	v7 =	vadd.f32 v11, v8  }
0x11e: {  	s0 =	sadd.s32 $0x100, s0;
	v1 =	vnsel vm0, $0x0, v1;
	v11 =	vsel vm0, $0x3F800000, v0;
	vm0 =	vgt.f32 v3, $0.0e+00;
	v8 =	vld [tilespmem:s23+$0xFFFFFFD0]  }
0x11f: {  	v2 =	vand.u32 $0x7FFFFFFF, v2;
	v3 =	vld [tilespmem:s0+$0xFFFFFFE0];
	v1 =	vadd.f32 v1, v6;
	v6 =	vadd.f32 v11, v7  }
0x120: {  	v2 =	vnsel vm0, $0x0, v2;
	v11 =	vsel vm0, $0x3F800000, v0;
	v7 =	vld [tilespmem:s23+$0xFFFFFFC0]  }
0x121: {  	s31 =	sadd.s32 $0x100, s31;
	v13 =	vld [tilespmem:s0+$0xFFFFFFC0];
	v1 =	vadd.f32 v2, v1;
	v2 =	vadd.f32 v11, v6  }
0x122: {  	s1 =	sadd.s32 $0x8, s1;
	v6 =	vld [tilespmem:s31+$0xFFFFFFC0]  }
0x123: {  	p0 =	slt.u32 s1, $0x3F8;
	v11 =	vld [tilespmem:s0+$0xFFFFFFD0]  }
0x124: {  	v14 =	vld [tilespmem:s31+$0xFFFFFFD0]  }
0x125: {  	v15 =	vld [tilespmem:s31+$0xFFFFFFE0]  }
0x126: {  	vm0 =	vgt.f32 v12, $0.0e+00;
	v16 =	vld [tilespmem:s0+$0xFFFFFFF0]  }
0x127: {  	vm1 =	vgt.f32 v10, $0.0e+00;
	vm2 =	vgt.f32 v4, $0.0e+00;
	v6 =	vsub.f32 v13, v6;
	v12 =	vld [tilespmem:s31+$0xFFFFFFF0]  }
0x128: {  	vm3 =	vgt.f32 v9, $0.0e+00;
	vm5 =	vgt.f32 v5, $0.0e+00;
	vm4 =	vgt.f32 v8, $0.0e+00;
	v5 =	vld [tilespmem:s0+$0x0]  }
0x129: {  	vm6 =	vgt.f32 v7, $0.0e+00;
	v4 =	vand.u32 $0x7FFFFFFF, v6;
	v6 =	vsub.f32 v11, v14;
	v7 =	vld [tilespmem:s31+$0x0]  }
0x12a: {  	v8 =	vsel vm6, $0x3F800000, v0;
	v4 =	vnsel vm6, $0x0, v4;
	v3 =	vsub.f32 v3, v15;
	v13 =	vld [tilespmem:s0+$0x10]  }
0x12b: {  	v2 =	vadd.f32 v8, v2;
	v4 =	vadd.f32 v4, v1;
	v1 =	vand.u32 $0x7FFFFFFF, v6;
	v14 =	vld [tilespmem:s31+$0x10]  }
.Ltmp14:
0x12c: {  	v8 =	vsel vm4, $0x3F800000, v0;
	v6 =	vnsel vm4, $0x0, v1;
	v10 =	vsub.f32 v16, v12;
	v1 =	vld [tilespmem:s0+$0x20];
	(pc) =	sbr.rel @p0 .LBB2_30-.Ltmp14, $4  }
0x12d: {  	v11 =	vadd.f32 v8, v2;
	v2 =	vand.u32 $0x7FFFFFFF, v3;
	v9 =	vadd.f32 v6, v4;
	v4 =	vld [tilespmem:s31+$0x20]  }
0x12e: {  	v12 =	vsel vm5, $0x3F800000, v0;
	v3 =	vnsel vm5, $0x0, v2;
	v6 =	vsub.f32 v5, v7;
	v2 =	vld [tilespmem:s0+$0x30]  }
0x12f: {  	v8 =	vadd.f32 v3, v9;
	v9 =	vadd.f32 v12, v11;
	v3 =	vand.u32 $0x7FFFFFFF, v10;
	v5 =	vld [tilespmem:s31+$0x30]  }
0x130: {  	v11 =	vsel vm3, $0x3F800000, v0;
	v10 =	vnsel vm3, $0x0, v3;
	v7 =	vsub.f32 v13, v14;
	v3 =	vld [tilespmem:s23+$0x30];
	s23 =	sadd.s32 $0x100, s23  }
0x131: {  	v8 =	vadd.f32 v10, v8;
	v9 =	vadd.f32 v11, v9;
	v6 =	vand.u32 $0x7FFFFFFF, v6  }
0x132: {  	v57 =	vsel vm2, $0x3F800000, v0;
	v6 =	vnsel vm2, $0x0, v6;
	v1 =	vsub.f32 v1, v4  }
0x133: {  	v7 =	vand.u32 $0x7FFFFFFF, v7;
	v58 =	vadd.f32 v6, v8;
	v59 =	vadd.f32 v57, v9  }
0x134: {  	v60 =	vsel vm1, $0x3F800000, v0;
	v7 =	vnsel vm1, $0x0, v7;
	v2 =	vsub.f32 v2, v5  }
0x135: {  	v1 =	vand.u32 $0x7FFFFFFF, v1;
	v4 =	vadd.f32 v7, v58;
	v61 =	vadd.f32 v60, v59  }
0x136: {  	v62 =	vsel vm0, $0x3F800000, v0;
	v1 =	vnsel vm0, $0x0, v1;
	vm15 =	vgt.f32 v3, $0.0e+00  }
0x137: {  	v2 =	vand.u32 $0x7FFFFFFF, v2;
	v1 =	vadd.f32 v1, v4;
	v3 =	vadd.f32 v62, v61  }
0x138: {  	s0 =	simm.s32 $0x0;
	v63 =	vsel vm15, $0x3F800000, v0;
	v2 =	vnsel vm15, $0x0, v2  }
0x139: {  	s1 =	simm.s32 $0x10;
	s31 =	sadd.s32 $0x0, s14;
	s23 =	simm.s32 $0x100;
	v1 =	vadd.f32 v2, v1;
	v2 =	vadd.f32 v63, v3  }
.LBB2_32:
0x13a: {  	[tilespmem:s0], [sflag:$0x1] =	stream.linear.gather [hbm4b:s31+s2], $0x80, $0x38;
	[tilespmem:$0x18100] =	vst v63  }
0x13b: {  	s31 =	smov.u32 s1;
	s0 =	smov.u32 s23;
	p0 =	sne.s32 s1, $0x7F0  }
.Ltmp15:
0x13c: {  	s1 =	sadd.s32 $0x10, s1;
	(pc) =	sbr.rel @p0 .LBB2_32-.Ltmp15, $2  }
0x13d: {  	_ =	sdelay $0x2  }
0x13e: {  	s23 =	sadd.s32 $0x100, s23;
	s31 =	sadd.s32 s31, s14  }
0x13f: {  	[tilespmem:s0], [sflag:$0x1] =	stream.linear.gather [hbm4b:s31+s2], $0x80, $0x38;
	[tilespmem:$0x18100] =	vst v63  }
0x140: {  	s0 =	simm.s32 $0x8000  }
0x141: {  	s1 =	simm.s32 $0x10;
	s31 =	sadd.s32 $0x0, s15;
	s23 =	simm.s32 $0x8100  }
.LBB2_34:
0x142: {  	[tilespmem:s0], [sflag:$0x2] =	stream.linear.gather [hbm4b:s31+s2], $0x80, $0x38;
	[tilespmem:$0x18100] =	vst v63  }
0x143: {  	s31 =	smov.u32 s1;
	s0 =	smov.u32 s23;
	p0 =	sne.s32 s1, $0x7F0  }
.Ltmp16:
0x144: {  	s1 =	sadd.s32 $0x10, s1;
	(pc) =	sbr.rel @p0 .LBB2_34-.Ltmp16, $2  }
0x145: {  	_ =	sdelay $0x2  }
0x146: {  	s23 =	sadd.s32 $0x100, s23;
	s31 =	sadd.s32 s31, s15  }
0x147: {  	[tilespmem:s0], [sflag:$0x2] =	stream.linear.gather [hbm4b:s31+s2], $0x80, $0x38;
	[tilespmem:$0x18100] =	vst v63  }
0x148: {  	s0 =	simm.s32 $0x10000  }
0x149: {  	s1 =	simm.s32 $0x10;
	s31 =	sadd.s32 $0x0, s24;
	s23 =	simm.s32 $0x10100  }
.LBB2_36:
0x14a: {  	[tilespmem:s0], [sflag:$0x3] =	stream.linear.gather [hbm4b:s31+s2], $0x80, $0x38;
	[tilespmem:$0x18100] =	vst v63  }
0x14b: {  	s31 =	smov.u32 s1;
	s0 =	smov.u32 s23;
	p0 =	sne.s32 s1, $0x7F0  }
.Ltmp17:
0x14c: {  	s1 =	sadd.s32 $0x10, s1;
	(pc) =	sbr.rel @p0 .LBB2_36-.Ltmp17, $2  }
0x14d: {  	_ =	sdelay $0x2  }
0x14e: {  	s23 =	sadd.s32 $0x100, s23;
	s31 =	sadd.s32 s31, s24  }
0x14f: {  	[tilespmem:s0], [sflag:$0x3] =	stream.linear.gather [hbm4b:s31+s2], $0x80, $0x38;
	[tilespmem:$0x18100] =	vst v63  }
0x150: {  	s1 =	simm.s32 $0x4  }
0x151: {  	_ =	swait.ge [sflag:s1], $0x4000  }
0x152: {  	[sflag:s1] =	ssyncset.done $0x0  }
0x153: {  	s23 =	simm.s32 $0x5;
	[sflag:s1] =	ssyncadd.s32 $0xFFFFC000  }
0x154: {  	_ =	swait.ge [sflag:s23], $0x4000  }
0x155: {  	[sflag:s23] =	ssyncset.done $0x0  }
0x156: {  	[sflag:s23] =	ssyncadd.s32 $0xFFFFC000  }
0x157: {  	_ =	swait.ge [sflag:s25], $0x4000  }
0x158: {  	[sflag:s25] =	ssyncset.done $0x0  }
0x159: {  	s23 =	simm.s32 $0x100F0;
	[sflag:s25] =	ssyncadd.s32 $0xFFFFC000  }
0x15a: {  	v3 =	vld [tilespmem:s23+$0xFFFFFFF0]  }
0x15b: {  	v4 =	vld [tilespmem:s23+$0xFFFFFFE0]  }
0x15c: {  	v5 =	vld [tilespmem:s23+$0xFFFFFFD0]  }
0x15d: {  	v6 =	vld [tilespmem:s23+$0xFFFFFFC0]  }
0x15e: {  	v7 =	vld [tilespmem:s23+$0xFFFFFFB0]  }
0x15f: {  	s0 =	simm.s32 $0xF0;
	v8 =	vld [tilespmem:s23+$0xFFFFFFA0]  }
0x160: {  	v9 =	vld [tilespmem:s0+$0xFFFFFFB0]  }
0x161: {  	s31 =	simm.s32 $0x80F0;
	v11 =	vld [tilespmem:s0+$0xFFFFFF90]  }
0x162: {  	v12 =	vld [tilespmem:s31+$0xFFFFFF90]  }
0x163: {  	v10 =	vld [tilespmem:s23+$0xFFFFFF90]  }
0x164: {  	v13 =	vld [tilespmem:s0+$0xFFFFFFA0]  }
0x165: {  	v14 =	vld [tilespmem:s31+$0xFFFFFFA0]  }
0x166: {  	v15 =	vld [tilespmem:s31+$0xFFFFFFB0]  }
0x167: {  	v16 =	vld [tilespmem:s0+$0xFFFFFFC0];
	vm0 =	vgt.f32 v3, $0.0e+00;
	v3 =	vsub.f32 v11, v12  }
0x168: {  	v11 =	vld [tilespmem:s31+$0xFFFFFFC0];
	vm2 =	vgt.f32 v5, $0.0e+00;
	vm1 =	vgt.f32 v4, $0.0e+00;
	vm3 =	vgt.f32 v8, $0.0e+00  }
0x169: {  	vm4 =	vgt.f32 v7, $0.0e+00;
	vm5 =	vgt.f32 v6, $0.0e+00;
	v5 =	vld [tilespmem:s0+$0xFFFFFFD0];
	vm6 =	vgt.f32 v10, $0.0e+00  }
0x16a: {  	v4 =	vsub.f32 v13, v14;
	v6 =	vld [tilespmem:s31+$0xFFFFFFD0];
	v7 =	vsel vm6, $0x3F800000, v0;
	v3 =	vand.u32 $0x7FFFFFFF, v3  }
0x16b: {  	v63 =	vld [tilespmem:s0+$0xFFFFFFE0];
	v8 =	vsub.f32 v9, v15;
	v2 =	vadd.f32 v7, v2;
	v3 =	vnsel vm6, $0x0, v3  }
0x16c: {  	v9 =	vsel vm3, $0x3F800000, v0;
	v7 =	vld [tilespmem:s31+$0xFFFFFFE0];
	v3 =	vadd.f32 v3, v1;
	v1 =	vand.u32 $0x7FFFFFFF, v4  }
0x16d: {  	v9 =	vadd.f32 v9, v2;
	v4 =	vnsel vm3, $0x0, v1;
	v1 =	vld [tilespmem:s0+$0xFFFFFFF0]  }
0x16e: {  	v2 =	vand.u32 $0x7FFFFFFF, v8;
	v10 =	vsub.f32 v16, v11;
	v3 =	vadd.f32 v4, v3;
	v4 =	vld [tilespmem:s31+$0xFFFFFFF0]  }
0x16f: {  	v8 =	vnsel vm4, $0x0, v2;
	v11 =	vsel vm4, $0x3F800000, v0;
	v6 =	vsub.f32 v5, v6;
	v2 =	vld [tilespmem:s0+$0x0]  }
0x170: {  	v5 =	vld [tilespmem:s31+$0x0];
	v9 =	vadd.f32 v11, v9;
	v8 =	vadd.f32 v8, v3;
	v3 =	vand.u32 $0x7FFFFFFF, v10  }
0x171: {  	s1 =	simm.s32 $0x0;
	v11 =	vsel vm5, $0x3F800000, v0;
	v7 =	vsub.f32 v63, v7;
	v10 =	vnsel vm5, $0x0, v3;
	v3 =	vld [tilespmem:s23+$0x0];
	s23 =	simm.s32 $0x101F0  }
.LBB2_38:
0x172: {  	v12 =	vld [tilespmem:s23+$0xFFFFFFF0];
	v8 =	vadd.f32 v10, v8;
	v9 =	vadd.f32 v11, v9;
	v6 =	vand.u32 $0x7FFFFFFF, v6  }
0x173: {  	v11 =	vsel vm2, $0x3F800000, v0;
	v10 =	vld [tilespmem:s23+$0xFFFFFFE0];
	v6 =	vnsel vm2, $0x0, v6;
	v1 =	vsub.f32 v1, v4  }
0x174: {  	v7 =	vand.u32 $0x7FFFFFFF, v7;
	v4 =	vld [tilespmem:s23+$0xFFFFFFD0];
	v6 =	vadd.f32 v6, v8;
	v8 =	vadd.f32 v11, v9  }
0x175: {  	v7 =	vnsel vm1, $0x0, v7;
	v11 =	vsel vm1, $0x3F800000, v0;
	v9 =	vld [tilespmem:s23+$0xFFFFFFC0];
	v2 =	vsub.f32 v2, v5  }
0x176: {  	v1 =	vand.u32 $0x7FFFFFFF, v1;
	v5 =	vld [tilespmem:s23+$0xFFFFFFB0];
	v6 =	vadd.f32 v7, v6;
	v7 =	vadd.f32 v11, v8  }
0x177: {  	s0 =	sadd.s32 $0x100, s0;
	v1 =	vnsel vm0, $0x0, v1;
	v11 =	vsel vm0, $0x3F800000, v0;
	vm0 =	vgt.f32 v3, $0.0e+00;
	v8 =	vld [tilespmem:s23+$0xFFFFFFA0]  }
0x178: {  	v2 =	vand.u32 $0x7FFFFFFF, v2;
	v3 =	vld [tilespmem:s0+$0xFFFFFFB0];
	v1 =	vadd.f32 v1, v6;
	v6 =	vadd.f32 v11, v7  }
0x179: {  	v2 =	vnsel vm0, $0x0, v2;
	v11 =	vsel vm0, $0x3F800000, v0;
	v7 =	vld [tilespmem:s23+$0xFFFFFF90]  }
0x17a: {  	s31 =	sadd.s32 $0x100, s31;
	v13 =	vld [tilespmem:s0+$0xFFFFFF90];
	v1 =	vadd.f32 v2, v1;
	v2 =	vadd.f32 v11, v6  }
0x17b: {  	s1 =	sadd.s32 $0x8, s1;
	v6 =	vld [tilespmem:s31+$0xFFFFFF90]  }
0x17c: {  	p0 =	slt.u32 s1, $0x3F8;
	v11 =	vld [tilespmem:s0+$0xFFFFFFA0]  }
0x17d: {  	v14 =	vld [tilespmem:s31+$0xFFFFFFA0]  }
0x17e: {  	v15 =	vld [tilespmem:s31+$0xFFFFFFB0]  }
0x17f: {  	vm0 =	vgt.f32 v12, $0.0e+00;
	v16 =	vld [tilespmem:s0+$0xFFFFFFC0]  }
0x180: {  	vm1 =	vgt.f32 v10, $0.0e+00;
	vm2 =	vgt.f32 v4, $0.0e+00;
	v6 =	vsub.f32 v13, v6;
	v12 =	vld [tilespmem:s31+$0xFFFFFFC0]  }
0x181: {  	vm3 =	vgt.f32 v9, $0.0e+00;
	vm5 =	vgt.f32 v5, $0.0e+00;
	vm4 =	vgt.f32 v8, $0.0e+00;
	v5 =	vld [tilespmem:s0+$0xFFFFFFD0]  }
0x182: {  	vm6 =	vgt.f32 v7, $0.0e+00;
	v4 =	vand.u32 $0x7FFFFFFF, v6;
	v6 =	vsub.f32 v11, v14;
	v7 =	vld [tilespmem:s31+$0xFFFFFFD0]  }
0x183: {  	v8 =	vsel vm6, $0x3F800000, v0;
	v4 =	vnsel vm6, $0x0, v4;
	v3 =	vsub.f32 v3, v15;
	v13 =	vld [tilespmem:s0+$0xFFFFFFE0]  }
0x184: {  	v2 =	vadd.f32 v8, v2;
	v4 =	vadd.f32 v4, v1;
	v1 =	vand.u32 $0x7FFFFFFF, v6;
	v14 =	vld [tilespmem:s31+$0xFFFFFFE0]  }
.Ltmp18:
0x185: {  	v8 =	vsel vm4, $0x3F800000, v0;
	v6 =	vnsel vm4, $0x0, v1;
	v10 =	vsub.f32 v16, v12;
	v1 =	vld [tilespmem:s0+$0xFFFFFFF0];
	(pc) =	sbr.rel @p0 .LBB2_38-.Ltmp18, $4  }
0x186: {  	v11 =	vadd.f32 v8, v2;
	v2 =	vand.u32 $0x7FFFFFFF, v3;
	v9 =	vadd.f32 v6, v4;
	v4 =	vld [tilespmem:s31+$0xFFFFFFF0]  }
0x187: {  	v12 =	vsel vm5, $0x3F800000, v0;
	v3 =	vnsel vm5, $0x0, v2;
	v6 =	vsub.f32 v5, v7;
	v2 =	vld [tilespmem:s0+$0x0]  }
0x188: {  	v8 =	vadd.f32 v3, v9;
	v9 =	vadd.f32 v12, v11;
	v3 =	vand.u32 $0x7FFFFFFF, v10;
	v5 =	vld [tilespmem:s31+$0x0]  }
0x189: {  	v11 =	vsel vm3, $0x3F800000, v0;
	v10 =	vnsel vm3, $0x0, v3;
	v7 =	vsub.f32 v13, v14;
	v3 =	vld [tilespmem:s23+$0x0];
	s23 =	sadd.s32 $0x100, s23  }
0x18a: {  	v8 =	vadd.f32 v10, v8;
	v9 =	vadd.f32 v11, v9;
	v6 =	vand.u32 $0x7FFFFFFF, v6  }
0x18b: {  	v57 =	vsel vm2, $0x3F800000, v0;
	v6 =	vnsel vm2, $0x0, v6;
	v1 =	vsub.f32 v1, v4  }
0x18c: {  	v7 =	vand.u32 $0x7FFFFFFF, v7;
	v58 =	vadd.f32 v6, v8;
	v59 =	vadd.f32 v57, v9  }
0x18d: {  	v60 =	vsel vm1, $0x3F800000, v0;
	v7 =	vnsel vm1, $0x0, v7;
	v2 =	vsub.f32 v2, v5  }
0x18e: {  	v1 =	vand.u32 $0x7FFFFFFF, v1;
	v4 =	vadd.f32 v7, v58;
	v61 =	vadd.f32 v60, v59  }
0x18f: {  	v62 =	vsel vm0, $0x3F800000, v0;
	v1 =	vnsel vm0, $0x0, v1;
	vm15 =	vgt.f32 v3, $0.0e+00  }
0x190: {  	v2 =	vand.u32 $0x7FFFFFFF, v2;
	v1 =	vadd.f32 v1, v4;
	v3 =	vadd.f32 v62, v61  }
0x191: {  	s0 =	simm.s32 $0x80;
	v63 =	vsel vm15, $0x3F800000, v0;
	v2 =	vnsel vm15, $0x0, v2  }
0x192: {  	s1 =	simm.s32 $0x10;
	s31 =	sadd.s32 $0x0, s16;
	s23 =	simm.s32 $0x180;
	v1 =	vadd.f32 v2, v1;
	v2 =	vadd.f32 v63, v3  }
.LBB2_40:
0x193: {  	[tilespmem:s0], [sflag:$0x4] =	stream.linear.gather [hbm4b:s31+s2], $0x80, $0x38;
	[tilespmem:$0x18100] =	vst v63  }
0x194: {  	s31 =	smov.u32 s1;
	s0 =	smov.u32 s23;
	p0 =	sne.s32 s1, $0x7F0  }
.Ltmp19:
0x195: {  	s1 =	sadd.s32 $0x10, s1;
	(pc) =	sbr.rel @p0 .LBB2_40-.Ltmp19, $2  }
0x196: {  	_ =	sdelay $0x2  }
0x197: {  	s23 =	sadd.s32 $0x100, s23;
	s31 =	sadd.s32 s31, s16  }
0x198: {  	[tilespmem:s0], [sflag:$0x4] =	stream.linear.gather [hbm4b:s31+s2], $0x80, $0x38;
	[tilespmem:$0x18100] =	vst v63  }
0x199: {  	s0 =	simm.s32 $0x8080  }
0x19a: {  	s1 =	simm.s32 $0x10;
	s31 =	sadd.s32 $0x0, s17;
	s23 =	simm.s32 $0x8180  }
.LBB2_42:
0x19b: {  	[tilespmem:s0], [sflag:$0x5] =	stream.linear.gather [hbm4b:s31+s2], $0x80, $0x38;
	[tilespmem:$0x18100] =	vst v63  }
0x19c: {  	s31 =	smov.u32 s1;
	s0 =	smov.u32 s23;
	p0 =	sne.s32 s1, $0x7F0  }
.Ltmp20:
0x19d: {  	s1 =	sadd.s32 $0x10, s1;
	(pc) =	sbr.rel @p0 .LBB2_42-.Ltmp20, $2  }
0x19e: {  	_ =	sdelay $0x2  }
0x19f: {  	s23 =	sadd.s32 $0x100, s23;
	s31 =	sadd.s32 s31, s17  }
0x1a0: {  	[tilespmem:s0], [sflag:$0x5] =	stream.linear.gather [hbm4b:s31+s2], $0x80, $0x38;
	[tilespmem:$0x18100] =	vst v63  }
0x1a1: {  	s0 =	simm.s32 $0x10080  }
0x1a2: {  	s1 =	simm.s32 $0x10;
	s31 =	sadd.s32 $0x0, s26;
	s23 =	simm.s32 $0x10180  }
.LBB2_44:
0x1a3: {  	[tilespmem:s0], [sflag:$0x6] =	stream.linear.gather [hbm4b:s31+s2], $0x80, $0x38;
	[tilespmem:$0x18100] =	vst v63  }
0x1a4: {  	s31 =	smov.u32 s1;
	s0 =	smov.u32 s23;
	p0 =	sne.s32 s1, $0x7F0  }
.Ltmp21:
0x1a5: {  	s1 =	sadd.s32 $0x10, s1;
	(pc) =	sbr.rel @p0 .LBB2_44-.Ltmp21, $2  }
0x1a6: {  	_ =	sdelay $0x2  }
0x1a7: {  	s23 =	sadd.s32 $0x100, s23;
	s31 =	sadd.s32 s31, s26  }
0x1a8: {  	[tilespmem:s0], [sflag:$0x6] =	stream.linear.gather [hbm4b:s31+s2], $0x80, $0x38;
	[tilespmem:$0x18100] =	vst v63  }
0x1a9: {  	s23 =	simm.s32 $0x1  }
0x1aa: {  	_ =	swait.ge [sflag:s23], $0x4000  }
0x1ab: {  	[sflag:s23] =	ssyncset.done $0x0  }
0x1ac: {  	s1 =	simm.s32 $0x2;
	[sflag:s23] =	ssyncadd.s32 $0xFFFFC000  }
0x1ad: {  	_ =	swait.ge [sflag:s1], $0x4000  }
0x1ae: {  	[sflag:s1] =	ssyncset.done $0x0  }
0x1af: {  	s23 =	simm.s32 $0x3;
	[sflag:s1] =	ssyncadd.s32 $0xFFFFC000  }
0x1b0: {  	_ =	swait.ge [sflag:s23], $0x4000  }
0x1b1: {  	[sflag:s23] =	ssyncset.done $0x0  }
0x1b2: {  	[sflag:s23] =	ssyncadd.s32 $0xFFFFC000;
	s23 =	simm.s32 $0x10040  }
0x1b3: {  	v3 =	vld [tilespmem:s23+$0x20]  }
0x1b4: {  	v4 =	vld [tilespmem:s23+$0x10]  }
0x1b5: {  	v5 =	vld [tilespmem:s23+$0x0]  }
0x1b6: {  	v6 =	vld [tilespmem:s23+$0xFFFFFFF0]  }
0x1b7: {  	v7 =	vld [tilespmem:s23+$0xFFFFFFE0]  }
0x1b8: {  	s0 =	simm.s32 $0x40;
	v8 =	vld [tilespmem:s23+$0xFFFFFFD0]  }
0x1b9: {  	v9 =	vld [tilespmem:s0+$0xFFFFFFE0]  }
0x1ba: {  	s31 =	simm.s32 $0x8040;
	v11 =	vld [tilespmem:s0+$0xFFFFFFC0]  }
0x1bb: {  	v12 =	vld [tilespmem:s31+$0xFFFFFFC0]  }
0x1bc: {  	v10 =	vld [tilespmem:s23+$0xFFFFFFC0]  }
0x1bd: {  	v13 =	vld [tilespmem:s0+$0xFFFFFFD0]  }
0x1be: {  	v14 =	vld [tilespmem:s31+$0xFFFFFFD0]  }
0x1bf: {  	v15 =	vld [tilespmem:s31+$0xFFFFFFE0]  }
0x1c0: {  	v16 =	vld [tilespmem:s0+$0xFFFFFFF0];
	vm0 =	vgt.f32 v3, $0.0e+00;
	v3 =	vsub.f32 v11, v12  }
0x1c1: {  	v11 =	vld [tilespmem:s31+$0xFFFFFFF0];
	vm2 =	vgt.f32 v5, $0.0e+00;
	vm1 =	vgt.f32 v4, $0.0e+00;
	vm3 =	vgt.f32 v8, $0.0e+00  }
0x1c2: {  	vm4 =	vgt.f32 v7, $0.0e+00;
	vm5 =	vgt.f32 v6, $0.0e+00;
	v5 =	vld [tilespmem:s0+$0x0];
	vm6 =	vgt.f32 v10, $0.0e+00  }
0x1c3: {  	v4 =	vsub.f32 v13, v14;
	v6 =	vld [tilespmem:s31+$0x0];
	v7 =	vsel vm6, $0x3F800000, v0;
	v3 =	vand.u32 $0x7FFFFFFF, v3  }
0x1c4: {  	v63 =	vld [tilespmem:s0+$0x10];
	v8 =	vsub.f32 v9, v15;
	v2 =	vadd.f32 v7, v2;
	v3 =	vnsel vm6, $0x0, v3  }
0x1c5: {  	v9 =	vsel vm3, $0x3F800000, v0;
	v7 =	vld [tilespmem:s31+$0x10];
	v3 =	vadd.f32 v3, v1;
	v1 =	vand.u32 $0x7FFFFFFF, v4  }
0x1c6: {  	v9 =	vadd.f32 v9, v2;
	v4 =	vnsel vm3, $0x0, v1;
	v1 =	vld [tilespmem:s0+$0x20]  }
0x1c7: {  	v2 =	vand.u32 $0x7FFFFFFF, v8;
	v10 =	vsub.f32 v16, v11;
	v3 =	vadd.f32 v4, v3;
	v4 =	vld [tilespmem:s31+$0x20]  }
0x1c8: {  	v8 =	vnsel vm4, $0x0, v2;
	v11 =	vsel vm4, $0x3F800000, v0;
	v6 =	vsub.f32 v5, v6;
	v2 =	vld [tilespmem:s0+$0x30]  }
0x1c9: {  	v5 =	vld [tilespmem:s31+$0x30];
	v9 =	vadd.f32 v11, v9;
	v8 =	vadd.f32 v8, v3;
	v3 =	vand.u32 $0x7FFFFFFF, v10  }
0x1ca: {  	s1 =	simm.s32 $0x0;
	v11 =	vsel vm5, $0x3F800000, v0;
	v7 =	vsub.f32 v63, v7;
	v10 =	vnsel vm5, $0x0, v3;
	v3 =	vld [tilespmem:s23+$0x30];
	s23 =	simm.s32 $0x10140  }
.LBB2_46:
0x1cb: {  	v12 =	vld [tilespmem:s23+$0x20];
	v8 =	vadd.f32 v10, v8;
	v9 =	vadd.f32 v11, v9;
	v6 =	vand.u32 $0x7FFFFFFF, v6  }
0x1cc: {  	v11 =	vsel vm2, $0x3F800000, v0;
	v10 =	vld [tilespmem:s23+$0x10];
	v6 =	vnsel vm2, $0x0, v6;
	v1 =	vsub.f32 v1, v4  }
0x1cd: {  	v7 =	vand.u32 $0x7FFFFFFF, v7;
	v4 =	vld [tilespmem:s23+$0x0];
	v6 =	vadd.f32 v6, v8;
	v8 =	vadd.f32 v11, v9  }
0x1ce: {  	v7 =	vnsel vm1, $0x0, v7;
	v11 =	vsel vm1, $0x3F800000, v0;
	v9 =	vld [tilespmem:s23+$0xFFFFFFF0];
	v2 =	vsub.f32 v2, v5  }
0x1cf: {  	v1 =	vand.u32 $0x7FFFFFFF, v1;
	v5 =	vld [tilespmem:s23+$0xFFFFFFE0];
	v6 =	vadd.f32 v7, v6;
	v7 =	vadd.f32 v11, v8  }
0x1d0: {  	s0 =	sadd.s32 $0x100, s0;
	v1 =	vnsel vm0, $0x0, v1;
	v11 =	vsel vm0, $0x3F800000, v0;
	vm0 =	vgt.f32 v3, $0.0e+00;
	v8 =	vld [tilespmem:s23+$0xFFFFFFD0]  }
0x1d1: {  	v2 =	vand.u32 $0x7FFFFFFF, v2;
	v3 =	vld [tilespmem:s0+$0xFFFFFFE0];
	v1 =	vadd.f32 v1, v6;
	v6 =	vadd.f32 v11, v7  }
0x1d2: {  	v2 =	vnsel vm0, $0x0, v2;
	v11 =	vsel vm0, $0x3F800000, v0;
	v7 =	vld [tilespmem:s23+$0xFFFFFFC0]  }
0x1d3: {  	s31 =	sadd.s32 $0x100, s31;
	v13 =	vld [tilespmem:s0+$0xFFFFFFC0];
	v1 =	vadd.f32 v2, v1;
	v2 =	vadd.f32 v11, v6  }
0x1d4: {  	s1 =	sadd.s32 $0x8, s1;
	v6 =	vld [tilespmem:s31+$0xFFFFFFC0]  }
0x1d5: {  	p0 =	slt.u32 s1, $0x3F8;
	v11 =	vld [tilespmem:s0+$0xFFFFFFD0]  }
0x1d6: {  	v14 =	vld [tilespmem:s31+$0xFFFFFFD0]  }
0x1d7: {  	v15 =	vld [tilespmem:s31+$0xFFFFFFE0]  }
0x1d8: {  	vm0 =	vgt.f32 v12, $0.0e+00;
	v16 =	vld [tilespmem:s0+$0xFFFFFFF0]  }
0x1d9: {  	vm1 =	vgt.f32 v10, $0.0e+00;
	vm2 =	vgt.f32 v4, $0.0e+00;
	v6 =	vsub.f32 v13, v6;
	v12 =	vld [tilespmem:s31+$0xFFFFFFF0]  }
0x1da: {  	vm3 =	vgt.f32 v9, $0.0e+00;
	vm5 =	vgt.f32 v5, $0.0e+00;
	vm4 =	vgt.f32 v8, $0.0e+00;
	v5 =	vld [tilespmem:s0+$0x0]  }
0x1db: {  	vm6 =	vgt.f32 v7, $0.0e+00;
	v4 =	vand.u32 $0x7FFFFFFF, v6;
	v6 =	vsub.f32 v11, v14;
	v7 =	vld [tilespmem:s31+$0x0]  }
0x1dc: {  	v8 =	vsel vm6, $0x3F800000, v0;
	v4 =	vnsel vm6, $0x0, v4;
	v3 =	vsub.f32 v3, v15;
	v13 =	vld [tilespmem:s0+$0x10]  }
0x1dd: {  	v2 =	vadd.f32 v8, v2;
	v4 =	vadd.f32 v4, v1;
	v1 =	vand.u32 $0x7FFFFFFF, v6;
	v14 =	vld [tilespmem:s31+$0x10]  }
.Ltmp22:
0x1de: {  	v8 =	vsel vm4, $0x3F800000, v0;
	v6 =	vnsel vm4, $0x0, v1;
	v10 =	vsub.f32 v16, v12;
	v1 =	vld [tilespmem:s0+$0x20];
	(pc) =	sbr.rel @p0 .LBB2_46-.Ltmp22, $4  }
0x1df: {  	v11 =	vadd.f32 v8, v2;
	v2 =	vand.u32 $0x7FFFFFFF, v3;
	v9 =	vadd.f32 v6, v4;
	v4 =	vld [tilespmem:s31+$0x20]  }
0x1e0: {  	v12 =	vsel vm5, $0x3F800000, v0;
	v3 =	vnsel vm5, $0x0, v2;
	v6 =	vsub.f32 v5, v7;
	v2 =	vld [tilespmem:s0+$0x30]  }
0x1e1: {  	v8 =	vadd.f32 v3, v9;
	v9 =	vadd.f32 v12, v11;
	v3 =	vand.u32 $0x7FFFFFFF, v10;
	v5 =	vld [tilespmem:s31+$0x30]  }
0x1e2: {  	v11 =	vsel vm3, $0x3F800000, v0;
	v10 =	vnsel vm3, $0x0, v3;
	v7 =	vsub.f32 v13, v14;
	v3 =	vld [tilespmem:s23+$0x30];
	s23 =	sadd.s32 $0x100, s23  }
0x1e3: {  	v8 =	vadd.f32 v10, v8;
	v9 =	vadd.f32 v11, v9;
	v6 =	vand.u32 $0x7FFFFFFF, v6  }
0x1e4: {  	v57 =	vsel vm2, $0x3F800000, v0;
	v6 =	vnsel vm2, $0x0, v6;
	v1 =	vsub.f32 v1, v4  }
0x1e5: {  	v7 =	vand.u32 $0x7FFFFFFF, v7;
	v58 =	vadd.f32 v6, v8;
	v59 =	vadd.f32 v57, v9  }
0x1e6: {  	v60 =	vsel vm1, $0x3F800000, v0;
	v7 =	vnsel vm1, $0x0, v7;
	v2 =	vsub.f32 v2, v5  }
0x1e7: {  	v1 =	vand.u32 $0x7FFFFFFF, v1;
	v4 =	vadd.f32 v7, v58;
	v61 =	vadd.f32 v60, v59  }
0x1e8: {  	v62 =	vsel vm0, $0x3F800000, v0;
	v1 =	vnsel vm0, $0x0, v1;
	vm15 =	vgt.f32 v3, $0.0e+00  }
0x1e9: {  	v2 =	vand.u32 $0x7FFFFFFF, v2;
	v1 =	vadd.f32 v1, v4;
	v3 =	vadd.f32 v62, v61  }
0x1ea: {  	s0 =	simm.s32 $0x0;
	v63 =	vsel vm15, $0x3F800000, v0;
	v2 =	vnsel vm15, $0x0, v2  }
0x1eb: {  	s1 =	simm.s32 $0x10;
	s31 =	sadd.s32 $0x0, s18;
	s23 =	simm.s32 $0x100;
	v1 =	vadd.f32 v2, v1;
	v2 =	vadd.f32 v63, v3  }
.LBB2_48:
0x1ec: {  	[tilespmem:s0], [sflag:$0x1] =	stream.linear.gather [hbm4b:s31+s2], $0x80, $0x38;
	[tilespmem:$0x18100] =	vst v63  }
0x1ed: {  	s31 =	smov.u32 s1;
	s0 =	smov.u32 s23;
	p0 =	sne.s32 s1, $0x7F0  }
.Ltmp23:
0x1ee: {  	s1 =	sadd.s32 $0x10, s1;
	(pc) =	sbr.rel @p0 .LBB2_48-.Ltmp23, $2  }
0x1ef: {  	_ =	sdelay $0x2  }
0x1f0: {  	s23 =	sadd.s32 $0x100, s23;
	s31 =	sadd.s32 s31, s18  }
0x1f1: {  	[tilespmem:s0], [sflag:$0x1] =	stream.linear.gather [hbm4b:s31+s2], $0x80, $0x38;
	[tilespmem:$0x18100] =	vst v63  }
0x1f2: {  	s0 =	simm.s32 $0x8000  }
0x1f3: {  	s1 =	simm.s32 $0x10;
	s31 =	sadd.s32 $0x0, s19;
	s23 =	simm.s32 $0x8100  }
.LBB2_50:
0x1f4: {  	[tilespmem:s0], [sflag:$0x2] =	stream.linear.gather [hbm4b:s31+s2], $0x80, $0x38;
	[tilespmem:$0x18100] =	vst v63  }
0x1f5: {  	s31 =	smov.u32 s1;
	s0 =	smov.u32 s23;
	p0 =	sne.s32 s1, $0x7F0  }
.Ltmp24:
0x1f6: {  	s1 =	sadd.s32 $0x10, s1;
	(pc) =	sbr.rel @p0 .LBB2_50-.Ltmp24, $2  }
0x1f7: {  	_ =	sdelay $0x2  }
0x1f8: {  	s23 =	sadd.s32 $0x100, s23;
	s31 =	sadd.s32 s31, s19  }
0x1f9: {  	[tilespmem:s0], [sflag:$0x2] =	stream.linear.gather [hbm4b:s31+s2], $0x80, $0x38;
	[tilespmem:$0x18100] =	vst v63  }
0x1fa: {  	s0 =	simm.s32 $0x10000  }
0x1fb: {  	s1 =	simm.s32 $0x10;
	s31 =	sadd.s32 $0x0, s28;
	s23 =	simm.s32 $0x10100  }
.LBB2_52:
0x1fc: {  	[tilespmem:s0], [sflag:$0x3] =	stream.linear.gather [hbm4b:s31+s2], $0x80, $0x38;
	[tilespmem:$0x18100] =	vst v63  }
0x1fd: {  	s31 =	smov.u32 s1;
	s0 =	smov.u32 s23;
	p0 =	sne.s32 s1, $0x7F0  }
.Ltmp25:
0x1fe: {  	s1 =	sadd.s32 $0x10, s1;
	(pc) =	sbr.rel @p0 .LBB2_52-.Ltmp25, $2  }
0x1ff: {  	_ =	sdelay $0x2  }
0x200: {  	s23 =	sadd.s32 $0x100, s23;
	s31 =	sadd.s32 s31, s28  }
0x201: {  	[tilespmem:s0], [sflag:$0x3] =	stream.linear.gather [hbm4b:s31+s2], $0x80, $0x38;
	[tilespmem:$0x18100] =	vst v63  }
0x202: {  	s1 =	simm.s32 $0x4  }
0x203: {  	_ =	swait.ge [sflag:s1], $0x4000  }
0x204: {  	[sflag:s1] =	ssyncset.done $0x0  }
0x205: {  	s23 =	simm.s32 $0x5;
	[sflag:s1] =	ssyncadd.s32 $0xFFFFC000  }
0x206: {  	_ =	swait.ge [sflag:s23], $0x4000  }
0x207: {  	[sflag:s23] =	ssyncset.done $0x0  }
0x208: {  	[sflag:s23] =	ssyncadd.s32 $0xFFFFC000  }
0x209: {  	_ =	swait.ge [sflag:s25], $0x4000  }
0x20a: {  	[sflag:s25] =	ssyncset.done $0x0  }
0x20b: {  	s23 =	simm.s32 $0x100F0;
	[sflag:s25] =	ssyncadd.s32 $0xFFFFC000  }
0x20c: {  	v3 =	vld [tilespmem:s23+$0xFFFFFFF0]  }
0x20d: {  	v4 =	vld [tilespmem:s23+$0xFFFFFFE0]  }
0x20e: {  	v5 =	vld [tilespmem:s23+$0xFFFFFFD0]  }
0x20f: {  	v6 =	vld [tilespmem:s23+$0xFFFFFFC0]  }
0x210: {  	v7 =	vld [tilespmem:s23+$0xFFFFFFB0]  }
0x211: {  	s0 =	simm.s32 $0xF0;
	v8 =	vld [tilespmem:s23+$0xFFFFFFA0]  }
0x212: {  	v9 =	vld [tilespmem:s0+$0xFFFFFFB0]  }
0x213: {  	s31 =	simm.s32 $0x80F0;
	v11 =	vld [tilespmem:s0+$0xFFFFFF90]  }
0x214: {  	v12 =	vld [tilespmem:s31+$0xFFFFFF90]  }
0x215: {  	v10 =	vld [tilespmem:s23+$0xFFFFFF90]  }
0x216: {  	v13 =	vld [tilespmem:s0+$0xFFFFFFA0]  }
0x217: {  	v14 =	vld [tilespmem:s31+$0xFFFFFFA0]  }
0x218: {  	v15 =	vld [tilespmem:s31+$0xFFFFFFB0]  }
0x219: {  	v16 =	vld [tilespmem:s0+$0xFFFFFFC0];
	vm0 =	vgt.f32 v3, $0.0e+00;
	v3 =	vsub.f32 v11, v12  }
0x21a: {  	v11 =	vld [tilespmem:s31+$0xFFFFFFC0];
	vm2 =	vgt.f32 v5, $0.0e+00;
	vm1 =	vgt.f32 v4, $0.0e+00;
	vm3 =	vgt.f32 v8, $0.0e+00  }
0x21b: {  	vm4 =	vgt.f32 v7, $0.0e+00;
	vm5 =	vgt.f32 v6, $0.0e+00;
	v5 =	vld [tilespmem:s0+$0xFFFFFFD0];
	vm6 =	vgt.f32 v10, $0.0e+00  }
0x21c: {  	v4 =	vsub.f32 v13, v14;
	v6 =	vld [tilespmem:s31+$0xFFFFFFD0];
	v7 =	vsel vm6, $0x3F800000, v0;
	v3 =	vand.u32 $0x7FFFFFFF, v3  }
0x21d: {  	v63 =	vld [tilespmem:s0+$0xFFFFFFE0];
	v8 =	vsub.f32 v9, v15;
	v2 =	vadd.f32 v7, v2;
	v3 =	vnsel vm6, $0x0, v3  }
0x21e: {  	v9 =	vsel vm3, $0x3F800000, v0;
	v7 =	vld [tilespmem:s31+$0xFFFFFFE0];
	v3 =	vadd.f32 v3, v1;
	v1 =	vand.u32 $0x7FFFFFFF, v4  }
0x21f: {  	v9 =	vadd.f32 v9, v2;
	v4 =	vnsel vm3, $0x0, v1;
	v1 =	vld [tilespmem:s0+$0xFFFFFFF0]  }
0x220: {  	v2 =	vand.u32 $0x7FFFFFFF, v8;
	v10 =	vsub.f32 v16, v11;
	v3 =	vadd.f32 v4, v3;
	v4 =	vld [tilespmem:s31+$0xFFFFFFF0]  }
0x221: {  	v8 =	vnsel vm4, $0x0, v2;
	v11 =	vsel vm4, $0x3F800000, v0;
	v6 =	vsub.f32 v5, v6;
	v2 =	vld [tilespmem:s0+$0x0]  }
0x222: {  	v5 =	vld [tilespmem:s31+$0x0];
	v9 =	vadd.f32 v11, v9;
	v8 =	vadd.f32 v8, v3;
	v3 =	vand.u32 $0x7FFFFFFF, v10  }
0x223: {  	s1 =	simm.s32 $0x0;
	v11 =	vsel vm5, $0x3F800000, v0;
	v7 =	vsub.f32 v63, v7;
	v10 =	vnsel vm5, $0x0, v3;
	v3 =	vld [tilespmem:s23+$0x0];
	s23 =	simm.s32 $0x101F0  }
.LBB2_54:
0x224: {  	v12 =	vld [tilespmem:s23+$0xFFFFFFF0];
	v8 =	vadd.f32 v10, v8;
	v9 =	vadd.f32 v11, v9;
	v6 =	vand.u32 $0x7FFFFFFF, v6  }
0x225: {  	v11 =	vsel vm2, $0x3F800000, v0;
	v10 =	vld [tilespmem:s23+$0xFFFFFFE0];
	v6 =	vnsel vm2, $0x0, v6;
	v1 =	vsub.f32 v1, v4  }
0x226: {  	v7 =	vand.u32 $0x7FFFFFFF, v7;
	v4 =	vld [tilespmem:s23+$0xFFFFFFD0];
	v6 =	vadd.f32 v6, v8;
	v8 =	vadd.f32 v11, v9  }
0x227: {  	v7 =	vnsel vm1, $0x0, v7;
	v11 =	vsel vm1, $0x3F800000, v0;
	v9 =	vld [tilespmem:s23+$0xFFFFFFC0];
	v2 =	vsub.f32 v2, v5  }
0x228: {  	v1 =	vand.u32 $0x7FFFFFFF, v1;
	v5 =	vld [tilespmem:s23+$0xFFFFFFB0];
	v6 =	vadd.f32 v7, v6;
	v7 =	vadd.f32 v11, v8  }
0x229: {  	s0 =	sadd.s32 $0x100, s0;
	v1 =	vnsel vm0, $0x0, v1;
	v11 =	vsel vm0, $0x3F800000, v0;
	vm0 =	vgt.f32 v3, $0.0e+00;
	v8 =	vld [tilespmem:s23+$0xFFFFFFA0]  }
0x22a: {  	v2 =	vand.u32 $0x7FFFFFFF, v2;
	v3 =	vld [tilespmem:s0+$0xFFFFFFB0];
	v1 =	vadd.f32 v1, v6;
	v6 =	vadd.f32 v11, v7  }
0x22b: {  	v2 =	vnsel vm0, $0x0, v2;
	v11 =	vsel vm0, $0x3F800000, v0;
	v7 =	vld [tilespmem:s23+$0xFFFFFF90]  }
0x22c: {  	s31 =	sadd.s32 $0x100, s31;
	v13 =	vld [tilespmem:s0+$0xFFFFFF90];
	v1 =	vadd.f32 v2, v1;
	v2 =	vadd.f32 v11, v6  }
0x22d: {  	s1 =	sadd.s32 $0x8, s1;
	v6 =	vld [tilespmem:s31+$0xFFFFFF90]  }
0x22e: {  	p0 =	slt.u32 s1, $0x3F8;
	v11 =	vld [tilespmem:s0+$0xFFFFFFA0]  }
0x22f: {  	v14 =	vld [tilespmem:s31+$0xFFFFFFA0]  }
0x230: {  	v15 =	vld [tilespmem:s31+$0xFFFFFFB0]  }
0x231: {  	vm0 =	vgt.f32 v12, $0.0e+00;
	v16 =	vld [tilespmem:s0+$0xFFFFFFC0]  }
0x232: {  	vm1 =	vgt.f32 v10, $0.0e+00;
	vm2 =	vgt.f32 v4, $0.0e+00;
	v6 =	vsub.f32 v13, v6;
	v12 =	vld [tilespmem:s31+$0xFFFFFFC0]  }
0x233: {  	vm3 =	vgt.f32 v9, $0.0e+00;
	vm5 =	vgt.f32 v5, $0.0e+00;
	vm4 =	vgt.f32 v8, $0.0e+00;
	v5 =	vld [tilespmem:s0+$0xFFFFFFD0]  }
0x234: {  	vm6 =	vgt.f32 v7, $0.0e+00;
	v4 =	vand.u32 $0x7FFFFFFF, v6;
	v6 =	vsub.f32 v11, v14;
	v7 =	vld [tilespmem:s31+$0xFFFFFFD0]  }
0x235: {  	v8 =	vsel vm6, $0x3F800000, v0;
	v4 =	vnsel vm6, $0x0, v4;
	v3 =	vsub.f32 v3, v15;
	v13 =	vld [tilespmem:s0+$0xFFFFFFE0]  }
0x236: {  	v2 =	vadd.f32 v8, v2;
	v4 =	vadd.f32 v4, v1;
	v1 =	vand.u32 $0x7FFFFFFF, v6;
	v14 =	vld [tilespmem:s31+$0xFFFFFFE0]  }
.Ltmp26:
0x237: {  	v8 =	vsel vm4, $0x3F800000, v0;
	v6 =	vnsel vm4, $0x0, v1;
	v10 =	vsub.f32 v16, v12;
	v1 =	vld [tilespmem:s0+$0xFFFFFFF0];
	(pc) =	sbr.rel @p0 .LBB2_54-.Ltmp26, $4  }
0x238: {  	v11 =	vadd.f32 v8, v2;
	v2 =	vand.u32 $0x7FFFFFFF, v3;
	v9 =	vadd.f32 v6, v4;
	v4 =	vld [tilespmem:s31+$0xFFFFFFF0]  }
0x239: {  	v12 =	vsel vm5, $0x3F800000, v0;
	v3 =	vnsel vm5, $0x0, v2;
	v6 =	vsub.f32 v5, v7;
	v2 =	vld [tilespmem:s0+$0x0]  }
0x23a: {  	v8 =	vadd.f32 v3, v9;
	v9 =	vadd.f32 v12, v11;
	v3 =	vand.u32 $0x7FFFFFFF, v10;
	v5 =	vld [tilespmem:s31+$0x0]  }
0x23b: {  	v11 =	vsel vm3, $0x3F800000, v0;
	v10 =	vnsel vm3, $0x0, v3;
	v7 =	vsub.f32 v13, v14;
	v3 =	vld [tilespmem:s23+$0x0];
	s23 =	sadd.s32 $0x100, s23  }
0x23c: {  	v8 =	vadd.f32 v10, v8;
	v9 =	vadd.f32 v11, v9;
	v6 =	vand.u32 $0x7FFFFFFF, v6  }
0x23d: {  	v57 =	vsel vm2, $0x3F800000, v0;
	v6 =	vnsel vm2, $0x0, v6;
	v1 =	vsub.f32 v1, v4  }
0x23e: {  	v7 =	vand.u32 $0x7FFFFFFF, v7;
	v58 =	vadd.f32 v6, v8;
	v59 =	vadd.f32 v57, v9  }
0x23f: {  	v60 =	vsel vm1, $0x3F800000, v0;
	v7 =	vnsel vm1, $0x0, v7;
	v2 =	vsub.f32 v2, v5  }
0x240: {  	v1 =	vand.u32 $0x7FFFFFFF, v1;
	v4 =	vadd.f32 v7, v58;
	v61 =	vadd.f32 v60, v59  }
0x241: {  	v62 =	vsel vm0, $0x3F800000, v0;
	v1 =	vnsel vm0, $0x0, v1;
	vm15 =	vgt.f32 v3, $0.0e+00  }
0x242: {  	v2 =	vand.u32 $0x7FFFFFFF, v2;
	v1 =	vadd.f32 v1, v4;
	v3 =	vadd.f32 v62, v61  }
0x243: {  	s0 =	simm.s32 $0x80;
	v63 =	vsel vm15, $0x3F800000, v0;
	v2 =	vnsel vm15, $0x0, v2  }
0x244: {  	s1 =	simm.s32 $0x10;
	s31 =	sadd.s32 $0x0, s20;
	s23 =	simm.s32 $0x180;
	v1 =	vadd.f32 v2, v1;
	v2 =	vadd.f32 v63, v3  }
.LBB2_56:
0x245: {  	[tilespmem:s0], [sflag:$0x4] =	stream.linear.gather [hbm4b:s31+s2], $0x80, $0x38;
	[tilespmem:$0x18100] =	vst v63  }
0x246: {  	s31 =	smov.u32 s1;
	s0 =	smov.u32 s23;
	p0 =	sne.s32 s1, $0x7F0  }
.Ltmp27:
0x247: {  	s1 =	sadd.s32 $0x10, s1;
	(pc) =	sbr.rel @p0 .LBB2_56-.Ltmp27, $2  }
0x248: {  	_ =	sdelay $0x2  }
0x249: {  	s23 =	sadd.s32 $0x100, s23;
	s31 =	sadd.s32 s31, s20  }
0x24a: {  	[tilespmem:s0], [sflag:$0x4] =	stream.linear.gather [hbm4b:s31+s2], $0x80, $0x38;
	[tilespmem:$0x18100] =	vst v63  }
0x24b: {  	s0 =	simm.s32 $0x8080  }
0x24c: {  	s1 =	simm.s32 $0x10;
	s31 =	sadd.s32 $0x0, s21;
	s23 =	simm.s32 $0x8180  }
.LBB2_58:
0x24d: {  	[tilespmem:s0], [sflag:$0x5] =	stream.linear.gather [hbm4b:s31+s2], $0x80, $0x38;
	[tilespmem:$0x18100] =	vst v63  }
0x24e: {  	s31 =	smov.u32 s1;
	s0 =	smov.u32 s23;
	p0 =	sne.s32 s1, $0x7F0  }
.Ltmp28:
0x24f: {  	s1 =	sadd.s32 $0x10, s1;
	(pc) =	sbr.rel @p0 .LBB2_58-.Ltmp28, $2  }
0x250: {  	_ =	sdelay $0x2  }
0x251: {  	s23 =	sadd.s32 $0x100, s23;
	s31 =	sadd.s32 s31, s21  }
0x252: {  	[tilespmem:s0], [sflag:$0x5] =	stream.linear.gather [hbm4b:s31+s2], $0x80, $0x38;
	[tilespmem:$0x18100] =	vst v63  }
0x253: {  	s0 =	simm.s32 $0x10080  }
0x254: {  	s1 =	simm.s32 $0x10;
	s31 =	sadd.s32 $0x0, s29;
	s23 =	simm.s32 $0x10180  }
.LBB2_60:
0x255: {  	[tilespmem:s0], [sflag:$0x6] =	stream.linear.gather [hbm4b:s31+s2], $0x80, $0x38;
	[tilespmem:$0x18100] =	vst v63  }
0x256: {  	s31 =	smov.u32 s1;
	s0 =	smov.u32 s23;
	p0 =	sne.s32 s1, $0x7F0  }
.Ltmp29:
0x257: {  	s1 =	sadd.s32 $0x10, s1;
	(pc) =	sbr.rel @p0 .LBB2_60-.Ltmp29, $2  }
0x258: {  	_ =	sdelay $0x2  }
0x259: {  	s23 =	sadd.s32 $0x100, s23;
	s31 =	sadd.s32 s31, s29  }
0x25a: {  	[tilespmem:s0], [sflag:$0x6] =	stream.linear.gather [hbm4b:s31+s2], $0x80, $0x38;
	[tilespmem:$0x18100] =	vst v63  }
0x25b: {  	s23 =	simm.s32 $0x1  }
0x25c: {  	_ =	swait.ge [sflag:s23], $0x4000  }
0x25d: {  	[sflag:s23] =	ssyncset.done $0x0  }
0x25e: {  	s1 =	simm.s32 $0x2;
	[sflag:s23] =	ssyncadd.s32 $0xFFFFC000  }
0x25f: {  	_ =	swait.ge [sflag:s1], $0x4000  }
0x260: {  	[sflag:s1] =	ssyncset.done $0x0  }
0x261: {  	s23 =	simm.s32 $0x3;
	[sflag:s1] =	ssyncadd.s32 $0xFFFFC000  }
0x262: {  	_ =	swait.ge [sflag:s23], $0x4000  }
0x263: {  	[sflag:s23] =	ssyncset.done $0x0  }
0x264: {  	[sflag:s23] =	ssyncadd.s32 $0xFFFFC000;
	s23 =	simm.s32 $0x10040  }
0x265: {  	v3 =	vld [tilespmem:s23+$0x20]  }
0x266: {  	v4 =	vld [tilespmem:s23+$0x10]  }
0x267: {  	v5 =	vld [tilespmem:s23+$0x0]  }
0x268: {  	v6 =	vld [tilespmem:s23+$0xFFFFFFF0]  }
0x269: {  	v7 =	vld [tilespmem:s23+$0xFFFFFFE0]  }
0x26a: {  	s0 =	simm.s32 $0x40;
	v8 =	vld [tilespmem:s23+$0xFFFFFFD0]  }
0x26b: {  	v9 =	vld [tilespmem:s0+$0xFFFFFFE0]  }
0x26c: {  	s31 =	simm.s32 $0x8040;
	v11 =	vld [tilespmem:s0+$0xFFFFFFC0]  }
0x26d: {  	v12 =	vld [tilespmem:s31+$0xFFFFFFC0]  }
0x26e: {  	v10 =	vld [tilespmem:s23+$0xFFFFFFC0]  }
0x26f: {  	v13 =	vld [tilespmem:s0+$0xFFFFFFD0]  }
0x270: {  	v14 =	vld [tilespmem:s31+$0xFFFFFFD0]  }
0x271: {  	v15 =	vld [tilespmem:s31+$0xFFFFFFE0]  }
0x272: {  	v16 =	vld [tilespmem:s0+$0xFFFFFFF0];
	vm0 =	vgt.f32 v3, $0.0e+00;
	v3 =	vsub.f32 v11, v12  }
0x273: {  	v11 =	vld [tilespmem:s31+$0xFFFFFFF0];
	vm2 =	vgt.f32 v5, $0.0e+00;
	vm1 =	vgt.f32 v4, $0.0e+00;
	vm3 =	vgt.f32 v8, $0.0e+00  }
0x274: {  	vm4 =	vgt.f32 v7, $0.0e+00;
	vm5 =	vgt.f32 v6, $0.0e+00;
	v5 =	vld [tilespmem:s0+$0x0];
	vm6 =	vgt.f32 v10, $0.0e+00  }
0x275: {  	v4 =	vsub.f32 v13, v14;
	v6 =	vld [tilespmem:s31+$0x0];
	v7 =	vsel vm6, $0x3F800000, v0;
	v3 =	vand.u32 $0x7FFFFFFF, v3  }
0x276: {  	v63 =	vld [tilespmem:s0+$0x10];
	v8 =	vsub.f32 v9, v15;
	v2 =	vadd.f32 v7, v2;
	v3 =	vnsel vm6, $0x0, v3  }
0x277: {  	v9 =	vsel vm3, $0x3F800000, v0;
	v7 =	vld [tilespmem:s31+$0x10];
	v3 =	vadd.f32 v3, v1;
	v1 =	vand.u32 $0x7FFFFFFF, v4  }
0x278: {  	v9 =	vadd.f32 v9, v2;
	v4 =	vnsel vm3, $0x0, v1;
	v1 =	vld [tilespmem:s0+$0x20]  }
0x279: {  	v2 =	vand.u32 $0x7FFFFFFF, v8;
	v10 =	vsub.f32 v16, v11;
	v3 =	vadd.f32 v4, v3;
	v4 =	vld [tilespmem:s31+$0x20]  }
0x27a: {  	v8 =	vnsel vm4, $0x0, v2;
	v11 =	vsel vm4, $0x3F800000, v0;
	v6 =	vsub.f32 v5, v6;
	v2 =	vld [tilespmem:s0+$0x30]  }
0x27b: {  	v5 =	vld [tilespmem:s31+$0x30];
	v9 =	vadd.f32 v11, v9;
	v8 =	vadd.f32 v8, v3;
	v3 =	vand.u32 $0x7FFFFFFF, v10  }
0x27c: {  	s1 =	simm.s32 $0x0;
	v11 =	vsel vm5, $0x3F800000, v0;
	v7 =	vsub.f32 v63, v7;
	v10 =	vnsel vm5, $0x0, v3;
	v3 =	vld [tilespmem:s23+$0x30];
	s23 =	simm.s32 $0x10140  }
.LBB2_62:
0x27d: {  	v12 =	vld [tilespmem:s23+$0x20];
	v8 =	vadd.f32 v10, v8;
	v9 =	vadd.f32 v11, v9;
	v6 =	vand.u32 $0x7FFFFFFF, v6  }
0x27e: {  	v11 =	vsel vm2, $0x3F800000, v0;
	v10 =	vld [tilespmem:s23+$0x10];
	v6 =	vnsel vm2, $0x0, v6;
	v1 =	vsub.f32 v1, v4  }
0x27f: {  	v7 =	vand.u32 $0x7FFFFFFF, v7;
	v4 =	vld [tilespmem:s23+$0x0];
	v6 =	vadd.f32 v6, v8;
	v8 =	vadd.f32 v11, v9  }
0x280: {  	v7 =	vnsel vm1, $0x0, v7;
	v11 =	vsel vm1, $0x3F800000, v0;
	v9 =	vld [tilespmem:s23+$0xFFFFFFF0];
	v2 =	vsub.f32 v2, v5  }
0x281: {  	v1 =	vand.u32 $0x7FFFFFFF, v1;
	v5 =	vld [tilespmem:s23+$0xFFFFFFE0];
	v6 =	vadd.f32 v7, v6;
	v7 =	vadd.f32 v11, v8  }
0x282: {  	s0 =	sadd.s32 $0x100, s0;
	v1 =	vnsel vm0, $0x0, v1;
	v11 =	vsel vm0, $0x3F800000, v0;
	vm0 =	vgt.f32 v3, $0.0e+00;
	v8 =	vld [tilespmem:s23+$0xFFFFFFD0]  }
0x283: {  	v2 =	vand.u32 $0x7FFFFFFF, v2;
	v3 =	vld [tilespmem:s0+$0xFFFFFFE0];
	v1 =	vadd.f32 v1, v6;
	v6 =	vadd.f32 v11, v7  }
0x284: {  	v2 =	vnsel vm0, $0x0, v2;
	v11 =	vsel vm0, $0x3F800000, v0;
	v7 =	vld [tilespmem:s23+$0xFFFFFFC0]  }
0x285: {  	s31 =	sadd.s32 $0x100, s31;
	v13 =	vld [tilespmem:s0+$0xFFFFFFC0];
	v1 =	vadd.f32 v2, v1;
	v2 =	vadd.f32 v11, v6  }
0x286: {  	s1 =	sadd.s32 $0x8, s1;
	v6 =	vld [tilespmem:s31+$0xFFFFFFC0]  }
0x287: {  	p0 =	slt.u32 s1, $0x3F8;
	v11 =	vld [tilespmem:s0+$0xFFFFFFD0]  }
0x288: {  	v14 =	vld [tilespmem:s31+$0xFFFFFFD0]  }
0x289: {  	v15 =	vld [tilespmem:s31+$0xFFFFFFE0]  }
0x28a: {  	vm0 =	vgt.f32 v12, $0.0e+00;
	v16 =	vld [tilespmem:s0+$0xFFFFFFF0]  }
0x28b: {  	vm1 =	vgt.f32 v10, $0.0e+00;
	vm2 =	vgt.f32 v4, $0.0e+00;
	v6 =	vsub.f32 v13, v6;
	v12 =	vld [tilespmem:s31+$0xFFFFFFF0]  }
0x28c: {  	vm3 =	vgt.f32 v9, $0.0e+00;
	vm5 =	vgt.f32 v5, $0.0e+00;
	vm4 =	vgt.f32 v8, $0.0e+00;
	v5 =	vld [tilespmem:s0+$0x0]  }
0x28d: {  	vm6 =	vgt.f32 v7, $0.0e+00;
	v4 =	vand.u32 $0x7FFFFFFF, v6;
	v6 =	vsub.f32 v11, v14;
	v7 =	vld [tilespmem:s31+$0x0]  }
0x28e: {  	v8 =	vsel vm6, $0x3F800000, v0;
	v4 =	vnsel vm6, $0x0, v4;
	v3 =	vsub.f32 v3, v15;
	v13 =	vld [tilespmem:s0+$0x10]  }
0x28f: {  	v2 =	vadd.f32 v8, v2;
	v4 =	vadd.f32 v4, v1;
	v1 =	vand.u32 $0x7FFFFFFF, v6;
	v14 =	vld [tilespmem:s31+$0x10]  }
.Ltmp30:
0x290: {  	v8 =	vsel vm4, $0x3F800000, v0;
	v6 =	vnsel vm4, $0x0, v1;
	v10 =	vsub.f32 v16, v12;
	v1 =	vld [tilespmem:s0+$0x20];
	(pc) =	sbr.rel @p0 .LBB2_62-.Ltmp30, $4  }
0x291: {  	v11 =	vadd.f32 v8, v2;
	v2 =	vand.u32 $0x7FFFFFFF, v3;
	v9 =	vadd.f32 v6, v4;
	v4 =	vld [tilespmem:s31+$0x20]  }
0x292: {  	v12 =	vsel vm5, $0x3F800000, v0;
	v3 =	vnsel vm5, $0x0, v2;
	v6 =	vsub.f32 v5, v7;
	v2 =	vld [tilespmem:s0+$0x30]  }
0x293: {  	v8 =	vadd.f32 v3, v9;
	v9 =	vadd.f32 v12, v11;
	v3 =	vand.u32 $0x7FFFFFFF, v10;
	v5 =	vld [tilespmem:s31+$0x30]  }
0x294: {  	v11 =	vsel vm3, $0x3F800000, v0;
	v10 =	vnsel vm3, $0x0, v3;
	v7 =	vsub.f32 v13, v14;
	v3 =	vld [tilespmem:s23+$0x30];
	s23 =	sadd.s32 $0x100, s23  }
0x295: {  	s0 =	simm.s32 $0x4  }
0x296: {  	_ =	swait.ge [sflag:s0], $0x4000  }
0x297: {  	[sflag:s0] =	ssyncset.done $0x0  }
0x298: {  	s23 =	simm.s32 $0x5;
	[sflag:s0] =	ssyncadd.s32 $0xFFFFC000  }
0x299: {  	_ =	swait.ge [sflag:s23], $0x4000  }
0x29a: {  	[sflag:s23] =	ssyncset.done $0x0  }
0x29b: {  	[sflag:s23] =	ssyncadd.s32 $0xFFFFC000  }
0x29c: {  	_ =	swait.ge [sflag:s25], $0x4000  }
0x29d: {  	[sflag:s25] =	ssyncset.done $0x0  }
0x29e: {  	s23 =	simm.s32 $0x100F0;
	[sflag:s25] =	ssyncadd.s32 $0xFFFFC000  }
0x29f: {  	v12 =	vld [tilespmem:s23+$0xFFFFFFF0]  }
0x2a0: {  	v13 =	vld [tilespmem:s23+$0xFFFFFFE0]  }
0x2a1: {  	v14 =	vld [tilespmem:s23+$0xFFFFFFD0]  }
0x2a2: {  	v15 =	vld [tilespmem:s23+$0xFFFFFFC0]  }
0x2a3: {  	v16 =	vld [tilespmem:s23+$0xFFFFFFB0]  }
0x2a4: {  	v8 =	vadd.f32 v10, v8;
	v9 =	vadd.f32 v11, v9;
	v6 =	vand.u32 $0x7FFFFFFF, v6;
	s31 =	simm.s32 $0xF0;
	v10 =	vld [tilespmem:s23+$0xFFFFFFA0]  }
0x2a5: {  	v11 =	vsel vm2, $0x3F800000, v0;
	v6 =	vnsel vm2, $0x0, v6;
	v1 =	vsub.f32 v1, v4;
	v4 =	vld [tilespmem:s31+$0xFFFFFFB0]  }
0x2a6: {  	v7 =	vand.u32 $0x7FFFFFFF, v7;
	v6 =	vadd.f32 v6, v8;
	v8 =	vadd.f32 v11, v9;
	v9 =	vld [tilespmem:s23+$0xFFFFFF90]  }
0x2a7: {  	v7 =	vnsel vm1, $0x0, v7;
	v11 =	vsel vm1, $0x3F800000, v0;
	v2 =	vsub.f32 v2, v5;
	s0 =	simm.s32 $0x80F0;
	v5 =	vld [tilespmem:s31+$0xFFFFFF90]  }
0x2a8: {  	v1 =	vand.u32 $0x7FFFFFFF, v1;
	v6 =	vadd.f32 v7, v6;
	v7 =	vadd.f32 v11, v8;
	v8 =	vld [tilespmem:s0+$0xFFFFFF90]  }
0x2a9: {  	v1 =	vnsel vm0, $0x0, v1;
	v11 =	vsel vm0, $0x3F800000, v0;
	vm0 =	vgt.f32 v3, $0.0e+00;
	v3 =	vld [tilespmem:s31+$0xFFFFFFA0]  }
0x2aa: {  	v2 =	vand.u32 $0x7FFFFFFF, v2;
	v1 =	vadd.f32 v1, v6;
	v6 =	vadd.f32 v11, v7;
	v7 =	vld [tilespmem:s0+$0xFFFFFFA0]  }
0x2ab: {  	v2 =	vnsel vm0, $0x0, v2;
	v11 =	vsel vm0, $0x3F800000, v0;
	v17 =	vld [tilespmem:s0+$0xFFFFFFB0]  }
0x2ac: {  	v1 =	vadd.f32 v2, v1;
	v2 =	vadd.f32 v11, v6;
	v6 =	vld [tilespmem:s31+$0xFFFFFFC0];
	vm0 =	vgt.f32 v12, $0.0e+00  }
0x2ad: {  	v5 =	vsub.f32 v5, v8;
	v8 =	vld [tilespmem:s0+$0xFFFFFFC0];
	vm2 =	vgt.f32 v14, $0.0e+00;
	vm1 =	vgt.f32 v13, $0.0e+00  }
0x2ae: {  	vm3 =	vgt.f32 v10, $0.0e+00;
	vm4 =	vgt.f32 v16, $0.0e+00;
	vm5 =	vgt.f32 v15, $0.0e+00;
	v10 =	vld [tilespmem:s31+$0xFFFFFFD0]  }
0x2af: {  	vm6 =	vgt.f32 v9, $0.0e+00;
	v3 =	vsub.f32 v3, v7;
	v7 =	vld [tilespmem:s0+$0xFFFFFFD0];
	v5 =	vand.u32 $0x7FFFFFFF, v5  }
0x2b0: {  	v62 =	vld [tilespmem:s31+$0xFFFFFFE0];
	v4 =	vsub.f32 v4, v17;
	v9 =	vsel vm6, $0x3F800000, v0;
	v5 =	vnsel vm6, $0x0, v5  }
0x2b1: {  	v2 =	vadd.f32 v9, v2;
	v5 =	vadd.f32 v5, v1;
	v1 =	vand.u32 $0x7FFFFFFF, v3;
	v3 =	vld [tilespmem:s0+$0xFFFFFFE0]  }
0x2b2: {  	v11 =	vsel vm3, $0x3F800000, v0;
	v9 =	vnsel vm3, $0x0, v1;
	v63 =	vsub.f32 v6, v8;
	v1 =	vld [tilespmem:s31+$0xFFFFFFF0]  }
0x2b3: {  	v8 =	vadd.f32 v11, v2;
	v2 =	vand.u32 $0x7FFFFFFF, v4;
	v4 =	vld [tilespmem:s0+$0xFFFFFFF0];
	v5 =	vadd.f32 v9, v5  }
0x2b4: {  	v11 =	vsel vm4, $0x3F800000, v0;
	v6 =	vsub.f32 v10, v7;
	v9 =	vnsel vm4, $0x0, v2;
	v2 =	vld [tilespmem:s31+$0x0]  }
0x2b5: {  	v8 =	vadd.f32 v11, v8;
	v7 =	vand.u32 $0x7FFFFFFF, v63;
	v9 =	vadd.f32 v9, v5;
	v5 =	vld [tilespmem:s0+$0x0]  }
0x2b6: {  	s1 =	simm.s32 $0x0;
	v10 =	vsel vm5, $0x3F800000, v0;
	v11 =	vnsel vm5, $0x0, v7;
	v7 =	vsub.f32 v62, v3;
	v3 =	vld [tilespmem:s23+$0x0];
	s23 =	simm.s32 $0x101F0  }
.LBB2_64:
0x2b7: {  	v12 =	vld [tilespmem:s23+$0xFFFFFFF0];
	v9 =	vadd.f32 v11, v9;
	v8 =	vadd.f32 v10, v8;
	v6 =	vand.u32 $0x7FFFFFFF, v6  }
0x2b8: {  	v11 =	vsel vm2, $0x3F800000, v0;
	v10 =	vld [tilespmem:s23+$0xFFFFFFE0];
	v6 =	vnsel vm2, $0x0, v6;
	v1 =	vsub.f32 v1, v4  }
0x2b9: {  	v7 =	vand.u32 $0x7FFFFFFF, v7;
	v4 =	vld [tilespmem:s23+$0xFFFFFFD0];
	v6 =	vadd.f32 v6, v9;
	v8 =	vadd.f32 v11, v8  }
0x2ba: {  	v7 =	vnsel vm1, $0x0, v7;
	v11 =	vsel vm1, $0x3F800000, v0;
	v9 =	vld [tilespmem:s23+$0xFFFFFFC0];
	v2 =	vsub.f32 v2, v5  }
0x2bb: {  	v1 =	vand.u32 $0x7FFFFFFF, v1;
	v5 =	vld [tilespmem:s23+$0xFFFFFFB0];
	v6 =	vadd.f32 v7, v6;
	v7 =	vadd.f32 v11, v8  }
0x2bc: {  	s31 =	sadd.s32 $0x100, s31;
	v1 =	vnsel vm0, $0x0, v1;
	v11 =	vsel vm0, $0x3F800000, v0;
	vm0 =	vgt.f32 v3, $0.0e+00;
	v8 =	vld [tilespmem:s23+$0xFFFFFFA0]  }
0x2bd: {  	v2 =	vand.u32 $0x7FFFFFFF, v2;
	v3 =	vld [tilespmem:s31+$0xFFFFFFB0];
	v1 =	vadd.f32 v1, v6;
	v6 =	vadd.f32 v11, v7  }
0x2be: {  	v2 =	vnsel vm0, $0x0, v2;
	v11 =	vsel vm0, $0x3F800000, v0;
	v7 =	vld [tilespmem:s23+$0xFFFFFF90]  }
0x2bf: {  	s0 =	sadd.s32 $0x100, s0;
	v13 =	vld [tilespmem:s31+$0xFFFFFF90];
	v1 =	vadd.f32 v2, v1;
	v2 =	vadd.f32 v11, v6  }
0x2c0: {  	s1 =	sadd.s32 $0x8, s1;
	v6 =	vld [tilespmem:s0+$0xFFFFFF90]  }
0x2c1: {  	p0 =	slt.u32 s1, $0x3F8;
	v11 =	vld [tilespmem:s31+$0xFFFFFFA0]  }
0x2c2: {  	v14 =	vld [tilespmem:s0+$0xFFFFFFA0]  }
0x2c3: {  	v15 =	vld [tilespmem:s0+$0xFFFFFFB0]  }
0x2c4: {  	vm0 =	vgt.f32 v12, $0.0e+00;
	v16 =	vld [tilespmem:s31+$0xFFFFFFC0]  }
0x2c5: {  	vm1 =	vgt.f32 v10, $0.0e+00;
	vm2 =	vgt.f32 v4, $0.0e+00;
	v6 =	vsub.f32 v13, v6;
	v12 =	vld [tilespmem:s0+$0xFFFFFFC0]  }
0x2c6: {  	vm3 =	vgt.f32 v9, $0.0e+00;
	vm5 =	vgt.f32 v5, $0.0e+00;
	vm4 =	vgt.f32 v8, $0.0e+00;
	v5 =	vld [tilespmem:s31+$0xFFFFFFD0]  }
0x2c7: {  	vm6 =	vgt.f32 v7, $0.0e+00;
	v4 =	vand.u32 $0x7FFFFFFF, v6;
	v6 =	vsub.f32 v11, v14;
	v7 =	vld [tilespmem:s0+$0xFFFFFFD0]  }
0x2c8: {  	v8 =	vsel vm6, $0x3F800000, v0;
	v4 =	vnsel vm6, $0x0, v4;
	v3 =	vsub.f32 v3, v15;
	v13 =	vld [tilespmem:s31+$0xFFFFFFE0]  }
0x2c9: {  	v2 =	vadd.f32 v8, v2;
	v4 =	vadd.f32 v4, v1;
	v1 =	vand.u32 $0x7FFFFFFF, v6;
	v14 =	vld [tilespmem:s0+$0xFFFFFFE0]  }
.Ltmp31:
0x2ca: {  	v8 =	vsel vm4, $0x3F800000, v0;
	v6 =	vnsel vm4, $0x0, v1;
	v10 =	vsub.f32 v16, v12;
	v1 =	vld [tilespmem:s31+$0xFFFFFFF0];
	(pc) =	sbr.rel @p0 .LBB2_64-.Ltmp31, $4  }
0x2cb: {  	v8 =	vadd.f32 v8, v2;
	v2 =	vand.u32 $0x7FFFFFFF, v3;
	v9 =	vadd.f32 v6, v4;
	v4 =	vld [tilespmem:s0+$0xFFFFFFF0]  }
0x2cc: {  	v11 =	vsel vm5, $0x3F800000, v0;
	v3 =	vnsel vm5, $0x0, v2;
	v6 =	vsub.f32 v5, v7;
	v2 =	vld [tilespmem:s31+$0x0]  }
0x2cd: {  	v8 =	vadd.f32 v11, v8;
	v9 =	vadd.f32 v3, v9;
	v3 =	vand.u32 $0x7FFFFFFF, v10;
	v5 =	vld [tilespmem:s0+$0x0]  }
0x2ce: {  	v10 =	vsel vm3, $0x3F800000, v0;
	v11 =	vnsel vm3, $0x0, v3;
	v7 =	vsub.f32 v13, v14;
	v3 =	vld [tilespmem:s23+$0x0];
	s23 =	sadd.s32 $0x100, s23  }
0x2cf: {  	v9 =	vadd.f32 v11, v9;
	v6 =	vand.u32 $0x7FFFFFFF, v6  }
0x2d0: {  	v8 =	vadd.f32 v10, v8;
	v56 =	vsel vm2, $0x3F800000, v0;
	v6 =	vnsel vm2, $0x0, v6  }
0x2d1: {  	v1 =	vsub.f32 v1, v4;
	v58 =	vand.u32 $0x7FFFFFFF, v7;
	v57 =	vadd.f32 v6, v9  }
0x2d2: {  	v60 =	vsel vm1, $0x3F800000, v0;
	v59 =	vadd.f32 v56, v8;
	v6 =	vnsel vm1, $0x0, v58  }
0x2d3: {  	v2 =	vsub.f32 v2, v5;
	v1 =	vand.u32 $0x7FFFFFFF, v1;
	v4 =	vadd.f32 v6, v57  }
0x2d4: {  	v62 =	vsel vm0, $0x3F800000, v0;
	v61 =	vadd.f32 v60, v59;
	v1 =	vnsel vm0, $0x0, v1  }
0x2d5: {  	vm15 =	vgt.f32 v3, $0.0e+00;
	v2 =	vand.u32 $0x7FFFFFFF, v2;
	v1 =	vadd.f32 v1, v4  }
0x2d6: {  	v3 =	vadd.f32 v62, v61;
	v2 =	vnsel vm15, $0x0, v2  }
0x2d7: {  	v63 =	vsel vm15, $0x3F800000, v0;
	v1 =	vadd.f32 v2, v1  }
0x2d8: {  	v2 =	vadd.f32 v63, v3  }
0x2d9: {  	[tilespmem:$0x18000] =	vst v1  }
0x2da: {  	s0 =	rddreg [dreg:$0x4];
	s1 =	simm.s32 $0x18000;
	s23 =	simm.s32 $0x7;
	[tilespmem:$0x18080] =	vst v2  }
0x2db: {  	[hbm4b:s0+s2] =	stream.linear.scatter [tilespmem:s1], [sflag:$0x7], $0x100, $0x38;
	[tilespmem:$0x18100] =	vst v63  }
0x2dc: {  	_ =	swait.ge [sflag:s23], $0x100  }
0x2dd: {  	s30 =	sadd.s32 $0x1, s30;
	s31 =	rddreg [dreg:$0x5]  }
0x2de: {  	p0 =	sne.s32 s30, s31  }
.Ltmp32:
0x2df: {  	_ = 	snop;
	(pc) =	sbr.rel @p0 .LBB2_1-.Ltmp32, $3  }
0x2e0: {  	_ =	sdelay $0x1  }
0x2e1: {  	[sflag:s23] =	ssyncset.done $0x0  }
0x2e2: {  	[sflag:s23] =	ssyncadd.s32 $0xFFFFFF00  }
0x2e3: {  	_ =	sfence.sel $0x180000  }
0x2e4: {  	[bflag:$0x0] =	sbarrier.arrive $0xFFFF  }
0x2e5: {  	_ =	strace $0x90000047  }
0x2e6: {  	s0 =	stileid.u32;
	[bflag:$0x2] =	sbarrier.arrive $0xFFFF  }
0x2e7: {  	p0 =	sne.s32 s0, $0x0;
	s0 =	rddreg [dreg:$0x3]  }
0x2e8: {  	s0 =	sadd.s32 @!p0 $0x100000, s0  }
0x2e9: {  	[sflag:s0] =	ssyncadd.tile.s32 @!p0 $0x1;
	_ =	shalt  }
.Lfunc_end2:
_tile_overlayer_lowered:
.L_overlay_start_2:
0x2ea: {  	(tag) =	ssettag $0x2  }
0x2eb: {  	s0 =	rddreg [dreg:$0x0];
	s2 =	stileid.u32  }
0x2ec: {  	s1 =	rddreg [dreg:$0x1];
	p0 =	sne.s32 s2, $0x0  }
0x2ed: {  	s3 =	rddreg [dreg:$0x2];
	[bflag:$0x3] =	sbarrier.arrive $0xFFFF;
	s2 =	simm.s32 @!p0 $0x1C07  }
0x2ee: {  	[timem:s3], [sflag:s2] =	dma.local @!p0 [hbm:s0], s1  }
0x2ef: {  	s0 =	simm.s32 @!p0 $0x7  }
0x2f0: {  	_ =	swait.ge @!p0 [sflag:s0], s1  }
0x2f1: {  	s1 =	ssub.s32 @!p0 $0x0, s1;
	[sflag:s0] =	ssyncset.done @!p0 $0x0  }
0x2f2: {  	[sflag:s0] =	ssyncadd.s32 @!p0 s1  }
0x2f3: {  	[bflag:$0x3] =	sbarrier.arrive $0xFFFF  }
0x2f4: {  	_ =	shalt  }

</sc_bundles>
